<compile_context>
chip_gen: v7x
topology: tpu7x:2x2x1
jax: 0.10.2.dev20260603
libtpu: 0.0.44.dev20260713+nightly
codegen_flags: <defaults>
</compile_context>

<pallas_src>
import functools

import jax
import jax.numpy as jnp
from jax import lax
from jax.experimental import pallas as pl
from jax.experimental.pallas import tpu as pltpu
from jax.experimental.pallas import tpu_sc as plsc

_N_RBF = 8
_R_CUT = 5.0
_C0 = 0.28209479177387814
_C1 = 0.4886025119029199

_LANES = 16
_SC_CHUNK = 2000


def _sc_gather_w(z, idx_i, idx_j, table_pad, n_nodes, n_edges):
    info = plsc.get_sparse_core_info()
    nc, ns = info.num_cores, info.num_subcores
    nw = nc * ns
    per_tile = n_edges // nw
    chunk = _SC_CHUNK
    n_chunks = per_tile // chunk
    mesh = plsc.VectorSubcoreMesh(core_axis_name="c", subcore_axis_name="s")

    @functools.partial(
        pl.kernel,
        mesh=mesh,
        out_type=jax.ShapeDtypeStruct((n_edges,), jnp.float32),
        scratch_types=[
            pltpu.VMEM((n_nodes,), jnp.int32),
            pltpu.VMEM((table_pad.shape[0],), jnp.float32),
            pltpu.VMEM((2, chunk), jnp.int32),
            pltpu.VMEM((2, chunk), jnp.int32),
            pltpu.VMEM((2, chunk), jnp.float32),
            pltpu.SemaphoreType.DMA,
            pltpu.SemaphoreType.DMA,
            pltpu.SemaphoreType.DMA,
            pltpu.SemaphoreType.DMA,
        ],
        compiler_params=pltpu.CompilerParams(
            needs_layout_passes=False,
            use_tc_tiling_on_sc=False,
        ),
    )
    def body(z_hbm, ii_hbm, jj_hbm, tab_hbm, w_hbm, z_v, tab_v, ii_v, jj_v,
             w_v, sem_i0, sem_i1, sem_o0, sem_o1):
        wid = lax.axis_index("s") * nc + lax.axis_index("c")
        base = wid * per_tile
        sems_in = (sem_i0, sem_i1)
        sems_out = (sem_o0, sem_o1)
        pltpu.sync_copy(z_hbm, z_v)
        pltpu.sync_copy(tab_hbm, tab_v)

        def start_in(c):
            b = c % 2
            off = base + c * chunk
            return (
                pltpu.async_copy(ii_hbm.at[pl.ds(off, chunk)], ii_v.at[b],
                                 sems_in[b]),
                pltpu.async_copy(jj_hbm.at[pl.ds(off, chunk)], jj_v.at[b],
                                 sems_in[b]),
            )

        in_flight = {0: start_in(0)}
        out_flight = {}
        for c in range(n_chunks):
            b = c % 2
            if c + 1 < n_chunks:
                in_flight[c + 1] = start_in(c + 1)
            for cp in in_flight.pop(c):
                cp.wait()
            if c >= 2:
                out_flight.pop(c - 2).wait()

            def vec_body(t):
                ii = ii_v[b, pl.ds(t, _LANES)]
                jj = jj_v[b, pl.ds(t, _LANES)]
                zi = plsc.load_gather(z_v, [ii])
                zj = plsc.load_gather(z_v, [jj])
                xi = plsc.load_gather(tab_v, [zi])
                xj = plsc.load_gather(tab_v, [zj])
                w_v[b, pl.ds(t, _LANES)] = xi * xj

            plsc.parallel_loop(0, chunk, _LANES, unroll=5)(vec_body)

            off = base + c * chunk
            out_flight[c] = pltpu.async_copy(
                w_v.at[b], w_hbm.at[pl.ds(off, chunk)], sems_out[b])
        for cp in out_flight.values():
            cp.wait()

    return body(z, idx_i, idx_j, table_pad)


def _tc_body(rx_ref, ry_ref, rz_ref, w_ref, out_ref):
    rx = rx_ref[...].reshape(1, -1)
    ry = ry_ref[...].reshape(1, -1)
    rz = rz_ref[...].reshape(1, -1)
    w = w_ref[...].reshape(1, -1)
    d2 = rx * rx + ry * ry + rz * rz
    inv_d = lax.rsqrt(d2)
    x = d2 * inv_d * (jnp.pi / _R_CUT)
    two_c = 2.0 * jnp.cos(x)
    t1 = jnp.sin(x) * (w * (jnp.sqrt(2.0 / _R_CUT)) * inv_d)
    rbf_rows = []
    s_prev, s_cur = jnp.zeros_like(t1), t1
    for _ in range(_N_RBF):
        rbf_rows.append(s_cur)
        s_prev, s_cur = s_cur, two_c * s_cur - s_prev
    rbf = jnp.concatenate(rbf_rows, axis=0)
    c1d = _C1 * inv_d
    out_ref[...] = jnp.concatenate(
        [_C0 * rbf, (c1d * ry) * rbf, (c1d * rz) * rbf, (c1d * rx) * rbf],
        axis=0,
    )


def kernel(z, idx_i, idx_j, r_ij, embed_table):
    n_edges = idx_i.shape[0]
    n_nodes = z.shape[0]
    table_flat = embed_table.reshape(-1)
    pad = (-table_flat.shape[0]) % 128
    table_pad = jnp.pad(table_flat, (0, pad))

    w = _sc_gather_w(z.astype(jnp.int32), idx_i.astype(jnp.int32),
                     idx_j.astype(jnp.int32), table_pad, n_nodes, n_edges)

    bl = 65536
    grid = -(-n_edges // bl)
    in_spec = pl.BlockSpec((bl,), lambda i: (i,))
    out_t = pl.pallas_call(
        _tc_body,
        grid=(grid,),
        in_specs=[in_spec] * 4,
        out_specs=pl.BlockSpec((32, bl), lambda i: (0, i)),
        out_shape=jax.ShapeDtypeStruct((32, n_edges), jnp.float32),
        compiler_params=pltpu.CompilerParams(
            dimension_semantics=("arbitrary",),
        ),
    )(r_ij[:, 0], r_ij[:, 1], r_ij[:, 2], w)
    return out_t.T

# --- scband reference (transcript-rebuilt; emitter-appended) ---
"""Pipeline reference for scband-edge-feature-8400956031125 (READ-ONLY COPY).

The authoritative reference and input builder live on the scoring server;
editing this copy changes nothing except your own understanding.
"""

import jax, jax.numpy as jnp
import numpy as np

N_RBF = 8
R_CUT = 5.0
L_MAX = 1
Z_MAX = 100
N_NODES = 100000
N_EDGES = 1600000


def setup_inputs(seed: int = 0) -> dict:
    key = jax.random.key(seed)
    k1, k2, k3, k4, k5 = jax.random.split(key, 5)
    z = jax.random.randint(k1, (N_NODES,), 0, Z_MAX)
    idx_i = jax.random.randint(k2, (N_EDGES,), 0, N_NODES)
    idx_j = jax.random.randint(k3, (N_EDGES,), 0, N_NODES)
    r_ij = jax.random.normal(k4, (N_EDGES, 3), dtype=jnp.float32)
    # learned parameter: hk.Embed(vocab_size=z_max, embed_dim=1) table
    embed_table = jax.random.normal(k5, (Z_MAX, 1), dtype=jnp.float32) * 0.1
    return {"z": z, "idx_i": idx_i, "idx_j": idx_j, "r_ij": r_ij, "embed_table": embed_table}


def _bessel_basis(d):
    # f_n(d) = sqrt(2/r_cut) * sin(n*pi*d/r_cut) / d, n = 1..n_rbf
    n = jnp.arange(1, N_RBF + 1, dtype=jnp.float32)
    return jnp.sqrt(2.0 / R_CUT) * jnp.sin(n[None, :] * jnp.pi * d[:, None] / R_CUT) / d[:, None]


def _spherical_harmonics(r_ij):
    # real spherical harmonics, degrees 0..L_MAX, normalize=True, normalization='integral'
    d = jnp.linalg.norm(r_ij, axis=-1, keepdims=True)
    u = r_ij / d
    P = r_ij.shape[0]
    c0 = 0.28209479177387814  # 1/(2*sqrt(pi))
    c1 = 0.4886025119029199   # sqrt(3/(4*pi))
    y0 = jnp.full((P, 1), c0, dtype=r_ij.dtype)
    # e3nn l=1 component ordering (y, z, x)
    y1 = c1 * jnp.stack([u[:, 1], u[:, 2], u[:, 0]], axis=-1)
    return jnp.concatenate([y0, y1], axis=-1)  # (P, 4)


def reference(z, idx_i, idx_j, r_ij, embed_table):
    x = jnp.take(embed_table, z, axis=0)          # (N, 1)  embedding lookup
    x_i = x[idx_i][..., None]                      # (P, 1, 1) gather by central atom
    x_j = x[idx_j][..., None]                      # (P, 1, 1) gather by neighbour atom
    d_ij = jnp.linalg.norm(r_ij, axis=-1)          # (P,)
    rbf_ij = _bessel_basis(d_ij)                   # (P, n_rbf)
    sph_ij = _spherical_harmonics(r_ij)            # (P, m_tot)
    A_ij = rbf_ij[:, None, :] * sph_ij[:, :, None] * x_i * x_j  # (P, m_tot, n_rbf)
    return A_ij.reshape(A_ij.shape[0], -1)         # (P, m_tot*n_rbf) = (P, 32)

if __name__ == "__main__":
    import jax
    _d = setup_inputs()
    print(jax.jit(kernel)(*tuple(_d.values())))

</pallas_src>

<mosaic_0001>
#map = affine_map<(d0, d1) -> (0)>
module attributes {stable_mosaic.version = 14 : i64} {
  func.func @body(%arg0: i32, %arg1: i32, %arg2: memref<100000xi32, #tpu.memory_space<hbm>>, %arg3: memref<1600000xi32, #tpu.memory_space<hbm>>, %arg4: memref<1600000xi32, #tpu.memory_space<hbm>>, %arg5: memref<128xf32, #tpu.memory_space<hbm>>, %arg6: memref<1600000xf32, #tpu.memory_space<hbm>>, %arg7: memref<100000xi32, #tpu.memory_space<vmem>>, %arg8: memref<128xf32, #tpu.memory_space<vmem>>, %arg9: memref<2x2000xi32, #tpu.memory_space<vmem>>, %arg10: memref<2x2000xi32, #tpu.memory_space<vmem>>, %arg11: memref<2x2000xf32, #tpu.memory_space<vmem>>, %arg12: memref<!tpu.dma_semaphore, #tpu.memory_space<semaphore_mem>>, %arg13: memref<!tpu.dma_semaphore, #tpu.memory_space<semaphore_mem>>, %arg14: memref<!tpu.dma_semaphore, #tpu.memory_space<semaphore_mem>>, %arg15: memref<!tpu.dma_semaphore, #tpu.memory_space<semaphore_mem>>) attributes {dimension_semantics = [#tpu.dimension_semantics<core_parallel>, #tpu.dimension_semantics<subcore_parallel>], iteration_bounds = array<i64: 2, 16>, scalar_prefetch = 0 : i64, scratch_operands = 9 : i64, tpu.core_type = #tpu.core_type<sc_vector_subcore>, window_params = [{transform_indices = #map}, {transform_indices = #map}, {transform_indices = #map}, {transform_indices = #map}, {transform_indices = #map}]} {
    %mul3A = arith.constant 2 : i32
    %mul3A_0 = arith.muli %arg1, %mul3A : i32
    %add3A = arith.addi %mul3A_0, %arg0 : i32
    %mul3A_1 = arith.constant 50000 : i32
    %mul3A_2 = arith.muli %add3A, %mul3A_1 : i32
    "tpu.region"() ({
      %run_scoped3A = tpu.sem_alloc : memref<!tpu.dma_semaphore, #tpu.memory_space<semaphore_mem>>
      tpu.enqueue_dma source(%arg2 : memref<100000xi32, #tpu.memory_space<hbm>>) target(%arg7 : memref<100000xi32, #tpu.memory_space<vmem>>) target_semaphore(%run_scoped3A : memref<!tpu.dma_semaphore, #tpu.memory_space<semaphore_mem>>)
      tpu.wait_dma2 semaphore(%run_scoped3A : memref<!tpu.dma_semaphore, #tpu.memory_space<semaphore_mem>>) src(%arg2 : memref<100000xi32, #tpu.memory_space<hbm>>) dst(%arg7 : memref<100000xi32, #tpu.memory_space<vmem>>)
      tpu.yield
    }) : () -> ()
    "tpu.region"() ({
      %run_scoped3A = tpu.sem_alloc : memref<!tpu.dma_semaphore, #tpu.memory_space<semaphore_mem>>
      tpu.enqueue_dma source(%arg5 : memref<128xf32, #tpu.memory_space<hbm>>) target(%arg8 : memref<128xf32, #tpu.memory_space<vmem>>) target_semaphore(%run_scoped3A : memref<!tpu.dma_semaphore, #tpu.memory_space<semaphore_mem>>)
      tpu.wait_dma2 semaphore(%run_scoped3A : memref<!tpu.dma_semaphore, #tpu.memory_space<semaphore_mem>>) src(%arg5 : memref<128xf32, #tpu.memory_space<hbm>>) dst(%arg8 : memref<128xf32, #tpu.memory_space<vmem>>)
      tpu.yield
    }) : () -> ()
    %add3A_3 = arith.constant 0 : i32
    %add3A_4 = arith.addi %mul3A_2, %add3A_3 : i32
    %dma_start3A = arith.constant 0 : i32
    %dma_start3A_5 = arith.constant 0 : i32
    %dma_start3A_6 = tpu.memref_slice %arg9[%dma_start3A, %dma_start3A_5] : memref<2x2000xi32, #tpu.memory_space<vmem>> -> memref<1x2000xi32, #tpu.memory_space<vmem>>
    %dma_start3A_7 = tpu.memref_squeeze %dma_start3A_6 : memref<1x2000xi32, #tpu.memory_space<vmem>> -> memref<2000xi32, #tpu.memory_space<vmem>>
    %dma_start3A_8 = tpu.memref_slice %arg3[%add3A_4] : memref<1600000xi32, #tpu.memory_space<hbm>> -> memref<2000xi32, #tpu.memory_space<hbm>>
    %dma_start3A_9 = arith.constant 0 : i32
    %dma_start3A_10 = tpu.memref_slice %arg9[%dma_start3A, %dma_start3A_9] : memref<2x2000xi32, #tpu.memory_space<vmem>> -> memref<1x2000xi32, #tpu.memory_space<vmem>>
    %dma_start3A_11 = tpu.memref_squeeze %dma_start3A_10 : memref<1x2000xi32, #tpu.memory_space<vmem>> -> memref<2000xi32, #tpu.memory_space<vmem>>
    %dma_start3A_12 = tpu.memref_slice %arg3[%add3A_4] : memref<1600000xi32, #tpu.memory_space<hbm>> -> memref<2000xi32, #tpu.memory_space<hbm>>
    tpu.enqueue_dma source(%dma_start3A_12 : memref<2000xi32, #tpu.memory_space<hbm>>) target(%dma_start3A_11 : memref<2000xi32, #tpu.memory_space<vmem>>) target_semaphore(%arg12 : memref<!tpu.dma_semaphore, #tpu.memory_space<semaphore_mem>>)
    %dma_start3A_13 = arith.constant 0 : i32
    %dma_start3A_14 = arith.constant 0 : i32
    %dma_start3A_15 = tpu.memref_slice %arg10[%dma_start3A_13, %dma_start3A_14] : memref<2x2000xi32, #tpu.memory_space<vmem>> -> memref<1x2000xi32, #tpu.memory_space<vmem>>
    %dma_start3A_16 = tpu.memref_squeeze %dma_start3A_15 : memref<1x2000xi32, #tpu.memory_space<vmem>> -> memref<2000xi32, #tpu.memory_space<vmem>>
    %dma_start3A_17 = tpu.memref_slice %arg4[%add3A_4] : memref<1600000xi32, #tpu.memory_space<hbm>> -> memref<2000xi32, #tpu.memory_space<hbm>>
    %dma_start3A_18 = arith.constant 0 : i32
    %dma_start3A_19 = tpu.memref_slice %arg10[%dma_start3A_13, %dma_start3A_18] : memref<2x2000xi32, #tpu.memory_space<vmem>> -> memref<1x2000xi32, #tpu.memory_space<vmem>>
    %dma_start3A_20 = tpu.memref_squeeze %dma_start3A_19 : memref<1x2000xi32, #tpu.memory_space<vmem>> -> memref<2000xi32, #tpu.memory_space<vmem>>
    %dma_start3A_21 = tpu.memref_slice %arg4[%add3A_4] : memref<1600000xi32, #tpu.memory_space<hbm>> -> memref<2000xi32, #tpu.memory_space<hbm>>
    tpu.enqueue_dma source(%dma_start3A_21 : memref<2000xi32, #tpu.memory_space<hbm>>) target(%dma_start3A_20 : memref<2000xi32, #tpu.memory_space<vmem>>) target_semaphore(%arg12 : memref<!tpu.dma_semaphore, #tpu.memory_space<semaphore_mem>>)
    %add3A_22 = arith.constant 2000 : i32
    %add3A_23 = arith.addi %mul3A_2, %add3A_22 : i32
    %dma_start3A_24 = arith.constant 1 : i32
    %dma_start3A_25 = arith.constant 0 : i32
    %dma_start3A_26 = tpu.memref_slice %arg9[%dma_start3A_24, %dma_start3A_25] : memref<2x2000xi32, #tpu.memory_space<vmem>> -> memref<1x2000xi32, #tpu.memory_space<vmem>>
    %dma_start3A_27 = tpu.memref_squeeze %dma_start3A_26 : memref<1x2000xi32, #tpu.memory_space<vmem>> -> memref<2000xi32, #tpu.memory_space<vmem>>
    %dma_start3A_28 = tpu.memref_slice %arg3[%add3A_23] : memref<1600000xi32, #tpu.memory_space<hbm>> -> memref<2000xi32, #tpu.memory_space<hbm>>
    %dma_start3A_29 = arith.constant 0 : i32
    %dma_start3A_30 = tpu.memref_slice %arg9[%dma_start3A_24, %dma_start3A_29] : memref<2x2000xi32, #tpu.memory_space<vmem>> -> memref<1x2000xi32, #tpu.memory_space<vmem>>
    %dma_start3A_31 = tpu.memref_squeeze %dma_start3A_30 : memref<1x2000xi32, #tpu.memory_space<vmem>> -> memref<2000xi32, #tpu.memory_space<vmem>>
    %dma_start3A_32 = tpu.memref_slice %arg3[%add3A_23] : memref<1600000xi32, #tpu.memory_space<hbm>> -> memref<2000xi32, #tpu.memory_space<hbm>>
    tpu.enqueue_dma source(%dma_start3A_32 : memref<2000xi32, #tpu.memory_space<hbm>>) target(%dma_start3A_31 : memref<2000xi32, #tpu.memory_space<vmem>>) target_semaphore(%arg13 : memref<!tpu.dma_semaphore, #tpu.memory_space<semaphore_mem>>)
    %dma_start3A_33 = arith.constant 1 : i32
    %dma_start3A_34 = arith.constant 0 : i32
    %dma_start3A_35 = tpu.memref_slice %arg10[%dma_start3A_33, %dma_start3A_34] : memref<2x2000xi32, #tpu.memory_space<vmem>> -> memref<1x2000xi32, #tpu.memory_space<vmem>>
    %dma_start3A_36 = tpu.memref_squeeze %dma_start3A_35 : memref<1x2000xi32, #tpu.memory_space<vmem>> -> memref<2000xi32, #tpu.memory_space<vmem>>
    %dma_start3A_37 = tpu.memref_slice %arg4[%add3A_23] : memref<1600000xi32, #tpu.memory_space<hbm>> -> memref<2000xi32, #tpu.memory_space<hbm>>
    %dma_start3A_38 = arith.constant 0 : i32
    %dma_start3A_39 = tpu.memref_slice %arg10[%dma_start3A_33, %dma_start3A_38] : memref<2x2000xi32, #tpu.memory_space<vmem>> -> memref<1x2000xi32, #tpu.memory_space<vmem>>
    %dma_start3A_40 = tpu.memref_squeeze %dma_start3A_39 : memref<1x2000xi32, #tpu.memory_space<vmem>> -> memref<2000xi32, #tpu.memory_space<vmem>>
    %dma_start3A_41 = tpu.memref_slice %arg4[%add3A_23] : memref<1600000xi32, #tpu.memory_space<hbm>> -> memref<2000xi32, #tpu.memory_space<hbm>>
    tpu.enqueue_dma source(%dma_start3A_41 : memref<2000xi32, #tpu.memory_space<hbm>>) target(%dma_start3A_40 : memref<2000xi32, #tpu.memory_space<vmem>>) target_semaphore(%arg13 : memref<!tpu.dma_semaphore, #tpu.memory_space<semaphore_mem>>)
    %dma_wait3A = arith.constant 0 : i32
    %dma_wait3A_42 = arith.constant 0 : i32
    %dma_wait3A_43 = tpu.memref_slice %arg9[%dma_wait3A, %dma_wait3A_42] : memref<2x2000xi32, #tpu.memory_space<vmem>> -> memref<1x2000xi32, #tpu.memory_space<vmem>>
    %dma_wait3A_44 = tpu.memref_squeeze %dma_wait3A_43 : memref<1x2000xi32, #tpu.memory_space<vmem>> -> memref<2000xi32, #tpu.memory_space<vmem>>
    %dma_wait3A_45 = tpu.memref_slice %arg3[%add3A_4] : memref<1600000xi32, #tpu.memory_space<hbm>> -> memref<2000xi32, #tpu.memory_space<hbm>>
    %dma_wait3A_46 = arith.constant 0 : i32
    %dma_wait3A_47 = tpu.memref_slice %arg9[%dma_wait3A, %dma_wait3A_46] : memref<2x2000xi32, #tpu.memory_space<vmem>> -> memref<1x2000xi32, #tpu.memory_space<vmem>>
    %dma_wait3A_48 = tpu.memref_squeeze %dma_wait3A_47 : memref<1x2000xi32, #tpu.memory_space<vmem>> -> memref<2000xi32, #tpu.memory_space<vmem>>
    %dma_wait3A_49 = tpu.memref_slice %arg3[%add3A_4] : memref<1600000xi32, #tpu.memory_space<hbm>> -> memref<2000xi32, #tpu.memory_space<hbm>>
    tpu.wait_dma2 semaphore(%arg12 : memref<!tpu.dma_semaphore, #tpu.memory_space<semaphore_mem>>) src(%dma_wait3A_49 : memref<2000xi32, #tpu.memory_space<hbm>>) dst(%dma_wait3A_48 : memref<2000xi32, #tpu.memory_space<vmem>>)
    %dma_wait3A_50 = arith.constant 0 : i32
    %dma_wait3A_51 = arith.constant 0 : i32
    %dma_wait3A_52 = tpu.memref_slice %arg10[%dma_wait3A_50, %dma_wait3A_51] : memref<2x2000xi32, #tpu.memory_space<vmem>> -> memref<1x2000xi32, #tpu.memory_space<vmem>>
    %dma_wait3A_53 = tpu.memref_squeeze %dma_wait3A_52 : memref<1x2000xi32, #tpu.memory_space<vmem>> -> memref<2000xi32, #tpu.memory_space<vmem>>
    %dma_wait3A_54 = tpu.memref_slice %arg4[%add3A_4] : memref<1600000xi32, #tpu.memory_space<hbm>> -> memref<2000xi32, #tpu.memory_space<hbm>>
    %dma_wait3A_55 = arith.constant 0 : i32
    %dma_wait3A_56 = tpu.memref_slice %arg10[%dma_wait3A_50, %dma_wait3A_55] : memref<2x2000xi32, #tpu.memory_space<vmem>> -> memref<1x2000xi32, #tpu.memory_space<vmem>>
    %dma_wait3A_57 = tpu.memref_squeeze %dma_wait3A_56 : memref<1x2000xi32, #tpu.memory_space<vmem>> -> memref<2000xi32, #tpu.memory_space<vmem>>
    %dma_wait3A_58 = tpu.memref_slice %arg4[%add3A_4] : memref<1600000xi32, #tpu.memory_space<hbm>> -> memref<2000xi32, #tpu.memory_space<hbm>>
    tpu.wait_dma2 semaphore(%arg12 : memref<!tpu.dma_semaphore, #tpu.memory_space<semaphore_mem>>) src(%dma_wait3A_58 : memref<2000xi32, #tpu.memory_space<hbm>>) dst(%dma_wait3A_57 : memref<2000xi32, #tpu.memory_space<vmem>>)
    %parallel_loop3A = arith.constant 0 : i32
    %parallel_loop3A_59 = arith.constant 2000 : i32
    %parallel_loop3A_60 = arith.constant 16 : i32
    scf.for %parallel_loop3A_1525 = %parallel_loop3A to %parallel_loop3A_59 step %parallel_loop3A_60  : i32 {
      %parallel_loop3A_1526 = arith.constant 0 : i32
      %parallel_loop3A_1527 = arith.index_cast %parallel_loop3A_1526 : i32 to index
      %parallel_loop3A_1528 = arith.index_cast %parallel_loop3A_1525 : i32 to index
      %parallel_loop3A_1529 = tpu.vector_load %arg9[%parallel_loop3A_1527, %parallel_loop3A_1528] {strides = array<i32>} : memref<2x2000xi32, #tpu.memory_space<vmem>>, vector<16xi32>,
      %parallel_loop3A_1530 = arith.constant 0 : i32
      %parallel_loop3A_1531 = arith.index_cast %parallel_loop3A_1530 : i32 to index
      %parallel_loop3A_1532 = arith.index_cast %parallel_loop3A_1525 : i32 to index
      %parallel_loop3A_1533 = tpu.vector_load %arg10[%parallel_loop3A_1531, %parallel_loop3A_1532] {strides = array<i32>} : memref<2x2000xi32, #tpu.memory_space<vmem>>, vector<16xi32>,
      %parallel_loop3A_1534 = tpu.vector_load_idx %arg7[%parallel_loop3A_1529] : memref<100000xi32, #tpu.memory_space<vmem>>[vector<16xi32>], vector<16xi32>,
      %parallel_loop3A_1535 = tpu.vector_load_idx %arg7[%parallel_loop3A_1533] : memref<100000xi32, #tpu.memory_space<vmem>>[vector<16xi32>], vector<16xi32>,
      %parallel_loop3A_1536 = tpu.vector_load_idx %arg8[%parallel_loop3A_1534] : memref<128xf32, #tpu.memory_space<vmem>>[vector<16xi32>], vector<16xf32>,
      %parallel_loop3A_1537 = tpu.vector_load_idx %arg8[%parallel_loop3A_1535] : memref<128xf32, #tpu.memory_space<vmem>>[vector<16xi32>], vector<16xf32>,
      %parallel_loop3A_1538 = arith.mulf %parallel_loop3A_1536, %parallel_loop3A_1537 : vector<16xf32>
      %parallel_loop3A_1539 = arith.constant 0 : i32
      %parallel_loop3A_1540 = arith.index_cast %parallel_loop3A_1539 : i32 to index
      %parallel_loop3A_1541 = arith.index_cast %parallel_loop3A_1525 : i32 to index
      %parallel_loop3A_1542 = tpu.vector_load %arg11[%parallel_loop3A_1540, %parallel_loop3A_1541] {strides = array<i32>} : memref<2x2000xf32, #tpu.memory_space<vmem>>, vector<16xf32>,
      tpu.vector_store %arg11[%parallel_loop3A_1540, %parallel_loop3A_1541], %parallel_loop3A_1538 {strides = array<i32>} : memref<2x2000xf32, #tpu.memory_space<vmem>>, vector<16xf32>,
    } {sc.loop_unroll_factor = 5 : i64, sc.parallel_access}
    %add3A_61 = arith.constant 0 : i32
    %add3A_62 = arith.addi %mul3A_2, %add3A_61 : i32
    %dma_start3A_63 = arith.constant 0 : i32
    %dma_start3A_64 = arith.constant 0 : i32
    %dma_start3A_65 = tpu.memref_slice %arg11[%dma_start3A_63, %dma_start3A_64] : memref<2x2000xf32, #tpu.memory_space<vmem>> -> memref<1x2000xf32, #tpu.memory_space<vmem>>
    %dma_start3A_66 = tpu.memref_squeeze %dma_start3A_65 : memref<1x2000xf32, #tpu.memory_space<vmem>> -> memref<2000xf32, #tpu.memory_space<vmem>>
    %dma_start3A_67 = tpu.memref_slice %arg6[%add3A_62] : memref<1600000xf32, #tpu.memory_space<hbm>> -> memref<2000xf32, #tpu.memory_space<hbm>>
    %dma_start3A_68 = tpu.memref_slice %arg6[%add3A_62] : memref<1600000xf32, #tpu.memory_space<hbm>> -> memref<2000xf32, #tpu.memory_space<hbm>>
    %dma_start3A_69 = arith.constant 0 : i32
    %dma_start3A_70 = tpu.memref_slice %arg11[%dma_start3A_63, %dma_start3A_69] : memref<2x2000xf32, #tpu.memory_space<vmem>> -> memref<1x2000xf32, #tpu.memory_space<vmem>>
    %dma_start3A_71 = tpu.memref_squeeze %dma_start3A_70 : memref<1x2000xf32, #tpu.memory_space<vmem>> -> memref<2000xf32, #tpu.memory_space<vmem>>
    tpu.enqueue_dma source(%dma_start3A_71 : memref<2000xf32, #tpu.memory_space<vmem>>) target(%dma_start3A_68 : memref<2000xf32, #tpu.memory_space<hbm>>) target_semaphore(%arg14 : memref<!tpu.dma_semaphore, #tpu.memory_space<semaphore_mem>>)
    %add3A_72 = arith.constant 4000 : i32
    %add3A_73 = arith.addi %mul3A_2, %add3A_72 : i32
    %dma_start3A_74 = arith.constant 0 : i32
    %dma_start3A_75 = arith.constant 0 : i32
    %dma_start3A_76 = tpu.memref_slice %arg9[%dma_start3A_74, %dma_start3A_75] : memref<2x2000xi32, #tpu.memory_space<vmem>> -> memref<1x2000xi32, #tpu.memory_space<vmem>>
    %dma_start3A_77 = tpu.memref_squeeze %dma_start3A_76 : memref<1x2000xi32, #tpu.memory_space<vmem>> -> memref<2000xi32, #tpu.memory_space<vmem>>
    %dma_start3A_78 = tpu.memref_slice %arg3[%add3A_73] : memref<1600000xi32, #tpu.memory_space<hbm>> -> memref<2000xi32, #tpu.memory_space<hbm>>
    %dma_start3A_79 = arith.constant 0 : i32
    %dma_start3A_80 = tpu.memref_slice %arg9[%dma_start3A_74, %dma_start3A_79] : memref<2x2000xi32, #tpu.memory_space<vmem>> -> memref<1x2000xi32, #tpu.memory_space<vmem>>
    %dma_start3A_81 = tpu.memref_squeeze %dma_start3A_80 : memref<1x2000xi32, #tpu.memory_space<vmem>> -> memref<2000xi32, #tpu.memory_space<vmem>>
    %dma_start3A_82 = tpu.memref_slice %arg3[%add3A_73] : memref<1600000xi32, #tpu.memory_space<hbm>> -> memref<2000xi32, #tpu.memory_space<hbm>>
    tpu.enqueue_dma source(%dma_start3A_82 : memref<2000xi32, #tpu.memory_space<hbm>>) target(%dma_start3A_81 : memref<2000xi32, #tpu.memory_space<vmem>>) target_semaphore(%arg12 : memref<!tpu.dma_semaphore, #tpu.memory_space<semaphore_mem>>)
    %dma_start3A_83 = arith.constant 0 : i32
    %dma_start3A_84 = arith.constant 0 : i32
    %dma_start3A_85 = tpu.memref_slice %arg10[%dma_start3A_83, %dma_start3A_84] : memref<2x2000xi32, #tpu.memory_space<vmem>> -> memref<1x2000xi32, #tpu.memory_space<vmem>>
    %dma_start3A_86 = tpu.memref_squeeze %dma_start3A_85 : memref<1x2000xi32, #tpu.memory_space<vmem>> -> memref<2000xi32, #tpu.memory_space<vmem>>
    %dma_start3A_87 = tpu.memref_slice %arg4[%add3A_73] : memref<1600000xi32, #tpu.memory_space<hbm>> -> memref<2000xi32, #tpu.memory_space<hbm>>
    %dma_start3A_88 = arith.constant 0 : i32
    %dma_start3A_89 = tpu.memref_slice %arg10[%dma_start3A_83, %dma_start3A_88] : memref<2x2000xi32, #tpu.memory_space<vmem>> -> memref<1x2000xi32, #tpu.memory_space<vmem>>
    %dma_start3A_90 = tpu.memref_squeeze %dma_start3A_89 : memref<1x2000xi32, #tpu.memory_space<vmem>> -> memref<2000xi32, #tpu.memory_space<vmem>>
    %dma_start3A_91 = tpu.memref_slice %arg4[%add3A_73] : memref<1600000xi32, #tpu.memory_space<hbm>> -> memref<2000xi32, #tpu.memory_space<hbm>>
    tpu.enqueue_dma source(%dma_start3A_91 : memref<2000xi32, #tpu.memory_space<hbm>>) target(%dma_start3A_90 : memref<2000xi32, #tpu.memory_space<vmem>>) target_semaphore(%arg12 : memref<!tpu.dma_semaphore, #tpu.memory_space<semaphore_mem>>)
    %dma_wait3A_92 = arith.constant 1 : i32
    %dma_wait3A_93 = arith.constant 0 : i32
    %dma_wait3A_94 = tpu.memref_slice %arg9[%dma_wait3A_92, %dma_wait3A_93] : memref<2x2000xi32, #tpu.memory_space<vmem>> -> memref<1x2000xi32, #tpu.memory_space<vmem>>
    %dma_wait3A_95 = tpu.memref_squeeze %dma_wait3A_94 : memref<1x2000xi32, #tpu.memory_space<vmem>> -> memref<2000xi32, #tpu.memory_space<vmem>>
    %dma_wait3A_96 = tpu.memref_slice %arg3[%add3A_23] : memref<1600000xi32, #tpu.memory_space<hbm>> -> memref<2000xi32, #tpu.memory_space<hbm>>
    %dma_wait3A_97 = arith.constant 0 : i32
    %dma_wait3A_98 = tpu.memref_slice %arg9[%dma_wait3A_92, %dma_wait3A_97] : memref<2x2000xi32, #tpu.memory_space<vmem>> -> memref<1x2000xi32, #tpu.memory_space<vmem>>
    %dma_wait3A_99 = tpu.memref_squeeze %dma_wait3A_98 : memref<1x2000xi32, #tpu.memory_space<vmem>> -> memref<2000xi32, #tpu.memory_space<vmem>>
    %dma_wait3A_100 = tpu.memref_slice %arg3[%add3A_23] : memref<1600000xi32, #tpu.memory_space<hbm>> -> memref<2000xi32, #tpu.memory_space<hbm>>
    tpu.wait_dma2 semaphore(%arg13 : memref<!tpu.dma_semaphore, #tpu.memory_space<semaphore_mem>>) src(%dma_wait3A_100 : memref<2000xi32, #tpu.memory_space<hbm>>) dst(%dma_wait3A_99 : memref<2000xi32, #tpu.memory_space<vmem>>)
    %dma_wait3A_101 = arith.constant 1 : i32
    %dma_wait3A_102 = arith.constant 0 : i32
    %dma_wait3A_103 = tpu.memref_slice %arg10[%dma_wait3A_101, %dma_wait3A_102] : memref<2x2000xi32, #tpu.memory_space<vmem>> -> memref<1x2000xi32, #tpu.memory_space<vmem>>
    %dma_wait3A_104 = tpu.memref_squeeze %dma_wait3A_103 : memref<1x2000xi32, #tpu.memory_space<vmem>> -> memref<2000xi32, #tpu.memory_space<vmem>>
    %dma_wait3A_105 = tpu.memref_slice %arg4[%add3A_23] : memref<1600000xi32, #tpu.memory_space<hbm>> -> memref<2000xi32, #tpu.memory_space<hbm>>
    %dma_wait3A_106 = arith.constant 0 : i32
    %dma_wait3A_107 = tpu.memref_slice %arg10[%dma_wait3A_101, %dma_wait3A_106] : memref<2x2000xi32, #tpu.memory_space<vmem>> -> memref<1x2000xi32, #tpu.memory_space<vmem>>
    %dma_wait3A_108 = tpu.memref_squeeze %dma_wait3A_107 : memref<1x2000xi32, #tpu.memory_space<vmem>> -> memref<2000xi32, #tpu.memory_space<vmem>>
    %dma_wait3A_109 = tpu.memref_slice %arg4[%add3A_23] : memref<1600000xi32, #tpu.memory_space<hbm>> -> memref<2000xi32, #tpu.memory_space<hbm>>
    tpu.wait_dma2 semaphore(%arg13 : memref<!tpu.dma_semaphore, #tpu.memory_space<semaphore_mem>>) src(%dma_wait3A_109 : memref<2000xi32, #tpu.memory_space<hbm>>) dst(%dma_wait3A_108 : memref<2000xi32, #tpu.memory_space<vmem>>)
    %parallel_loop3A_110 = arith.constant 0 : i32
    %parallel_loop3A_111 = arith.constant 2000 : i32
    %parallel_loop3A_112 = arith.constant 16 : i32
    scf.for %parallel_loop3A_1525 = %parallel_loop3A_110 to %parallel_loop3A_111 step %parallel_loop3A_112  : i32 {
      %parallel_loop3A_1526 = arith.constant 1 : i32
      %parallel_loop3A_1527 = arith.index_cast %parallel_loop3A_1526 : i32 to index
      %parallel_loop3A_1528 = arith.index_cast %parallel_loop3A_1525 : i32 to index
      %parallel_loop3A_1529 = tpu.vector_load %arg9[%parallel_loop3A_1527, %parallel_loop3A_1528] {strides = array<i32>} : memref<2x2000xi32, #tpu.memory_space<vmem>>, vector<16xi32>,
      %parallel_loop3A_1530 = arith.constant 1 : i32
      %parallel_loop3A_1531 = arith.index_cast %parallel_loop3A_1530 : i32 to index
      %parallel_loop3A_1532 = arith.index_cast %parallel_loop3A_1525 : i32 to index
      %parallel_loop3A_1533 = tpu.vector_load %arg10[%parallel_loop3A_1531, %parallel_loop3A_1532] {strides = array<i32>} : memref<2x2000xi32, #tpu.memory_space<vmem>>, vector<16xi32>,
      %parallel_loop3A_1534 = tpu.vector_load_idx %arg7[%parallel_loop3A_1529] : memref<100000xi32, #tpu.memory_space<vmem>>[vector<16xi32>], vector<16xi32>,
      %parallel_loop3A_1535 = tpu.vector_load_idx %arg7[%parallel_loop3A_1533] : memref<100000xi32, #tpu.memory_space<vmem>>[vector<16xi32>], vector<16xi32>,
      %parallel_loop3A_1536 = tpu.vector_load_idx %arg8[%parallel_loop3A_1534] : memref<128xf32, #tpu.memory_space<vmem>>[vector<16xi32>], vector<16xf32>,
      %parallel_loop3A_1537 = tpu.vector_load_idx %arg8[%parallel_loop3A_1535] : memref<128xf32, #tpu.memory_space<vmem>>[vector<16xi32>], vector<16xf32>,
      %parallel_loop3A_1538 = arith.mulf %parallel_loop3A_1536, %parallel_loop3A_1537 : vector<16xf32>
      %parallel_loop3A_1539 = arith.constant 1 : i32
      %parallel_loop3A_1540 = arith.index_cast %parallel_loop3A_1539 : i32 to index
      %parallel_loop3A_1541 = arith.index_cast %parallel_loop3A_1525 : i32 to index
      %parallel_loop3A_1542 = tpu.vector_load %arg11[%parallel_loop3A_1540, %parallel_loop3A_1541] {strides = array<i32>} : memref<2x2000xf32, #tpu.memory_space<vmem>>, vector<16xf32>,
      tpu.vector_store %arg11[%parallel_loop3A_1540, %parallel_loop3A_1541], %parallel_loop3A_1538 {strides = array<i32>} : memref<2x2000xf32, #tpu.memory_space<vmem>>, vector<16xf32>,
    } {sc.loop_unroll_factor = 5 : i64, sc.parallel_access}
    %add3A_113 = arith.constant 2000 : i32
    %add3A_114 = arith.addi %mul3A_2, %add3A_113 : i32
    %dma_start3A_115 = arith.constant 1 : i32
    %dma_start3A_116 = arith.constant 0 : i32
    %dma_start3A_117 = tpu.memref_slice %arg11[%dma_start3A_115, %dma_start3A_116] : memref<2x2000xf32, #tpu.memory_space<vmem>> -> memref<1x2000xf32, #tpu.memory_space<vmem>>
    %dma_start3A_118 = tpu.memref_squeeze %dma_start3A_117 : memref<1x2000xf32, #tpu.memory_space<vmem>> -> memref<2000xf32, #tpu.memory_space<vmem>>
    %dma_start3A_119 = tpu.memref_slice %arg6[%add3A_114] : memref<1600000xf32, #tpu.memory_space<hbm>> -> memref<2000xf32, #tpu.memory_space<hbm>>
    %dma_start3A_120 = tpu.memref_slice %arg6[%add3A_114] : memref<1600000xf32, #tpu.memory_space<hbm>> -> memref<2000xf32, #tpu.memory_space<hbm>>
    %dma_start3A_121 = arith.constant 0 : i32
    %dma_start3A_122 = tpu.memref_slice %arg11[%dma_start3A_115, %dma_start3A_121] : memref<2x2000xf32, #tpu.memory_space<vmem>> -> memref<1x2000xf32, #tpu.memory_space<vmem>>
    %dma_start3A_123 = tpu.memref_squeeze %dma_start3A_122 : memref<1x2000xf32, #tpu.memory_space<vmem>> -> memref<2000xf32, #tpu.memory_space<vmem>>
    tpu.enqueue_dma source(%dma_start3A_123 : memref<2000xf32, #tpu.memory_space<vmem>>) target(%dma_start3A_120 : memref<2000xf32, #tpu.memory_space<hbm>>) target_semaphore(%arg15 : memref<!tpu.dma_semaphore, #tpu.memory_space<semaphore_mem>>)
    %add3A_124 = arith.constant 6000 : i32
    %add3A_125 = arith.addi %mul3A_2, %add3A_124 : i32
    %dma_start3A_126 = arith.constant 1 : i32
    %dma_start3A_127 = arith.constant 0 : i32
    %dma_start3A_128 = tpu.memref_slice %arg9[%dma_start3A_126, %dma_start3A_127] : memref<2x2000xi32, #tpu.memory_space<vmem>> -> memref<1x2000xi32, #tpu.memory_space<vmem>>
    %dma_start3A_129 = tpu.memref_squeeze %dma_start3A_128 : memref<1x2000xi32, #tpu.memory_space<vmem>> -> memref<2000xi32, #tpu.memory_space<vmem>>
    %dma_start3A_130 = tpu.memref_slice %arg3[%add3A_125] : memref<1600000xi32, #tpu.memory_space<hbm>> -> memref<2000xi32, #tpu.memory_space<hbm>>
    %dma_start3A_131 = arith.constant 0 : i32
    %dma_start3A_132 = tpu.memref_slice %arg9[%dma_start3A_126, %dma_start3A_131] : memref<2x2000xi32, #tpu.memory_space<vmem>> -> memref<1x2000xi32, #tpu.memory_space<vmem>>
    %dma_start3A_133 = tpu.memref_squeeze %dma_start3A_132 : memref<1x2000xi32, #tpu.memory_space<vmem>> -> memref<2000xi32, #tpu.memory_space<vmem>>
    %dma_start3A_134 = tpu.memref_slice %arg3[%add3A_125] : memref<1600000xi32, #tpu.memory_space<hbm>> -> memref<2000xi32, #tpu.memory_space<hbm>>
    tpu.enqueue_dma source(%dma_start3A_134 : memref<2000xi32, #tpu.memory_space<hbm>>) target(%dma_start3A_133 : memref<2000xi32, #tpu.memory_space<vmem>>) target_semaphore(%arg13 : memref<!tpu.dma_semaphore, #tpu.memory_space<semaphore_mem>>)
    %dma_start3A_135 = arith.constant 1 : i32
    %dma_start3A_136 = arith.constant 0 : i32
    %dma_start3A_137 = tpu.memref_slice %arg10[%dma_start3A_135, %dma_start3A_136] : memref<2x2000xi32, #tpu.memory_space<vmem>> -> memref<1x2000xi32, #tpu.memory_space<vmem>>
    %dma_start3A_138 = tpu.memref_squeeze %dma_start3A_137 : memref<1x2000xi32, #tpu.memory_space<vmem>> -> memref<2000xi32, #tpu.memory_space<vmem>>
    %dma_start3A_139 = tpu.memref_slice %arg4[%add3A_125] : memref<1600000xi32, #tpu.memory_space<hbm>> -> memref<2000xi32, #tpu.memory_space<hbm>>
    %dma_start3A_140 = arith.constant 0 : i32
    %dma_start3A_141 = tpu.memref_slice %arg10[%dma_start3A_135, %dma_start3A_140] : memref<2x2000xi32, #tpu.memory_space<vmem>> -> memref<1x2000xi32, #tpu.memory_space<vmem>>
    %dma_start3A_142 = tpu.memref_squeeze %dma_start3A_141 : memref<1x2000xi32, #tpu.memory_space<vmem>> -> memref<2000xi32, #tpu.memory_space<vmem>>
    %dma_start3A_143 = tpu.memref_slice %arg4[%add3A_125] : memref<1600000xi32, #tpu.memory_space<hbm>> -> memref<2000xi32, #tpu.memory_space<hbm>>
    tpu.enqueue_dma source(%dma_start3A_143 : memref<2000xi32, #tpu.memory_space<hbm>>) target(%dma_start3A_142 : memref<2000xi32, #tpu.memory_space<vmem>>) target_semaphore(%arg13 : memref<!tpu.dma_semaphore, #tpu.memory_space<semaphore_mem>>)
    %dma_wait3A_144 = arith.constant 0 : i32
    %dma_wait3A_145 = arith.constant 0 : i32
    %dma_wait3A_146 = tpu.memref_slice %arg9[%dma_wait3A_144, %dma_wait3A_145] : memref<2x2000xi32, #tpu.memory_space<vmem>> -> memref<1x2000xi32, #tpu.memory_space<vmem>>
    %dma_wait3A_147 = tpu.memref_squeeze %dma_wait3A_146 : memref<1x2000xi32, #tpu.memory_space<vmem>> -> memref<2000xi32, #tpu.memory_space<vmem>>
    %dma_wait3A_148 = tpu.memref_slice %arg3[%add3A_73] : memref<1600000xi32, #tpu.memory_space<hbm>> -> memref<2000xi32, #tpu.memory_space<hbm>>
    %dma_wait3A_149 = arith.constant 0 : i32
    %dma_wait3A_150 = tpu.memref_slice %arg9[%dma_wait3A_144, %dma_wait3A_149] : memref<2x2000xi32, #tpu.memory_space<vmem>> -> memref<1x2000xi32, #tpu.memory_space<vmem>>
    %dma_wait3A_151 = tpu.memref_squeeze %dma_wait3A_150 : memref<1x2000xi32, #tpu.memory_space<vmem>> -> memref<2000xi32, #tpu.memory_space<vmem>>
    %dma_wait3A_152 = tpu.memref_slice %arg3[%add3A_73] : memref<1600000xi32, #tpu.memory_space<hbm>> -> memref<2000xi32, #tpu.memory_space<hbm>>
    tpu.wait_dma2 semaphore(%arg12 : memref<!tpu.dma_semaphore, #tpu.memory_space<semaphore_mem>>) src(%dma_wait3A_152 : memref<2000xi32, #tpu.memory_space<hbm>>) dst(%dma_wait3A_151 : memref<2000xi32, #tpu.memory_space<vmem>>)
    %dma_wait3A_153 = arith.constant 0 : i32
    %dma_wait3A_154 = arith.constant 0 : i32
    %dma_wait3A_155 = tpu.memref_slice %arg10[%dma_wait3A_153, %dma_wait3A_154] : memref<2x2000xi32, #tpu.memory_space<vmem>> -> memref<1x2000xi32, #tpu.memory_space<vmem>>
    %dma_wait3A_156 = tpu.memref_squeeze %dma_wait3A_155 : memref<1x2000xi32, #tpu.memory_space<vmem>> -> memref<2000xi32, #tpu.memory_space<vmem>>
    %dma_wait3A_157 = tpu.memref_slice %arg4[%add3A_73] : memref<1600000xi32, #tpu.memory_space<hbm>> -> memref<2000xi32, #tpu.memory_space<hbm>>
    %dma_wait3A_158 = arith.constant 0 : i32
    %dma_wait3A_159 = tpu.memref_slice %arg10[%dma_wait3A_153, %dma_wait3A_158] : memref<2x2000xi32, #tpu.memory_space<vmem>> -> memref<1x2000xi32, #tpu.memory_space<vmem>>
    %dma_wait3A_160 = tpu.memref_squeeze %dma_wait3A_159 : memref<1x2000xi32, #tpu.memory_space<vmem>> -> memref<2000xi32, #tpu.memory_space<vmem>>
    %dma_wait3A_161 = tpu.memref_slice %arg4[%add3A_73] : memref<1600000xi32, #tpu.memory_space<hbm>> -> memref<2000xi32, #tpu.memory_space<hbm>>
    tpu.wait_dma2 semaphore(%arg12 : memref<!tpu.dma_semaphore, #tpu.memory_space<semaphore_mem>>) src(%dma_wait3A_161 : memref<2000xi32, #tpu.memory_space<hbm>>) dst(%dma_wait3A_160 : memref<2000xi32, #tpu.memory_space<vmem>>)
    %dma_wait3A_162 = arith.constant 0 : i32
    %dma_wait3A_163 = arith.constant 0 : i32
    %dma_wait3A_164 = tpu.memref_slice %arg11[%dma_wait3A_162, %dma_wait3A_163] : memref<2x2000xf32, #tpu.memory_space<vmem>> -> memref<1x2000xf32, #tpu.memory_space<vmem>>
    %dma_wait3A_165 = tpu.memref_squeeze %dma_wait3A_164 : memref<1x2000xf32, #tpu.memory_space<vmem>> -> memref<2000xf32, #tpu.memory_space<vmem>>
    %dma_wait3A_166 = tpu.memref_slice %arg6[%add3A_62] : memref<1600000xf32, #tpu.memory_space<hbm>> -> memref<2000xf32, #tpu.memory_space<hbm>>
    %dma_wait3A_167 = tpu.memref_slice %arg6[%add3A_62] : memref<1600000xf32, #tpu.memory_space<hbm>> -> memref<2000xf32, #tpu.memory_space<hbm>>
    %dma_wait3A_168 = arith.constant 0 : i32
    %dma_wait3A_169 = tpu.memref_slice %arg11[%dma_wait3A_162, %dma_wait3A_168] : memref<2x2000xf32, #tpu.memory_space<vmem>> -> memref<1x2000xf32, #tpu.memory_space<vmem>>
    %dma_wait3A_170 = tpu.memref_squeeze %dma_wait3A_169 : memref<1x2000xf32, #tpu.memory_space<vmem>> -> memref<2000xf32, #tpu.memory_space<vmem>>
    tpu.wait_dma2 semaphore(%arg14 : memref<!tpu.dma_semaphore, #tpu.memory_space<semaphore_mem>>) src(%dma_wait3A_170 : memref<2000xf32, #tpu.memory_space<vmem>>) dst(%dma_wait3A_167 : memref<2000xf32, #tpu.memory_space<hbm>>)
    %parallel_loop3A_171 = arith.constant 0 : i32
    %parallel_loop3A_172 = arith.constant 2000 : i32
    %parallel_loop3A_173 = arith.constant 16 : i32
    scf.for %parallel_loop3A_1525 = %parallel_loop3A_171 to %parallel_loop3A_172 step %parallel_loop3A_173  : i32 {
      %parallel_loop3A_1526 = arith.constant 0 : i32
      %parallel_loop3A_1527 = arith.index_cast %parallel_loop3A_1526 : i32 to index
      %parallel_loop3A_1528 = arith.index_cast %parallel_loop3A_1525 : i32 to index
      %parallel_loop3A_1529 = tpu.vector_load %arg9[%parallel_loop3A_1527, %parallel_loop3A_1528] {strides = array<i32>} : memref<2x2000xi32, #tpu.memory_space<vmem>>, vector<16xi32>,
      %parallel_loop3A_1530 = arith.constant 0 : i32
      %parallel_loop3A_1531 = arith.index_cast %parallel_loop3A_1530 : i32 to index
      %parallel_loop3A_1532 = arith.index_cast %parallel_loop3A_1525 : i32 to index
      %parallel_loop3A_1533 = tpu.vector_load %arg10[%parallel_loop3A_1531, %parallel_loop3A_1532] {strides = array<i32>} : memref<2x2000xi32, #tpu.memory_space<vmem>>, vector<16xi32>,
      %parallel_loop3A_1534 = tpu.vector_load_idx %arg7[%parallel_loop3A_1529] : memref<100000xi32, #tpu.memory_space<vmem>>[vector<16xi32>], vector<16xi32>,
      %parallel_loop3A_1535 = tpu.vector_load_idx %arg7[%parallel_loop3A_1533] : memref<100000xi32, #tpu.memory_space<vmem>>[vector<16xi32>], vector<16xi32>,
      %parallel_loop3A_1536 = tpu.vector_load_idx %arg8[%parallel_loop3A_1534] : memref<128xf32, #tpu.memory_space<vmem>>[vector<16xi32>], vector<16xf32>,
      %parallel_loop3A_1537 = tpu.vector_load_idx %arg8[%parallel_loop3A_1535] : memref<128xf32, #tpu.memory_space<vmem>>[vector<16xi32>], vector<16xf32>,
      %parallel_loop3A_1538 = arith.mulf %parallel_loop3A_1536, %parallel_loop3A_1537 : vector<16xf32>
      %parallel_loop3A_1539 = arith.constant 0 : i32
      %parallel_loop3A_1540 = arith.index_cast %parallel_loop3A_1539 : i32 to index
      %parallel_loop3A_1541 = arith.index_cast %parallel_loop3A_1525 : i32 to index
      %parallel_loop3A_1542 = tpu.vector_load %arg11[%parallel_loop3A_1540, %parallel_loop3A_1541] {strides = array<i32>} : memref<2x2000xf32, #tpu.memory_space<vmem>>, vector<16xf32>,
      tpu.vector_store %arg11[%parallel_loop3A_1540, %parallel_loop3A_1541], %parallel_loop3A_1538 {strides = array<i32>} : memref<2x2000xf32, #tpu.memory_space<vmem>>, vector<16xf32>,
    } {sc.loop_unroll_factor = 5 : i64, sc.parallel_access}
    %add3A_174 = arith.constant 4000 : i32
    %add3A_175 = arith.addi %mul3A_2, %add3A_174 : i32
    %dma_start3A_176 = arith.constant 0 : i32
    %dma_start3A_177 = arith.constant 0 : i32
    %dma_start3A_178 = tpu.memref_slice %arg11[%dma_start3A_176, %dma_start3A_177] : memref<2x2000xf32, #tpu.memory_space<vmem>> -> memref<1x2000xf32, #tpu.memory_space<vmem>>
    %dma_start3A_179 = tpu.memref_squeeze %dma_start3A_178 : memref<1x2000xf32, #tpu.memory_space<vmem>> -> memref<2000xf32, #tpu.memory_space<vmem>>
    %dma_start3A_180 = tpu.memref_slice %arg6[%add3A_175] : memref<1600000xf32, #tpu.memory_space<hbm>> -> memref<2000xf32, #tpu.memory_space<hbm>>
    %dma_start3A_181 = tpu.memref_slice %arg6[%add3A_175] : memref<1600000xf32, #tpu.memory_space<hbm>> -> memref<2000xf32, #tpu.memory_space<hbm>>
    %dma_start3A_182 = arith.constant 0 : i32
    %dma_start3A_183 = tpu.memref_slice %arg11[%dma_start3A_176, %dma_start3A_182] : memref<2x2000xf32, #tpu.memory_space<vmem>> -> memref<1x2000xf32, #tpu.memory_space<vmem>>
    %dma_start3A_184 = tpu.memref_squeeze %dma_start3A_183 : memref<1x2000xf32, #tpu.memory_space<vmem>> -> memref<2000xf32, #tpu.memory_space<vmem>>
    tpu.enqueue_dma source(%dma_start3A_184 : memref<2000xf32, #tpu.memory_space<vmem>>) target(%dma_start3A_181 : memref<2000xf32, #tpu.memory_space<hbm>>) target_semaphore(%arg14 : memref<!tpu.dma_semaphore, #tpu.memory_space<semaphore_mem>>)
    %add3A_185 = arith.constant 8000 : i32
    %add3A_186 = arith.addi %mul3A_2, %add3A_185 : i32
    %dma_start3A_187 = arith.constant 0 : i32
    %dma_start3A_188 = arith.constant 0 : i32
    %dma_start3A_189 = tpu.memref_slice %arg9[%dma_start3A_187, %dma_start3A_188] : memref<2x2000xi32, #tpu.memory_space<vmem>> -> memref<1x2000xi32, #tpu.memory_space<vmem>>
    %dma_start3A_190 = tpu.memref_squeeze %dma_start3A_189 : memref<1x2000xi32, #tpu.memory_space<vmem>> -> memref<2000xi32, #tpu.memory_space<vmem>>
    %dma_start3A_191 = tpu.memref_slice %arg3[%add3A_186] : memref<1600000xi32, #tpu.memory_space<hbm>> -> memref<2000xi32, #tpu.memory_space<hbm>>
    %dma_start3A_192 = arith.constant 0 : i32
    %dma_start3A_193 = tpu.memref_slice %arg9[%dma_start3A_187, %dma_start3A_192] : memref<2x2000xi32, #tpu.memory_space<vmem>> -> memref<1x2000xi32, #tpu.memory_space<vmem>>
    %dma_start3A_194 = tpu.memref_squeeze %dma_start3A_193 : memref<1x2000xi32, #tpu.memory_space<vmem>> -> memref<2000xi32, #tpu.memory_space<vmem>>
    %dma_start3A_195 = tpu.memref_slice %arg3[%add3A_186] : memref<1600000xi32, #tpu.memory_space<hbm>> -> memref<2000xi32, #tpu.memory_space<hbm>>
    tpu.enqueue_dma source(%dma_start3A_195 : memref<2000xi32, #tpu.memory_space<hbm>>) target(%dma_start3A_194 : memref<2000xi32, #tpu.memory_space<vmem>>) target_semaphore(%arg12 : memref<!tpu.dma_semaphore, #tpu.memory_space<semaphore_mem>>)
    %dma_start3A_196 = arith.constant 0 : i32
    %dma_start3A_197 = arith.constant 0 : i32
    %dma_start3A_198 = tpu.memref_slice %arg10[%dma_start3A_196, %dma_start3A_197] : memref<2x2000xi32, #tpu.memory_space<vmem>> -> memref<1x2000xi32, #tpu.memory_space<vmem>>
    %dma_start3A_199 = tpu.memref_squeeze %dma_start3A_198 : memref<1x2000xi32, #tpu.memory_space<vmem>> -> memref<2000xi32, #tpu.memory_space<vmem>>
    %dma_start3A_200 = tpu.memref_slice %arg4[%add3A_186] : memref<1600000xi32, #tpu.memory_space<hbm>> -> memref<2000xi32, #tpu.memory_space<hbm>>
    %dma_start3A_201 = arith.constant 0 : i32
    %dma_start3A_202 = tpu.memref_slice %arg10[%dma_start3A_196, %dma_start3A_201] : memref<2x2000xi32, #tpu.memory_space<vmem>> -> memref<1x2000xi32, #tpu.memory_space<vmem>>
    %dma_start3A_203 = tpu.memref_squeeze %dma_start3A_202 : memref<1x2000xi32, #tpu.memory_space<vmem>> -> memref<2000xi32, #tpu.memory_space<vmem>>
    %dma_start3A_204 = tpu.memref_slice %arg4[%add3A_186] : memref<1600000xi32, #tpu.memory_space<hbm>> -> memref<2000xi32, #tpu.memory_space<hbm>>
    tpu.enqueue_dma source(%dma_start3A_204 : memref<2000xi32, #tpu.memory_space<hbm>>) target(%dma_start3A_203 : memref<2000xi32, #tpu.memory_space<vmem>>) target_semaphore(%arg12 : memref<!tpu.dma_semaphore, #tpu.memory_space<semaphore_mem>>)
    %dma_wait3A_205 = arith.constant 1 : i32
    %dma_wait3A_206 = arith.constant 0 : i32
    %dma_wait3A_207 = tpu.memref_slice %arg9[%dma_wait3A_205, %dma_wait3A_206] : memref<2x2000xi32, #tpu.memory_space<vmem>> -> memref<1x2000xi32, #tpu.memory_space<vmem>>
    %dma_wait3A_208 = tpu.memref_squeeze %dma_wait3A_207 : memref<1x2000xi32, #tpu.memory_space<vmem>> -> memref<2000xi32, #tpu.memory_space<vmem>>
    %dma_wait3A_209 = tpu.memref_slice %arg3[%add3A_125] : memref<1600000xi32, #tpu.memory_space<hbm>> -> memref<2000xi32, #tpu.memory_space<hbm>>
    %dma_wait3A_210 = arith.constant 0 : i32
    %dma_wait3A_211 = tpu.memref_slice %arg9[%dma_wait3A_205, %dma_wait3A_210] : memref<2x2000xi32, #tpu.memory_space<vmem>> -> memref<1x2000xi32, #tpu.memory_space<vmem>>
    %dma_wait3A_212 = tpu.memref_squeeze %dma_wait3A_211 : memref<1x2000xi32, #tpu.memory_space<vmem>> -> memref<2000xi32, #tpu.memory_space<vmem>>
    %dma_wait3A_213 = tpu.memref_slice %arg3[%add3A_125] : memref<1600000xi32, #tpu.memory_space<hbm>> -> memref<2000xi32, #tpu.memory_space<hbm>>
    tpu.wait_dma2 semaphore(%arg13 : memref<!tpu.dma_semaphore, #tpu.memory_space<semaphore_mem>>) src(%dma_wait3A_213 : memref<2000xi32, #tpu.memory_space<hbm>>) dst(%dma_wait3A_212 : memref<2000xi32, #tpu.memory_space<vmem>>)
    %dma_wait3A_214 = arith.constant 1 : i32
    %dma_wait3A_215 = arith.constant 0 : i32
    %dma_wait3A_216 = tpu.memref_slice %arg10[%dma_wait3A_214, %dma_wait3A_215] : memref<2x2000xi32, #tpu.memory_space<vmem>> -> memref<1x2000xi32, #tpu.memory_space<vmem>>
    %dma_wait3A_217 = tpu.memref_squeeze %dma_wait3A_216 : memref<1x2000xi32, #tpu.memory_space<vmem>> -> memref<2000xi32, #tpu.memory_space<vmem>>
    %dma_wait3A_218 = tpu.memref_slice %arg4[%add3A_125] : memref<1600000xi32, #tpu.memory_space<hbm>> -> memref<2000xi32, #tpu.memory_space<hbm>>
    %dma_wait3A_219 = arith.constant 0 : i32
    %dma_wait3A_220 = tpu.memref_slice %arg10[%dma_wait3A_214, %dma_wait3A_219] : memref<2x2000xi32, #tpu.memory_space<vmem>> -> memref<1x2000xi32, #tpu.memory_space<vmem>>
    %dma_wait3A_221 = tpu.memref_squeeze %dma_wait3A_220 : memref<1x2000xi32, #tpu.memory_space<vmem>> -> memref<2000xi32, #tpu.memory_space<vmem>>
    %dma_wait3A_222 = tpu.memref_slice %arg4[%add3A_125] : memref<1600000xi32, #tpu.memory_space<hbm>> -> memref<2000xi32, #tpu.memory_space<hbm>>
    tpu.wait_dma2 semaphore(%arg13 : memref<!tpu.dma_semaphore, #tpu.memory_space<semaphore_mem>>) src(%dma_wait3A_222 : memref<2000xi32, #tpu.memory_space<hbm>>) dst(%dma_wait3A_221 : memref<2000xi32, #tpu.memory_space<vmem>>)
    %dma_wait3A_223 = arith.constant 1 : i32
    %dma_wait3A_224 = arith.constant 0 : i32
    %dma_wait3A_225 = tpu.memref_slice %arg11[%dma_wait3A_223, %dma_wait3A_224] : memref<2x2000xf32, #tpu.memory_space<vmem>> -> memref<1x2000xf32, #tpu.memory_space<vmem>>
    %dma_wait3A_226 = tpu.memref_squeeze %dma_wait3A_225 : memref<1x2000xf32, #tpu.memory_space<vmem>> -> memref<2000xf32, #tpu.memory_space<vmem>>
    %dma_wait3A_227 = tpu.memref_slice %arg6[%add3A_114] : memref<1600000xf32, #tpu.memory_space<hbm>> -> memref<2000xf32, #tpu.memory_space<hbm>>
    %dma_wait3A_228 = tpu.memref_slice %arg6[%add3A_114] : memref<1600000xf32, #tpu.memory_space<hbm>> -> memref<2000xf32, #tpu.memory_space<hbm>>
    %dma_wait3A_229 = arith.constant 0 : i32
    %dma_wait3A_230 = tpu.memref_slice %arg11[%dma_wait3A_223, %dma_wait3A_229] : memref<2x2000xf32, #tpu.memory_space<vmem>> -> memref<1x2000xf32, #tpu.memory_space<vmem>>
    %dma_wait3A_231 = tpu.memref_squeeze %dma_wait3A_230 : memref<1x2000xf32, #tpu.memory_space<vmem>> -> memref<2000xf32, #tpu.memory_space<vmem>>
    tpu.wait_dma2 semaphore(%arg15 : memref<!tpu.dma_semaphore, #tpu.memory_space<semaphore_mem>>) src(%dma_wait3A_231 : memref<2000xf32, #tpu.memory_space<vmem>>) dst(%dma_wait3A_228 : memref<2000xf32, #tpu.memory_space<hbm>>)
    %parallel_loop3A_232 = arith.constant 0 : i32
    %parallel_loop3A_233 = arith.constant 2000 : i32
    %parallel_loop3A_234 = arith.constant 16 : i32
    scf.for %parallel_loop3A_1525 = %parallel_loop3A_232 to %parallel_loop3A_233 step %parallel_loop3A_234  : i32 {
      %parallel_loop3A_1526 = arith.constant 1 : i32
      %parallel_loop3A_1527 = arith.index_cast %parallel_loop3A_1526 : i32 to index
      %parallel_loop3A_1528 = arith.index_cast %parallel_loop3A_1525 : i32 to index
      %parallel_loop3A_1529 = tpu.vector_load %arg9[%parallel_loop3A_1527, %parallel_loop3A_1528] {strides = array<i32>} : memref<2x2000xi32, #tpu.memory_space<vmem>>, vector<16xi32>,
      %parallel_loop3A_1530 = arith.constant 1 : i32
      %parallel_loop3A_1531 = arith.index_cast %parallel_loop3A_1530 : i32 to index
      %parallel_loop3A_1532 = arith.index_cast %parallel_loop3A_1525 : i32 to index
      %parallel_loop3A_1533 = tpu.vector_load %arg10[%parallel_loop3A_1531, %parallel_loop3A_1532] {strides = array<i32>} : memref<2x2000xi32, #tpu.memory_space<vmem>>, vector<16xi32>,
      %parallel_loop3A_1534 = tpu.vector_load_idx %arg7[%parallel_loop3A_1529] : memref<100000xi32, #tpu.memory_space<vmem>>[vector<16xi32>], vector<16xi32>,
      %parallel_loop3A_1535 = tpu.vector_load_idx %arg7[%parallel_loop3A_1533] : memref<100000xi32, #tpu.memory_space<vmem>>[vector<16xi32>], vector<16xi32>,
      %parallel_loop3A_1536 = tpu.vector_load_idx %arg8[%parallel_loop3A_1534] : memref<128xf32, #tpu.memory_space<vmem>>[vector<16xi32>], vector<16xf32>,
      %parallel_loop3A_1537 = tpu.vector_load_idx %arg8[%parallel_loop3A_1535] : memref<128xf32, #tpu.memory_space<vmem>>[vector<16xi32>], vector<16xf32>,
      %parallel_loop3A_1538 = arith.mulf %parallel_loop3A_1536, %parallel_loop3A_1537 : vector<16xf32>
      %parallel_loop3A_1539 = arith.constant 1 : i32
      %parallel_loop3A_1540 = arith.index_cast %parallel_loop3A_1539 : i32 to index
      %parallel_loop3A_1541 = arith.index_cast %parallel_loop3A_1525 : i32 to index
      %parallel_loop3A_1542 = tpu.vector_load %arg11[%parallel_loop3A_1540, %parallel_loop3A_1541] {strides = array<i32>} : memref<2x2000xf32, #tpu.memory_space<vmem>>, vector<16xf32>,
      tpu.vector_store %arg11[%parallel_loop3A_1540, %parallel_loop3A_1541], %parallel_loop3A_1538 {strides = array<i32>} : memref<2x2000xf32, #tpu.memory_space<vmem>>, vector<16xf32>,
    } {sc.loop_unroll_factor = 5 : i64, sc.parallel_access}
    %add3A_235 = arith.constant 6000 : i32
    %add3A_236 = arith.addi %mul3A_2, %add3A_235 : i32
    %dma_start3A_237 = arith.constant 1 : i32
    %dma_start3A_238 = arith.constant 0 : i32
    %dma_start3A_239 = tpu.memref_slice %arg11[%dma_start3A_237, %dma_start3A_238] : memref<2x2000xf32, #tpu.memory_space<vmem>> -> memref<1x2000xf32, #tpu.memory_space<vmem>>
    %dma_start3A_240 = tpu.memref_squeeze %dma_start3A_239 : memref<1x2000xf32, #tpu.memory_space<vmem>> -> memref<2000xf32, #tpu.memory_space<vmem>>
    %dma_start3A_241 = tpu.memref_slice %arg6[%add3A_236] : memref<1600000xf32, #tpu.memory_space<hbm>> -> memref<2000xf32, #tpu.memory_space<hbm>>
    %dma_start3A_242 = tpu.memref_slice %arg6[%add3A_236] : memref<1600000xf32, #tpu.memory_space<hbm>> -> memref<2000xf32, #tpu.memory_space<hbm>>
    %dma_start3A_243 = arith.constant 0 : i32
    %dma_start3A_244 = tpu.memref_slice %arg11[%dma_start3A_237, %dma_start3A_243] : memref<2x2000xf32, #tpu.memory_space<vmem>> -> memref<1x2000xf32, #tpu.memory_space<vmem>>
    %dma_start3A_245 = tpu.memref_squeeze %dma_start3A_244 : memref<1x2000xf32, #tpu.memory_space<vmem>> -> memref<2000xf32, #tpu.memory_space<vmem>>
    tpu.enqueue_dma source(%dma_start3A_245 : memref<2000xf32, #tpu.memory_space<vmem>>) target(%dma_start3A_242 : memref<2000xf32, #tpu.memory_space<hbm>>) target_semaphore(%arg15 : memref<!tpu.dma_semaphore, #tpu.memory_space<semaphore_mem>>)
    %add3A_246 = arith.constant 10000 : i32
    %add3A_247 = arith.addi %mul3A_2, %add3A_246 : i32
    %dma_start3A_248 = arith.constant 1 : i32
    %dma_start3A_249 = arith.constant 0 : i32
    %dma_start3A_250 = tpu.memref_slice %arg9[%dma_start3A_248, %dma_start3A_249] : memref<2x2000xi32, #tpu.memory_space<vmem>> -> memref<1x2000xi32, #tpu.memory_space<vmem>>
    %dma_start3A_251 = tpu.memref_squeeze %dma_start3A_250 : memref<1x2000xi32, #tpu.memory_space<vmem>> -> memref<2000xi32, #tpu.memory_space<vmem>>
    %dma_start3A_252 = tpu.memref_slice %arg3[%add3A_247] : memref<1600000xi32, #tpu.memory_space<hbm>> -> memref<2000xi32, #tpu.memory_space<hbm>>
    %dma_start3A_253 = arith.constant 0 : i32
    %dma_start3A_254 = tpu.memref_slice %arg9[%dma_start3A_248, %dma_start3A_253] : memref<2x2000xi32, #tpu.memory_space<vmem>> -> memref<1x2000xi32, #tpu.memory_space<vmem>>
    %dma_start3A_255 = tpu.memref_squeeze %dma_start3A_254 : memref<1x2000xi32, #tpu.memory_space<vmem>> -> memref<2000xi32, #tpu.memory_space<vmem>>
    %dma_start3A_256 = tpu.memref_slice %arg3[%add3A_247] : memref<1600000xi32, #tpu.memory_space<hbm>> -> memref<2000xi32, #tpu.memory_space<hbm>>
    tpu.enqueue_dma source(%dma_start3A_256 : memref<2000xi32, #tpu.memory_space<hbm>>) target(%dma_start3A_255 : memref<2000xi32, #tpu.memory_space<vmem>>) target_semaphore(%arg13 : memref<!tpu.dma_semaphore, #tpu.memory_space<semaphore_mem>>)
    %dma_start3A_257 = arith.constant 1 : i32
    %dma_start3A_258 = arith.constant 0 : i32
    %dma_start3A_259 = tpu.memref_slice %arg10[%dma_start3A_257, %dma_start3A_258] : memref<2x2000xi32, #tpu.memory_space<vmem>> -> memref<1x2000xi32, #tpu.memory_space<vmem>>
    %dma_start3A_260 = tpu.memref_squeeze %dma_start3A_259 : memref<1x2000xi32, #tpu.memory_space<vmem>> -> memref<2000xi32, #tpu.memory_space<vmem>>
    %dma_start3A_261 = tpu.memref_slice %arg4[%add3A_247] : memref<1600000xi32, #tpu.memory_space<hbm>> -> memref<2000xi32, #tpu.memory_space<hbm>>
    %dma_start3A_262 = arith.constant 0 : i32
    %dma_start3A_263 = tpu.memref_slice %arg10[%dma_start3A_257, %dma_start3A_262] : memref<2x2000xi32, #tpu.memory_space<vmem>> -> memref<1x2000xi32, #tpu.memory_space<vmem>>
    %dma_start3A_264 = tpu.memref_squeeze %dma_start3A_263 : memref<1x2000xi32, #tpu.memory_space<vmem>> -> memref<2000xi32, #tpu.memory_space<vmem>>
    %dma_start3A_265 = tpu.memref_slice %arg4[%add3A_247] : memref<1600000xi32, #tpu.memory_space<hbm>> -> memref<2000xi32, #tpu.memory_space<hbm>>
    tpu.enqueue_dma source(%dma_start3A_265 : memref<2000xi32, #tpu.memory_space<hbm>>) target(%dma_start3A_264 : memref<2000xi32, #tpu.memory_space<vmem>>) target_semaphore(%arg13 : memref<!tpu.dma_semaphore, #tpu.memory_space<semaphore_mem>>)
    %dma_wait3A_266 = arith.constant 0 : i32
    %dma_wait3A_267 = arith.constant 0 : i32
    %dma_wait3A_268 = tpu.memref_slice %arg9[%dma_wait3A_266, %dma_wait3A_267] : memref<2x2000xi32, #tpu.memory_space<vmem>> -> memref<1x2000xi32, #tpu.memory_space<vmem>>
    %dma_wait3A_269 = tpu.memref_squeeze %dma_wait3A_268 : memref<1x2000xi32, #tpu.memory_space<vmem>> -> memref<2000xi32, #tpu.memory_space<vmem>>
    %dma_wait3A_270 = tpu.memref_slice %arg3[%add3A_186] : memref<1600000xi32, #tpu.memory_space<hbm>> -> memref<2000xi32, #tpu.memory_space<hbm>>
    %dma_wait3A_271 = arith.constant 0 : i32
    %dma_wait3A_272 = tpu.memref_slice %arg9[%dma_wait3A_266, %dma_wait3A_271] : memref<2x2000xi32, #tpu.memory_space<vmem>> -> memref<1x2000xi32, #tpu.memory_space<vmem>>
    %dma_wait3A_273 = tpu.memref_squeeze %dma_wait3A_272 : memref<1x2000xi32, #tpu.memory_space<vmem>> -> memref<2000xi32, #tpu.memory_space<vmem>>
    %dma_wait3A_274 = tpu.memref_slice %arg3[%add3A_186] : memref<1600000xi32, #tpu.memory_space<hbm>> -> memref<2000xi32, #tpu.memory_space<hbm>>
    tpu.wait_dma2 semaphore(%arg12 : memref<!tpu.dma_semaphore, #tpu.memory_space<semaphore_mem>>) src(%dma_wait3A_274 : memref<2000xi32, #tpu.memory_space<hbm>>) dst(%dma_wait3A_273 : memref<2000xi32, #tpu.memory_space<vmem>>)
    %dma_wait3A_275 = arith.constant 0 : i32
    %dma_wait3A_276 = arith.constant 0 : i32
    %dma_wait3A_277 = tpu.memref_slice %arg10[%dma_wait3A_275, %dma_wait3A_276] : memref<2x2000xi32, #tpu.memory_space<vmem>> -> memref<1x2000xi32, #tpu.memory_space<vmem>>
    %dma_wait3A_278 = tpu.memref_squeeze %dma_wait3A_277 : memref<1x2000xi32, #tpu.memory_space<vmem>> -> memref<2000xi32, #tpu.memory_space<vmem>>
    %dma_wait3A_279 = tpu.memref_slice %arg4[%add3A_186] : memref<1600000xi32, #tpu.memory_space<hbm>> -> memref<2000xi32, #tpu.memory_space<hbm>>
    %dma_wait3A_280 = arith.constant 0 : i32
    %dma_wait3A_281 = tpu.memref_slice %arg10[%dma_wait3A_275, %dma_wait3A_280] : memref<2x2000xi32, #tpu.memory_space<vmem>> -> memref<1x2000xi32, #tpu.memory_space<vmem>>
    %dma_wait3A_282 = tpu.memref_squeeze %dma_wait3A_281 : memref<1x2000xi32, #tpu.memory_space<vmem>> -> memref<2000xi32, #tpu.memory_space<vmem>>
    %dma_wait3A_283 = tpu.memref_slice %arg4[%add3A_186] : memref<1600000xi32, #tpu.memory_space<hbm>> -> memref<2000xi32, #tpu.memory_space<hbm>>
    tpu.wait_dma2 semaphore(%arg12 : memref<!tpu.dma_semaphore, #tpu.memory_space<semaphore_mem>>) src(%dma_wait3A_283 : memref<2000xi32, #tpu.memory_space<hbm>>) dst(%dma_wait3A_282 : memref<2000xi32, #tpu.memory_space<vmem>>)
    %dma_wait3A_284 = arith.constant 0 : i32
    %dma_wait3A_285 = arith.constant 0 : i32
    %dma_wait3A_286 = tpu.memref_slice %arg11[%dma_wait3A_284, %dma_wait3A_285] : memref<2x2000xf32, #tpu.memory_space<vmem>> -> memref<1x2000xf32, #tpu.memory_space<vmem>>
    %dma_wait3A_287 = tpu.memref_squeeze %dma_wait3A_286 : memref<1x2000xf32, #tpu.memory_space<vmem>> -> memref<2000xf32, #tpu.memory_space<vmem>>
    %dma_wait3A_288 = tpu.memref_slice %arg6[%add3A_175] : memref<1600000xf32, #tpu.memory_space<hbm>> -> memref<2000xf32, #tpu.memory_space<hbm>>
    %dma_wait3A_289 = tpu.memref_slice %arg6[%add3A_175] : memref<1600000xf32, #tpu.memory_space<hbm>> -> memref<2000xf32, #tpu.memory_space<hbm>>
    %dma_wait3A_290 = arith.constant 0 : i32
    %dma_wait3A_291 = tpu.memref_slice %arg11[%dma_wait3A_284, %dma_wait3A_290] : memref<2x2000xf32, #tpu.memory_space<vmem>> -> memref<1x2000xf32, #tpu.memory_space<vmem>>
    %dma_wait3A_292 = tpu.memref_squeeze %dma_wait3A_291 : memref<1x2000xf32, #tpu.memory_space<vmem>> -> memref<2000xf32, #tpu.memory_space<vmem>>
    tpu.wait_dma2 semaphore(%arg14 : memref<!tpu.dma_semaphore, #tpu.memory_space<semaphore_mem>>) src(%dma_wait3A_292 : memref<2000xf32, #tpu.memory_space<vmem>>) dst(%dma_wait3A_289 : memref<2000xf32, #tpu.memory_space<hbm>>)
    %parallel_loop3A_293 = arith.constant 0 : i32
    %parallel_loop3A_294 = arith.constant 2000 : i32
    %parallel_loop3A_295 = arith.constant 16 : i32
    scf.for %parallel_loop3A_1525 = %parallel_loop3A_293 to %parallel_loop3A_294 step %parallel_loop3A_295  : i32 {
      %parallel_loop3A_1526 = arith.constant 0 : i32
      %parallel_loop3A_1527 = arith.index_cast %parallel_loop3A_1526 : i32 to index
      %parallel_loop3A_1528 = arith.index_cast %parallel_loop3A_1525 : i32 to index
      %parallel_loop3A_1529 = tpu.vector_load %arg9[%parallel_loop3A_1527, %parallel_loop3A_1528] {strides = array<i32>} : memref<2x2000xi32, #tpu.memory_space<vmem>>, vector<16xi32>,
      %parallel_loop3A_1530 = arith.constant 0 : i32
      %parallel_loop3A_1531 = arith.index_cast %parallel_loop3A_1530 : i32 to index
      %parallel_loop3A_1532 = arith.index_cast %parallel_loop3A_1525 : i32 to index
      %parallel_loop3A_1533 = tpu.vector_load %arg10[%parallel_loop3A_1531, %parallel_loop3A_1532] {strides = array<i32>} : memref<2x2000xi32, #tpu.memory_space<vmem>>, vector<16xi32>,
      %parallel_loop3A_1534 = tpu.vector_load_idx %arg7[%parallel_loop3A_1529] : memref<100000xi32, #tpu.memory_space<vmem>>[vector<16xi32>], vector<16xi32>,
      %parallel_loop3A_1535 = tpu.vector_load_idx %arg7[%parallel_loop3A_1533] : memref<100000xi32, #tpu.memory_space<vmem>>[vector<16xi32>], vector<16xi32>,
      %parallel_loop3A_1536 = tpu.vector_load_idx %arg8[%parallel_loop3A_1534] : memref<128xf32, #tpu.memory_space<vmem>>[vector<16xi32>], vector<16xf32>,
      %parallel_loop3A_1537 = tpu.vector_load_idx %arg8[%parallel_loop3A_1535] : memref<128xf32, #tpu.memory_space<vmem>>[vector<16xi32>], vector<16xf32>,
      %parallel_loop3A_1538 = arith.mulf %parallel_loop3A_1536, %parallel_loop3A_1537 : vector<16xf32>
      %parallel_loop3A_1539 = arith.constant 0 : i32
      %parallel_loop3A_1540 = arith.index_cast %parallel_loop3A_1539 : i32 to index
      %parallel_loop3A_1541 = arith.index_cast %parallel_loop3A_1525 : i32 to index
      %parallel_loop3A_1542 = tpu.vector_load %arg11[%parallel_loop3A_1540, %parallel_loop3A_1541] {strides = array<i32>} : memref<2x2000xf32, #tpu.memory_space<vmem>>, vector<16xf32>,
      tpu.vector_store %arg11[%parallel_loop3A_1540, %parallel_loop3A_1541], %parallel_loop3A_1538 {strides = array<i32>} : memref<2x2000xf32, #tpu.memory_space<vmem>>, vector<16xf32>,
    } {sc.loop_unroll_factor = 5 : i64, sc.parallel_access}
    %add3A_296 = arith.constant 8000 : i32
    %add3A_297 = arith.addi %mul3A_2, %add3A_296 : i32
    %dma_start3A_298 = arith.constant 0 : i32
    %dma_start3A_299 = arith.constant 0 : i32
    %dma_start3A_300 = tpu.memref_slice %arg11[%dma_start3A_298, %dma_start3A_299] : memref<2x2000xf32, #tpu.memory_space<vmem>> -> memref<1x2000xf32, #tpu.memory_space<vmem>>
    %dma_start3A_301 = tpu.memref_squeeze %dma_start3A_300 : memref<1x2000xf32, #tpu.memory_space<vmem>> -> memref<2000xf32, #tpu.memory_space<vmem>>
    %dma_start3A_302 = tpu.memref_slice %arg6[%add3A_297] : memref<1600000xf32, #tpu.memory_space<hbm>> -> memref<2000xf32, #tpu.memory_space<hbm>>
    %dma_start3A_303 = tpu.memref_slice %arg6[%add3A_297] : memref<1600000xf32, #tpu.memory_space<hbm>> -> memref<2000xf32, #tpu.memory_space<hbm>>
    %dma_start3A_304 = arith.constant 0 : i32
    %dma_start3A_305 = tpu.memref_slice %arg11[%dma_start3A_298, %dma_start3A_304] : memref<2x2000xf32, #tpu.memory_space<vmem>> -> memref<1x2000xf32, #tpu.memory_space<vmem>>
    %dma_start3A_306 = tpu.memref_squeeze %dma_start3A_305 : memref<1x2000xf32, #tpu.memory_space<vmem>> -> memref<2000xf32, #tpu.memory_space<vmem>>
    tpu.enqueue_dma source(%dma_start3A_306 : memref<2000xf32, #tpu.memory_space<vmem>>) target(%dma_start3A_303 : memref<2000xf32, #tpu.memory_space<hbm>>) target_semaphore(%arg14 : memref<!tpu.dma_semaphore, #tpu.memory_space<semaphore_mem>>)
    %add3A_307 = arith.constant 12000 : i32
    %add3A_308 = arith.addi %mul3A_2, %add3A_307 : i32
    %dma_start3A_309 = arith.constant 0 : i32
    %dma_start3A_310 = arith.constant 0 : i32
    %dma_start3A_311 = tpu.memref_slice %arg9[%dma_start3A_309, %dma_start3A_310] : memref<2x2000xi32, #tpu.memory_space<vmem>> -> memref<1x2000xi32, #tpu.memory_space<vmem>>
    %dma_start3A_312 = tpu.memref_squeeze %dma_start3A_311 : memref<1x2000xi32, #tpu.memory_space<vmem>> -> memref<2000xi32, #tpu.memory_space<vmem>>
    %dma_start3A_313 = tpu.memref_slice %arg3[%add3A_308] : memref<1600000xi32, #tpu.memory_space<hbm>> -> memref<2000xi32, #tpu.memory_space<hbm>>
    %dma_start3A_314 = arith.constant 0 : i32
    %dma_start3A_315 = tpu.memref_slice %arg9[%dma_start3A_309, %dma_start3A_314] : memref<2x2000xi32, #tpu.memory_space<vmem>> -> memref<1x2000xi32, #tpu.memory_space<vmem>>
    %dma_start3A_316 = tpu.memref_squeeze %dma_start3A_315 : memref<1x2000xi32, #tpu.memory_space<vmem>> -> memref<2000xi32, #tpu.memory_space<vmem>>
    %dma_start3A_317 = tpu.memref_slice %arg3[%add3A_308] : memref<1600000xi32, #tpu.memory_space<hbm>> -> memref<2000xi32, #tpu.memory_space<hbm>>
    tpu.enqueue_dma source(%dma_start3A_317 : memref<2000xi32, #tpu.memory_space<hbm>>) target(%dma_start3A_316 : memref<2000xi32, #tpu.memory_space<vmem>>) target_semaphore(%arg12 : memref<!tpu.dma_semaphore, #tpu.memory_space<semaphore_mem>>)
    %dma_start3A_318 = arith.constant 0 : i32
    %dma_start3A_319 = arith.constant 0 : i32
    %dma_start3A_320 = tpu.memref_slice %arg10[%dma_start3A_318, %dma_start3A_319] : memref<2x2000xi32, #tpu.memory_space<vmem>> -> memref<1x2000xi32, #tpu.memory_space<vmem>>
    %dma_start3A_321 = tpu.memref_squeeze %dma_start3A_320 : memref<1x2000xi32, #tpu.memory_space<vmem>> -> memref<2000xi32, #tpu.memory_space<vmem>>
    %dma_start3A_322 = tpu.memref_slice %arg4[%add3A_308] : memref<1600000xi32, #tpu.memory_space<hbm>> -> memref<2000xi32, #tpu.memory_space<hbm>>
    %dma_start3A_323 = arith.constant 0 : i32
    %dma_start3A_324 = tpu.memref_slice %arg10[%dma_start3A_318, %dma_start3A_323] : memref<2x2000xi32, #tpu.memory_space<vmem>> -> memref<1x2000xi32, #tpu.memory_space<vmem>>
    %dma_start3A_325 = tpu.memref_squeeze %dma_start3A_324 : memref<1x2000xi32, #tpu.memory_space<vmem>> -> memref<2000xi32, #tpu.memory_space<vmem>>
    %dma_start3A_326 = tpu.memref_slice %arg4[%add3A_308] : memref<1600000xi32, #tpu.memory_space<hbm>> -> memref<2000xi32, #tpu.memory_space<hbm>>
    tpu.enqueue_dma source(%dma_start3A_326 : memref<2000xi32, #tpu.memory_space<hbm>>) target(%dma_start3A_325 : memref<2000xi32, #tpu.memory_space<vmem>>) target_semaphore(%arg12 : memref<!tpu.dma_semaphore, #tpu.memory_space<semaphore_mem>>)
    %dma_wait3A_327 = arith.constant 1 : i32
    %dma_wait3A_328 = arith.constant 0 : i32
    %dma_wait3A_329 = tpu.memref_slice %arg9[%dma_wait3A_327, %dma_wait3A_328] : memref<2x2000xi32, #tpu.memory_space<vmem>> -> memref<1x2000xi32, #tpu.memory_space<vmem>>
    %dma_wait3A_330 = tpu.memref_squeeze %dma_wait3A_329 : memref<1x2000xi32, #tpu.memory_space<vmem>> -> memref<2000xi32, #tpu.memory_space<vmem>>
    %dma_wait3A_331 = tpu.memref_slice %arg3[%add3A_247] : memref<1600000xi32, #tpu.memory_space<hbm>> -> memref<2000xi32, #tpu.memory_space<hbm>>
    %dma_wait3A_332 = arith.constant 0 : i32
    %dma_wait3A_333 = tpu.memref_slice %arg9[%dma_wait3A_327, %dma_wait3A_332] : memref<2x2000xi32, #tpu.memory_space<vmem>> -> memref<1x2000xi32, #tpu.memory_space<vmem>>
    %dma_wait3A_334 = tpu.memref_squeeze %dma_wait3A_333 : memref<1x2000xi32, #tpu.memory_space<vmem>> -> memref<2000xi32, #tpu.memory_space<vmem>>
    %dma_wait3A_335 = tpu.memref_slice %arg3[%add3A_247] : memref<1600000xi32, #tpu.memory_space<hbm>> -> memref<2000xi32, #tpu.memory_space<hbm>>
    tpu.wait_dma2 semaphore(%arg13 : memref<!tpu.dma_semaphore, #tpu.memory_space<semaphore_mem>>) src(%dma_wait3A_335 : memref<2000xi32, #tpu.memory_space<hbm>>) dst(%dma_wait3A_334 : memref<2000xi32, #tpu.memory_space<vmem>>)
    %dma_wait3A_336 = arith.constant 1 : i32
    %dma_wait3A_337 = arith.constant 0 : i32
    %dma_wait3A_338 = tpu.memref_slice %arg10[%dma_wait3A_336, %dma_wait3A_337] : memref<2x2000xi32, #tpu.memory_space<vmem>> -> memref<1x2000xi32, #tpu.memory_space<vmem>>
    %dma_wait3A_339 = tpu.memref_squeeze %dma_wait3A_338 : memref<1x2000xi32, #tpu.memory_space<vmem>> -> memref<2000xi32, #tpu.memory_space<vmem>>
    %dma_wait3A_340 = tpu.memref_slice %arg4[%add3A_247] : memref<1600000xi32, #tpu.memory_space<hbm>> -> memref<2000xi32, #tpu.memory_space<hbm>>
    %dma_wait3A_341 = arith.constant 0 : i32
    %dma_wait3A_342 = tpu.memref_slice %arg10[%dma_wait3A_336, %dma_wait3A_341] : memref<2x2000xi32, #tpu.memory_space<vmem>> -> memref<1x2000xi32, #tpu.memory_space<vmem>>
    %dma_wait3A_343 = tpu.memref_squeeze %dma_wait3A_342 : memref<1x2000xi32, #tpu.memory_space<vmem>> -> memref<2000xi32, #tpu.memory_space<vmem>>
    %dma_wait3A_344 = tpu.memref_slice %arg4[%add3A_247] : memref<1600000xi32, #tpu.memory_space<hbm>> -> memref<2000xi32, #tpu.memory_space<hbm>>
    tpu.wait_dma2 semaphore(%arg13 : memref<!tpu.dma_semaphore, #tpu.memory_space<semaphore_mem>>) src(%dma_wait3A_344 : memref<2000xi32, #tpu.memory_space<hbm>>) dst(%dma_wait3A_343 : memref<2000xi32, #tpu.memory_space<vmem>>)
    %dma_wait3A_345 = arith.constant 1 : i32
    %dma_wait3A_346 = arith.constant 0 : i32
    %dma_wait3A_347 = tpu.memref_slice %arg11[%dma_wait3A_345, %dma_wait3A_346] : memref<2x2000xf32, #tpu.memory_space<vmem>> -> memref<1x2000xf32, #tpu.memory_space<vmem>>
    %dma_wait3A_348 = tpu.memref_squeeze %dma_wait3A_347 : memref<1x2000xf32, #tpu.memory_space<vmem>> -> memref<2000xf32, #tpu.memory_space<vmem>>
    %dma_wait3A_349 = tpu.memref_slice %arg6[%add3A_236] : memref<1600000xf32, #tpu.memory_space<hbm>> -> memref<2000xf32, #tpu.memory_space<hbm>>
    %dma_wait3A_350 = tpu.memref_slice %arg6[%add3A_236] : memref<1600000xf32, #tpu.memory_space<hbm>> -> memref<2000xf32, #tpu.memory_space<hbm>>
    %dma_wait3A_351 = arith.constant 0 : i32
    %dma_wait3A_352 = tpu.memref_slice %arg11[%dma_wait3A_345, %dma_wait3A_351] : memref<2x2000xf32, #tpu.memory_space<vmem>> -> memref<1x2000xf32, #tpu.memory_space<vmem>>
    %dma_wait3A_353 = tpu.memref_squeeze %dma_wait3A_352 : memref<1x2000xf32, #tpu.memory_space<vmem>> -> memref<2000xf32, #tpu.memory_space<vmem>>
    tpu.wait_dma2 semaphore(%arg15 : memref<!tpu.dma_semaphore, #tpu.memory_space<semaphore_mem>>) src(%dma_wait3A_353 : memref<2000xf32, #tpu.memory_space<vmem>>) dst(%dma_wait3A_350 : memref<2000xf32, #tpu.memory_space<hbm>>)
    %parallel_loop3A_354 = arith.constant 0 : i32
    %parallel_loop3A_355 = arith.constant 2000 : i32
    %parallel_loop3A_356 = arith.constant 16 : i32
    scf.for %parallel_loop3A_1525 = %parallel_loop3A_354 to %parallel_loop3A_355 step %parallel_loop3A_356  : i32 {
      %parallel_loop3A_1526 = arith.constant 1 : i32
      %parallel_loop3A_1527 = arith.index_cast %parallel_loop3A_1526 : i32 to index
      %parallel_loop3A_1528 = arith.index_cast %parallel_loop3A_1525 : i32 to index
      %parallel_loop3A_1529 = tpu.vector_load %arg9[%parallel_loop3A_1527, %parallel_loop3A_1528] {strides = array<i32>} : memref<2x2000xi32, #tpu.memory_space<vmem>>, vector<16xi32>,
      %parallel_loop3A_1530 = arith.constant 1 : i32
      %parallel_loop3A_1531 = arith.index_cast %parallel_loop3A_1530 : i32 to index
      %parallel_loop3A_1532 = arith.index_cast %parallel_loop3A_1525 : i32 to index
      %parallel_loop3A_1533 = tpu.vector_load %arg10[%parallel_loop3A_1531, %parallel_loop3A_1532] {strides = array<i32>} : memref<2x2000xi32, #tpu.memory_space<vmem>>, vector<16xi32>,
      %parallel_loop3A_1534 = tpu.vector_load_idx %arg7[%parallel_loop3A_1529] : memref<100000xi32, #tpu.memory_space<vmem>>[vector<16xi32>], vector<16xi32>,
      %parallel_loop3A_1535 = tpu.vector_load_idx %arg7[%parallel_loop3A_1533] : memref<100000xi32, #tpu.memory_space<vmem>>[vector<16xi32>], vector<16xi32>,
      %parallel_loop3A_1536 = tpu.vector_load_idx %arg8[%parallel_loop3A_1534] : memref<128xf32, #tpu.memory_space<vmem>>[vector<16xi32>], vector<16xf32>,
      %parallel_loop3A_1537 = tpu.vector_load_idx %arg8[%parallel_loop3A_1535] : memref<128xf32, #tpu.memory_space<vmem>>[vector<16xi32>], vector<16xf32>,
      %parallel_loop3A_1538 = arith.mulf %parallel_loop3A_1536, %parallel_loop3A_1537 : vector<16xf32>
      %parallel_loop3A_1539 = arith.constant 1 : i32
      %parallel_loop3A_1540 = arith.index_cast %parallel_loop3A_1539 : i32 to index
      %parallel_loop3A_1541 = arith.index_cast %parallel_loop3A_1525 : i32 to index
      %parallel_loop3A_1542 = tpu.vector_load %arg11[%parallel_loop3A_1540, %parallel_loop3A_1541] {strides = array<i32>} : memref<2x2000xf32, #tpu.memory_space<vmem>>, vector<16xf32>,
      tpu.vector_store %arg11[%parallel_loop3A_1540, %parallel_loop3A_1541], %parallel_loop3A_1538 {strides = array<i32>} : memref<2x2000xf32, #tpu.memory_space<vmem>>, vector<16xf32>,
    } {sc.loop_unroll_factor = 5 : i64, sc.parallel_access}
    %add3A_357 = arith.constant 10000 : i32
    %add3A_358 = arith.addi %mul3A_2, %add3A_357 : i32
    %dma_start3A_359 = arith.constant 1 : i32
    %dma_start3A_360 = arith.constant 0 : i32
    %dma_start3A_361 = tpu.memref_slice %arg11[%dma_start3A_359, %dma_start3A_360] : memref<2x2000xf32, #tpu.memory_space<vmem>> -> memref<1x2000xf32, #tpu.memory_space<vmem>>
    %dma_start3A_362 = tpu.memref_squeeze %dma_start3A_361 : memref<1x2000xf32, #tpu.memory_space<vmem>> -> memref<2000xf32, #tpu.memory_space<vmem>>
    %dma_start3A_363 = tpu.memref_slice %arg6[%add3A_358] : memref<1600000xf32, #tpu.memory_space<hbm>> -> memref<2000xf32, #tpu.memory_space<hbm>>
    %dma_start3A_364 = tpu.memref_slice %arg6[%add3A_358] : memref<1600000xf32, #tpu.memory_space<hbm>> -> memref<2000xf32, #tpu.memory_space<hbm>>
    %dma_start3A_365 = arith.constant 0 : i32
    %dma_start3A_366 = tpu.memref_slice %arg11[%dma_start3A_359, %dma_start3A_365] : memref<2x2000xf32, #tpu.memory_space<vmem>> -> memref<1x2000xf32, #tpu.memory_space<vmem>>
    %dma_start3A_367 = tpu.memref_squeeze %dma_start3A_366 : memref<1x2000xf32, #tpu.memory_space<vmem>> -> memref<2000xf32, #tpu.memory_space<vmem>>
    tpu.enqueue_dma source(%dma_start3A_367 : memref<2000xf32, #tpu.memory_space<vmem>>) target(%dma_start3A_364 : memref<2000xf32, #tpu.memory_space<hbm>>) target_semaphore(%arg15 : memref<!tpu.dma_semaphore, #tpu.memory_space<semaphore_mem>>)
    %add3A_368 = arith.constant 14000 : i32
    %add3A_369 = arith.addi %mul3A_2, %add3A_368 : i32
    %dma_start3A_370 = arith.constant 1 : i32
    %dma_start3A_371 = arith.constant 0 : i32
    %dma_start3A_372 = tpu.memref_slice %arg9[%dma_start3A_370, %dma_start3A_371] : memref<2x2000xi32, #tpu.memory_space<vmem>> -> memref<1x2000xi32, #tpu.memory_space<vmem>>
    %dma_start3A_373 = tpu.memref_squeeze %dma_start3A_372 : memref<1x2000xi32, #tpu.memory_space<vmem>> -> memref<2000xi32, #tpu.memory_space<vmem>>
    %dma_start3A_374 = tpu.memref_slice %arg3[%add3A_369] : memref<1600000xi32, #tpu.memory_space<hbm>> -> memref<2000xi32, #tpu.memory_space<hbm>>
    %dma_start3A_375 = arith.constant 0 : i32
    %dma_start3A_376 = tpu.memref_slice %arg9[%dma_start3A_370, %dma_start3A_375] : memref<2x2000xi32, #tpu.memory_space<vmem>> -> memref<1x2000xi32, #tpu.memory_space<vmem>>
    %dma_start3A_377 = tpu.memref_squeeze %dma_start3A_376 : memref<1x2000xi32, #tpu.memory_space<vmem>> -> memref<2000xi32, #tpu.memory_space<vmem>>
    %dma_start3A_378 = tpu.memref_slice %arg3[%add3A_369] : memref<1600000xi32, #tpu.memory_space<hbm>> -> memref<2000xi32, #tpu.memory_space<hbm>>
    tpu.enqueue_dma source(%dma_start3A_378 : memref<2000xi32, #tpu.memory_space<hbm>>) target(%dma_start3A_377 : memref<2000xi32, #tpu.memory_space<vmem>>) target_semaphore(%arg13 : memref<!tpu.dma_semaphore, #tpu.memory_space<semaphore_mem>>)
    %dma_start3A_379 = arith.constant 1 : i32
    %dma_start3A_380 = arith.constant 0 : i32
    %dma_start3A_381 = tpu.memref_slice %arg10[%dma_start3A_379, %dma_start3A_380] : memref<2x2000xi32, #tpu.memory_space<vmem>> -> memref<1x2000xi32, #tpu.memory_space<vmem>>
    %dma_start3A_382 = tpu.memref_squeeze %dma_start3A_381 : memref<1x2000xi32, #tpu.memory_space<vmem>> -> memref<2000xi32, #tpu.memory_space<vmem>>
    %dma_start3A_383 = tpu.memref_slice %arg4[%add3A_369] : memref<1600000xi32, #tpu.memory_space<hbm>> -> memref<2000xi32, #tpu.memory_space<hbm>>
    %dma_start3A_384 = arith.constant 0 : i32
    %dma_start3A_385 = tpu.memref_slice %arg10[%dma_start3A_379, %dma_start3A_384] : memref<2x2000xi32, #tpu.memory_space<vmem>> -> memref<1x2000xi32, #tpu.memory_space<vmem>>
    %dma_start3A_386 = tpu.memref_squeeze %dma_start3A_385 : memref<1x2000xi32, #tpu.memory_space<vmem>> -> memref<2000xi32, #tpu.memory_space<vmem>>
    %dma_start3A_387 = tpu.memref_slice %arg4[%add3A_369] : memref<1600000xi32, #tpu.memory_space<hbm>> -> memref<2000xi32, #tpu.memory_space<hbm>>
    tpu.enqueue_dma source(%dma_start3A_387 : memref<2000xi32, #tpu.memory_space<hbm>>) target(%dma_start3A_386 : memref<2000xi32, #tpu.memory_space<vmem>>) target_semaphore(%arg13 : memref<!tpu.dma_semaphore, #tpu.memory_space<semaphore_mem>>)
    %dma_wait3A_388 = arith.constant 0 : i32
    %dma_wait3A_389 = arith.constant 0 : i32
    %dma_wait3A_390 = tpu.memref_slice %arg9[%dma_wait3A_388, %dma_wait3A_389] : memref<2x2000xi32, #tpu.memory_space<vmem>> -> memref<1x2000xi32, #tpu.memory_space<vmem>>
    %dma_wait3A_391 = tpu.memref_squeeze %dma_wait3A_390 : memref<1x2000xi32, #tpu.memory_space<vmem>> -> memref<2000xi32, #tpu.memory_space<vmem>>
    %dma_wait3A_392 = tpu.memref_slice %arg3[%add3A_308] : memref<1600000xi32, #tpu.memory_space<hbm>> -> memref<2000xi32, #tpu.memory_space<hbm>>
    %dma_wait3A_393 = arith.constant 0 : i32
    %dma_wait3A_394 = tpu.memref_slice %arg9[%dma_wait3A_388, %dma_wait3A_393] : memref<2x2000xi32, #tpu.memory_space<vmem>> -> memref<1x2000xi32, #tpu.memory_space<vmem>>
    %dma_wait3A_395 = tpu.memref_squeeze %dma_wait3A_394 : memref<1x2000xi32, #tpu.memory_space<vmem>> -> memref<2000xi32, #tpu.memory_space<vmem>>
    %dma_wait3A_396 = tpu.memref_slice %arg3[%add3A_308] : memref<1600000xi32, #tpu.memory_space<hbm>> -> memref<2000xi32, #tpu.memory_space<hbm>>
    tpu.wait_dma2 semaphore(%arg12 : memref<!tpu.dma_semaphore, #tpu.memory_space<semaphore_mem>>) src(%dma_wait3A_396 : memref<2000xi32, #tpu.memory_space<hbm>>) dst(%dma_wait3A_395 : memref<2000xi32, #tpu.memory_space<vmem>>)
    %dma_wait3A_397 = arith.constant 0 : i32
    %dma_wait3A_398 = arith.constant 0 : i32
    %dma_wait3A_399 = tpu.memref_slice %arg10[%dma_wait3A_397, %dma_wait3A_398] : memref<2x2000xi32, #tpu.memory_space<vmem>> -> memref<1x2000xi32, #tpu.memory_space<vmem>>
    %dma_wait3A_400 = tpu.memref_squeeze %dma_wait3A_399 : memref<1x2000xi32, #tpu.memory_space<vmem>> -> memref<2000xi32, #tpu.memory_space<vmem>>
    %dma_wait3A_401 = tpu.memref_slice %arg4[%add3A_308] : memref<1600000xi32, #tpu.memory_space<hbm>> -> memref<2000xi32, #tpu.memory_space<hbm>>
    %dma_wait3A_402 = arith.constant 0 : i32
    %dma_wait3A_403 = tpu.memref_slice %arg10[%dma_wait3A_397, %dma_wait3A_402] : memref<2x2000xi32, #tpu.memory_space<vmem>> -> memref<1x2000xi32, #tpu.memory_space<vmem>>
    %dma_wait3A_404 = tpu.memref_squeeze %dma_wait3A_403 : memref<1x2000xi32, #tpu.memory_space<vmem>> -> memref<2000xi32, #tpu.memory_space<vmem>>
    %dma_wait3A_405 = tpu.memref_slice %arg4[%add3A_308] : memref<1600000xi32, #tpu.memory_space<hbm>> -> memref<2000xi32, #tpu.memory_space<hbm>>
    tpu.wait_dma2 semaphore(%arg12 : memref<!tpu.dma_semaphore, #tpu.memory_space<semaphore_mem>>) src(%dma_wait3A_405 : memref<2000xi32, #tpu.memory_space<hbm>>) dst(%dma_wait3A_404 : memref<2000xi32, #tpu.memory_space<vmem>>)
    %dma_wait3A_406 = arith.constant 0 : i32
    %dma_wait3A_407 = arith.constant 0 : i32
    %dma_wait3A_408 = tpu.memref_slice %arg11[%dma_wait3A_406, %dma_wait3A_407] : memref<2x2000xf32, #tpu.memory_space<vmem>> -> memref<1x2000xf32, #tpu.memory_space<vmem>>
    %dma_wait3A_409 = tpu.memref_squeeze %dma_wait3A_408 : memref<1x2000xf32, #tpu.memory_space<vmem>> -> memref<2000xf32, #tpu.memory_space<vmem>>
    %dma_wait3A_410 = tpu.memref_slice %arg6[%add3A_297] : memref<1600000xf32, #tpu.memory_space<hbm>> -> memref<2000xf32, #tpu.memory_space<hbm>>
    %dma_wait3A_411 = tpu.memref_slice %arg6[%add3A_297] : memref<1600000xf32, #tpu.memory_space<hbm>> -> memref<2000xf32, #tpu.memory_space<hbm>>
    %dma_wait3A_412 = arith.constant 0 : i32
    %dma_wait3A_413 = tpu.memref_slice %arg11[%dma_wait3A_406, %dma_wait3A_412] : memref<2x2000xf32, #tpu.memory_space<vmem>> -> memref<1x2000xf32, #tpu.memory_space<vmem>>
    %dma_wait3A_414 = tpu.memref_squeeze %dma_wait3A_413 : memref<1x2000xf32, #tpu.memory_space<vmem>> -> memref<2000xf32, #tpu.memory_space<vmem>>
    tpu.wait_dma2 semaphore(%arg14 : memref<!tpu.dma_semaphore, #tpu.memory_space<semaphore_mem>>) src(%dma_wait3A_414 : memref<2000xf32, #tpu.memory_space<vmem>>) dst(%dma_wait3A_411 : memref<2000xf32, #tpu.memory_space<hbm>>)
    %parallel_loop3A_415 = arith.constant 0 : i32
    %parallel_loop3A_416 = arith.constant 2000 : i32
    %parallel_loop3A_417 = arith.constant 16 : i32
    scf.for %parallel_loop3A_1525 = %parallel_loop3A_415 to %parallel_loop3A_416 step %parallel_loop3A_417  : i32 {
      %parallel_loop3A_1526 = arith.constant 0 : i32
      %parallel_loop3A_1527 = arith.index_cast %parallel_loop3A_1526 : i32 to index
      %parallel_loop3A_1528 = arith.index_cast %parallel_loop3A_1525 : i32 to index
      %parallel_loop3A_1529 = tpu.vector_load %arg9[%parallel_loop3A_1527, %parallel_loop3A_1528] {strides = array<i32>} : memref<2x2000xi32, #tpu.memory_space<vmem>>, vector<16xi32>,
      %parallel_loop3A_1530 = arith.constant 0 : i32
      %parallel_loop3A_1531 = arith.index_cast %parallel_loop3A_1530 : i32 to index
      %parallel_loop3A_1532 = arith.index_cast %parallel_loop3A_1525 : i32 to index
      %parallel_loop3A_1533 = tpu.vector_load %arg10[%parallel_loop3A_1531, %parallel_loop3A_1532] {strides = array<i32>} : memref<2x2000xi32, #tpu.memory_space<vmem>>, vector<16xi32>,
      %parallel_loop3A_1534 = tpu.vector_load_idx %arg7[%parallel_loop3A_1529] : memref<100000xi32, #tpu.memory_space<vmem>>[vector<16xi32>], vector<16xi32>,
      %parallel_loop3A_1535 = tpu.vector_load_idx %arg7[%parallel_loop3A_1533] : memref<100000xi32, #tpu.memory_space<vmem>>[vector<16xi32>], vector<16xi32>,
      %parallel_loop3A_1536 = tpu.vector_load_idx %arg8[%parallel_loop3A_1534] : memref<128xf32, #tpu.memory_space<vmem>>[vector<16xi32>], vector<16xf32>,
      %parallel_loop3A_1537 = tpu.vector_load_idx %arg8[%parallel_loop3A_1535] : memref<128xf32, #tpu.memory_space<vmem>>[vector<16xi32>], vector<16xf32>,
      %parallel_loop3A_1538 = arith.mulf %parallel_loop3A_1536, %parallel_loop3A_1537 : vector<16xf32>
      %parallel_loop3A_1539 = arith.constant 0 : i32
      %parallel_loop3A_1540 = arith.index_cast %parallel_loop3A_1539 : i32 to index
      %parallel_loop3A_1541 = arith.index_cast %parallel_loop3A_1525 : i32 to index
      %parallel_loop3A_1542 = tpu.vector_load %arg11[%parallel_loop3A_1540, %parallel_loop3A_1541] {strides = array<i32>} : memref<2x2000xf32, #tpu.memory_space<vmem>>, vector<16xf32>,
      tpu.vector_store %arg11[%parallel_loop3A_1540, %parallel_loop3A_1541], %parallel_loop3A_1538 {strides = array<i32>} : memref<2x2000xf32, #tpu.memory_space<vmem>>, vector<16xf32>,
    } {sc.loop_unroll_factor = 5 : i64, sc.parallel_access}
    %add3A_418 = arith.constant 12000 : i32
    %add3A_419 = arith.addi %mul3A_2, %add3A_418 : i32
    %dma_start3A_420 = arith.constant 0 : i32
    %dma_start3A_421 = arith.constant 0 : i32
    %dma_start3A_422 = tpu.memref_slice %arg11[%dma_start3A_420, %dma_start3A_421] : memref<2x2000xf32, #tpu.memory_space<vmem>> -> memref<1x2000xf32, #tpu.memory_space<vmem>>
    %dma_start3A_423 = tpu.memref_squeeze %dma_start3A_422 : memref<1x2000xf32, #tpu.memory_space<vmem>> -> memref<2000xf32, #tpu.memory_space<vmem>>
    %dma_start3A_424 = tpu.memref_slice %arg6[%add3A_419] : memref<1600000xf32, #tpu.memory_space<hbm>> -> memref<2000xf32, #tpu.memory_space<hbm>>
    %dma_start3A_425 = tpu.memref_slice %arg6[%add3A_419] : memref<1600000xf32, #tpu.memory_space<hbm>> -> memref<2000xf32, #tpu.memory_space<hbm>>
    %dma_start3A_426 = arith.constant 0 : i32
    %dma_start3A_427 = tpu.memref_slice %arg11[%dma_start3A_420, %dma_start3A_426] : memref<2x2000xf32, #tpu.memory_space<vmem>> -> memref<1x2000xf32, #tpu.memory_space<vmem>>
    %dma_start3A_428 = tpu.memref_squeeze %dma_start3A_427 : memref<1x2000xf32, #tpu.memory_space<vmem>> -> memref<2000xf32, #tpu.memory_space<vmem>>
    tpu.enqueue_dma source(%dma_start3A_428 : memref<2000xf32, #tpu.memory_space<vmem>>) target(%dma_start3A_425 : memref<2000xf32, #tpu.memory_space<hbm>>) target_semaphore(%arg14 : memref<!tpu.dma_semaphore, #tpu.memory_space<semaphore_mem>>)
    %add3A_429 = arith.constant 16000 : i32
    %add3A_430 = arith.addi %mul3A_2, %add3A_429 : i32
    %dma_start3A_431 = arith.constant 0 : i32
    %dma_start3A_432 = arith.constant 0 : i32
    %dma_start3A_433 = tpu.memref_slice %arg9[%dma_start3A_431, %dma_start3A_432] : memref<2x2000xi32, #tpu.memory_space<vmem>> -> memref<1x2000xi32, #tpu.memory_space<vmem>>
    %dma_start3A_434 = tpu.memref_squeeze %dma_start3A_433 : memref<1x2000xi32, #tpu.memory_space<vmem>> -> memref<2000xi32, #tpu.memory_space<vmem>>
    %dma_start3A_435 = tpu.memref_slice %arg3[%add3A_430] : memref<1600000xi32, #tpu.memory_space<hbm>> -> memref<2000xi32, #tpu.memory_space<hbm>>
    %dma_start3A_436 = arith.constant 0 : i32
    %dma_start3A_437 = tpu.memref_slice %arg9[%dma_start3A_431, %dma_start3A_436] : memref<2x2000xi32, #tpu.memory_space<vmem>> -> memref<1x2000xi32, #tpu.memory_space<vmem>>
    %dma_start3A_438 = tpu.memref_squeeze %dma_start3A_437 : memref<1x2000xi32, #tpu.memory_space<vmem>> -> memref<2000xi32, #tpu.memory_space<vmem>>
    %dma_start3A_439 = tpu.memref_slice %arg3[%add3A_430] : memref<1600000xi32, #tpu.memory_space<hbm>> -> memref<2000xi32, #tpu.memory_space<hbm>>
    tpu.enqueue_dma source(%dma_start3A_439 : memref<2000xi32, #tpu.memory_space<hbm>>) target(%dma_start3A_438 : memref<2000xi32, #tpu.memory_space<vmem>>) target_semaphore(%arg12 : memref<!tpu.dma_semaphore, #tpu.memory_space<semaphore_mem>>)
    %dma_start3A_440 = arith.constant 0 : i32
    %dma_start3A_441 = arith.constant 0 : i32
    %dma_start3A_442 = tpu.memref_slice %arg10[%dma_start3A_440, %dma_start3A_441] : memref<2x2000xi32, #tpu.memory_space<vmem>> -> memref<1x2000xi32, #tpu.memory_space<vmem>>
    %dma_start3A_443 = tpu.memref_squeeze %dma_start3A_442 : memref<1x2000xi32, #tpu.memory_space<vmem>> -> memref<2000xi32, #tpu.memory_space<vmem>>
    %dma_start3A_444 = tpu.memref_slice %arg4[%add3A_430] : memref<1600000xi32, #tpu.memory_space<hbm>> -> memref<2000xi32, #tpu.memory_space<hbm>>
    %dma_start3A_445 = arith.constant 0 : i32
    %dma_start3A_446 = tpu.memref_slice %arg10[%dma_start3A_440, %dma_start3A_445] : memref<2x2000xi32, #tpu.memory_space<vmem>> -> memref<1x2000xi32, #tpu.memory_space<vmem>>
    %dma_start3A_447 = tpu.memref_squeeze %dma_start3A_446 : memref<1x2000xi32, #tpu.memory_space<vmem>> -> memref<2000xi32, #tpu.memory_space<vmem>>
    %dma_start3A_448 = tpu.memref_slice %arg4[%add3A_430] : memref<1600000xi32, #tpu.memory_space<hbm>> -> memref<2000xi32, #tpu.memory_space<hbm>>
    tpu.enqueue_dma source(%dma_start3A_448 : memref<2000xi32, #tpu.memory_space<hbm>>) target(%dma_start3A_447 : memref<2000xi32, #tpu.memory_space<vmem>>) target_semaphore(%arg12 : memref<!tpu.dma_semaphore, #tpu.memory_space<semaphore_mem>>)
    %dma_wait3A_449 = arith.constant 1 : i32
    %dma_wait3A_450 = arith.constant 0 : i32
    %dma_wait3A_451 = tpu.memref_slice %arg9[%dma_wait3A_449, %dma_wait3A_450] : memref<2x2000xi32, #tpu.memory_space<vmem>> -> memref<1x2000xi32, #tpu.memory_space<vmem>>
    %dma_wait3A_452 = tpu.memref_squeeze %dma_wait3A_451 : memref<1x2000xi32, #tpu.memory_space<vmem>> -> memref<2000xi32, #tpu.memory_space<vmem>>
    %dma_wait3A_453 = tpu.memref_slice %arg3[%add3A_369] : memref<1600000xi32, #tpu.memory_space<hbm>> -> memref<2000xi32, #tpu.memory_space<hbm>>
    %dma_wait3A_454 = arith.constant 0 : i32
    %dma_wait3A_455 = tpu.memref_slice %arg9[%dma_wait3A_449, %dma_wait3A_454] : memref<2x2000xi32, #tpu.memory_space<vmem>> -> memref<1x2000xi32, #tpu.memory_space<vmem>>
    %dma_wait3A_456 = tpu.memref_squeeze %dma_wait3A_455 : memref<1x2000xi32, #tpu.memory_space<vmem>> -> memref<2000xi32, #tpu.memory_space<vmem>>
    %dma_wait3A_457 = tpu.memref_slice %arg3[%add3A_369] : memref<1600000xi32, #tpu.memory_space<hbm>> -> memref<2000xi32, #tpu.memory_space<hbm>>
    tpu.wait_dma2 semaphore(%arg13 : memref<!tpu.dma_semaphore, #tpu.memory_space<semaphore_mem>>) src(%dma_wait3A_457 : memref<2000xi32, #tpu.memory_space<hbm>>) dst(%dma_wait3A_456 : memref<2000xi32, #tpu.memory_space<vmem>>)
    %dma_wait3A_458 = arith.constant 1 : i32
    %dma_wait3A_459 = arith.constant 0 : i32
    %dma_wait3A_460 = tpu.memref_slice %arg10[%dma_wait3A_458, %dma_wait3A_459] : memref<2x2000xi32, #tpu.memory_space<vmem>> -> memref<1x2000xi32, #tpu.memory_space<vmem>>
    %dma_wait3A_461 = tpu.memref_squeeze %dma_wait3A_460 : memref<1x2000xi32, #tpu.memory_space<vmem>> -> memref<2000xi32, #tpu.memory_space<vmem>>
    %dma_wait3A_462 = tpu.memref_slice %arg4[%add3A_369] : memref<1600000xi32, #tpu.memory_space<hbm>> -> memref<2000xi32, #tpu.memory_space<hbm>>
    %dma_wait3A_463 = arith.constant 0 : i32
    %dma_wait3A_464 = tpu.memref_slice %arg10[%dma_wait3A_458, %dma_wait3A_463] : memref<2x2000xi32, #tpu.memory_space<vmem>> -> memref<1x2000xi32, #tpu.memory_space<vmem>>
    %dma_wait3A_465 = tpu.memref_squeeze %dma_wait3A_464 : memref<1x2000xi32, #tpu.memory_space<vmem>> -> memref<2000xi32, #tpu.memory_space<vmem>>
    %dma_wait3A_466 = tpu.memref_slice %arg4[%add3A_369] : memref<1600000xi32, #tpu.memory_space<hbm>> -> memref<2000xi32, #tpu.memory_space<hbm>>
    tpu.wait_dma2 semaphore(%arg13 : memref<!tpu.dma_semaphore, #tpu.memory_space<semaphore_mem>>) src(%dma_wait3A_466 : memref<2000xi32, #tpu.memory_space<hbm>>) dst(%dma_wait3A_465 : memref<2000xi32, #tpu.memory_space<vmem>>)
    %dma_wait3A_467 = arith.constant 1 : i32
    %dma_wait3A_468 = arith.constant 0 : i32
    %dma_wait3A_469 = tpu.memref_slice %arg11[%dma_wait3A_467, %dma_wait3A_468] : memref<2x2000xf32, #tpu.memory_space<vmem>> -> memref<1x2000xf32, #tpu.memory_space<vmem>>
    %dma_wait3A_470 = tpu.memref_squeeze %dma_wait3A_469 : memref<1x2000xf32, #tpu.memory_space<vmem>> -> memref<2000xf32, #tpu.memory_space<vmem>>
    %dma_wait3A_471 = tpu.memref_slice %arg6[%add3A_358] : memref<1600000xf32, #tpu.memory_space<hbm>> -> memref<2000xf32, #tpu.memory_space<hbm>>
    %dma_wait3A_472 = tpu.memref_slice %arg6[%add3A_358] : memref<1600000xf32, #tpu.memory_space<hbm>> -> memref<2000xf32, #tpu.memory_space<hbm>>
    %dma_wait3A_473 = arith.constant 0 : i32
    %dma_wait3A_474 = tpu.memref_slice %arg11[%dma_wait3A_467, %dma_wait3A_473] : memref<2x2000xf32, #tpu.memory_space<vmem>> -> memref<1x2000xf32, #tpu.memory_space<vmem>>
    %dma_wait3A_475 = tpu.memref_squeeze %dma_wait3A_474 : memref<1x2000xf32, #tpu.memory_space<vmem>> -> memref<2000xf32, #tpu.memory_space<vmem>>
    tpu.wait_dma2 semaphore(%arg15 : memref<!tpu.dma_semaphore, #tpu.memory_space<semaphore_mem>>) src(%dma_wait3A_475 : memref<2000xf32, #tpu.memory_space<vmem>>) dst(%dma_wait3A_472 : memref<2000xf32, #tpu.memory_space<hbm>>)
    %parallel_loop3A_476 = arith.constant 0 : i32
    %parallel_loop3A_477 = arith.constant 2000 : i32
    %parallel_loop3A_478 = arith.constant 16 : i32
    scf.for %parallel_loop3A_1525 = %parallel_loop3A_476 to %parallel_loop3A_477 step %parallel_loop3A_478  : i32 {
      %parallel_loop3A_1526 = arith.constant 1 : i32
      %parallel_loop3A_1527 = arith.index_cast %parallel_loop3A_1526 : i32 to index
      %parallel_loop3A_1528 = arith.index_cast %parallel_loop3A_1525 : i32 to index
      %parallel_loop3A_1529 = tpu.vector_load %arg9[%parallel_loop3A_1527, %parallel_loop3A_1528] {strides = array<i32>} : memref<2x2000xi32, #tpu.memory_space<vmem>>, vector<16xi32>,
      %parallel_loop3A_1530 = arith.constant 1 : i32
      %parallel_loop3A_1531 = arith.index_cast %parallel_loop3A_1530 : i32 to index
      %parallel_loop3A_1532 = arith.index_cast %parallel_loop3A_1525 : i32 to index
      %parallel_loop3A_1533 = tpu.vector_load %arg10[%parallel_loop3A_1531, %parallel_loop3A_1532] {strides = array<i32>} : memref<2x2000xi32, #tpu.memory_space<vmem>>, vector<16xi32>,
      %parallel_loop3A_1534 = tpu.vector_load_idx %arg7[%parallel_loop3A_1529] : memref<100000xi32, #tpu.memory_space<vmem>>[vector<16xi32>], vector<16xi32>,
      %parallel_loop3A_1535 = tpu.vector_load_idx %arg7[%parallel_loop3A_1533] : memref<100000xi32, #tpu.memory_space<vmem>>[vector<16xi32>], vector<16xi32>,
      %parallel_loop3A_1536 = tpu.vector_load_idx %arg8[%parallel_loop3A_1534] : memref<128xf32, #tpu.memory_space<vmem>>[vector<16xi32>], vector<16xf32>,
      %parallel_loop3A_1537 = tpu.vector_load_idx %arg8[%parallel_loop3A_1535] : memref<128xf32, #tpu.memory_space<vmem>>[vector<16xi32>], vector<16xf32>,
      %parallel_loop3A_1538 = arith.mulf %parallel_loop3A_1536, %parallel_loop3A_1537 : vector<16xf32>
      %parallel_loop3A_1539 = arith.constant 1 : i32
      %parallel_loop3A_1540 = arith.index_cast %parallel_loop3A_1539 : i32 to index
      %parallel_loop3A_1541 = arith.index_cast %parallel_loop3A_1525 : i32 to index
      %parallel_loop3A_1542 = tpu.vector_load %arg11[%parallel_loop3A_1540, %parallel_loop3A_1541] {strides = array<i32>} : memref<2x2000xf32, #tpu.memory_space<vmem>>, vector<16xf32>,
      tpu.vector_store %arg11[%parallel_loop3A_1540, %parallel_loop3A_1541], %parallel_loop3A_1538 {strides = array<i32>} : memref<2x2000xf32, #tpu.memory_space<vmem>>, vector<16xf32>,
    } {sc.loop_unroll_factor = 5 : i64, sc.parallel_access}
    %add3A_479 = arith.constant 14000 : i32
    %add3A_480 = arith.addi %mul3A_2, %add3A_479 : i32
    %dma_start3A_481 = arith.constant 1 : i32
    %dma_start3A_482 = arith.constant 0 : i32
    %dma_start3A_483 = tpu.memref_slice %arg11[%dma_start3A_481, %dma_start3A_482] : memref<2x2000xf32, #tpu.memory_space<vmem>> -> memref<1x2000xf32, #tpu.memory_space<vmem>>
    %dma_start3A_484 = tpu.memref_squeeze %dma_start3A_483 : memref<1x2000xf32, #tpu.memory_space<vmem>> -> memref<2000xf32, #tpu.memory_space<vmem>>
    %dma_start3A_485 = tpu.memref_slice %arg6[%add3A_480] : memref<1600000xf32, #tpu.memory_space<hbm>> -> memref<2000xf32, #tpu.memory_space<hbm>>
    %dma_start3A_486 = tpu.memref_slice %arg6[%add3A_480] : memref<1600000xf32, #tpu.memory_space<hbm>> -> memref<2000xf32, #tpu.memory_space<hbm>>
    %dma_start3A_487 = arith.constant 0 : i32
    %dma_start3A_488 = tpu.memref_slice %arg11[%dma_start3A_481, %dma_start3A_487] : memref<2x2000xf32, #tpu.memory_space<vmem>> -> memref<1x2000xf32, #tpu.memory_space<vmem>>
    %dma_start3A_489 = tpu.memref_squeeze %dma_start3A_488 : memref<1x2000xf32, #tpu.memory_space<vmem>> -> memref<2000xf32, #tpu.memory_space<vmem>>
    tpu.enqueue_dma source(%dma_start3A_489 : memref<2000xf32, #tpu.memory_space<vmem>>) target(%dma_start3A_486 : memref<2000xf32, #tpu.memory_space<hbm>>) target_semaphore(%arg15 : memref<!tpu.dma_semaphore, #tpu.memory_space<semaphore_mem>>)
    %add3A_490 = arith.constant 18000 : i32
    %add3A_491 = arith.addi %mul3A_2, %add3A_490 : i32
    %dma_start3A_492 = arith.constant 1 : i32
    %dma_start3A_493 = arith.constant 0 : i32
    %dma_start3A_494 = tpu.memref_slice %arg9[%dma_start3A_492, %dma_start3A_493] : memref<2x2000xi32, #tpu.memory_space<vmem>> -> memref<1x2000xi32, #tpu.memory_space<vmem>>
    %dma_start3A_495 = tpu.memref_squeeze %dma_start3A_494 : memref<1x2000xi32, #tpu.memory_space<vmem>> -> memref<2000xi32, #tpu.memory_space<vmem>>
    %dma_start3A_496 = tpu.memref_slice %arg3[%add3A_491] : memref<1600000xi32, #tpu.memory_space<hbm>> -> memref<2000xi32, #tpu.memory_space<hbm>>
    %dma_start3A_497 = arith.constant 0 : i32
    %dma_start3A_498 = tpu.memref_slice %arg9[%dma_start3A_492, %dma_start3A_497] : memref<2x2000xi32, #tpu.memory_space<vmem>> -> memref<1x2000xi32, #tpu.memory_space<vmem>>
    %dma_start3A_499 = tpu.memref_squeeze %dma_start3A_498 : memref<1x2000xi32, #tpu.memory_space<vmem>> -> memref<2000xi32, #tpu.memory_space<vmem>>
    %dma_start3A_500 = tpu.memref_slice %arg3[%add3A_491] : memref<1600000xi32, #tpu.memory_space<hbm>> -> memref<2000xi32, #tpu.memory_space<hbm>>
    tpu.enqueue_dma source(%dma_start3A_500 : memref<2000xi32, #tpu.memory_space<hbm>>) target(%dma_start3A_499 : memref<2000xi32, #tpu.memory_space<vmem>>) target_semaphore(%arg13 : memref<!tpu.dma_semaphore, #tpu.memory_space<semaphore_mem>>)
    %dma_start3A_501 = arith.constant 1 : i32
    %dma_start3A_502 = arith.constant 0 : i32
    %dma_start3A_503 = tpu.memref_slice %arg10[%dma_start3A_501, %dma_start3A_502] : memref<2x2000xi32, #tpu.memory_space<vmem>> -> memref<1x2000xi32, #tpu.memory_space<vmem>>
    %dma_start3A_504 = tpu.memref_squeeze %dma_start3A_503 : memref<1x2000xi32, #tpu.memory_space<vmem>> -> memref<2000xi32, #tpu.memory_space<vmem>>
    %dma_start3A_505 = tpu.memref_slice %arg4[%add3A_491] : memref<1600000xi32, #tpu.memory_space<hbm>> -> memref<2000xi32, #tpu.memory_space<hbm>>
    %dma_start3A_506 = arith.constant 0 : i32
    %dma_start3A_507 = tpu.memref_slice %arg10[%dma_start3A_501, %dma_start3A_506] : memref<2x2000xi32, #tpu.memory_space<vmem>> -> memref<1x2000xi32, #tpu.memory_space<vmem>>
    %dma_start3A_508 = tpu.memref_squeeze %dma_start3A_507 : memref<1x2000xi32, #tpu.memory_space<vmem>> -> memref<2000xi32, #tpu.memory_space<vmem>>
    %dma_start3A_509 = tpu.memref_slice %arg4[%add3A_491] : memref<1600000xi32, #tpu.memory_space<hbm>> -> memref<2000xi32, #tpu.memory_space<hbm>>
    tpu.enqueue_dma source(%dma_start3A_509 : memref<2000xi32, #tpu.memory_space<hbm>>) target(%dma_start3A_508 : memref<2000xi32, #tpu.memory_space<vmem>>) target_semaphore(%arg13 : memref<!tpu.dma_semaphore, #tpu.memory_space<semaphore_mem>>)
    %dma_wait3A_510 = arith.constant 0 : i32
    %dma_wait3A_511 = arith.constant 0 : i32
    %dma_wait3A_512 = tpu.memref_slice %arg9[%dma_wait3A_510, %dma_wait3A_511] : memref<2x2000xi32, #tpu.memory_space<vmem>> -> memref<1x2000xi32, #tpu.memory_space<vmem>>
    %dma_wait3A_513 = tpu.memref_squeeze %dma_wait3A_512 : memref<1x2000xi32, #tpu.memory_space<vmem>> -> memref<2000xi32, #tpu.memory_space<vmem>>
    %dma_wait3A_514 = tpu.memref_slice %arg3[%add3A_430] : memref<1600000xi32, #tpu.memory_space<hbm>> -> memref<2000xi32, #tpu.memory_space<hbm>>
    %dma_wait3A_515 = arith.constant 0 : i32
    %dma_wait3A_516 = tpu.memref_slice %arg9[%dma_wait3A_510, %dma_wait3A_515] : memref<2x2000xi32, #tpu.memory_space<vmem>> -> memref<1x2000xi32, #tpu.memory_space<vmem>>
    %dma_wait3A_517 = tpu.memref_squeeze %dma_wait3A_516 : memref<1x2000xi32, #tpu.memory_space<vmem>> -> memref<2000xi32, #tpu.memory_space<vmem>>
    %dma_wait3A_518 = tpu.memref_slice %arg3[%add3A_430] : memref<1600000xi32, #tpu.memory_space<hbm>> -> memref<2000xi32, #tpu.memory_space<hbm>>
    tpu.wait_dma2 semaphore(%arg12 : memref<!tpu.dma_semaphore, #tpu.memory_space<semaphore_mem>>) src(%dma_wait3A_518 : memref<2000xi32, #tpu.memory_space<hbm>>) dst(%dma_wait3A_517 : memref<2000xi32, #tpu.memory_space<vmem>>)
    %dma_wait3A_519 = arith.constant 0 : i32
    %dma_wait3A_520 = arith.constant 0 : i32
    %dma_wait3A_521 = tpu.memref_slice %arg10[%dma_wait3A_519, %dma_wait3A_520] : memref<2x2000xi32, #tpu.memory_space<vmem>> -> memref<1x2000xi32, #tpu.memory_space<vmem>>
    %dma_wait3A_522 = tpu.memref_squeeze %dma_wait3A_521 : memref<1x2000xi32, #tpu.memory_space<vmem>> -> memref<2000xi32, #tpu.memory_space<vmem>>
    %dma_wait3A_523 = tpu.memref_slice %arg4[%add3A_430] : memref<1600000xi32, #tpu.memory_space<hbm>> -> memref<2000xi32, #tpu.memory_space<hbm>>
    %dma_wait3A_524 = arith.constant 0 : i32
    %dma_wait3A_525 = tpu.memref_slice %arg10[%dma_wait3A_519, %dma_wait3A_524] : memref<2x2000xi32, #tpu.memory_space<vmem>> -> memref<1x2000xi32, #tpu.memory_space<vmem>>
    %dma_wait3A_526 = tpu.memref_squeeze %dma_wait3A_525 : memref<1x2000xi32, #tpu.memory_space<vmem>> -> memref<2000xi32, #tpu.memory_space<vmem>>
    %dma_wait3A_527 = tpu.memref_slice %arg4[%add3A_430] : memref<1600000xi32, #tpu.memory_space<hbm>> -> memref<2000xi32, #tpu.memory_space<hbm>>
    tpu.wait_dma2 semaphore(%arg12 : memref<!tpu.dma_semaphore, #tpu.memory_space<semaphore_mem>>) src(%dma_wait3A_527 : memref<2000xi32, #tpu.memory_space<hbm>>) dst(%dma_wait3A_526 : memref<2000xi32, #tpu.memory_space<vmem>>)
    %dma_wait3A_528 = arith.constant 0 : i32
    %dma_wait3A_529 = arith.constant 0 : i32
    %dma_wait3A_530 = tpu.memref_slice %arg11[%dma_wait3A_528, %dma_wait3A_529] : memref<2x2000xf32, #tpu.memory_space<vmem>> -> memref<1x2000xf32, #tpu.memory_space<vmem>>
    %dma_wait3A_531 = tpu.memref_squeeze %dma_wait3A_530 : memref<1x2000xf32, #tpu.memory_space<vmem>> -> memref<2000xf32, #tpu.memory_space<vmem>>
    %dma_wait3A_532 = tpu.memref_slice %arg6[%add3A_419] : memref<1600000xf32, #tpu.memory_space<hbm>> -> memref<2000xf32, #tpu.memory_space<hbm>>
    %dma_wait3A_533 = tpu.memref_slice %arg6[%add3A_419] : memref<1600000xf32, #tpu.memory_space<hbm>> -> memref<2000xf32, #tpu.memory_space<hbm>>
    %dma_wait3A_534 = arith.constant 0 : i32
    %dma_wait3A_535 = tpu.memref_slice %arg11[%dma_wait3A_528, %dma_wait3A_534] : memref<2x2000xf32, #tpu.memory_space<vmem>> -> memref<1x2000xf32, #tpu.memory_space<vmem>>
    %dma_wait3A_536 = tpu.memref_squeeze %dma_wait3A_535 : memref<1x2000xf32, #tpu.memory_space<vmem>> -> memref<2000xf32, #tpu.memory_space<vmem>>
    tpu.wait_dma2 semaphore(%arg14 : memref<!tpu.dma_semaphore, #tpu.memory_space<semaphore_mem>>) src(%dma_wait3A_536 : memref<2000xf32, #tpu.memory_space<vmem>>) dst(%dma_wait3A_533 : memref<2000xf32, #tpu.memory_space<hbm>>)
    %parallel_loop3A_537 = arith.constant 0 : i32
    %parallel_loop3A_538 = arith.constant 2000 : i32
    %parallel_loop3A_539 = arith.constant 16 : i32
    scf.for %parallel_loop3A_1525 = %parallel_loop3A_537 to %parallel_loop3A_538 step %parallel_loop3A_539  : i32 {
      %parallel_loop3A_1526 = arith.constant 0 : i32
      %parallel_loop3A_1527 = arith.index_cast %parallel_loop3A_1526 : i32 to index
      %parallel_loop3A_1528 = arith.index_cast %parallel_loop3A_1525 : i32 to index
      %parallel_loop3A_1529 = tpu.vector_load %arg9[%parallel_loop3A_1527, %parallel_loop3A_1528] {strides = array<i32>} : memref<2x2000xi32, #tpu.memory_space<vmem>>, vector<16xi32>,
      %parallel_loop3A_1530 = arith.constant 0 : i32
      %parallel_loop3A_1531 = arith.index_cast %parallel_loop3A_1530 : i32 to index
      %parallel_loop3A_1532 = arith.index_cast %parallel_loop3A_1525 : i32 to index
      %parallel_loop3A_1533 = tpu.vector_load %arg10[%parallel_loop3A_1531, %parallel_loop3A_1532] {strides = array<i32>} : memref<2x2000xi32, #tpu.memory_space<vmem>>, vector<16xi32>,
      %parallel_loop3A_1534 = tpu.vector_load_idx %arg7[%parallel_loop3A_1529] : memref<100000xi32, #tpu.memory_space<vmem>>[vector<16xi32>], vector<16xi32>,
      %parallel_loop3A_1535 = tpu.vector_load_idx %arg7[%parallel_loop3A_1533] : memref<100000xi32, #tpu.memory_space<vmem>>[vector<16xi32>], vector<16xi32>,
      %parallel_loop3A_1536 = tpu.vector_load_idx %arg8[%parallel_loop3A_1534] : memref<128xf32, #tpu.memory_space<vmem>>[vector<16xi32>], vector<16xf32>,
      %parallel_loop3A_1537 = tpu.vector_load_idx %arg8[%parallel_loop3A_1535] : memref<128xf32, #tpu.memory_space<vmem>>[vector<16xi32>], vector<16xf32>,
      %parallel_loop3A_1538 = arith.mulf %parallel_loop3A_1536, %parallel_loop3A_1537 : vector<16xf32>
      %parallel_loop3A_1539 = arith.constant 0 : i32
      %parallel_loop3A_1540 = arith.index_cast %parallel_loop3A_1539 : i32 to index
      %parallel_loop3A_1541 = arith.index_cast %parallel_loop3A_1525 : i32 to index
      %parallel_loop3A_1542 = tpu.vector_load %arg11[%parallel_loop3A_1540, %parallel_loop3A_1541] {strides = array<i32>} : memref<2x2000xf32, #tpu.memory_space<vmem>>, vector<16xf32>,
      tpu.vector_store %arg11[%parallel_loop3A_1540, %parallel_loop3A_1541], %parallel_loop3A_1538 {strides = array<i32>} : memref<2x2000xf32, #tpu.memory_space<vmem>>, vector<16xf32>,
    } {sc.loop_unroll_factor = 5 : i64, sc.parallel_access}
    %add3A_540 = arith.constant 16000 : i32
    %add3A_541 = arith.addi %mul3A_2, %add3A_540 : i32
    %dma_start3A_542 = arith.constant 0 : i32
    %dma_start3A_543 = arith.constant 0 : i32
    %dma_start3A_544 = tpu.memref_slice %arg11[%dma_start3A_542, %dma_start3A_543] : memref<2x2000xf32, #tpu.memory_space<vmem>> -> memref<1x2000xf32, #tpu.memory_space<vmem>>
    %dma_start3A_545 = tpu.memref_squeeze %dma_start3A_544 : memref<1x2000xf32, #tpu.memory_space<vmem>> -> memref<2000xf32, #tpu.memory_space<vmem>>
    %dma_start3A_546 = tpu.memref_slice %arg6[%add3A_541] : memref<1600000xf32, #tpu.memory_space<hbm>> -> memref<2000xf32, #tpu.memory_space<hbm>>
    %dma_start3A_547 = tpu.memref_slice %arg6[%add3A_541] : memref<1600000xf32, #tpu.memory_space<hbm>> -> memref<2000xf32, #tpu.memory_space<hbm>>
    %dma_start3A_548 = arith.constant 0 : i32
    %dma_start3A_549 = tpu.memref_slice %arg11[%dma_start3A_542, %dma_start3A_548] : memref<2x2000xf32, #tpu.memory_space<vmem>> -> memref<1x2000xf32, #tpu.memory_space<vmem>>
    %dma_start3A_550 = tpu.memref_squeeze %dma_start3A_549 : memref<1x2000xf32, #tpu.memory_space<vmem>> -> memref<2000xf32, #tpu.memory_space<vmem>>
    tpu.enqueue_dma source(%dma_start3A_550 : memref<2000xf32, #tpu.memory_space<vmem>>) target(%dma_start3A_547 : memref<2000xf32, #tpu.memory_space<hbm>>) target_semaphore(%arg14 : memref<!tpu.dma_semaphore, #tpu.memory_space<semaphore_mem>>)
    %add3A_551 = arith.constant 20000 : i32
    %add3A_552 = arith.addi %mul3A_2, %add3A_551 : i32
    %dma_start3A_553 = arith.constant 0 : i32
    %dma_start3A_554 = arith.constant 0 : i32
    %dma_start3A_555 = tpu.memref_slice %arg9[%dma_start3A_553, %dma_start3A_554] : memref<2x2000xi32, #tpu.memory_space<vmem>> -> memref<1x2000xi32, #tpu.memory_space<vmem>>
    %dma_start3A_556 = tpu.memref_squeeze %dma_start3A_555 : memref<1x2000xi32, #tpu.memory_space<vmem>> -> memref<2000xi32, #tpu.memory_space<vmem>>
    %dma_start3A_557 = tpu.memref_slice %arg3[%add3A_552] : memref<1600000xi32, #tpu.memory_space<hbm>> -> memref<2000xi32, #tpu.memory_space<hbm>>
    %dma_start3A_558 = arith.constant 0 : i32
    %dma_start3A_559 = tpu.memref_slice %arg9[%dma_start3A_553, %dma_start3A_558] : memref<2x2000xi32, #tpu.memory_space<vmem>> -> memref<1x2000xi32, #tpu.memory_space<vmem>>
    %dma_start3A_560 = tpu.memref_squeeze %dma_start3A_559 : memref<1x2000xi32, #tpu.memory_space<vmem>> -> memref<2000xi32, #tpu.memory_space<vmem>>
    %dma_start3A_561 = tpu.memref_slice %arg3[%add3A_552] : memref<1600000xi32, #tpu.memory_space<hbm>> -> memref<2000xi32, #tpu.memory_space<hbm>>
    tpu.enqueue_dma source(%dma_start3A_561 : memref<2000xi32, #tpu.memory_space<hbm>>) target(%dma_start3A_560 : memref<2000xi32, #tpu.memory_space<vmem>>) target_semaphore(%arg12 : memref<!tpu.dma_semaphore, #tpu.memory_space<semaphore_mem>>)
    %dma_start3A_562 = arith.constant 0 : i32
    %dma_start3A_563 = arith.constant 0 : i32
    %dma_start3A_564 = tpu.memref_slice %arg10[%dma_start3A_562, %dma_start3A_563] : memref<2x2000xi32, #tpu.memory_space<vmem>> -> memref<1x2000xi32, #tpu.memory_space<vmem>>
    %dma_start3A_565 = tpu.memref_squeeze %dma_start3A_564 : memref<1x2000xi32, #tpu.memory_space<vmem>> -> memref<2000xi32, #tpu.memory_space<vmem>>
    %dma_start3A_566 = tpu.memref_slice %arg4[%add3A_552] : memref<1600000xi32, #tpu.memory_space<hbm>> -> memref<2000xi32, #tpu.memory_space<hbm>>
    %dma_start3A_567 = arith.constant 0 : i32
    %dma_start3A_568 = tpu.memref_slice %arg10[%dma_start3A_562, %dma_start3A_567] : memref<2x2000xi32, #tpu.memory_space<vmem>> -> memref<1x2000xi32, #tpu.memory_space<vmem>>
    %dma_start3A_569 = tpu.memref_squeeze %dma_start3A_568 : memref<1x2000xi32, #tpu.memory_space<vmem>> -> memref<2000xi32, #tpu.memory_space<vmem>>
    %dma_start3A_570 = tpu.memref_slice %arg4[%add3A_552] : memref<1600000xi32, #tpu.memory_space<hbm>> -> memref<2000xi32, #tpu.memory_space<hbm>>
    tpu.enqueue_dma source(%dma_start3A_570 : memref<2000xi32, #tpu.memory_space<hbm>>) target(%dma_start3A_569 : memref<2000xi32, #tpu.memory_space<vmem>>) target_semaphore(%arg12 : memref<!tpu.dma_semaphore, #tpu.memory_space<semaphore_mem>>)
    %dma_wait3A_571 = arith.constant 1 : i32
    %dma_wait3A_572 = arith.constant 0 : i32
    %dma_wait3A_573 = tpu.memref_slice %arg9[%dma_wait3A_571, %dma_wait3A_572] : memref<2x2000xi32, #tpu.memory_space<vmem>> -> memref<1x2000xi32, #tpu.memory_space<vmem>>
    %dma_wait3A_574 = tpu.memref_squeeze %dma_wait3A_573 : memref<1x2000xi32, #tpu.memory_space<vmem>> -> memref<2000xi32, #tpu.memory_space<vmem>>
    %dma_wait3A_575 = tpu.memref_slice %arg3[%add3A_491] : memref<1600000xi32, #tpu.memory_space<hbm>> -> memref<2000xi32, #tpu.memory_space<hbm>>
    %dma_wait3A_576 = arith.constant 0 : i32
    %dma_wait3A_577 = tpu.memref_slice %arg9[%dma_wait3A_571, %dma_wait3A_576] : memref<2x2000xi32, #tpu.memory_space<vmem>> -> memref<1x2000xi32, #tpu.memory_space<vmem>>
    %dma_wait3A_578 = tpu.memref_squeeze %dma_wait3A_577 : memref<1x2000xi32, #tpu.memory_space<vmem>> -> memref<2000xi32, #tpu.memory_space<vmem>>
    %dma_wait3A_579 = tpu.memref_slice %arg3[%add3A_491] : memref<1600000xi32, #tpu.memory_space<hbm>> -> memref<2000xi32, #tpu.memory_space<hbm>>
    tpu.wait_dma2 semaphore(%arg13 : memref<!tpu.dma_semaphore, #tpu.memory_space<semaphore_mem>>) src(%dma_wait3A_579 : memref<2000xi32, #tpu.memory_space<hbm>>) dst(%dma_wait3A_578 : memref<2000xi32, #tpu.memory_space<vmem>>)
    %dma_wait3A_580 = arith.constant 1 : i32
    %dma_wait3A_581 = arith.constant 0 : i32
    %dma_wait3A_582 = tpu.memref_slice %arg10[%dma_wait3A_580, %dma_wait3A_581] : memref<2x2000xi32, #tpu.memory_space<vmem>> -> memref<1x2000xi32, #tpu.memory_space<vmem>>
    %dma_wait3A_583 = tpu.memref_squeeze %dma_wait3A_582 : memref<1x2000xi32, #tpu.memory_space<vmem>> -> memref<2000xi32, #tpu.memory_space<vmem>>
    %dma_wait3A_584 = tpu.memref_slice %arg4[%add3A_491] : memref<1600000xi32, #tpu.memory_space<hbm>> -> memref<2000xi32, #tpu.memory_space<hbm>>
    %dma_wait3A_585 = arith.constant 0 : i32
    %dma_wait3A_586 = tpu.memref_slice %arg10[%dma_wait3A_580, %dma_wait3A_585] : memref<2x2000xi32, #tpu.memory_space<vmem>> -> memref<1x2000xi32, #tpu.memory_space<vmem>>
    %dma_wait3A_587 = tpu.memref_squeeze %dma_wait3A_586 : memref<1x2000xi32, #tpu.memory_space<vmem>> -> memref<2000xi32, #tpu.memory_space<vmem>>
    %dma_wait3A_588 = tpu.memref_slice %arg4[%add3A_491] : memref<1600000xi32, #tpu.memory_space<hbm>> -> memref<2000xi32, #tpu.memory_space<hbm>>
    tpu.wait_dma2 semaphore(%arg13 : memref<!tpu.dma_semaphore, #tpu.memory_space<semaphore_mem>>) src(%dma_wait3A_588 : memref<2000xi32, #tpu.memory_space<hbm>>) dst(%dma_wait3A_587 : memref<2000xi32, #tpu.memory_space<vmem>>)
    %dma_wait3A_589 = arith.constant 1 : i32
    %dma_wait3A_590 = arith.constant 0 : i32
    %dma_wait3A_591 = tpu.memref_slice %arg11[%dma_wait3A_589, %dma_wait3A_590] : memref<2x2000xf32, #tpu.memory_space<vmem>> -> memref<1x2000xf32, #tpu.memory_space<vmem>>
    %dma_wait3A_592 = tpu.memref_squeeze %dma_wait3A_591 : memref<1x2000xf32, #tpu.memory_space<vmem>> -> memref<2000xf32, #tpu.memory_space<vmem>>
    %dma_wait3A_593 = tpu.memref_slice %arg6[%add3A_480] : memref<1600000xf32, #tpu.memory_space<hbm>> -> memref<2000xf32, #tpu.memory_space<hbm>>
    %dma_wait3A_594 = tpu.memref_slice %arg6[%add3A_480] : memref<1600000xf32, #tpu.memory_space<hbm>> -> memref<2000xf32, #tpu.memory_space<hbm>>
    %dma_wait3A_595 = arith.constant 0 : i32
    %dma_wait3A_596 = tpu.memref_slice %arg11[%dma_wait3A_589, %dma_wait3A_595] : memref<2x2000xf32, #tpu.memory_space<vmem>> -> memref<1x2000xf32, #tpu.memory_space<vmem>>
    %dma_wait3A_597 = tpu.memref_squeeze %dma_wait3A_596 : memref<1x2000xf32, #tpu.memory_space<vmem>> -> memref<2000xf32, #tpu.memory_space<vmem>>
    tpu.wait_dma2 semaphore(%arg15 : memref<!tpu.dma_semaphore, #tpu.memory_space<semaphore_mem>>) src(%dma_wait3A_597 : memref<2000xf32, #tpu.memory_space<vmem>>) dst(%dma_wait3A_594 : memref<2000xf32, #tpu.memory_space<hbm>>)
    %parallel_loop3A_598 = arith.constant 0 : i32
    %parallel_loop3A_599 = arith.constant 2000 : i32
    %parallel_loop3A_600 = arith.constant 16 : i32
    scf.for %parallel_loop3A_1525 = %parallel_loop3A_598 to %parallel_loop3A_599 step %parallel_loop3A_600  : i32 {
      %parallel_loop3A_1526 = arith.constant 1 : i32
      %parallel_loop3A_1527 = arith.index_cast %parallel_loop3A_1526 : i32 to index
      %parallel_loop3A_1528 = arith.index_cast %parallel_loop3A_1525 : i32 to index
      %parallel_loop3A_1529 = tpu.vector_load %arg9[%parallel_loop3A_1527, %parallel_loop3A_1528] {strides = array<i32>} : memref<2x2000xi32, #tpu.memory_space<vmem>>, vector<16xi32>,
      %parallel_loop3A_1530 = arith.constant 1 : i32
      %parallel_loop3A_1531 = arith.index_cast %parallel_loop3A_1530 : i32 to index
      %parallel_loop3A_1532 = arith.index_cast %parallel_loop3A_1525 : i32 to index
      %parallel_loop3A_1533 = tpu.vector_load %arg10[%parallel_loop3A_1531, %parallel_loop3A_1532] {strides = array<i32>} : memref<2x2000xi32, #tpu.memory_space<vmem>>, vector<16xi32>,
      %parallel_loop3A_1534 = tpu.vector_load_idx %arg7[%parallel_loop3A_1529] : memref<100000xi32, #tpu.memory_space<vmem>>[vector<16xi32>], vector<16xi32>,
      %parallel_loop3A_1535 = tpu.vector_load_idx %arg7[%parallel_loop3A_1533] : memref<100000xi32, #tpu.memory_space<vmem>>[vector<16xi32>], vector<16xi32>,
      %parallel_loop3A_1536 = tpu.vector_load_idx %arg8[%parallel_loop3A_1534] : memref<128xf32, #tpu.memory_space<vmem>>[vector<16xi32>], vector<16xf32>,
      %parallel_loop3A_1537 = tpu.vector_load_idx %arg8[%parallel_loop3A_1535] : memref<128xf32, #tpu.memory_space<vmem>>[vector<16xi32>], vector<16xf32>,
      %parallel_loop3A_1538 = arith.mulf %parallel_loop3A_1536, %parallel_loop3A_1537 : vector<16xf32>
      %parallel_loop3A_1539 = arith.constant 1 : i32
      %parallel_loop3A_1540 = arith.index_cast %parallel_loop3A_1539 : i32 to index
      %parallel_loop3A_1541 = arith.index_cast %parallel_loop3A_1525 : i32 to index
      %parallel_loop3A_1542 = tpu.vector_load %arg11[%parallel_loop3A_1540, %parallel_loop3A_1541] {strides = array<i32>} : memref<2x2000xf32, #tpu.memory_space<vmem>>, vector<16xf32>,
      tpu.vector_store %arg11[%parallel_loop3A_1540, %parallel_loop3A_1541], %parallel_loop3A_1538 {strides = array<i32>} : memref<2x2000xf32, #tpu.memory_space<vmem>>, vector<16xf32>,
    } {sc.loop_unroll_factor = 5 : i64, sc.parallel_access}
    %add3A_601 = arith.constant 18000 : i32
    %add3A_602 = arith.addi %mul3A_2, %add3A_601 : i32
    %dma_start3A_603 = arith.constant 1 : i32
    %dma_start3A_604 = arith.constant 0 : i32
    %dma_start3A_605 = tpu.memref_slice %arg11[%dma_start3A_603, %dma_start3A_604] : memref<2x2000xf32, #tpu.memory_space<vmem>> -> memref<1x2000xf32, #tpu.memory_space<vmem>>
    %dma_start3A_606 = tpu.memref_squeeze %dma_start3A_605 : memref<1x2000xf32, #tpu.memory_space<vmem>> -> memref<2000xf32, #tpu.memory_space<vmem>>
    %dma_start3A_607 = tpu.memref_slice %arg6[%add3A_602] : memref<1600000xf32, #tpu.memory_space<hbm>> -> memref<2000xf32, #tpu.memory_space<hbm>>
    %dma_start3A_608 = tpu.memref_slice %arg6[%add3A_602] : memref<1600000xf32, #tpu.memory_space<hbm>> -> memref<2000xf32, #tpu.memory_space<hbm>>
    %dma_start3A_609 = arith.constant 0 : i32
    %dma_start3A_610 = tpu.memref_slice %arg11[%dma_start3A_603, %dma_start3A_609] : memref<2x2000xf32, #tpu.memory_space<vmem>> -> memref<1x2000xf32, #tpu.memory_space<vmem>>
    %dma_start3A_611 = tpu.memref_squeeze %dma_start3A_610 : memref<1x2000xf32, #tpu.memory_space<vmem>> -> memref<2000xf32, #tpu.memory_space<vmem>>
    tpu.enqueue_dma source(%dma_start3A_611 : memref<2000xf32, #tpu.memory_space<vmem>>) target(%dma_start3A_608 : memref<2000xf32, #tpu.memory_space<hbm>>) target_semaphore(%arg15 : memref<!tpu.dma_semaphore, #tpu.memory_space<semaphore_mem>>)
    %add3A_612 = arith.constant 22000 : i32
    %add3A_613 = arith.addi %mul3A_2, %add3A_612 : i32
    %dma_start3A_614 = arith.constant 1 : i32
    %dma_start3A_615 = arith.constant 0 : i32
    %dma_start3A_616 = tpu.memref_slice %arg9[%dma_start3A_614, %dma_start3A_615] : memref<2x2000xi32, #tpu.memory_space<vmem>> -> memref<1x2000xi32, #tpu.memory_space<vmem>>
    %dma_start3A_617 = tpu.memref_squeeze %dma_start3A_616 : memref<1x2000xi32, #tpu.memory_space<vmem>> -> memref<2000xi32, #tpu.memory_space<vmem>>
    %dma_start3A_618 = tpu.memref_slice %arg3[%add3A_613] : memref<1600000xi32, #tpu.memory_space<hbm>> -> memref<2000xi32, #tpu.memory_space<hbm>>
    %dma_start3A_619 = arith.constant 0 : i32
    %dma_start3A_620 = tpu.memref_slice %arg9[%dma_start3A_614, %dma_start3A_619] : memref<2x2000xi32, #tpu.memory_space<vmem>> -> memref<1x2000xi32, #tpu.memory_space<vmem>>
    %dma_start3A_621 = tpu.memref_squeeze %dma_start3A_620 : memref<1x2000xi32, #tpu.memory_space<vmem>> -> memref<2000xi32, #tpu.memory_space<vmem>>
    %dma_start3A_622 = tpu.memref_slice %arg3[%add3A_613] : memref<1600000xi32, #tpu.memory_space<hbm>> -> memref<2000xi32, #tpu.memory_space<hbm>>
    tpu.enqueue_dma source(%dma_start3A_622 : memref<2000xi32, #tpu.memory_space<hbm>>) target(%dma_start3A_621 : memref<2000xi32, #tpu.memory_space<vmem>>) target_semaphore(%arg13 : memref<!tpu.dma_semaphore, #tpu.memory_space<semaphore_mem>>)
    %dma_start3A_623 = arith.constant 1 : i32
    %dma_start3A_624 = arith.constant 0 : i32
    %dma_start3A_625 = tpu.memref_slice %arg10[%dma_start3A_623, %dma_start3A_624] : memref<2x2000xi32, #tpu.memory_space<vmem>> -> memref<1x2000xi32, #tpu.memory_space<vmem>>
    %dma_start3A_626 = tpu.memref_squeeze %dma_start3A_625 : memref<1x2000xi32, #tpu.memory_space<vmem>> -> memref<2000xi32, #tpu.memory_space<vmem>>
    %dma_start3A_627 = tpu.memref_slice %arg4[%add3A_613] : memref<1600000xi32, #tpu.memory_space<hbm>> -> memref<2000xi32, #tpu.memory_space<hbm>>
    %dma_start3A_628 = arith.constant 0 : i32
    %dma_start3A_629 = tpu.memref_slice %arg10[%dma_start3A_623, %dma_start3A_628] : memref<2x2000xi32, #tpu.memory_space<vmem>> -> memref<1x2000xi32, #tpu.memory_space<vmem>>
    %dma_start3A_630 = tpu.memref_squeeze %dma_start3A_629 : memref<1x2000xi32, #tpu.memory_space<vmem>> -> memref<2000xi32, #tpu.memory_space<vmem>>
    %dma_start3A_631 = tpu.memref_slice %arg4[%add3A_613] : memref<1600000xi32, #tpu.memory_space<hbm>> -> memref<2000xi32, #tpu.memory_space<hbm>>
    tpu.enqueue_dma source(%dma_start3A_631 : memref<2000xi32, #tpu.memory_space<hbm>>) target(%dma_start3A_630 : memref<2000xi32, #tpu.memory_space<vmem>>) target_semaphore(%arg13 : memref<!tpu.dma_semaphore, #tpu.memory_space<semaphore_mem>>)
    %dma_wait3A_632 = arith.constant 0 : i32
    %dma_wait3A_633 = arith.constant 0 : i32
    %dma_wait3A_634 = tpu.memref_slice %arg9[%dma_wait3A_632, %dma_wait3A_633] : memref<2x2000xi32, #tpu.memory_space<vmem>> -> memref<1x2000xi32, #tpu.memory_space<vmem>>
    %dma_wait3A_635 = tpu.memref_squeeze %dma_wait3A_634 : memref<1x2000xi32, #tpu.memory_space<vmem>> -> memref<2000xi32, #tpu.memory_space<vmem>>
    %dma_wait3A_636 = tpu.memref_slice %arg3[%add3A_552] : memref<1600000xi32, #tpu.memory_space<hbm>> -> memref<2000xi32, #tpu.memory_space<hbm>>
    %dma_wait3A_637 = arith.constant 0 : i32
    %dma_wait3A_638 = tpu.memref_slice %arg9[%dma_wait3A_632, %dma_wait3A_637] : memref<2x2000xi32, #tpu.memory_space<vmem>> -> memref<1x2000xi32, #tpu.memory_space<vmem>>
    %dma_wait3A_639 = tpu.memref_squeeze %dma_wait3A_638 : memref<1x2000xi32, #tpu.memory_space<vmem>> -> memref<2000xi32, #tpu.memory_space<vmem>>
    %dma_wait3A_640 = tpu.memref_slice %arg3[%add3A_552] : memref<1600000xi32, #tpu.memory_space<hbm>> -> memref<2000xi32, #tpu.memory_space<hbm>>
    tpu.wait_dma2 semaphore(%arg12 : memref<!tpu.dma_semaphore, #tpu.memory_space<semaphore_mem>>) src(%dma_wait3A_640 : memref<2000xi32, #tpu.memory_space<hbm>>) dst(%dma_wait3A_639 : memref<2000xi32, #tpu.memory_space<vmem>>)
    %dma_wait3A_641 = arith.constant 0 : i32
    %dma_wait3A_642 = arith.constant 0 : i32
    %dma_wait3A_643 = tpu.memref_slice %arg10[%dma_wait3A_641, %dma_wait3A_642] : memref<2x2000xi32, #tpu.memory_space<vmem>> -> memref<1x2000xi32, #tpu.memory_space<vmem>>
    %dma_wait3A_644 = tpu.memref_squeeze %dma_wait3A_643 : memref<1x2000xi32, #tpu.memory_space<vmem>> -> memref<2000xi32, #tpu.memory_space<vmem>>
    %dma_wait3A_645 = tpu.memref_slice %arg4[%add3A_552] : memref<1600000xi32, #tpu.memory_space<hbm>> -> memref<2000xi32, #tpu.memory_space<hbm>>
    %dma_wait3A_646 = arith.constant 0 : i32
    %dma_wait3A_647 = tpu.memref_slice %arg10[%dma_wait3A_641, %dma_wait3A_646] : memref<2x2000xi32, #tpu.memory_space<vmem>> -> memref<1x2000xi32, #tpu.memory_space<vmem>>
    %dma_wait3A_648 = tpu.memref_squeeze %dma_wait3A_647 : memref<1x2000xi32, #tpu.memory_space<vmem>> -> memref<2000xi32, #tpu.memory_space<vmem>>
    %dma_wait3A_649 = tpu.memref_slice %arg4[%add3A_552] : memref<1600000xi32, #tpu.memory_space<hbm>> -> memref<2000xi32, #tpu.memory_space<hbm>>
    tpu.wait_dma2 semaphore(%arg12 : memref<!tpu.dma_semaphore, #tpu.memory_space<semaphore_mem>>) src(%dma_wait3A_649 : memref<2000xi32, #tpu.memory_space<hbm>>) dst(%dma_wait3A_648 : memref<2000xi32, #tpu.memory_space<vmem>>)
    %dma_wait3A_650 = arith.constant 0 : i32
    %dma_wait3A_651 = arith.constant 0 : i32
    %dma_wait3A_652 = tpu.memref_slice %arg11[%dma_wait3A_650, %dma_wait3A_651] : memref<2x2000xf32, #tpu.memory_space<vmem>> -> memref<1x2000xf32, #tpu.memory_space<vmem>>
    %dma_wait3A_653 = tpu.memref_squeeze %dma_wait3A_652 : memref<1x2000xf32, #tpu.memory_space<vmem>> -> memref<2000xf32, #tpu.memory_space<vmem>>
    %dma_wait3A_654 = tpu.memref_slice %arg6[%add3A_541] : memref<1600000xf32, #tpu.memory_space<hbm>> -> memref<2000xf32, #tpu.memory_space<hbm>>
    %dma_wait3A_655 = tpu.memref_slice %arg6[%add3A_541] : memref<1600000xf32, #tpu.memory_space<hbm>> -> memref<2000xf32, #tpu.memory_space<hbm>>
    %dma_wait3A_656 = arith.constant 0 : i32
    %dma_wait3A_657 = tpu.memref_slice %arg11[%dma_wait3A_650, %dma_wait3A_656] : memref<2x2000xf32, #tpu.memory_space<vmem>> -> memref<1x2000xf32, #tpu.memory_space<vmem>>
    %dma_wait3A_658 = tpu.memref_squeeze %dma_wait3A_657 : memref<1x2000xf32, #tpu.memory_space<vmem>> -> memref<2000xf32, #tpu.memory_space<vmem>>
    tpu.wait_dma2 semaphore(%arg14 : memref<!tpu.dma_semaphore, #tpu.memory_space<semaphore_mem>>) src(%dma_wait3A_658 : memref<2000xf32, #tpu.memory_space<vmem>>) dst(%dma_wait3A_655 : memref<2000xf32, #tpu.memory_space<hbm>>)
    %parallel_loop3A_659 = arith.constant 0 : i32
    %parallel_loop3A_660 = arith.constant 2000 : i32
    %parallel_loop3A_661 = arith.constant 16 : i32
    scf.for %parallel_loop3A_1525 = %parallel_loop3A_659 to %parallel_loop3A_660 step %parallel_loop3A_661  : i32 {
      %parallel_loop3A_1526 = arith.constant 0 : i32
      %parallel_loop3A_1527 = arith.index_cast %parallel_loop3A_1526 : i32 to index
      %parallel_loop3A_1528 = arith.index_cast %parallel_loop3A_1525 : i32 to index
      %parallel_loop3A_1529 = tpu.vector_load %arg9[%parallel_loop3A_1527, %parallel_loop3A_1528] {strides = array<i32>} : memref<2x2000xi32, #tpu.memory_space<vmem>>, vector<16xi32>,
      %parallel_loop3A_1530 = arith.constant 0 : i32
      %parallel_loop3A_1531 = arith.index_cast %parallel_loop3A_1530 : i32 to index
      %parallel_loop3A_1532 = arith.index_cast %parallel_loop3A_1525 : i32 to index
      %parallel_loop3A_1533 = tpu.vector_load %arg10[%parallel_loop3A_1531, %parallel_loop3A_1532] {strides = array<i32>} : memref<2x2000xi32, #tpu.memory_space<vmem>>, vector<16xi32>,
      %parallel_loop3A_1534 = tpu.vector_load_idx %arg7[%parallel_loop3A_1529] : memref<100000xi32, #tpu.memory_space<vmem>>[vector<16xi32>], vector<16xi32>,
      %parallel_loop3A_1535 = tpu.vector_load_idx %arg7[%parallel_loop3A_1533] : memref<100000xi32, #tpu.memory_space<vmem>>[vector<16xi32>], vector<16xi32>,
      %parallel_loop3A_1536 = tpu.vector_load_idx %arg8[%parallel_loop3A_1534] : memref<128xf32, #tpu.memory_space<vmem>>[vector<16xi32>], vector<16xf32>,
      %parallel_loop3A_1537 = tpu.vector_load_idx %arg8[%parallel_loop3A_1535] : memref<128xf32, #tpu.memory_space<vmem>>[vector<16xi32>], vector<16xf32>,
      %parallel_loop3A_1538 = arith.mulf %parallel_loop3A_1536, %parallel_loop3A_1537 : vector<16xf32>
      %parallel_loop3A_1539 = arith.constant 0 : i32
      %parallel_loop3A_1540 = arith.index_cast %parallel_loop3A_1539 : i32 to index
      %parallel_loop3A_1541 = arith.index_cast %parallel_loop3A_1525 : i32 to index
      %parallel_loop3A_1542 = tpu.vector_load %arg11[%parallel_loop3A_1540, %parallel_loop3A_1541] {strides = array<i32>} : memref<2x2000xf32, #tpu.memory_space<vmem>>, vector<16xf32>,
      tpu.vector_store %arg11[%parallel_loop3A_1540, %parallel_loop3A_1541], %parallel_loop3A_1538 {strides = array<i32>} : memref<2x2000xf32, #tpu.memory_space<vmem>>, vector<16xf32>,
    } {sc.loop_unroll_factor = 5 : i64, sc.parallel_access}
    %add3A_662 = arith.constant 20000 : i32
    %add3A_663 = arith.addi %mul3A_2, %add3A_662 : i32
    %dma_start3A_664 = arith.constant 0 : i32
    %dma_start3A_665 = arith.constant 0 : i32
    %dma_start3A_666 = tpu.memref_slice %arg11[%dma_start3A_664, %dma_start3A_665] : memref<2x2000xf32, #tpu.memory_space<vmem>> -> memref<1x2000xf32, #tpu.memory_space<vmem>>
    %dma_start3A_667 = tpu.memref_squeeze %dma_start3A_666 : memref<1x2000xf32, #tpu.memory_space<vmem>> -> memref<2000xf32, #tpu.memory_space<vmem>>
    %dma_start3A_668 = tpu.memref_slice %arg6[%add3A_663] : memref<1600000xf32, #tpu.memory_space<hbm>> -> memref<2000xf32, #tpu.memory_space<hbm>>
    %dma_start3A_669 = tpu.memref_slice %arg6[%add3A_663] : memref<1600000xf32, #tpu.memory_space<hbm>> -> memref<2000xf32, #tpu.memory_space<hbm>>
    %dma_start3A_670 = arith.constant 0 : i32
    %dma_start3A_671 = tpu.memref_slice %arg11[%dma_start3A_664, %dma_start3A_670] : memref<2x2000xf32, #tpu.memory_space<vmem>> -> memref<1x2000xf32, #tpu.memory_space<vmem>>
    %dma_start3A_672 = tpu.memref_squeeze %dma_start3A_671 : memref<1x2000xf32, #tpu.memory_space<vmem>> -> memref<2000xf32, #tpu.memory_space<vmem>>
    tpu.enqueue_dma source(%dma_start3A_672 : memref<2000xf32, #tpu.memory_space<vmem>>) target(%dma_start3A_669 : memref<2000xf32, #tpu.memory_space<hbm>>) target_semaphore(%arg14 : memref<!tpu.dma_semaphore, #tpu.memory_space<semaphore_mem>>)
    %add3A_673 = arith.constant 24000 : i32
    %add3A_674 = arith.addi %mul3A_2, %add3A_673 : i32
    %dma_start3A_675 = arith.constant 0 : i32
    %dma_start3A_676 = arith.constant 0 : i32
    %dma_start3A_677 = tpu.memref_slice %arg9[%dma_start3A_675, %dma_start3A_676] : memref<2x2000xi32, #tpu.memory_space<vmem>> -> memref<1x2000xi32, #tpu.memory_space<vmem>>
    %dma_start3A_678 = tpu.memref_squeeze %dma_start3A_677 : memref<1x2000xi32, #tpu.memory_space<vmem>> -> memref<2000xi32, #tpu.memory_space<vmem>>
    %dma_start3A_679 = tpu.memref_slice %arg3[%add3A_674] : memref<1600000xi32, #tpu.memory_space<hbm>> -> memref<2000xi32, #tpu.memory_space<hbm>>
    %dma_start3A_680 = arith.constant 0 : i32
    %dma_start3A_681 = tpu.memref_slice %arg9[%dma_start3A_675, %dma_start3A_680] : memref<2x2000xi32, #tpu.memory_space<vmem>> -> memref<1x2000xi32, #tpu.memory_space<vmem>>
    %dma_start3A_682 = tpu.memref_squeeze %dma_start3A_681 : memref<1x2000xi32, #tpu.memory_space<vmem>> -> memref<2000xi32, #tpu.memory_space<vmem>>
    %dma_start3A_683 = tpu.memref_slice %arg3[%add3A_674] : memref<1600000xi32, #tpu.memory_space<hbm>> -> memref<2000xi32, #tpu.memory_space<hbm>>
    tpu.enqueue_dma source(%dma_start3A_683 : memref<2000xi32, #tpu.memory_space<hbm>>) target(%dma_start3A_682 : memref<2000xi32, #tpu.memory_space<vmem>>) target_semaphore(%arg12 : memref<!tpu.dma_semaphore, #tpu.memory_space<semaphore_mem>>)
    %dma_start3A_684 = arith.constant 0 : i32
    %dma_start3A_685 = arith.constant 0 : i32
    %dma_start3A_686 = tpu.memref_slice %arg10[%dma_start3A_684, %dma_start3A_685] : memref<2x2000xi32, #tpu.memory_space<vmem>> -> memref<1x2000xi32, #tpu.memory_space<vmem>>
    %dma_start3A_687 = tpu.memref_squeeze %dma_start3A_686 : memref<1x2000xi32, #tpu.memory_space<vmem>> -> memref<2000xi32, #tpu.memory_space<vmem>>
    %dma_start3A_688 = tpu.memref_slice %arg4[%add3A_674] : memref<1600000xi32, #tpu.memory_space<hbm>> -> memref<2000xi32, #tpu.memory_space<hbm>>
    %dma_start3A_689 = arith.constant 0 : i32
    %dma_start3A_690 = tpu.memref_slice %arg10[%dma_start3A_684, %dma_start3A_689] : memref<2x2000xi32, #tpu.memory_space<vmem>> -> memref<1x2000xi32, #tpu.memory_space<vmem>>
    %dma_start3A_691 = tpu.memref_squeeze %dma_start3A_690 : memref<1x2000xi32, #tpu.memory_space<vmem>> -> memref<2000xi32, #tpu.memory_space<vmem>>
    %dma_start3A_692 = tpu.memref_slice %arg4[%add3A_674] : memref<1600000xi32, #tpu.memory_space<hbm>> -> memref<2000xi32, #tpu.memory_space<hbm>>
    tpu.enqueue_dma source(%dma_start3A_692 : memref<2000xi32, #tpu.memory_space<hbm>>) target(%dma_start3A_691 : memref<2000xi32, #tpu.memory_space<vmem>>) target_semaphore(%arg12 : memref<!tpu.dma_semaphore, #tpu.memory_space<semaphore_mem>>)
    %dma_wait3A_693 = arith.constant 1 : i32
    %dma_wait3A_694 = arith.constant 0 : i32
    %dma_wait3A_695 = tpu.memref_slice %arg9[%dma_wait3A_693, %dma_wait3A_694] : memref<2x2000xi32, #tpu.memory_space<vmem>> -> memref<1x2000xi32, #tpu.memory_space<vmem>>
    %dma_wait3A_696 = tpu.memref_squeeze %dma_wait3A_695 : memref<1x2000xi32, #tpu.memory_space<vmem>> -> memref<2000xi32, #tpu.memory_space<vmem>>
    %dma_wait3A_697 = tpu.memref_slice %arg3[%add3A_613] : memref<1600000xi32, #tpu.memory_space<hbm>> -> memref<2000xi32, #tpu.memory_space<hbm>>
    %dma_wait3A_698 = arith.constant 0 : i32
    %dma_wait3A_699 = tpu.memref_slice %arg9[%dma_wait3A_693, %dma_wait3A_698] : memref<2x2000xi32, #tpu.memory_space<vmem>> -> memref<1x2000xi32, #tpu.memory_space<vmem>>
    %dma_wait3A_700 = tpu.memref_squeeze %dma_wait3A_699 : memref<1x2000xi32, #tpu.memory_space<vmem>> -> memref<2000xi32, #tpu.memory_space<vmem>>
    %dma_wait3A_701 = tpu.memref_slice %arg3[%add3A_613] : memref<1600000xi32, #tpu.memory_space<hbm>> -> memref<2000xi32, #tpu.memory_space<hbm>>
    tpu.wait_dma2 semaphore(%arg13 : memref<!tpu.dma_semaphore, #tpu.memory_space<semaphore_mem>>) src(%dma_wait3A_701 : memref<2000xi32, #tpu.memory_space<hbm>>) dst(%dma_wait3A_700 : memref<2000xi32, #tpu.memory_space<vmem>>)
    %dma_wait3A_702 = arith.constant 1 : i32
    %dma_wait3A_703 = arith.constant 0 : i32
    %dma_wait3A_704 = tpu.memref_slice %arg10[%dma_wait3A_702, %dma_wait3A_703] : memref<2x2000xi32, #tpu.memory_space<vmem>> -> memref<1x2000xi32, #tpu.memory_space<vmem>>
    %dma_wait3A_705 = tpu.memref_squeeze %dma_wait3A_704 : memref<1x2000xi32, #tpu.memory_space<vmem>> -> memref<2000xi32, #tpu.memory_space<vmem>>
    %dma_wait3A_706 = tpu.memref_slice %arg4[%add3A_613] : memref<1600000xi32, #tpu.memory_space<hbm>> -> memref<2000xi32, #tpu.memory_space<hbm>>
    %dma_wait3A_707 = arith.constant 0 : i32
    %dma_wait3A_708 = tpu.memref_slice %arg10[%dma_wait3A_702, %dma_wait3A_707] : memref<2x2000xi32, #tpu.memory_space<vmem>> -> memref<1x2000xi32, #tpu.memory_space<vmem>>
    %dma_wait3A_709 = tpu.memref_squeeze %dma_wait3A_708 : memref<1x2000xi32, #tpu.memory_space<vmem>> -> memref<2000xi32, #tpu.memory_space<vmem>>
    %dma_wait3A_710 = tpu.memref_slice %arg4[%add3A_613] : memref<1600000xi32, #tpu.memory_space<hbm>> -> memref<2000xi32, #tpu.memory_space<hbm>>
    tpu.wait_dma2 semaphore(%arg13 : memref<!tpu.dma_semaphore, #tpu.memory_space<semaphore_mem>>) src(%dma_wait3A_710 : memref<2000xi32, #tpu.memory_space<hbm>>) dst(%dma_wait3A_709 : memref<2000xi32, #tpu.memory_space<vmem>>)
    %dma_wait3A_711 = arith.constant 1 : i32
    %dma_wait3A_712 = arith.constant 0 : i32
    %dma_wait3A_713 = tpu.memref_slice %arg11[%dma_wait3A_711, %dma_wait3A_712] : memref<2x2000xf32, #tpu.memory_space<vmem>> -> memref<1x2000xf32, #tpu.memory_space<vmem>>
    %dma_wait3A_714 = tpu.memref_squeeze %dma_wait3A_713 : memref<1x2000xf32, #tpu.memory_space<vmem>> -> memref<2000xf32, #tpu.memory_space<vmem>>
    %dma_wait3A_715 = tpu.memref_slice %arg6[%add3A_602] : memref<1600000xf32, #tpu.memory_space<hbm>> -> memref<2000xf32, #tpu.memory_space<hbm>>
    %dma_wait3A_716 = tpu.memref_slice %arg6[%add3A_602] : memref<1600000xf32, #tpu.memory_space<hbm>> -> memref<2000xf32, #tpu.memory_space<hbm>>
    %dma_wait3A_717 = arith.constant 0 : i32
    %dma_wait3A_718 = tpu.memref_slice %arg11[%dma_wait3A_711, %dma_wait3A_717] : memref<2x2000xf32, #tpu.memory_space<vmem>> -> memref<1x2000xf32, #tpu.memory_space<vmem>>
    %dma_wait3A_719 = tpu.memref_squeeze %dma_wait3A_718 : memref<1x2000xf32, #tpu.memory_space<vmem>> -> memref<2000xf32, #tpu.memory_space<vmem>>
    tpu.wait_dma2 semaphore(%arg15 : memref<!tpu.dma_semaphore, #tpu.memory_space<semaphore_mem>>) src(%dma_wait3A_719 : memref<2000xf32, #tpu.memory_space<vmem>>) dst(%dma_wait3A_716 : memref<2000xf32, #tpu.memory_space<hbm>>)
    %parallel_loop3A_720 = arith.constant 0 : i32
    %parallel_loop3A_721 = arith.constant 2000 : i32
    %parallel_loop3A_722 = arith.constant 16 : i32
    scf.for %parallel_loop3A_1525 = %parallel_loop3A_720 to %parallel_loop3A_721 step %parallel_loop3A_722  : i32 {
      %parallel_loop3A_1526 = arith.constant 1 : i32
      %parallel_loop3A_1527 = arith.index_cast %parallel_loop3A_1526 : i32 to index
      %parallel_loop3A_1528 = arith.index_cast %parallel_loop3A_1525 : i32 to index
      %parallel_loop3A_1529 = tpu.vector_load %arg9[%parallel_loop3A_1527, %parallel_loop3A_1528] {strides = array<i32>} : memref<2x2000xi32, #tpu.memory_space<vmem>>, vector<16xi32>,
      %parallel_loop3A_1530 = arith.constant 1 : i32
      %parallel_loop3A_1531 = arith.index_cast %parallel_loop3A_1530 : i32 to index
      %parallel_loop3A_1532 = arith.index_cast %parallel_loop3A_1525 : i32 to index
      %parallel_loop3A_1533 = tpu.vector_load %arg10[%parallel_loop3A_1531, %parallel_loop3A_1532] {strides = array<i32>} : memref<2x2000xi32, #tpu.memory_space<vmem>>, vector<16xi32>,
      %parallel_loop3A_1534 = tpu.vector_load_idx %arg7[%parallel_loop3A_1529] : memref<100000xi32, #tpu.memory_space<vmem>>[vector<16xi32>], vector<16xi32>,
      %parallel_loop3A_1535 = tpu.vector_load_idx %arg7[%parallel_loop3A_1533] : memref<100000xi32, #tpu.memory_space<vmem>>[vector<16xi32>], vector<16xi32>,
      %parallel_loop3A_1536 = tpu.vector_load_idx %arg8[%parallel_loop3A_1534] : memref<128xf32, #tpu.memory_space<vmem>>[vector<16xi32>], vector<16xf32>,
      %parallel_loop3A_1537 = tpu.vector_load_idx %arg8[%parallel_loop3A_1535] : memref<128xf32, #tpu.memory_space<vmem>>[vector<16xi32>], vector<16xf32>,
      %parallel_loop3A_1538 = arith.mulf %parallel_loop3A_1536, %parallel_loop3A_1537 : vector<16xf32>
      %parallel_loop3A_1539 = arith.constant 1 : i32
      %parallel_loop3A_1540 = arith.index_cast %parallel_loop3A_1539 : i32 to index
      %parallel_loop3A_1541 = arith.index_cast %parallel_loop3A_1525 : i32 to index
      %parallel_loop3A_1542 = tpu.vector_load %arg11[%parallel_loop3A_1540, %parallel_loop3A_1541] {strides = array<i32>} : memref<2x2000xf32, #tpu.memory_space<vmem>>, vector<16xf32>,
      tpu.vector_store %arg11[%parallel_loop3A_1540, %parallel_loop3A_1541], %parallel_loop3A_1538 {strides = array<i32>} : memref<2x2000xf32, #tpu.memory_space<vmem>>, vector<16xf32>,
    } {sc.loop_unroll_factor = 5 : i64, sc.parallel_access}
    %add3A_723 = arith.constant 22000 : i32
    %add3A_724 = arith.addi %mul3A_2, %add3A_723 : i32
    %dma_start3A_725 = arith.constant 1 : i32
    %dma_start3A_726 = arith.constant 0 : i32
    %dma_start3A_727 = tpu.memref_slice %arg11[%dma_start3A_725, %dma_start3A_726] : memref<2x2000xf32, #tpu.memory_space<vmem>> -> memref<1x2000xf32, #tpu.memory_space<vmem>>
    %dma_start3A_728 = tpu.memref_squeeze %dma_start3A_727 : memref<1x2000xf32, #tpu.memory_space<vmem>> -> memref<2000xf32, #tpu.memory_space<vmem>>
    %dma_start3A_729 = tpu.memref_slice %arg6[%add3A_724] : memref<1600000xf32, #tpu.memory_space<hbm>> -> memref<2000xf32, #tpu.memory_space<hbm>>
    %dma_start3A_730 = tpu.memref_slice %arg6[%add3A_724] : memref<1600000xf32, #tpu.memory_space<hbm>> -> memref<2000xf32, #tpu.memory_space<hbm>>
    %dma_start3A_731 = arith.constant 0 : i32
    %dma_start3A_732 = tpu.memref_slice %arg11[%dma_start3A_725, %dma_start3A_731] : memref<2x2000xf32, #tpu.memory_space<vmem>> -> memref<1x2000xf32, #tpu.memory_space<vmem>>
    %dma_start3A_733 = tpu.memref_squeeze %dma_start3A_732 : memref<1x2000xf32, #tpu.memory_space<vmem>> -> memref<2000xf32, #tpu.memory_space<vmem>>
    tpu.enqueue_dma source(%dma_start3A_733 : memref<2000xf32, #tpu.memory_space<vmem>>) target(%dma_start3A_730 : memref<2000xf32, #tpu.memory_space<hbm>>) target_semaphore(%arg15 : memref<!tpu.dma_semaphore, #tpu.memory_space<semaphore_mem>>)
    %add3A_734 = arith.constant 26000 : i32
    %add3A_735 = arith.addi %mul3A_2, %add3A_734 : i32
    %dma_start3A_736 = arith.constant 1 : i32
    %dma_start3A_737 = arith.constant 0 : i32
    %dma_start3A_738 = tpu.memref_slice %arg9[%dma_start3A_736, %dma_start3A_737] : memref<2x2000xi32, #tpu.memory_space<vmem>> -> memref<1x2000xi32, #tpu.memory_space<vmem>>
    %dma_start3A_739 = tpu.memref_squeeze %dma_start3A_738 : memref<1x2000xi32, #tpu.memory_space<vmem>> -> memref<2000xi32, #tpu.memory_space<vmem>>
    %dma_start3A_740 = tpu.memref_slice %arg3[%add3A_735] : memref<1600000xi32, #tpu.memory_space<hbm>> -> memref<2000xi32, #tpu.memory_space<hbm>>
    %dma_start3A_741 = arith.constant 0 : i32
    %dma_start3A_742 = tpu.memref_slice %arg9[%dma_start3A_736, %dma_start3A_741] : memref<2x2000xi32, #tpu.memory_space<vmem>> -> memref<1x2000xi32, #tpu.memory_space<vmem>>
    %dma_start3A_743 = tpu.memref_squeeze %dma_start3A_742 : memref<1x2000xi32, #tpu.memory_space<vmem>> -> memref<2000xi32, #tpu.memory_space<vmem>>
    %dma_start3A_744 = tpu.memref_slice %arg3[%add3A_735] : memref<1600000xi32, #tpu.memory_space<hbm>> -> memref<2000xi32, #tpu.memory_space<hbm>>
    tpu.enqueue_dma source(%dma_start3A_744 : memref<2000xi32, #tpu.memory_space<hbm>>) target(%dma_start3A_743 : memref<2000xi32, #tpu.memory_space<vmem>>) target_semaphore(%arg13 : memref<!tpu.dma_semaphore, #tpu.memory_space<semaphore_mem>>)
    %dma_start3A_745 = arith.constant 1 : i32
    %dma_start3A_746 = arith.constant 0 : i32
    %dma_start3A_747 = tpu.memref_slice %arg10[%dma_start3A_745, %dma_start3A_746] : memref<2x2000xi32, #tpu.memory_space<vmem>> -> memref<1x2000xi32, #tpu.memory_space<vmem>>
    %dma_start3A_748 = tpu.memref_squeeze %dma_start3A_747 : memref<1x2000xi32, #tpu.memory_space<vmem>> -> memref<2000xi32, #tpu.memory_space<vmem>>
    %dma_start3A_749 = tpu.memref_slice %arg4[%add3A_735] : memref<1600000xi32, #tpu.memory_space<hbm>> -> memref<2000xi32, #tpu.memory_space<hbm>>
    %dma_start3A_750 = arith.constant 0 : i32
    %dma_start3A_751 = tpu.memref_slice %arg10[%dma_start3A_745, %dma_start3A_750] : memref<2x2000xi32, #tpu.memory_space<vmem>> -> memref<1x2000xi32, #tpu.memory_space<vmem>>
    %dma_start3A_752 = tpu.memref_squeeze %dma_start3A_751 : memref<1x2000xi32, #tpu.memory_space<vmem>> -> memref<2000xi32, #tpu.memory_space<vmem>>
    %dma_start3A_753 = tpu.memref_slice %arg4[%add3A_735] : memref<1600000xi32, #tpu.memory_space<hbm>> -> memref<2000xi32, #tpu.memory_space<hbm>>
    tpu.enqueue_dma source(%dma_start3A_753 : memref<2000xi32, #tpu.memory_space<hbm>>) target(%dma_start3A_752 : memref<2000xi32, #tpu.memory_space<vmem>>) target_semaphore(%arg13 : memref<!tpu.dma_semaphore, #tpu.memory_space<semaphore_mem>>)
    %dma_wait3A_754 = arith.constant 0 : i32
    %dma_wait3A_755 = arith.constant 0 : i32
    %dma_wait3A_756 = tpu.memref_slice %arg9[%dma_wait3A_754, %dma_wait3A_755] : memref<2x2000xi32, #tpu.memory_space<vmem>> -> memref<1x2000xi32, #tpu.memory_space<vmem>>
    %dma_wait3A_757 = tpu.memref_squeeze %dma_wait3A_756 : memref<1x2000xi32, #tpu.memory_space<vmem>> -> memref<2000xi32, #tpu.memory_space<vmem>>
    %dma_wait3A_758 = tpu.memref_slice %arg3[%add3A_674] : memref<1600000xi32, #tpu.memory_space<hbm>> -> memref<2000xi32, #tpu.memory_space<hbm>>
    %dma_wait3A_759 = arith.constant 0 : i32
    %dma_wait3A_760 = tpu.memref_slice %arg9[%dma_wait3A_754, %dma_wait3A_759] : memref<2x2000xi32, #tpu.memory_space<vmem>> -> memref<1x2000xi32, #tpu.memory_space<vmem>>
    %dma_wait3A_761 = tpu.memref_squeeze %dma_wait3A_760 : memref<1x2000xi32, #tpu.memory_space<vmem>> -> memref<2000xi32, #tpu.memory_space<vmem>>
    %dma_wait3A_762 = tpu.memref_slice %arg3[%add3A_674] : memref<1600000xi32, #tpu.memory_space<hbm>> -> memref<2000xi32, #tpu.memory_space<hbm>>
    tpu.wait_dma2 semaphore(%arg12 : memref<!tpu.dma_semaphore, #tpu.memory_space<semaphore_mem>>) src(%dma_wait3A_762 : memref<2000xi32, #tpu.memory_space<hbm>>) dst(%dma_wait3A_761 : memref<2000xi32, #tpu.memory_space<vmem>>)
    %dma_wait3A_763 = arith.constant 0 : i32
    %dma_wait3A_764 = arith.constant 0 : i32
    %dma_wait3A_765 = tpu.memref_slice %arg10[%dma_wait3A_763, %dma_wait3A_764] : memref<2x2000xi32, #tpu.memory_space<vmem>> -> memref<1x2000xi32, #tpu.memory_space<vmem>>
    %dma_wait3A_766 = tpu.memref_squeeze %dma_wait3A_765 : memref<1x2000xi32, #tpu.memory_space<vmem>> -> memref<2000xi32, #tpu.memory_space<vmem>>
    %dma_wait3A_767 = tpu.memref_slice %arg4[%add3A_674] : memref<1600000xi32, #tpu.memory_space<hbm>> -> memref<2000xi32, #tpu.memory_space<hbm>>
    %dma_wait3A_768 = arith.constant 0 : i32
    %dma_wait3A_769 = tpu.memref_slice %arg10[%dma_wait3A_763, %dma_wait3A_768] : memref<2x2000xi32, #tpu.memory_space<vmem>> -> memref<1x2000xi32, #tpu.memory_space<vmem>>
    %dma_wait3A_770 = tpu.memref_squeeze %dma_wait3A_769 : memref<1x2000xi32, #tpu.memory_space<vmem>> -> memref<2000xi32, #tpu.memory_space<vmem>>
    %dma_wait3A_771 = tpu.memref_slice %arg4[%add3A_674] : memref<1600000xi32, #tpu.memory_space<hbm>> -> memref<2000xi32, #tpu.memory_space<hbm>>
    tpu.wait_dma2 semaphore(%arg12 : memref<!tpu.dma_semaphore, #tpu.memory_space<semaphore_mem>>) src(%dma_wait3A_771 : memref<2000xi32, #tpu.memory_space<hbm>>) dst(%dma_wait3A_770 : memref<2000xi32, #tpu.memory_space<vmem>>)
    %dma_wait3A_772 = arith.constant 0 : i32
    %dma_wait3A_773 = arith.constant 0 : i32
    %dma_wait3A_774 = tpu.memref_slice %arg11[%dma_wait3A_772, %dma_wait3A_773] : memref<2x2000xf32, #tpu.memory_space<vmem>> -> memref<1x2000xf32, #tpu.memory_space<vmem>>
    %dma_wait3A_775 = tpu.memref_squeeze %dma_wait3A_774 : memref<1x2000xf32, #tpu.memory_space<vmem>> -> memref<2000xf32, #tpu.memory_space<vmem>>
    %dma_wait3A_776 = tpu.memref_slice %arg6[%add3A_663] : memref<1600000xf32, #tpu.memory_space<hbm>> -> memref<2000xf32, #tpu.memory_space<hbm>>
    %dma_wait3A_777 = tpu.memref_slice %arg6[%add3A_663] : memref<1600000xf32, #tpu.memory_space<hbm>> -> memref<2000xf32, #tpu.memory_space<hbm>>
    %dma_wait3A_778 = arith.constant 0 : i32
    %dma_wait3A_779 = tpu.memref_slice %arg11[%dma_wait3A_772, %dma_wait3A_778] : memref<2x2000xf32, #tpu.memory_space<vmem>> -> memref<1x2000xf32, #tpu.memory_space<vmem>>
    %dma_wait3A_780 = tpu.memref_squeeze %dma_wait3A_779 : memref<1x2000xf32, #tpu.memory_space<vmem>> -> memref<2000xf32, #tpu.memory_space<vmem>>
    tpu.wait_dma2 semaphore(%arg14 : memref<!tpu.dma_semaphore, #tpu.memory_space<semaphore_mem>>) src(%dma_wait3A_780 : memref<2000xf32, #tpu.memory_space<vmem>>) dst(%dma_wait3A_777 : memref<2000xf32, #tpu.memory_space<hbm>>)
    %parallel_loop3A_781 = arith.constant 0 : i32
    %parallel_loop3A_782 = arith.constant 2000 : i32
    %parallel_loop3A_783 = arith.constant 16 : i32
    scf.for %parallel_loop3A_1525 = %parallel_loop3A_781 to %parallel_loop3A_782 step %parallel_loop3A_783  : i32 {
      %parallel_loop3A_1526 = arith.constant 0 : i32
      %parallel_loop3A_1527 = arith.index_cast %parallel_loop3A_1526 : i32 to index
      %parallel_loop3A_1528 = arith.index_cast %parallel_loop3A_1525 : i32 to index
      %parallel_loop3A_1529 = tpu.vector_load %arg9[%parallel_loop3A_1527, %parallel_loop3A_1528] {strides = array<i32>} : memref<2x2000xi32, #tpu.memory_space<vmem>>, vector<16xi32>,
      %parallel_loop3A_1530 = arith.constant 0 : i32
      %parallel_loop3A_1531 = arith.index_cast %parallel_loop3A_1530 : i32 to index
      %parallel_loop3A_1532 = arith.index_cast %parallel_loop3A_1525 : i32 to index
      %parallel_loop3A_1533 = tpu.vector_load %arg10[%parallel_loop3A_1531, %parallel_loop3A_1532] {strides = array<i32>} : memref<2x2000xi32, #tpu.memory_space<vmem>>, vector<16xi32>,
      %parallel_loop3A_1534 = tpu.vector_load_idx %arg7[%parallel_loop3A_1529] : memref<100000xi32, #tpu.memory_space<vmem>>[vector<16xi32>], vector<16xi32>,
      %parallel_loop3A_1535 = tpu.vector_load_idx %arg7[%parallel_loop3A_1533] : memref<100000xi32, #tpu.memory_space<vmem>>[vector<16xi32>], vector<16xi32>,
      %parallel_loop3A_1536 = tpu.vector_load_idx %arg8[%parallel_loop3A_1534] : memref<128xf32, #tpu.memory_space<vmem>>[vector<16xi32>], vector<16xf32>,
      %parallel_loop3A_1537 = tpu.vector_load_idx %arg8[%parallel_loop3A_1535] : memref<128xf32, #tpu.memory_space<vmem>>[vector<16xi32>], vector<16xf32>,
      %parallel_loop3A_1538 = arith.mulf %parallel_loop3A_1536, %parallel_loop3A_1537 : vector<16xf32>
      %parallel_loop3A_1539 = arith.constant 0 : i32
      %parallel_loop3A_1540 = arith.index_cast %parallel_loop3A_1539 : i32 to index
      %parallel_loop3A_1541 = arith.index_cast %parallel_loop3A_1525 : i32 to index
      %parallel_loop3A_1542 = tpu.vector_load %arg11[%parallel_loop3A_1540, %parallel_loop3A_1541] {strides = array<i32>} : memref<2x2000xf32, #tpu.memory_space<vmem>>, vector<16xf32>,
      tpu.vector_store %arg11[%parallel_loop3A_1540, %parallel_loop3A_1541], %parallel_loop3A_1538 {strides = array<i32>} : memref<2x2000xf32, #tpu.memory_space<vmem>>, vector<16xf32>,
    } {sc.loop_unroll_factor = 5 : i64, sc.parallel_access}
    %add3A_784 = arith.constant 24000 : i32
    %add3A_785 = arith.addi %mul3A_2, %add3A_784 : i32
    %dma_start3A_786 = arith.constant 0 : i32
    %dma_start3A_787 = arith.constant 0 : i32
    %dma_start3A_788 = tpu.memref_slice %arg11[%dma_start3A_786, %dma_start3A_787] : memref<2x2000xf32, #tpu.memory_space<vmem>> -> memref<1x2000xf32, #tpu.memory_space<vmem>>
    %dma_start3A_789 = tpu.memref_squeeze %dma_start3A_788 : memref<1x2000xf32, #tpu.memory_space<vmem>> -> memref<2000xf32, #tpu.memory_space<vmem>>
    %dma_start3A_790 = tpu.memref_slice %arg6[%add3A_785] : memref<1600000xf32, #tpu.memory_space<hbm>> -> memref<2000xf32, #tpu.memory_space<hbm>>
    %dma_start3A_791 = tpu.memref_slice %arg6[%add3A_785] : memref<1600000xf32, #tpu.memory_space<hbm>> -> memref<2000xf32, #tpu.memory_space<hbm>>
    %dma_start3A_792 = arith.constant 0 : i32
    %dma_start3A_793 = tpu.memref_slice %arg11[%dma_start3A_786, %dma_start3A_792] : memref<2x2000xf32, #tpu.memory_space<vmem>> -> memref<1x2000xf32, #tpu.memory_space<vmem>>
    %dma_start3A_794 = tpu.memref_squeeze %dma_start3A_793 : memref<1x2000xf32, #tpu.memory_space<vmem>> -> memref<2000xf32, #tpu.memory_space<vmem>>
    tpu.enqueue_dma source(%dma_start3A_794 : memref<2000xf32, #tpu.memory_space<vmem>>) target(%dma_start3A_791 : memref<2000xf32, #tpu.memory_space<hbm>>) target_semaphore(%arg14 : memref<!tpu.dma_semaphore, #tpu.memory_space<semaphore_mem>>)
    %add3A_795 = arith.constant 28000 : i32
    %add3A_796 = arith.addi %mul3A_2, %add3A_795 : i32
    %dma_start3A_797 = arith.constant 0 : i32
    %dma_start3A_798 = arith.constant 0 : i32
    %dma_start3A_799 = tpu.memref_slice %arg9[%dma_start3A_797, %dma_start3A_798] : memref<2x2000xi32, #tpu.memory_space<vmem>> -> memref<1x2000xi32, #tpu.memory_space<vmem>>
    %dma_start3A_800 = tpu.memref_squeeze %dma_start3A_799 : memref<1x2000xi32, #tpu.memory_space<vmem>> -> memref<2000xi32, #tpu.memory_space<vmem>>
    %dma_start3A_801 = tpu.memref_slice %arg3[%add3A_796] : memref<1600000xi32, #tpu.memory_space<hbm>> -> memref<2000xi32, #tpu.memory_space<hbm>>
    %dma_start3A_802 = arith.constant 0 : i32
    %dma_start3A_803 = tpu.memref_slice %arg9[%dma_start3A_797, %dma_start3A_802] : memref<2x2000xi32, #tpu.memory_space<vmem>> -> memref<1x2000xi32, #tpu.memory_space<vmem>>
    %dma_start3A_804 = tpu.memref_squeeze %dma_start3A_803 : memref<1x2000xi32, #tpu.memory_space<vmem>> -> memref<2000xi32, #tpu.memory_space<vmem>>
    %dma_start3A_805 = tpu.memref_slice %arg3[%add3A_796] : memref<1600000xi32, #tpu.memory_space<hbm>> -> memref<2000xi32, #tpu.memory_space<hbm>>
    tpu.enqueue_dma source(%dma_start3A_805 : memref<2000xi32, #tpu.memory_space<hbm>>) target(%dma_start3A_804 : memref<2000xi32, #tpu.memory_space<vmem>>) target_semaphore(%arg12 : memref<!tpu.dma_semaphore, #tpu.memory_space<semaphore_mem>>)
    %dma_start3A_806 = arith.constant 0 : i32
    %dma_start3A_807 = arith.constant 0 : i32
    %dma_start3A_808 = tpu.memref_slice %arg10[%dma_start3A_806, %dma_start3A_807] : memref<2x2000xi32, #tpu.memory_space<vmem>> -> memref<1x2000xi32, #tpu.memory_space<vmem>>
    %dma_start3A_809 = tpu.memref_squeeze %dma_start3A_808 : memref<1x2000xi32, #tpu.memory_space<vmem>> -> memref<2000xi32, #tpu.memory_space<vmem>>
    %dma_start3A_810 = tpu.memref_slice %arg4[%add3A_796] : memref<1600000xi32, #tpu.memory_space<hbm>> -> memref<2000xi32, #tpu.memory_space<hbm>>
    %dma_start3A_811 = arith.constant 0 : i32
    %dma_start3A_812 = tpu.memref_slice %arg10[%dma_start3A_806, %dma_start3A_811] : memref<2x2000xi32, #tpu.memory_space<vmem>> -> memref<1x2000xi32, #tpu.memory_space<vmem>>
    %dma_start3A_813 = tpu.memref_squeeze %dma_start3A_812 : memref<1x2000xi32, #tpu.memory_space<vmem>> -> memref<2000xi32, #tpu.memory_space<vmem>>
    %dma_start3A_814 = tpu.memref_slice %arg4[%add3A_796] : memref<1600000xi32, #tpu.memory_space<hbm>> -> memref<2000xi32, #tpu.memory_space<hbm>>
    tpu.enqueue_dma source(%dma_start3A_814 : memref<2000xi32, #tpu.memory_space<hbm>>) target(%dma_start3A_813 : memref<2000xi32, #tpu.memory_space<vmem>>) target_semaphore(%arg12 : memref<!tpu.dma_semaphore, #tpu.memory_space<semaphore_mem>>)
    %dma_wait3A_815 = arith.constant 1 : i32
    %dma_wait3A_816 = arith.constant 0 : i32
    %dma_wait3A_817 = tpu.memref_slice %arg9[%dma_wait3A_815, %dma_wait3A_816] : memref<2x2000xi32, #tpu.memory_space<vmem>> -> memref<1x2000xi32, #tpu.memory_space<vmem>>
    %dma_wait3A_818 = tpu.memref_squeeze %dma_wait3A_817 : memref<1x2000xi32, #tpu.memory_space<vmem>> -> memref<2000xi32, #tpu.memory_space<vmem>>
    %dma_wait3A_819 = tpu.memref_slice %arg3[%add3A_735] : memref<1600000xi32, #tpu.memory_space<hbm>> -> memref<2000xi32, #tpu.memory_space<hbm>>
    %dma_wait3A_820 = arith.constant 0 : i32
    %dma_wait3A_821 = tpu.memref_slice %arg9[%dma_wait3A_815, %dma_wait3A_820] : memref<2x2000xi32, #tpu.memory_space<vmem>> -> memref<1x2000xi32, #tpu.memory_space<vmem>>
    %dma_wait3A_822 = tpu.memref_squeeze %dma_wait3A_821 : memref<1x2000xi32, #tpu.memory_space<vmem>> -> memref<2000xi32, #tpu.memory_space<vmem>>
    %dma_wait3A_823 = tpu.memref_slice %arg3[%add3A_735] : memref<1600000xi32, #tpu.memory_space<hbm>> -> memref<2000xi32, #tpu.memory_space<hbm>>
    tpu.wait_dma2 semaphore(%arg13 : memref<!tpu.dma_semaphore, #tpu.memory_space<semaphore_mem>>) src(%dma_wait3A_823 : memref<2000xi32, #tpu.memory_space<hbm>>) dst(%dma_wait3A_822 : memref<2000xi32, #tpu.memory_space<vmem>>)
    %dma_wait3A_824 = arith.constant 1 : i32
    %dma_wait3A_825 = arith.constant 0 : i32
    %dma_wait3A_826 = tpu.memref_slice %arg10[%dma_wait3A_824, %dma_wait3A_825] : memref<2x2000xi32, #tpu.memory_space<vmem>> -> memref<1x2000xi32, #tpu.memory_space<vmem>>
    %dma_wait3A_827 = tpu.memref_squeeze %dma_wait3A_826 : memref<1x2000xi32, #tpu.memory_space<vmem>> -> memref<2000xi32, #tpu.memory_space<vmem>>
    %dma_wait3A_828 = tpu.memref_slice %arg4[%add3A_735] : memref<1600000xi32, #tpu.memory_space<hbm>> -> memref<2000xi32, #tpu.memory_space<hbm>>
    %dma_wait3A_829 = arith.constant 0 : i32
    %dma_wait3A_830 = tpu.memref_slice %arg10[%dma_wait3A_824, %dma_wait3A_829] : memref<2x2000xi32, #tpu.memory_space<vmem>> -> memref<1x2000xi32, #tpu.memory_space<vmem>>
    %dma_wait3A_831 = tpu.memref_squeeze %dma_wait3A_830 : memref<1x2000xi32, #tpu.memory_space<vmem>> -> memref<2000xi32, #tpu.memory_space<vmem>>
    %dma_wait3A_832 = tpu.memref_slice %arg4[%add3A_735] : memref<1600000xi32, #tpu.memory_space<hbm>> -> memref<2000xi32, #tpu.memory_space<hbm>>
    tpu.wait_dma2 semaphore(%arg13 : memref<!tpu.dma_semaphore, #tpu.memory_space<semaphore_mem>>) src(%dma_wait3A_832 : memref<2000xi32, #tpu.memory_space<hbm>>) dst(%dma_wait3A_831 : memref<2000xi32, #tpu.memory_space<vmem>>)
    %dma_wait3A_833 = arith.constant 1 : i32
    %dma_wait3A_834 = arith.constant 0 : i32
    %dma_wait3A_835 = tpu.memref_slice %arg11[%dma_wait3A_833, %dma_wait3A_834] : memref<2x2000xf32, #tpu.memory_space<vmem>> -> memref<1x2000xf32, #tpu.memory_space<vmem>>
    %dma_wait3A_836 = tpu.memref_squeeze %dma_wait3A_835 : memref<1x2000xf32, #tpu.memory_space<vmem>> -> memref<2000xf32, #tpu.memory_space<vmem>>
    %dma_wait3A_837 = tpu.memref_slice %arg6[%add3A_724] : memref<1600000xf32, #tpu.memory_space<hbm>> -> memref<2000xf32, #tpu.memory_space<hbm>>
    %dma_wait3A_838 = tpu.memref_slice %arg6[%add3A_724] : memref<1600000xf32, #tpu.memory_space<hbm>> -> memref<2000xf32, #tpu.memory_space<hbm>>
    %dma_wait3A_839 = arith.constant 0 : i32
    %dma_wait3A_840 = tpu.memref_slice %arg11[%dma_wait3A_833, %dma_wait3A_839] : memref<2x2000xf32, #tpu.memory_space<vmem>> -> memref<1x2000xf32, #tpu.memory_space<vmem>>
    %dma_wait3A_841 = tpu.memref_squeeze %dma_wait3A_840 : memref<1x2000xf32, #tpu.memory_space<vmem>> -> memref<2000xf32, #tpu.memory_space<vmem>>
    tpu.wait_dma2 semaphore(%arg15 : memref<!tpu.dma_semaphore, #tpu.memory_space<semaphore_mem>>) src(%dma_wait3A_841 : memref<2000xf32, #tpu.memory_space<vmem>>) dst(%dma_wait3A_838 : memref<2000xf32, #tpu.memory_space<hbm>>)
    %parallel_loop3A_842 = arith.constant 0 : i32
    %parallel_loop3A_843 = arith.constant 2000 : i32
    %parallel_loop3A_844 = arith.constant 16 : i32
    scf.for %parallel_loop3A_1525 = %parallel_loop3A_842 to %parallel_loop3A_843 step %parallel_loop3A_844  : i32 {
      %parallel_loop3A_1526 = arith.constant 1 : i32
      %parallel_loop3A_1527 = arith.index_cast %parallel_loop3A_1526 : i32 to index
      %parallel_loop3A_1528 = arith.index_cast %parallel_loop3A_1525 : i32 to index
      %parallel_loop3A_1529 = tpu.vector_load %arg9[%parallel_loop3A_1527, %parallel_loop3A_1528] {strides = array<i32>} : memref<2x2000xi32, #tpu.memory_space<vmem>>, vector<16xi32>,
      %parallel_loop3A_1530 = arith.constant 1 : i32
      %parallel_loop3A_1531 = arith.index_cast %parallel_loop3A_1530 : i32 to index
      %parallel_loop3A_1532 = arith.index_cast %parallel_loop3A_1525 : i32 to index
      %parallel_loop3A_1533 = tpu.vector_load %arg10[%parallel_loop3A_1531, %parallel_loop3A_1532] {strides = array<i32>} : memref<2x2000xi32, #tpu.memory_space<vmem>>, vector<16xi32>,
      %parallel_loop3A_1534 = tpu.vector_load_idx %arg7[%parallel_loop3A_1529] : memref<100000xi32, #tpu.memory_space<vmem>>[vector<16xi32>], vector<16xi32>,
      %parallel_loop3A_1535 = tpu.vector_load_idx %arg7[%parallel_loop3A_1533] : memref<100000xi32, #tpu.memory_space<vmem>>[vector<16xi32>], vector<16xi32>,
      %parallel_loop3A_1536 = tpu.vector_load_idx %arg8[%parallel_loop3A_1534] : memref<128xf32, #tpu.memory_space<vmem>>[vector<16xi32>], vector<16xf32>,
      %parallel_loop3A_1537 = tpu.vector_load_idx %arg8[%parallel_loop3A_1535] : memref<128xf32, #tpu.memory_space<vmem>>[vector<16xi32>], vector<16xf32>,
      %parallel_loop3A_1538 = arith.mulf %parallel_loop3A_1536, %parallel_loop3A_1537 : vector<16xf32>
      %parallel_loop3A_1539 = arith.constant 1 : i32
      %parallel_loop3A_1540 = arith.index_cast %parallel_loop3A_1539 : i32 to index
      %parallel_loop3A_1541 = arith.index_cast %parallel_loop3A_1525 : i32 to index
      %parallel_loop3A_1542 = tpu.vector_load %arg11[%parallel_loop3A_1540, %parallel_loop3A_1541] {strides = array<i32>} : memref<2x2000xf32, #tpu.memory_space<vmem>>, vector<16xf32>,
      tpu.vector_store %arg11[%parallel_loop3A_1540, %parallel_loop3A_1541], %parallel_loop3A_1538 {strides = array<i32>} : memref<2x2000xf32, #tpu.memory_space<vmem>>, vector<16xf32>,
    } {sc.loop_unroll_factor = 5 : i64, sc.parallel_access}
    %add3A_845 = arith.constant 26000 : i32
    %add3A_846 = arith.addi %mul3A_2, %add3A_845 : i32
    %dma_start3A_847 = arith.constant 1 : i32
    %dma_start3A_848 = arith.constant 0 : i32
    %dma_start3A_849 = tpu.memref_slice %arg11[%dma_start3A_847, %dma_start3A_848] : memref<2x2000xf32, #tpu.memory_space<vmem>> -> memref<1x2000xf32, #tpu.memory_space<vmem>>
    %dma_start3A_850 = tpu.memref_squeeze %dma_start3A_849 : memref<1x2000xf32, #tpu.memory_space<vmem>> -> memref<2000xf32, #tpu.memory_space<vmem>>
    %dma_start3A_851 = tpu.memref_slice %arg6[%add3A_846] : memref<1600000xf32, #tpu.memory_space<hbm>> -> memref<2000xf32, #tpu.memory_space<hbm>>
    %dma_start3A_852 = tpu.memref_slice %arg6[%add3A_846] : memref<1600000xf32, #tpu.memory_space<hbm>> -> memref<2000xf32, #tpu.memory_space<hbm>>
    %dma_start3A_853 = arith.constant 0 : i32
    %dma_start3A_854 = tpu.memref_slice %arg11[%dma_start3A_847, %dma_start3A_853] : memref<2x2000xf32, #tpu.memory_space<vmem>> -> memref<1x2000xf32, #tpu.memory_space<vmem>>
    %dma_start3A_855 = tpu.memref_squeeze %dma_start3A_854 : memref<1x2000xf32, #tpu.memory_space<vmem>> -> memref<2000xf32, #tpu.memory_space<vmem>>
    tpu.enqueue_dma source(%dma_start3A_855 : memref<2000xf32, #tpu.memory_space<vmem>>) target(%dma_start3A_852 : memref<2000xf32, #tpu.memory_space<hbm>>) target_semaphore(%arg15 : memref<!tpu.dma_semaphore, #tpu.memory_space<semaphore_mem>>)
    %add3A_856 = arith.constant 30000 : i32
    %add3A_857 = arith.addi %mul3A_2, %add3A_856 : i32
    %dma_start3A_858 = arith.constant 1 : i32
    %dma_start3A_859 = arith.constant 0 : i32
    %dma_start3A_860 = tpu.memref_slice %arg9[%dma_start3A_858, %dma_start3A_859] : memref<2x2000xi32, #tpu.memory_space<vmem>> -> memref<1x2000xi32, #tpu.memory_space<vmem>>
    %dma_start3A_861 = tpu.memref_squeeze %dma_start3A_860 : memref<1x2000xi32, #tpu.memory_space<vmem>> -> memref<2000xi32, #tpu.memory_space<vmem>>
    %dma_start3A_862 = tpu.memref_slice %arg3[%add3A_857] : memref<1600000xi32, #tpu.memory_space<hbm>> -> memref<2000xi32, #tpu.memory_space<hbm>>
    %dma_start3A_863 = arith.constant 0 : i32
    %dma_start3A_864 = tpu.memref_slice %arg9[%dma_start3A_858, %dma_start3A_863] : memref<2x2000xi32, #tpu.memory_space<vmem>> -> memref<1x2000xi32, #tpu.memory_space<vmem>>
    %dma_start3A_865 = tpu.memref_squeeze %dma_start3A_864 : memref<1x2000xi32, #tpu.memory_space<vmem>> -> memref<2000xi32, #tpu.memory_space<vmem>>
    %dma_start3A_866 = tpu.memref_slice %arg3[%add3A_857] : memref<1600000xi32, #tpu.memory_space<hbm>> -> memref<2000xi32, #tpu.memory_space<hbm>>
    tpu.enqueue_dma source(%dma_start3A_866 : memref<2000xi32, #tpu.memory_space<hbm>>) target(%dma_start3A_865 : memref<2000xi32, #tpu.memory_space<vmem>>) target_semaphore(%arg13 : memref<!tpu.dma_semaphore, #tpu.memory_space<semaphore_mem>>)
    %dma_start3A_867 = arith.constant 1 : i32
    %dma_start3A_868 = arith.constant 0 : i32
    %dma_start3A_869 = tpu.memref_slice %arg10[%dma_start3A_867, %dma_start3A_868] : memref<2x2000xi32, #tpu.memory_space<vmem>> -> memref<1x2000xi32, #tpu.memory_space<vmem>>
    %dma_start3A_870 = tpu.memref_squeeze %dma_start3A_869 : memref<1x2000xi32, #tpu.memory_space<vmem>> -> memref<2000xi32, #tpu.memory_space<vmem>>
    %dma_start3A_871 = tpu.memref_slice %arg4[%add3A_857] : memref<1600000xi32, #tpu.memory_space<hbm>> -> memref<2000xi32, #tpu.memory_space<hbm>>
    %dma_start3A_872 = arith.constant 0 : i32
    %dma_start3A_873 = tpu.memref_slice %arg10[%dma_start3A_867, %dma_start3A_872] : memref<2x2000xi32, #tpu.memory_space<vmem>> -> memref<1x2000xi32, #tpu.memory_space<vmem>>
    %dma_start3A_874 = tpu.memref_squeeze %dma_start3A_873 : memref<1x2000xi32, #tpu.memory_space<vmem>> -> memref<2000xi32, #tpu.memory_space<vmem>>
    %dma_start3A_875 = tpu.memref_slice %arg4[%add3A_857] : memref<1600000xi32, #tpu.memory_space<hbm>> -> memref<2000xi32, #tpu.memory_space<hbm>>
    tpu.enqueue_dma source(%dma_start3A_875 : memref<2000xi32, #tpu.memory_space<hbm>>) target(%dma_start3A_874 : memref<2000xi32, #tpu.memory_space<vmem>>) target_semaphore(%arg13 : memref<!tpu.dma_semaphore, #tpu.memory_space<semaphore_mem>>)
    %dma_wait3A_876 = arith.constant 0 : i32
    %dma_wait3A_877 = arith.constant 0 : i32
    %dma_wait3A_878 = tpu.memref_slice %arg9[%dma_wait3A_876, %dma_wait3A_877] : memref<2x2000xi32, #tpu.memory_space<vmem>> -> memref<1x2000xi32, #tpu.memory_space<vmem>>
    %dma_wait3A_879 = tpu.memref_squeeze %dma_wait3A_878 : memref<1x2000xi32, #tpu.memory_space<vmem>> -> memref<2000xi32, #tpu.memory_space<vmem>>
    %dma_wait3A_880 = tpu.memref_slice %arg3[%add3A_796] : memref<1600000xi32, #tpu.memory_space<hbm>> -> memref<2000xi32, #tpu.memory_space<hbm>>
    %dma_wait3A_881 = arith.constant 0 : i32
    %dma_wait3A_882 = tpu.memref_slice %arg9[%dma_wait3A_876, %dma_wait3A_881] : memref<2x2000xi32, #tpu.memory_space<vmem>> -> memref<1x2000xi32, #tpu.memory_space<vmem>>
    %dma_wait3A_883 = tpu.memref_squeeze %dma_wait3A_882 : memref<1x2000xi32, #tpu.memory_space<vmem>> -> memref<2000xi32, #tpu.memory_space<vmem>>
    %dma_wait3A_884 = tpu.memref_slice %arg3[%add3A_796] : memref<1600000xi32, #tpu.memory_space<hbm>> -> memref<2000xi32, #tpu.memory_space<hbm>>
    tpu.wait_dma2 semaphore(%arg12 : memref<!tpu.dma_semaphore, #tpu.memory_space<semaphore_mem>>) src(%dma_wait3A_884 : memref<2000xi32, #tpu.memory_space<hbm>>) dst(%dma_wait3A_883 : memref<2000xi32, #tpu.memory_space<vmem>>)
    %dma_wait3A_885 = arith.constant 0 : i32
    %dma_wait3A_886 = arith.constant 0 : i32
    %dma_wait3A_887 = tpu.memref_slice %arg10[%dma_wait3A_885, %dma_wait3A_886] : memref<2x2000xi32, #tpu.memory_space<vmem>> -> memref<1x2000xi32, #tpu.memory_space<vmem>>
    %dma_wait3A_888 = tpu.memref_squeeze %dma_wait3A_887 : memref<1x2000xi32, #tpu.memory_space<vmem>> -> memref<2000xi32, #tpu.memory_space<vmem>>
    %dma_wait3A_889 = tpu.memref_slice %arg4[%add3A_796] : memref<1600000xi32, #tpu.memory_space<hbm>> -> memref<2000xi32, #tpu.memory_space<hbm>>
    %dma_wait3A_890 = arith.constant 0 : i32
    %dma_wait3A_891 = tpu.memref_slice %arg10[%dma_wait3A_885, %dma_wait3A_890] : memref<2x2000xi32, #tpu.memory_space<vmem>> -> memref<1x2000xi32, #tpu.memory_space<vmem>>
    %dma_wait3A_892 = tpu.memref_squeeze %dma_wait3A_891 : memref<1x2000xi32, #tpu.memory_space<vmem>> -> memref<2000xi32, #tpu.memory_space<vmem>>
    %dma_wait3A_893 = tpu.memref_slice %arg4[%add3A_796] : memref<1600000xi32, #tpu.memory_space<hbm>> -> memref<2000xi32, #tpu.memory_space<hbm>>
    tpu.wait_dma2 semaphore(%arg12 : memref<!tpu.dma_semaphore, #tpu.memory_space<semaphore_mem>>) src(%dma_wait3A_893 : memref<2000xi32, #tpu.memory_space<hbm>>) dst(%dma_wait3A_892 : memref<2000xi32, #tpu.memory_space<vmem>>)
    %dma_wait3A_894 = arith.constant 0 : i32
    %dma_wait3A_895 = arith.constant 0 : i32
    %dma_wait3A_896 = tpu.memref_slice %arg11[%dma_wait3A_894, %dma_wait3A_895] : memref<2x2000xf32, #tpu.memory_space<vmem>> -> memref<1x2000xf32, #tpu.memory_space<vmem>>
    %dma_wait3A_897 = tpu.memref_squeeze %dma_wait3A_896 : memref<1x2000xf32, #tpu.memory_space<vmem>> -> memref<2000xf32, #tpu.memory_space<vmem>>
    %dma_wait3A_898 = tpu.memref_slice %arg6[%add3A_785] : memref<1600000xf32, #tpu.memory_space<hbm>> -> memref<2000xf32, #tpu.memory_space<hbm>>
    %dma_wait3A_899 = tpu.memref_slice %arg6[%add3A_785] : memref<1600000xf32, #tpu.memory_space<hbm>> -> memref<2000xf32, #tpu.memory_space<hbm>>
    %dma_wait3A_900 = arith.constant 0 : i32
    %dma_wait3A_901 = tpu.memref_slice %arg11[%dma_wait3A_894, %dma_wait3A_900] : memref<2x2000xf32, #tpu.memory_space<vmem>> -> memref<1x2000xf32, #tpu.memory_space<vmem>>
    %dma_wait3A_902 = tpu.memref_squeeze %dma_wait3A_901 : memref<1x2000xf32, #tpu.memory_space<vmem>> -> memref<2000xf32, #tpu.memory_space<vmem>>
    tpu.wait_dma2 semaphore(%arg14 : memref<!tpu.dma_semaphore, #tpu.memory_space<semaphore_mem>>) src(%dma_wait3A_902 : memref<2000xf32, #tpu.memory_space<vmem>>) dst(%dma_wait3A_899 : memref<2000xf32, #tpu.memory_space<hbm>>)
    %parallel_loop3A_903 = arith.constant 0 : i32
    %parallel_loop3A_904 = arith.constant 2000 : i32
    %parallel_loop3A_905 = arith.constant 16 : i32
    scf.for %parallel_loop3A_1525 = %parallel_loop3A_903 to %parallel_loop3A_904 step %parallel_loop3A_905  : i32 {
      %parallel_loop3A_1526 = arith.constant 0 : i32
      %parallel_loop3A_1527 = arith.index_cast %parallel_loop3A_1526 : i32 to index
      %parallel_loop3A_1528 = arith.index_cast %parallel_loop3A_1525 : i32 to index
      %parallel_loop3A_1529 = tpu.vector_load %arg9[%parallel_loop3A_1527, %parallel_loop3A_1528] {strides = array<i32>} : memref<2x2000xi32, #tpu.memory_space<vmem>>, vector<16xi32>,
      %parallel_loop3A_1530 = arith.constant 0 : i32
      %parallel_loop3A_1531 = arith.index_cast %parallel_loop3A_1530 : i32 to index
      %parallel_loop3A_1532 = arith.index_cast %parallel_loop3A_1525 : i32 to index
      %parallel_loop3A_1533 = tpu.vector_load %arg10[%parallel_loop3A_1531, %parallel_loop3A_1532] {strides = array<i32>} : memref<2x2000xi32, #tpu.memory_space<vmem>>, vector<16xi32>,
      %parallel_loop3A_1534 = tpu.vector_load_idx %arg7[%parallel_loop3A_1529] : memref<100000xi32, #tpu.memory_space<vmem>>[vector<16xi32>], vector<16xi32>,
      %parallel_loop3A_1535 = tpu.vector_load_idx %arg7[%parallel_loop3A_1533] : memref<100000xi32, #tpu.memory_space<vmem>>[vector<16xi32>], vector<16xi32>,
      %parallel_loop3A_1536 = tpu.vector_load_idx %arg8[%parallel_loop3A_1534] : memref<128xf32, #tpu.memory_space<vmem>>[vector<16xi32>], vector<16xf32>,
      %parallel_loop3A_1537 = tpu.vector_load_idx %arg8[%parallel_loop3A_1535] : memref<128xf32, #tpu.memory_space<vmem>>[vector<16xi32>], vector<16xf32>,
      %parallel_loop3A_1538 = arith.mulf %parallel_loop3A_1536, %parallel_loop3A_1537 : vector<16xf32>
      %parallel_loop3A_1539 = arith.constant 0 : i32
      %parallel_loop3A_1540 = arith.index_cast %parallel_loop3A_1539 : i32 to index
      %parallel_loop3A_1541 = arith.index_cast %parallel_loop3A_1525 : i32 to index
      %parallel_loop3A_1542 = tpu.vector_load %arg11[%parallel_loop3A_1540, %parallel_loop3A_1541] {strides = array<i32>} : memref<2x2000xf32, #tpu.memory_space<vmem>>, vector<16xf32>,
      tpu.vector_store %arg11[%parallel_loop3A_1540, %parallel_loop3A_1541], %parallel_loop3A_1538 {strides = array<i32>} : memref<2x2000xf32, #tpu.memory_space<vmem>>, vector<16xf32>,
    } {sc.loop_unroll_factor = 5 : i64, sc.parallel_access}
    %add3A_906 = arith.constant 28000 : i32
    %add3A_907 = arith.addi %mul3A_2, %add3A_906 : i32
    %dma_start3A_908 = arith.constant 0 : i32
    %dma_start3A_909 = arith.constant 0 : i32
    %dma_start3A_910 = tpu.memref_slice %arg11[%dma_start3A_908, %dma_start3A_909] : memref<2x2000xf32, #tpu.memory_space<vmem>> -> memref<1x2000xf32, #tpu.memory_space<vmem>>
    %dma_start3A_911 = tpu.memref_squeeze %dma_start3A_910 : memref<1x2000xf32, #tpu.memory_space<vmem>> -> memref<2000xf32, #tpu.memory_space<vmem>>
    %dma_start3A_912 = tpu.memref_slice %arg6[%add3A_907] : memref<1600000xf32, #tpu.memory_space<hbm>> -> memref<2000xf32, #tpu.memory_space<hbm>>
    %dma_start3A_913 = tpu.memref_slice %arg6[%add3A_907] : memref<1600000xf32, #tpu.memory_space<hbm>> -> memref<2000xf32, #tpu.memory_space<hbm>>
    %dma_start3A_914 = arith.constant 0 : i32
    %dma_start3A_915 = tpu.memref_slice %arg11[%dma_start3A_908, %dma_start3A_914] : memref<2x2000xf32, #tpu.memory_space<vmem>> -> memref<1x2000xf32, #tpu.memory_space<vmem>>
    %dma_start3A_916 = tpu.memref_squeeze %dma_start3A_915 : memref<1x2000xf32, #tpu.memory_space<vmem>> -> memref<2000xf32, #tpu.memory_space<vmem>>
    tpu.enqueue_dma source(%dma_start3A_916 : memref<2000xf32, #tpu.memory_space<vmem>>) target(%dma_start3A_913 : memref<2000xf32, #tpu.memory_space<hbm>>) target_semaphore(%arg14 : memref<!tpu.dma_semaphore, #tpu.memory_space<semaphore_mem>>)
    %add3A_917 = arith.constant 32000 : i32
    %add3A_918 = arith.addi %mul3A_2, %add3A_917 : i32
    %dma_start3A_919 = arith.constant 0 : i32
    %dma_start3A_920 = arith.constant 0 : i32
    %dma_start3A_921 = tpu.memref_slice %arg9[%dma_start3A_919, %dma_start3A_920] : memref<2x2000xi32, #tpu.memory_space<vmem>> -> memref<1x2000xi32, #tpu.memory_space<vmem>>
    %dma_start3A_922 = tpu.memref_squeeze %dma_start3A_921 : memref<1x2000xi32, #tpu.memory_space<vmem>> -> memref<2000xi32, #tpu.memory_space<vmem>>
    %dma_start3A_923 = tpu.memref_slice %arg3[%add3A_918] : memref<1600000xi32, #tpu.memory_space<hbm>> -> memref<2000xi32, #tpu.memory_space<hbm>>
    %dma_start3A_924 = arith.constant 0 : i32
    %dma_start3A_925 = tpu.memref_slice %arg9[%dma_start3A_919, %dma_start3A_924] : memref<2x2000xi32, #tpu.memory_space<vmem>> -> memref<1x2000xi32, #tpu.memory_space<vmem>>
    %dma_start3A_926 = tpu.memref_squeeze %dma_start3A_925 : memref<1x2000xi32, #tpu.memory_space<vmem>> -> memref<2000xi32, #tpu.memory_space<vmem>>
    %dma_start3A_927 = tpu.memref_slice %arg3[%add3A_918] : memref<1600000xi32, #tpu.memory_space<hbm>> -> memref<2000xi32, #tpu.memory_space<hbm>>
    tpu.enqueue_dma source(%dma_start3A_927 : memref<2000xi32, #tpu.memory_space<hbm>>) target(%dma_start3A_926 : memref<2000xi32, #tpu.memory_space<vmem>>) target_semaphore(%arg12 : memref<!tpu.dma_semaphore, #tpu.memory_space<semaphore_mem>>)
    %dma_start3A_928 = arith.constant 0 : i32
    %dma_start3A_929 = arith.constant 0 : i32
    %dma_start3A_930 = tpu.memref_slice %arg10[%dma_start3A_928, %dma_start3A_929] : memref<2x2000xi32, #tpu.memory_space<vmem>> -> memref<1x2000xi32, #tpu.memory_space<vmem>>
    %dma_start3A_931 = tpu.memref_squeeze %dma_start3A_930 : memref<1x2000xi32, #tpu.memory_space<vmem>> -> memref<2000xi32, #tpu.memory_space<vmem>>
    %dma_start3A_932 = tpu.memref_slice %arg4[%add3A_918] : memref<1600000xi32, #tpu.memory_space<hbm>> -> memref<2000xi32, #tpu.memory_space<hbm>>
    %dma_start3A_933 = arith.constant 0 : i32
    %dma_start3A_934 = tpu.memref_slice %arg10[%dma_start3A_928, %dma_start3A_933] : memref<2x2000xi32, #tpu.memory_space<vmem>> -> memref<1x2000xi32, #tpu.memory_space<vmem>>
    %dma_start3A_935 = tpu.memref_squeeze %dma_start3A_934 : memref<1x2000xi32, #tpu.memory_space<vmem>> -> memref<2000xi32, #tpu.memory_space<vmem>>
    %dma_start3A_936 = tpu.memref_slice %arg4[%add3A_918] : memref<1600000xi32, #tpu.memory_space<hbm>> -> memref<2000xi32, #tpu.memory_space<hbm>>
    tpu.enqueue_dma source(%dma_start3A_936 : memref<2000xi32, #tpu.memory_space<hbm>>) target(%dma_start3A_935 : memref<2000xi32, #tpu.memory_space<vmem>>) target_semaphore(%arg12 : memref<!tpu.dma_semaphore, #tpu.memory_space<semaphore_mem>>)
    %dma_wait3A_937 = arith.constant 1 : i32
    %dma_wait3A_938 = arith.constant 0 : i32
    %dma_wait3A_939 = tpu.memref_slice %arg9[%dma_wait3A_937, %dma_wait3A_938] : memref<2x2000xi32, #tpu.memory_space<vmem>> -> memref<1x2000xi32, #tpu.memory_space<vmem>>
    %dma_wait3A_940 = tpu.memref_squeeze %dma_wait3A_939 : memref<1x2000xi32, #tpu.memory_space<vmem>> -> memref<2000xi32, #tpu.memory_space<vmem>>
    %dma_wait3A_941 = tpu.memref_slice %arg3[%add3A_857] : memref<1600000xi32, #tpu.memory_space<hbm>> -> memref<2000xi32, #tpu.memory_space<hbm>>
    %dma_wait3A_942 = arith.constant 0 : i32
    %dma_wait3A_943 = tpu.memref_slice %arg9[%dma_wait3A_937, %dma_wait3A_942] : memref<2x2000xi32, #tpu.memory_space<vmem>> -> memref<1x2000xi32, #tpu.memory_space<vmem>>
    %dma_wait3A_944 = tpu.memref_squeeze %dma_wait3A_943 : memref<1x2000xi32, #tpu.memory_space<vmem>> -> memref<2000xi32, #tpu.memory_space<vmem>>
    %dma_wait3A_945 = tpu.memref_slice %arg3[%add3A_857] : memref<1600000xi32, #tpu.memory_space<hbm>> -> memref<2000xi32, #tpu.memory_space<hbm>>
    tpu.wait_dma2 semaphore(%arg13 : memref<!tpu.dma_semaphore, #tpu.memory_space<semaphore_mem>>) src(%dma_wait3A_945 : memref<2000xi32, #tpu.memory_space<hbm>>) dst(%dma_wait3A_944 : memref<2000xi32, #tpu.memory_space<vmem>>)
    %dma_wait3A_946 = arith.constant 1 : i32
    %dma_wait3A_947 = arith.constant 0 : i32
    %dma_wait3A_948 = tpu.memref_slice %arg10[%dma_wait3A_946, %dma_wait3A_947] : memref<2x2000xi32, #tpu.memory_space<vmem>> -> memref<1x2000xi32, #tpu.memory_space<vmem>>
    %dma_wait3A_949 = tpu.memref_squeeze %dma_wait3A_948 : memref<1x2000xi32, #tpu.memory_space<vmem>> -> memref<2000xi32, #tpu.memory_space<vmem>>
    %dma_wait3A_950 = tpu.memref_slice %arg4[%add3A_857] : memref<1600000xi32, #tpu.memory_space<hbm>> -> memref<2000xi32, #tpu.memory_space<hbm>>
    %dma_wait3A_951 = arith.constant 0 : i32
    %dma_wait3A_952 = tpu.memref_slice %arg10[%dma_wait3A_946, %dma_wait3A_951] : memref<2x2000xi32, #tpu.memory_space<vmem>> -> memref<1x2000xi32, #tpu.memory_space<vmem>>
    %dma_wait3A_953 = tpu.memref_squeeze %dma_wait3A_952 : memref<1x2000xi32, #tpu.memory_space<vmem>> -> memref<2000xi32, #tpu.memory_space<vmem>>
    %dma_wait3A_954 = tpu.memref_slice %arg4[%add3A_857] : memref<1600000xi32, #tpu.memory_space<hbm>> -> memref<2000xi32, #tpu.memory_space<hbm>>
    tpu.wait_dma2 semaphore(%arg13 : memref<!tpu.dma_semaphore, #tpu.memory_space<semaphore_mem>>) src(%dma_wait3A_954 : memref<2000xi32, #tpu.memory_space<hbm>>) dst(%dma_wait3A_953 : memref<2000xi32, #tpu.memory_space<vmem>>)
    %dma_wait3A_955 = arith.constant 1 : i32
    %dma_wait3A_956 = arith.constant 0 : i32
    %dma_wait3A_957 = tpu.memref_slice %arg11[%dma_wait3A_955, %dma_wait3A_956] : memref<2x2000xf32, #tpu.memory_space<vmem>> -> memref<1x2000xf32, #tpu.memory_space<vmem>>
    %dma_wait3A_958 = tpu.memref_squeeze %dma_wait3A_957 : memref<1x2000xf32, #tpu.memory_space<vmem>> -> memref<2000xf32, #tpu.memory_space<vmem>>
    %dma_wait3A_959 = tpu.memref_slice %arg6[%add3A_846] : memref<1600000xf32, #tpu.memory_space<hbm>> -> memref<2000xf32, #tpu.memory_space<hbm>>
    %dma_wait3A_960 = tpu.memref_slice %arg6[%add3A_846] : memref<1600000xf32, #tpu.memory_space<hbm>> -> memref<2000xf32, #tpu.memory_space<hbm>>
    %dma_wait3A_961 = arith.constant 0 : i32
    %dma_wait3A_962 = tpu.memref_slice %arg11[%dma_wait3A_955, %dma_wait3A_961] : memref<2x2000xf32, #tpu.memory_space<vmem>> -> memref<1x2000xf32, #tpu.memory_space<vmem>>
    %dma_wait3A_963 = tpu.memref_squeeze %dma_wait3A_962 : memref<1x2000xf32, #tpu.memory_space<vmem>> -> memref<2000xf32, #tpu.memory_space<vmem>>
    tpu.wait_dma2 semaphore(%arg15 : memref<!tpu.dma_semaphore, #tpu.memory_space<semaphore_mem>>) src(%dma_wait3A_963 : memref<2000xf32, #tpu.memory_space<vmem>>) dst(%dma_wait3A_960 : memref<2000xf32, #tpu.memory_space<hbm>>)
    %parallel_loop3A_964 = arith.constant 0 : i32
    %parallel_loop3A_965 = arith.constant 2000 : i32
    %parallel_loop3A_966 = arith.constant 16 : i32
    scf.for %parallel_loop3A_1525 = %parallel_loop3A_964 to %parallel_loop3A_965 step %parallel_loop3A_966  : i32 {
      %parallel_loop3A_1526 = arith.constant 1 : i32
      %parallel_loop3A_1527 = arith.index_cast %parallel_loop3A_1526 : i32 to index
      %parallel_loop3A_1528 = arith.index_cast %parallel_loop3A_1525 : i32 to index
      %parallel_loop3A_1529 = tpu.vector_load %arg9[%parallel_loop3A_1527, %parallel_loop3A_1528] {strides = array<i32>} : memref<2x2000xi32, #tpu.memory_space<vmem>>, vector<16xi32>,
      %parallel_loop3A_1530 = arith.constant 1 : i32
      %parallel_loop3A_1531 = arith.index_cast %parallel_loop3A_1530 : i32 to index
      %parallel_loop3A_1532 = arith.index_cast %parallel_loop3A_1525 : i32 to index
      %parallel_loop3A_1533 = tpu.vector_load %arg10[%parallel_loop3A_1531, %parallel_loop3A_1532] {strides = array<i32>} : memref<2x2000xi32, #tpu.memory_space<vmem>>, vector<16xi32>,
      %parallel_loop3A_1534 = tpu.vector_load_idx %arg7[%parallel_loop3A_1529] : memref<100000xi32, #tpu.memory_space<vmem>>[vector<16xi32>], vector<16xi32>,
      %parallel_loop3A_1535 = tpu.vector_load_idx %arg7[%parallel_loop3A_1533] : memref<100000xi32, #tpu.memory_space<vmem>>[vector<16xi32>], vector<16xi32>,
      %parallel_loop3A_1536 = tpu.vector_load_idx %arg8[%parallel_loop3A_1534] : memref<128xf32, #tpu.memory_space<vmem>>[vector<16xi32>], vector<16xf32>,
      %parallel_loop3A_1537 = tpu.vector_load_idx %arg8[%parallel_loop3A_1535] : memref<128xf32, #tpu.memory_space<vmem>>[vector<16xi32>], vector<16xf32>,
      %parallel_loop3A_1538 = arith.mulf %parallel_loop3A_1536, %parallel_loop3A_1537 : vector<16xf32>
      %parallel_loop3A_1539 = arith.constant 1 : i32
      %parallel_loop3A_1540 = arith.index_cast %parallel_loop3A_1539 : i32 to index
      %parallel_loop3A_1541 = arith.index_cast %parallel_loop3A_1525 : i32 to index
      %parallel_loop3A_1542 = tpu.vector_load %arg11[%parallel_loop3A_1540, %parallel_loop3A_1541] {strides = array<i32>} : memref<2x2000xf32, #tpu.memory_space<vmem>>, vector<16xf32>,
      tpu.vector_store %arg11[%parallel_loop3A_1540, %parallel_loop3A_1541], %parallel_loop3A_1538 {strides = array<i32>} : memref<2x2000xf32, #tpu.memory_space<vmem>>, vector<16xf32>,
    } {sc.loop_unroll_factor = 5 : i64, sc.parallel_access}
    %add3A_967 = arith.constant 30000 : i32
    %add3A_968 = arith.addi %mul3A_2, %add3A_967 : i32
    %dma_start3A_969 = arith.constant 1 : i32
    %dma_start3A_970 = arith.constant 0 : i32
    %dma_start3A_971 = tpu.memref_slice %arg11[%dma_start3A_969, %dma_start3A_970] : memref<2x2000xf32, #tpu.memory_space<vmem>> -> memref<1x2000xf32, #tpu.memory_space<vmem>>
    %dma_start3A_972 = tpu.memref_squeeze %dma_start3A_971 : memref<1x2000xf32, #tpu.memory_space<vmem>> -> memref<2000xf32, #tpu.memory_space<vmem>>
    %dma_start3A_973 = tpu.memref_slice %arg6[%add3A_968] : memref<1600000xf32, #tpu.memory_space<hbm>> -> memref<2000xf32, #tpu.memory_space<hbm>>
    %dma_start3A_974 = tpu.memref_slice %arg6[%add3A_968] : memref<1600000xf32, #tpu.memory_space<hbm>> -> memref<2000xf32, #tpu.memory_space<hbm>>
    %dma_start3A_975 = arith.constant 0 : i32
    %dma_start3A_976 = tpu.memref_slice %arg11[%dma_start3A_969, %dma_start3A_975] : memref<2x2000xf32, #tpu.memory_space<vmem>> -> memref<1x2000xf32, #tpu.memory_space<vmem>>
    %dma_start3A_977 = tpu.memref_squeeze %dma_start3A_976 : memref<1x2000xf32, #tpu.memory_space<vmem>> -> memref<2000xf32, #tpu.memory_space<vmem>>
    tpu.enqueue_dma source(%dma_start3A_977 : memref<2000xf32, #tpu.memory_space<vmem>>) target(%dma_start3A_974 : memref<2000xf32, #tpu.memory_space<hbm>>) target_semaphore(%arg15 : memref<!tpu.dma_semaphore, #tpu.memory_space<semaphore_mem>>)
    %add3A_978 = arith.constant 34000 : i32
    %add3A_979 = arith.addi %mul3A_2, %add3A_978 : i32
    %dma_start3A_980 = arith.constant 1 : i32
    %dma_start3A_981 = arith.constant 0 : i32
    %dma_start3A_982 = tpu.memref_slice %arg9[%dma_start3A_980, %dma_start3A_981] : memref<2x2000xi32, #tpu.memory_space<vmem>> -> memref<1x2000xi32, #tpu.memory_space<vmem>>
    %dma_start3A_983 = tpu.memref_squeeze %dma_start3A_982 : memref<1x2000xi32, #tpu.memory_space<vmem>> -> memref<2000xi32, #tpu.memory_space<vmem>>
    %dma_start3A_984 = tpu.memref_slice %arg3[%add3A_979] : memref<1600000xi32, #tpu.memory_space<hbm>> -> memref<2000xi32, #tpu.memory_space<hbm>>
    %dma_start3A_985 = arith.constant 0 : i32
    %dma_start3A_986 = tpu.memref_slice %arg9[%dma_start3A_980, %dma_start3A_985] : memref<2x2000xi32, #tpu.memory_space<vmem>> -> memref<1x2000xi32, #tpu.memory_space<vmem>>
    %dma_start3A_987 = tpu.memref_squeeze %dma_start3A_986 : memref<1x2000xi32, #tpu.memory_space<vmem>> -> memref<2000xi32, #tpu.memory_space<vmem>>
    %dma_start3A_988 = tpu.memref_slice %arg3[%add3A_979] : memref<1600000xi32, #tpu.memory_space<hbm>> -> memref<2000xi32, #tpu.memory_space<hbm>>
    tpu.enqueue_dma source(%dma_start3A_988 : memref<2000xi32, #tpu.memory_space<hbm>>) target(%dma_start3A_987 : memref<2000xi32, #tpu.memory_space<vmem>>) target_semaphore(%arg13 : memref<!tpu.dma_semaphore, #tpu.memory_space<semaphore_mem>>)
    %dma_start3A_989 = arith.constant 1 : i32
    %dma_start3A_990 = arith.constant 0 : i32
    %dma_start3A_991 = tpu.memref_slice %arg10[%dma_start3A_989, %dma_start3A_990] : memref<2x2000xi32, #tpu.memory_space<vmem>> -> memref<1x2000xi32, #tpu.memory_space<vmem>>
    %dma_start3A_992 = tpu.memref_squeeze %dma_start3A_991 : memref<1x2000xi32, #tpu.memory_space<vmem>> -> memref<2000xi32, #tpu.memory_space<vmem>>
    %dma_start3A_993 = tpu.memref_slice %arg4[%add3A_979] : memref<1600000xi32, #tpu.memory_space<hbm>> -> memref<2000xi32, #tpu.memory_space<hbm>>
    %dma_start3A_994 = arith.constant 0 : i32
    %dma_start3A_995 = tpu.memref_slice %arg10[%dma_start3A_989, %dma_start3A_994] : memref<2x2000xi32, #tpu.memory_space<vmem>> -> memref<1x2000xi32, #tpu.memory_space<vmem>>
    %dma_start3A_996 = tpu.memref_squeeze %dma_start3A_995 : memref<1x2000xi32, #tpu.memory_space<vmem>> -> memref<2000xi32, #tpu.memory_space<vmem>>
    %dma_start3A_997 = tpu.memref_slice %arg4[%add3A_979] : memref<1600000xi32, #tpu.memory_space<hbm>> -> memref<2000xi32, #tpu.memory_space<hbm>>
    tpu.enqueue_dma source(%dma_start3A_997 : memref<2000xi32, #tpu.memory_space<hbm>>) target(%dma_start3A_996 : memref<2000xi32, #tpu.memory_space<vmem>>) target_semaphore(%arg13 : memref<!tpu.dma_semaphore, #tpu.memory_space<semaphore_mem>>)
    %dma_wait3A_998 = arith.constant 0 : i32
    %dma_wait3A_999 = arith.constant 0 : i32
    %dma_wait3A_1000 = tpu.memref_slice %arg9[%dma_wait3A_998, %dma_wait3A_999] : memref<2x2000xi32, #tpu.memory_space<vmem>> -> memref<1x2000xi32, #tpu.memory_space<vmem>>
    %dma_wait3A_1001 = tpu.memref_squeeze %dma_wait3A_1000 : memref<1x2000xi32, #tpu.memory_space<vmem>> -> memref<2000xi32, #tpu.memory_space<vmem>>
    %dma_wait3A_1002 = tpu.memref_slice %arg3[%add3A_918] : memref<1600000xi32, #tpu.memory_space<hbm>> -> memref<2000xi32, #tpu.memory_space<hbm>>
    %dma_wait3A_1003 = arith.constant 0 : i32
    %dma_wait3A_1004 = tpu.memref_slice %arg9[%dma_wait3A_998, %dma_wait3A_1003] : memref<2x2000xi32, #tpu.memory_space<vmem>> -> memref<1x2000xi32, #tpu.memory_space<vmem>>
    %dma_wait3A_1005 = tpu.memref_squeeze %dma_wait3A_1004 : memref<1x2000xi32, #tpu.memory_space<vmem>> -> memref<2000xi32, #tpu.memory_space<vmem>>
    %dma_wait3A_1006 = tpu.memref_slice %arg3[%add3A_918] : memref<1600000xi32, #tpu.memory_space<hbm>> -> memref<2000xi32, #tpu.memory_space<hbm>>
    tpu.wait_dma2 semaphore(%arg12 : memref<!tpu.dma_semaphore, #tpu.memory_space<semaphore_mem>>) src(%dma_wait3A_1006 : memref<2000xi32, #tpu.memory_space<hbm>>) dst(%dma_wait3A_1005 : memref<2000xi32, #tpu.memory_space<vmem>>)
    %dma_wait3A_1007 = arith.constant 0 : i32
    %dma_wait3A_1008 = arith.constant 0 : i32
    %dma_wait3A_1009 = tpu.memref_slice %arg10[%dma_wait3A_1007, %dma_wait3A_1008] : memref<2x2000xi32, #tpu.memory_space<vmem>> -> memref<1x2000xi32, #tpu.memory_space<vmem>>
    %dma_wait3A_1010 = tpu.memref_squeeze %dma_wait3A_1009 : memref<1x2000xi32, #tpu.memory_space<vmem>> -> memref<2000xi32, #tpu.memory_space<vmem>>
    %dma_wait3A_1011 = tpu.memref_slice %arg4[%add3A_918] : memref<1600000xi32, #tpu.memory_space<hbm>> -> memref<2000xi32, #tpu.memory_space<hbm>>
    %dma_wait3A_1012 = arith.constant 0 : i32
    %dma_wait3A_1013 = tpu.memref_slice %arg10[%dma_wait3A_1007, %dma_wait3A_1012] : memref<2x2000xi32, #tpu.memory_space<vmem>> -> memref<1x2000xi32, #tpu.memory_space<vmem>>
    %dma_wait3A_1014 = tpu.memref_squeeze %dma_wait3A_1013 : memref<1x2000xi32, #tpu.memory_space<vmem>> -> memref<2000xi32, #tpu.memory_space<vmem>>
    %dma_wait3A_1015 = tpu.memref_slice %arg4[%add3A_918] : memref<1600000xi32, #tpu.memory_space<hbm>> -> memref<2000xi32, #tpu.memory_space<hbm>>
    tpu.wait_dma2 semaphore(%arg12 : memref<!tpu.dma_semaphore, #tpu.memory_space<semaphore_mem>>) src(%dma_wait3A_1015 : memref<2000xi32, #tpu.memory_space<hbm>>) dst(%dma_wait3A_1014 : memref<2000xi32, #tpu.memory_space<vmem>>)
    %dma_wait3A_1016 = arith.constant 0 : i32
    %dma_wait3A_1017 = arith.constant 0 : i32
    %dma_wait3A_1018 = tpu.memref_slice %arg11[%dma_wait3A_1016, %dma_wait3A_1017] : memref<2x2000xf32, #tpu.memory_space<vmem>> -> memref<1x2000xf32, #tpu.memory_space<vmem>>
    %dma_wait3A_1019 = tpu.memref_squeeze %dma_wait3A_1018 : memref<1x2000xf32, #tpu.memory_space<vmem>> -> memref<2000xf32, #tpu.memory_space<vmem>>
    %dma_wait3A_1020 = tpu.memref_slice %arg6[%add3A_907] : memref<1600000xf32, #tpu.memory_space<hbm>> -> memref<2000xf32, #tpu.memory_space<hbm>>
    %dma_wait3A_1021 = tpu.memref_slice %arg6[%add3A_907] : memref<1600000xf32, #tpu.memory_space<hbm>> -> memref<2000xf32, #tpu.memory_space<hbm>>
    %dma_wait3A_1022 = arith.constant 0 : i32
    %dma_wait3A_1023 = tpu.memref_slice %arg11[%dma_wait3A_1016, %dma_wait3A_1022] : memref<2x2000xf32, #tpu.memory_space<vmem>> -> memref<1x2000xf32, #tpu.memory_space<vmem>>
    %dma_wait3A_1024 = tpu.memref_squeeze %dma_wait3A_1023 : memref<1x2000xf32, #tpu.memory_space<vmem>> -> memref<2000xf32, #tpu.memory_space<vmem>>
    tpu.wait_dma2 semaphore(%arg14 : memref<!tpu.dma_semaphore, #tpu.memory_space<semaphore_mem>>) src(%dma_wait3A_1024 : memref<2000xf32, #tpu.memory_space<vmem>>) dst(%dma_wait3A_1021 : memref<2000xf32, #tpu.memory_space<hbm>>)
    %parallel_loop3A_1025 = arith.constant 0 : i32
    %parallel_loop3A_1026 = arith.constant 2000 : i32
    %parallel_loop3A_1027 = arith.constant 16 : i32
    scf.for %parallel_loop3A_1525 = %parallel_loop3A_1025 to %parallel_loop3A_1026 step %parallel_loop3A_1027  : i32 {
      %parallel_loop3A_1526 = arith.constant 0 : i32
      %parallel_loop3A_1527 = arith.index_cast %parallel_loop3A_1526 : i32 to index
      %parallel_loop3A_1528 = arith.index_cast %parallel_loop3A_1525 : i32 to index
      %parallel_loop3A_1529 = tpu.vector_load %arg9[%parallel_loop3A_1527, %parallel_loop3A_1528] {strides = array<i32>} : memref<2x2000xi32, #tpu.memory_space<vmem>>, vector<16xi32>,
      %parallel_loop3A_1530 = arith.constant 0 : i32
      %parallel_loop3A_1531 = arith.index_cast %parallel_loop3A_1530 : i32 to index
      %parallel_loop3A_1532 = arith.index_cast %parallel_loop3A_1525 : i32 to index
      %parallel_loop3A_1533 = tpu.vector_load %arg10[%parallel_loop3A_1531, %parallel_loop3A_1532] {strides = array<i32>} : memref<2x2000xi32, #tpu.memory_space<vmem>>, vector<16xi32>,
      %parallel_loop3A_1534 = tpu.vector_load_idx %arg7[%parallel_loop3A_1529] : memref<100000xi32, #tpu.memory_space<vmem>>[vector<16xi32>], vector<16xi32>,
      %parallel_loop3A_1535 = tpu.vector_load_idx %arg7[%parallel_loop3A_1533] : memref<100000xi32, #tpu.memory_space<vmem>>[vector<16xi32>], vector<16xi32>,
      %parallel_loop3A_1536 = tpu.vector_load_idx %arg8[%parallel_loop3A_1534] : memref<128xf32, #tpu.memory_space<vmem>>[vector<16xi32>], vector<16xf32>,
      %parallel_loop3A_1537 = tpu.vector_load_idx %arg8[%parallel_loop3A_1535] : memref<128xf32, #tpu.memory_space<vmem>>[vector<16xi32>], vector<16xf32>,
      %parallel_loop3A_1538 = arith.mulf %parallel_loop3A_1536, %parallel_loop3A_1537 : vector<16xf32>
      %parallel_loop3A_1539 = arith.constant 0 : i32
      %parallel_loop3A_1540 = arith.index_cast %parallel_loop3A_1539 : i32 to index
      %parallel_loop3A_1541 = arith.index_cast %parallel_loop3A_1525 : i32 to index
      %parallel_loop3A_1542 = tpu.vector_load %arg11[%parallel_loop3A_1540, %parallel_loop3A_1541] {strides = array<i32>} : memref<2x2000xf32, #tpu.memory_space<vmem>>, vector<16xf32>,
      tpu.vector_store %arg11[%parallel_loop3A_1540, %parallel_loop3A_1541], %parallel_loop3A_1538 {strides = array<i32>} : memref<2x2000xf32, #tpu.memory_space<vmem>>, vector<16xf32>,
    } {sc.loop_unroll_factor = 5 : i64, sc.parallel_access}
    %add3A_1028 = arith.constant 32000 : i32
    %add3A_1029 = arith.addi %mul3A_2, %add3A_1028 : i32
    %dma_start3A_1030 = arith.constant 0 : i32
    %dma_start3A_1031 = arith.constant 0 : i32
    %dma_start3A_1032 = tpu.memref_slice %arg11[%dma_start3A_1030, %dma_start3A_1031] : memref<2x2000xf32, #tpu.memory_space<vmem>> -> memref<1x2000xf32, #tpu.memory_space<vmem>>
    %dma_start3A_1033 = tpu.memref_squeeze %dma_start3A_1032 : memref<1x2000xf32, #tpu.memory_space<vmem>> -> memref<2000xf32, #tpu.memory_space<vmem>>
    %dma_start3A_1034 = tpu.memref_slice %arg6[%add3A_1029] : memref<1600000xf32, #tpu.memory_space<hbm>> -> memref<2000xf32, #tpu.memory_space<hbm>>
    %dma_start3A_1035 = tpu.memref_slice %arg6[%add3A_1029] : memref<1600000xf32, #tpu.memory_space<hbm>> -> memref<2000xf32, #tpu.memory_space<hbm>>
    %dma_start3A_1036 = arith.constant 0 : i32
    %dma_start3A_1037 = tpu.memref_slice %arg11[%dma_start3A_1030, %dma_start3A_1036] : memref<2x2000xf32, #tpu.memory_space<vmem>> -> memref<1x2000xf32, #tpu.memory_space<vmem>>
    %dma_start3A_1038 = tpu.memref_squeeze %dma_start3A_1037 : memref<1x2000xf32, #tpu.memory_space<vmem>> -> memref<2000xf32, #tpu.memory_space<vmem>>
    tpu.enqueue_dma source(%dma_start3A_1038 : memref<2000xf32, #tpu.memory_space<vmem>>) target(%dma_start3A_1035 : memref<2000xf32, #tpu.memory_space<hbm>>) target_semaphore(%arg14 : memref<!tpu.dma_semaphore, #tpu.memory_space<semaphore_mem>>)
    %add3A_1039 = arith.constant 36000 : i32
    %add3A_1040 = arith.addi %mul3A_2, %add3A_1039 : i32
    %dma_start3A_1041 = arith.constant 0 : i32
    %dma_start3A_1042 = arith.constant 0 : i32
    %dma_start3A_1043 = tpu.memref_slice %arg9[%dma_start3A_1041, %dma_start3A_1042] : memref<2x2000xi32, #tpu.memory_space<vmem>> -> memref<1x2000xi32, #tpu.memory_space<vmem>>
    %dma_start3A_1044 = tpu.memref_squeeze %dma_start3A_1043 : memref<1x2000xi32, #tpu.memory_space<vmem>> -> memref<2000xi32, #tpu.memory_space<vmem>>
    %dma_start3A_1045 = tpu.memref_slice %arg3[%add3A_1040] : memref<1600000xi32, #tpu.memory_space<hbm>> -> memref<2000xi32, #tpu.memory_space<hbm>>
    %dma_start3A_1046 = arith.constant 0 : i32
    %dma_start3A_1047 = tpu.memref_slice %arg9[%dma_start3A_1041, %dma_start3A_1046] : memref<2x2000xi32, #tpu.memory_space<vmem>> -> memref<1x2000xi32, #tpu.memory_space<vmem>>
    %dma_start3A_1048 = tpu.memref_squeeze %dma_start3A_1047 : memref<1x2000xi32, #tpu.memory_space<vmem>> -> memref<2000xi32, #tpu.memory_space<vmem>>
    %dma_start3A_1049 = tpu.memref_slice %arg3[%add3A_1040] : memref<1600000xi32, #tpu.memory_space<hbm>> -> memref<2000xi32, #tpu.memory_space<hbm>>
    tpu.enqueue_dma source(%dma_start3A_1049 : memref<2000xi32, #tpu.memory_space<hbm>>) target(%dma_start3A_1048 : memref<2000xi32, #tpu.memory_space<vmem>>) target_semaphore(%arg12 : memref<!tpu.dma_semaphore, #tpu.memory_space<semaphore_mem>>)
    %dma_start3A_1050 = arith.constant 0 : i32
    %dma_start3A_1051 = arith.constant 0 : i32
    %dma_start3A_1052 = tpu.memref_slice %arg10[%dma_start3A_1050, %dma_start3A_1051] : memref<2x2000xi32, #tpu.memory_space<vmem>> -> memref<1x2000xi32, #tpu.memory_space<vmem>>
    %dma_start3A_1053 = tpu.memref_squeeze %dma_start3A_1052 : memref<1x2000xi32, #tpu.memory_space<vmem>> -> memref<2000xi32, #tpu.memory_space<vmem>>
    %dma_start3A_1054 = tpu.memref_slice %arg4[%add3A_1040] : memref<1600000xi32, #tpu.memory_space<hbm>> -> memref<2000xi32, #tpu.memory_space<hbm>>
    %dma_start3A_1055 = arith.constant 0 : i32
    %dma_start3A_1056 = tpu.memref_slice %arg10[%dma_start3A_1050, %dma_start3A_1055] : memref<2x2000xi32, #tpu.memory_space<vmem>> -> memref<1x2000xi32, #tpu.memory_space<vmem>>
    %dma_start3A_1057 = tpu.memref_squeeze %dma_start3A_1056 : memref<1x2000xi32, #tpu.memory_space<vmem>> -> memref<2000xi32, #tpu.memory_space<vmem>>
    %dma_start3A_1058 = tpu.memref_slice %arg4[%add3A_1040] : memref<1600000xi32, #tpu.memory_space<hbm>> -> memref<2000xi32, #tpu.memory_space<hbm>>
    tpu.enqueue_dma source(%dma_start3A_1058 : memref<2000xi32, #tpu.memory_space<hbm>>) target(%dma_start3A_1057 : memref<2000xi32, #tpu.memory_space<vmem>>) target_semaphore(%arg12 : memref<!tpu.dma_semaphore, #tpu.memory_space<semaphore_mem>>)
    %dma_wait3A_1059 = arith.constant 1 : i32
    %dma_wait3A_1060 = arith.constant 0 : i32
    %dma_wait3A_1061 = tpu.memref_slice %arg9[%dma_wait3A_1059, %dma_wait3A_1060] : memref<2x2000xi32, #tpu.memory_space<vmem>> -> memref<1x2000xi32, #tpu.memory_space<vmem>>
    %dma_wait3A_1062 = tpu.memref_squeeze %dma_wait3A_1061 : memref<1x2000xi32, #tpu.memory_space<vmem>> -> memref<2000xi32, #tpu.memory_space<vmem>>
    %dma_wait3A_1063 = tpu.memref_slice %arg3[%add3A_979] : memref<1600000xi32, #tpu.memory_space<hbm>> -> memref<2000xi32, #tpu.memory_space<hbm>>
    %dma_wait3A_1064 = arith.constant 0 : i32
    %dma_wait3A_1065 = tpu.memref_slice %arg9[%dma_wait3A_1059, %dma_wait3A_1064] : memref<2x2000xi32, #tpu.memory_space<vmem>> -> memref<1x2000xi32, #tpu.memory_space<vmem>>
    %dma_wait3A_1066 = tpu.memref_squeeze %dma_wait3A_1065 : memref<1x2000xi32, #tpu.memory_space<vmem>> -> memref<2000xi32, #tpu.memory_space<vmem>>
    %dma_wait3A_1067 = tpu.memref_slice %arg3[%add3A_979] : memref<1600000xi32, #tpu.memory_space<hbm>> -> memref<2000xi32, #tpu.memory_space<hbm>>
    tpu.wait_dma2 semaphore(%arg13 : memref<!tpu.dma_semaphore, #tpu.memory_space<semaphore_mem>>) src(%dma_wait3A_1067 : memref<2000xi32, #tpu.memory_space<hbm>>) dst(%dma_wait3A_1066 : memref<2000xi32, #tpu.memory_space<vmem>>)
    %dma_wait3A_1068 = arith.constant 1 : i32
    %dma_wait3A_1069 = arith.constant 0 : i32
    %dma_wait3A_1070 = tpu.memref_slice %arg10[%dma_wait3A_1068, %dma_wait3A_1069] : memref<2x2000xi32, #tpu.memory_space<vmem>> -> memref<1x2000xi32, #tpu.memory_space<vmem>>
    %dma_wait3A_1071 = tpu.memref_squeeze %dma_wait3A_1070 : memref<1x2000xi32, #tpu.memory_space<vmem>> -> memref<2000xi32, #tpu.memory_space<vmem>>
    %dma_wait3A_1072 = tpu.memref_slice %arg4[%add3A_979] : memref<1600000xi32, #tpu.memory_space<hbm>> -> memref<2000xi32, #tpu.memory_space<hbm>>
    %dma_wait3A_1073 = arith.constant 0 : i32
    %dma_wait3A_1074 = tpu.memref_slice %arg10[%dma_wait3A_1068, %dma_wait3A_1073] : memref<2x2000xi32, #tpu.memory_space<vmem>> -> memref<1x2000xi32, #tpu.memory_space<vmem>>
    %dma_wait3A_1075 = tpu.memref_squeeze %dma_wait3A_1074 : memref<1x2000xi32, #tpu.memory_space<vmem>> -> memref<2000xi32, #tpu.memory_space<vmem>>
    %dma_wait3A_1076 = tpu.memref_slice %arg4[%add3A_979] : memref<1600000xi32, #tpu.memory_space<hbm>> -> memref<2000xi32, #tpu.memory_space<hbm>>
    tpu.wait_dma2 semaphore(%arg13 : memref<!tpu.dma_semaphore, #tpu.memory_space<semaphore_mem>>) src(%dma_wait3A_1076 : memref<2000xi32, #tpu.memory_space<hbm>>) dst(%dma_wait3A_1075 : memref<2000xi32, #tpu.memory_space<vmem>>)
    %dma_wait3A_1077 = arith.constant 1 : i32
    %dma_wait3A_1078 = arith.constant 0 : i32
    %dma_wait3A_1079 = tpu.memref_slice %arg11[%dma_wait3A_1077, %dma_wait3A_1078] : memref<2x2000xf32, #tpu.memory_space<vmem>> -> memref<1x2000xf32, #tpu.memory_space<vmem>>
    %dma_wait3A_1080 = tpu.memref_squeeze %dma_wait3A_1079 : memref<1x2000xf32, #tpu.memory_space<vmem>> -> memref<2000xf32, #tpu.memory_space<vmem>>
    %dma_wait3A_1081 = tpu.memref_slice %arg6[%add3A_968] : memref<1600000xf32, #tpu.memory_space<hbm>> -> memref<2000xf32, #tpu.memory_space<hbm>>
    %dma_wait3A_1082 = tpu.memref_slice %arg6[%add3A_968] : memref<1600000xf32, #tpu.memory_space<hbm>> -> memref<2000xf32, #tpu.memory_space<hbm>>
    %dma_wait3A_1083 = arith.constant 0 : i32
    %dma_wait3A_1084 = tpu.memref_slice %arg11[%dma_wait3A_1077, %dma_wait3A_1083] : memref<2x2000xf32, #tpu.memory_space<vmem>> -> memref<1x2000xf32, #tpu.memory_space<vmem>>
    %dma_wait3A_1085 = tpu.memref_squeeze %dma_wait3A_1084 : memref<1x2000xf32, #tpu.memory_space<vmem>> -> memref<2000xf32, #tpu.memory_space<vmem>>
    tpu.wait_dma2 semaphore(%arg15 : memref<!tpu.dma_semaphore, #tpu.memory_space<semaphore_mem>>) src(%dma_wait3A_1085 : memref<2000xf32, #tpu.memory_space<vmem>>) dst(%dma_wait3A_1082 : memref<2000xf32, #tpu.memory_space<hbm>>)
    %parallel_loop3A_1086 = arith.constant 0 : i32
    %parallel_loop3A_1087 = arith.constant 2000 : i32
    %parallel_loop3A_1088 = arith.constant 16 : i32
    scf.for %parallel_loop3A_1525 = %parallel_loop3A_1086 to %parallel_loop3A_1087 step %parallel_loop3A_1088  : i32 {
      %parallel_loop3A_1526 = arith.constant 1 : i32
      %parallel_loop3A_1527 = arith.index_cast %parallel_loop3A_1526 : i32 to index
      %parallel_loop3A_1528 = arith.index_cast %parallel_loop3A_1525 : i32 to index
      %parallel_loop3A_1529 = tpu.vector_load %arg9[%parallel_loop3A_1527, %parallel_loop3A_1528] {strides = array<i32>} : memref<2x2000xi32, #tpu.memory_space<vmem>>, vector<16xi32>,
      %parallel_loop3A_1530 = arith.constant 1 : i32
      %parallel_loop3A_1531 = arith.index_cast %parallel_loop3A_1530 : i32 to index
      %parallel_loop3A_1532 = arith.index_cast %parallel_loop3A_1525 : i32 to index
      %parallel_loop3A_1533 = tpu.vector_load %arg10[%parallel_loop3A_1531, %parallel_loop3A_1532] {strides = array<i32>} : memref<2x2000xi32, #tpu.memory_space<vmem>>, vector<16xi32>,
      %parallel_loop3A_1534 = tpu.vector_load_idx %arg7[%parallel_loop3A_1529] : memref<100000xi32, #tpu.memory_space<vmem>>[vector<16xi32>], vector<16xi32>,
      %parallel_loop3A_1535 = tpu.vector_load_idx %arg7[%parallel_loop3A_1533] : memref<100000xi32, #tpu.memory_space<vmem>>[vector<16xi32>], vector<16xi32>,
      %parallel_loop3A_1536 = tpu.vector_load_idx %arg8[%parallel_loop3A_1534] : memref<128xf32, #tpu.memory_space<vmem>>[vector<16xi32>], vector<16xf32>,
      %parallel_loop3A_1537 = tpu.vector_load_idx %arg8[%parallel_loop3A_1535] : memref<128xf32, #tpu.memory_space<vmem>>[vector<16xi32>], vector<16xf32>,
      %parallel_loop3A_1538 = arith.mulf %parallel_loop3A_1536, %parallel_loop3A_1537 : vector<16xf32>
      %parallel_loop3A_1539 = arith.constant 1 : i32
      %parallel_loop3A_1540 = arith.index_cast %parallel_loop3A_1539 : i32 to index
      %parallel_loop3A_1541 = arith.index_cast %parallel_loop3A_1525 : i32 to index
      %parallel_loop3A_1542 = tpu.vector_load %arg11[%parallel_loop3A_1540, %parallel_loop3A_1541] {strides = array<i32>} : memref<2x2000xf32, #tpu.memory_space<vmem>>, vector<16xf32>,
      tpu.vector_store %arg11[%parallel_loop3A_1540, %parallel_loop3A_1541], %parallel_loop3A_1538 {strides = array<i32>} : memref<2x2000xf32, #tpu.memory_space<vmem>>, vector<16xf32>,
    } {sc.loop_unroll_factor = 5 : i64, sc.parallel_access}
    %add3A_1089 = arith.constant 34000 : i32
    %add3A_1090 = arith.addi %mul3A_2, %add3A_1089 : i32
    %dma_start3A_1091 = arith.constant 1 : i32
    %dma_start3A_1092 = arith.constant 0 : i32
    %dma_start3A_1093 = tpu.memref_slice %arg11[%dma_start3A_1091, %dma_start3A_1092] : memref<2x2000xf32, #tpu.memory_space<vmem>> -> memref<1x2000xf32, #tpu.memory_space<vmem>>
    %dma_start3A_1094 = tpu.memref_squeeze %dma_start3A_1093 : memref<1x2000xf32, #tpu.memory_space<vmem>> -> memref<2000xf32, #tpu.memory_space<vmem>>
    %dma_start3A_1095 = tpu.memref_slice %arg6[%add3A_1090] : memref<1600000xf32, #tpu.memory_space<hbm>> -> memref<2000xf32, #tpu.memory_space<hbm>>
    %dma_start3A_1096 = tpu.memref_slice %arg6[%add3A_1090] : memref<1600000xf32, #tpu.memory_space<hbm>> -> memref<2000xf32, #tpu.memory_space<hbm>>
    %dma_start3A_1097 = arith.constant 0 : i32
    %dma_start3A_1098 = tpu.memref_slice %arg11[%dma_start3A_1091, %dma_start3A_1097] : memref<2x2000xf32, #tpu.memory_space<vmem>> -> memref<1x2000xf32, #tpu.memory_space<vmem>>
    %dma_start3A_1099 = tpu.memref_squeeze %dma_start3A_1098 : memref<1x2000xf32, #tpu.memory_space<vmem>> -> memref<2000xf32, #tpu.memory_space<vmem>>
    tpu.enqueue_dma source(%dma_start3A_1099 : memref<2000xf32, #tpu.memory_space<vmem>>) target(%dma_start3A_1096 : memref<2000xf32, #tpu.memory_space<hbm>>) target_semaphore(%arg15 : memref<!tpu.dma_semaphore, #tpu.memory_space<semaphore_mem>>)
    %add3A_1100 = arith.constant 38000 : i32
    %add3A_1101 = arith.addi %mul3A_2, %add3A_1100 : i32
    %dma_start3A_1102 = arith.constant 1 : i32
    %dma_start3A_1103 = arith.constant 0 : i32
    %dma_start3A_1104 = tpu.memref_slice %arg9[%dma_start3A_1102, %dma_start3A_1103] : memref<2x2000xi32, #tpu.memory_space<vmem>> -> memref<1x2000xi32, #tpu.memory_space<vmem>>
    %dma_start3A_1105 = tpu.memref_squeeze %dma_start3A_1104 : memref<1x2000xi32, #tpu.memory_space<vmem>> -> memref<2000xi32, #tpu.memory_space<vmem>>
    %dma_start3A_1106 = tpu.memref_slice %arg3[%add3A_1101] : memref<1600000xi32, #tpu.memory_space<hbm>> -> memref<2000xi32, #tpu.memory_space<hbm>>
    %dma_start3A_1107 = arith.constant 0 : i32
    %dma_start3A_1108 = tpu.memref_slice %arg9[%dma_start3A_1102, %dma_start3A_1107] : memref<2x2000xi32, #tpu.memory_space<vmem>> -> memref<1x2000xi32, #tpu.memory_space<vmem>>
    %dma_start3A_1109 = tpu.memref_squeeze %dma_start3A_1108 : memref<1x2000xi32, #tpu.memory_space<vmem>> -> memref<2000xi32, #tpu.memory_space<vmem>>
    %dma_start3A_1110 = tpu.memref_slice %arg3[%add3A_1101] : memref<1600000xi32, #tpu.memory_space<hbm>> -> memref<2000xi32, #tpu.memory_space<hbm>>
    tpu.enqueue_dma source(%dma_start3A_1110 : memref<2000xi32, #tpu.memory_space<hbm>>) target(%dma_start3A_1109 : memref<2000xi32, #tpu.memory_space<vmem>>) target_semaphore(%arg13 : memref<!tpu.dma_semaphore, #tpu.memory_space<semaphore_mem>>)
    %dma_start3A_1111 = arith.constant 1 : i32
    %dma_start3A_1112 = arith.constant 0 : i32
    %dma_start3A_1113 = tpu.memref_slice %arg10[%dma_start3A_1111, %dma_start3A_1112] : memref<2x2000xi32, #tpu.memory_space<vmem>> -> memref<1x2000xi32, #tpu.memory_space<vmem>>
    %dma_start3A_1114 = tpu.memref_squeeze %dma_start3A_1113 : memref<1x2000xi32, #tpu.memory_space<vmem>> -> memref<2000xi32, #tpu.memory_space<vmem>>
    %dma_start3A_1115 = tpu.memref_slice %arg4[%add3A_1101] : memref<1600000xi32, #tpu.memory_space<hbm>> -> memref<2000xi32, #tpu.memory_space<hbm>>
    %dma_start3A_1116 = arith.constant 0 : i32
    %dma_start3A_1117 = tpu.memref_slice %arg10[%dma_start3A_1111, %dma_start3A_1116] : memref<2x2000xi32, #tpu.memory_space<vmem>> -> memref<1x2000xi32, #tpu.memory_space<vmem>>
    %dma_start3A_1118 = tpu.memref_squeeze %dma_start3A_1117 : memref<1x2000xi32, #tpu.memory_space<vmem>> -> memref<2000xi32, #tpu.memory_space<vmem>>
    %dma_start3A_1119 = tpu.memref_slice %arg4[%add3A_1101] : memref<1600000xi32, #tpu.memory_space<hbm>> -> memref<2000xi32, #tpu.memory_space<hbm>>
    tpu.enqueue_dma source(%dma_start3A_1119 : memref<2000xi32, #tpu.memory_space<hbm>>) target(%dma_start3A_1118 : memref<2000xi32, #tpu.memory_space<vmem>>) target_semaphore(%arg13 : memref<!tpu.dma_semaphore, #tpu.memory_space<semaphore_mem>>)
    %dma_wait3A_1120 = arith.constant 0 : i32
    %dma_wait3A_1121 = arith.constant 0 : i32
    %dma_wait3A_1122 = tpu.memref_slice %arg9[%dma_wait3A_1120, %dma_wait3A_1121] : memref<2x2000xi32, #tpu.memory_space<vmem>> -> memref<1x2000xi32, #tpu.memory_space<vmem>>
    %dma_wait3A_1123 = tpu.memref_squeeze %dma_wait3A_1122 : memref<1x2000xi32, #tpu.memory_space<vmem>> -> memref<2000xi32, #tpu.memory_space<vmem>>
    %dma_wait3A_1124 = tpu.memref_slice %arg3[%add3A_1040] : memref<1600000xi32, #tpu.memory_space<hbm>> -> memref<2000xi32, #tpu.memory_space<hbm>>
    %dma_wait3A_1125 = arith.constant 0 : i32
    %dma_wait3A_1126 = tpu.memref_slice %arg9[%dma_wait3A_1120, %dma_wait3A_1125] : memref<2x2000xi32, #tpu.memory_space<vmem>> -> memref<1x2000xi32, #tpu.memory_space<vmem>>
    %dma_wait3A_1127 = tpu.memref_squeeze %dma_wait3A_1126 : memref<1x2000xi32, #tpu.memory_space<vmem>> -> memref<2000xi32, #tpu.memory_space<vmem>>
    %dma_wait3A_1128 = tpu.memref_slice %arg3[%add3A_1040] : memref<1600000xi32, #tpu.memory_space<hbm>> -> memref<2000xi32, #tpu.memory_space<hbm>>
    tpu.wait_dma2 semaphore(%arg12 : memref<!tpu.dma_semaphore, #tpu.memory_space<semaphore_mem>>) src(%dma_wait3A_1128 : memref<2000xi32, #tpu.memory_space<hbm>>) dst(%dma_wait3A_1127 : memref<2000xi32, #tpu.memory_space<vmem>>)
    %dma_wait3A_1129 = arith.constant 0 : i32
    %dma_wait3A_1130 = arith.constant 0 : i32
    %dma_wait3A_1131 = tpu.memref_slice %arg10[%dma_wait3A_1129, %dma_wait3A_1130] : memref<2x2000xi32, #tpu.memory_space<vmem>> -> memref<1x2000xi32, #tpu.memory_space<vmem>>
    %dma_wait3A_1132 = tpu.memref_squeeze %dma_wait3A_1131 : memref<1x2000xi32, #tpu.memory_space<vmem>> -> memref<2000xi32, #tpu.memory_space<vmem>>
    %dma_wait3A_1133 = tpu.memref_slice %arg4[%add3A_1040] : memref<1600000xi32, #tpu.memory_space<hbm>> -> memref<2000xi32, #tpu.memory_space<hbm>>
    %dma_wait3A_1134 = arith.constant 0 : i32
    %dma_wait3A_1135 = tpu.memref_slice %arg10[%dma_wait3A_1129, %dma_wait3A_1134] : memref<2x2000xi32, #tpu.memory_space<vmem>> -> memref<1x2000xi32, #tpu.memory_space<vmem>>
    %dma_wait3A_1136 = tpu.memref_squeeze %dma_wait3A_1135 : memref<1x2000xi32, #tpu.memory_space<vmem>> -> memref<2000xi32, #tpu.memory_space<vmem>>
    %dma_wait3A_1137 = tpu.memref_slice %arg4[%add3A_1040] : memref<1600000xi32, #tpu.memory_space<hbm>> -> memref<2000xi32, #tpu.memory_space<hbm>>
    tpu.wait_dma2 semaphore(%arg12 : memref<!tpu.dma_semaphore, #tpu.memory_space<semaphore_mem>>) src(%dma_wait3A_1137 : memref<2000xi32, #tpu.memory_space<hbm>>) dst(%dma_wait3A_1136 : memref<2000xi32, #tpu.memory_space<vmem>>)
    %dma_wait3A_1138 = arith.constant 0 : i32
    %dma_wait3A_1139 = arith.constant 0 : i32
    %dma_wait3A_1140 = tpu.memref_slice %arg11[%dma_wait3A_1138, %dma_wait3A_1139] : memref<2x2000xf32, #tpu.memory_space<vmem>> -> memref<1x2000xf32, #tpu.memory_space<vmem>>
    %dma_wait3A_1141 = tpu.memref_squeeze %dma_wait3A_1140 : memref<1x2000xf32, #tpu.memory_space<vmem>> -> memref<2000xf32, #tpu.memory_space<vmem>>
    %dma_wait3A_1142 = tpu.memref_slice %arg6[%add3A_1029] : memref<1600000xf32, #tpu.memory_space<hbm>> -> memref<2000xf32, #tpu.memory_space<hbm>>
    %dma_wait3A_1143 = tpu.memref_slice %arg6[%add3A_1029] : memref<1600000xf32, #tpu.memory_space<hbm>> -> memref<2000xf32, #tpu.memory_space<hbm>>
    %dma_wait3A_1144 = arith.constant 0 : i32
    %dma_wait3A_1145 = tpu.memref_slice %arg11[%dma_wait3A_1138, %dma_wait3A_1144] : memref<2x2000xf32, #tpu.memory_space<vmem>> -> memref<1x2000xf32, #tpu.memory_space<vmem>>
    %dma_wait3A_1146 = tpu.memref_squeeze %dma_wait3A_1145 : memref<1x2000xf32, #tpu.memory_space<vmem>> -> memref<2000xf32, #tpu.memory_space<vmem>>
    tpu.wait_dma2 semaphore(%arg14 : memref<!tpu.dma_semaphore, #tpu.memory_space<semaphore_mem>>) src(%dma_wait3A_1146 : memref<2000xf32, #tpu.memory_space<vmem>>) dst(%dma_wait3A_1143 : memref<2000xf32, #tpu.memory_space<hbm>>)
    %parallel_loop3A_1147 = arith.constant 0 : i32
    %parallel_loop3A_1148 = arith.constant 2000 : i32
    %parallel_loop3A_1149 = arith.constant 16 : i32
    scf.for %parallel_loop3A_1525 = %parallel_loop3A_1147 to %parallel_loop3A_1148 step %parallel_loop3A_1149  : i32 {
      %parallel_loop3A_1526 = arith.constant 0 : i32
      %parallel_loop3A_1527 = arith.index_cast %parallel_loop3A_1526 : i32 to index
      %parallel_loop3A_1528 = arith.index_cast %parallel_loop3A_1525 : i32 to index
      %parallel_loop3A_1529 = tpu.vector_load %arg9[%parallel_loop3A_1527, %parallel_loop3A_1528] {strides = array<i32>} : memref<2x2000xi32, #tpu.memory_space<vmem>>, vector<16xi32>,
      %parallel_loop3A_1530 = arith.constant 0 : i32
      %parallel_loop3A_1531 = arith.index_cast %parallel_loop3A_1530 : i32 to index
      %parallel_loop3A_1532 = arith.index_cast %parallel_loop3A_1525 : i32 to index
      %parallel_loop3A_1533 = tpu.vector_load %arg10[%parallel_loop3A_1531, %parallel_loop3A_1532] {strides = array<i32>} : memref<2x2000xi32, #tpu.memory_space<vmem>>, vector<16xi32>,
      %parallel_loop3A_1534 = tpu.vector_load_idx %arg7[%parallel_loop3A_1529] : memref<100000xi32, #tpu.memory_space<vmem>>[vector<16xi32>], vector<16xi32>,
      %parallel_loop3A_1535 = tpu.vector_load_idx %arg7[%parallel_loop3A_1533] : memref<100000xi32, #tpu.memory_space<vmem>>[vector<16xi32>], vector<16xi32>,
      %parallel_loop3A_1536 = tpu.vector_load_idx %arg8[%parallel_loop3A_1534] : memref<128xf32, #tpu.memory_space<vmem>>[vector<16xi32>], vector<16xf32>,
      %parallel_loop3A_1537 = tpu.vector_load_idx %arg8[%parallel_loop3A_1535] : memref<128xf32, #tpu.memory_space<vmem>>[vector<16xi32>], vector<16xf32>,
      %parallel_loop3A_1538 = arith.mulf %parallel_loop3A_1536, %parallel_loop3A_1537 : vector<16xf32>
      %parallel_loop3A_1539 = arith.constant 0 : i32
      %parallel_loop3A_1540 = arith.index_cast %parallel_loop3A_1539 : i32 to index
      %parallel_loop3A_1541 = arith.index_cast %parallel_loop3A_1525 : i32 to index
      %parallel_loop3A_1542 = tpu.vector_load %arg11[%parallel_loop3A_1540, %parallel_loop3A_1541] {strides = array<i32>} : memref<2x2000xf32, #tpu.memory_space<vmem>>, vector<16xf32>,
      tpu.vector_store %arg11[%parallel_loop3A_1540, %parallel_loop3A_1541], %parallel_loop3A_1538 {strides = array<i32>} : memref<2x2000xf32, #tpu.memory_space<vmem>>, vector<16xf32>,
    } {sc.loop_unroll_factor = 5 : i64, sc.parallel_access}
    %add3A_1150 = arith.constant 36000 : i32
    %add3A_1151 = arith.addi %mul3A_2, %add3A_1150 : i32
    %dma_start3A_1152 = arith.constant 0 : i32
    %dma_start3A_1153 = arith.constant 0 : i32
    %dma_start3A_1154 = tpu.memref_slice %arg11[%dma_start3A_1152, %dma_start3A_1153] : memref<2x2000xf32, #tpu.memory_space<vmem>> -> memref<1x2000xf32, #tpu.memory_space<vmem>>
    %dma_start3A_1155 = tpu.memref_squeeze %dma_start3A_1154 : memref<1x2000xf32, #tpu.memory_space<vmem>> -> memref<2000xf32, #tpu.memory_space<vmem>>
    %dma_start3A_1156 = tpu.memref_slice %arg6[%add3A_1151] : memref<1600000xf32, #tpu.memory_space<hbm>> -> memref<2000xf32, #tpu.memory_space<hbm>>
    %dma_start3A_1157 = tpu.memref_slice %arg6[%add3A_1151] : memref<1600000xf32, #tpu.memory_space<hbm>> -> memref<2000xf32, #tpu.memory_space<hbm>>
    %dma_start3A_1158 = arith.constant 0 : i32
    %dma_start3A_1159 = tpu.memref_slice %arg11[%dma_start3A_1152, %dma_start3A_1158] : memref<2x2000xf32, #tpu.memory_space<vmem>> -> memref<1x2000xf32, #tpu.memory_space<vmem>>
    %dma_start3A_1160 = tpu.memref_squeeze %dma_start3A_1159 : memref<1x2000xf32, #tpu.memory_space<vmem>> -> memref<2000xf32, #tpu.memory_space<vmem>>
    tpu.enqueue_dma source(%dma_start3A_1160 : memref<2000xf32, #tpu.memory_space<vmem>>) target(%dma_start3A_1157 : memref<2000xf32, #tpu.memory_space<hbm>>) target_semaphore(%arg14 : memref<!tpu.dma_semaphore, #tpu.memory_space<semaphore_mem>>)
    %add3A_1161 = arith.constant 40000 : i32
    %add3A_1162 = arith.addi %mul3A_2, %add3A_1161 : i32
    %dma_start3A_1163 = arith.constant 0 : i32
    %dma_start3A_1164 = arith.constant 0 : i32
    %dma_start3A_1165 = tpu.memref_slice %arg9[%dma_start3A_1163, %dma_start3A_1164] : memref<2x2000xi32, #tpu.memory_space<vmem>> -> memref<1x2000xi32, #tpu.memory_space<vmem>>
    %dma_start3A_1166 = tpu.memref_squeeze %dma_start3A_1165 : memref<1x2000xi32, #tpu.memory_space<vmem>> -> memref<2000xi32, #tpu.memory_space<vmem>>
    %dma_start3A_1167 = tpu.memref_slice %arg3[%add3A_1162] : memref<1600000xi32, #tpu.memory_space<hbm>> -> memref<2000xi32, #tpu.memory_space<hbm>>
    %dma_start3A_1168 = arith.constant 0 : i32
    %dma_start3A_1169 = tpu.memref_slice %arg9[%dma_start3A_1163, %dma_start3A_1168] : memref<2x2000xi32, #tpu.memory_space<vmem>> -> memref<1x2000xi32, #tpu.memory_space<vmem>>
    %dma_start3A_1170 = tpu.memref_squeeze %dma_start3A_1169 : memref<1x2000xi32, #tpu.memory_space<vmem>> -> memref<2000xi32, #tpu.memory_space<vmem>>
    %dma_start3A_1171 = tpu.memref_slice %arg3[%add3A_1162] : memref<1600000xi32, #tpu.memory_space<hbm>> -> memref<2000xi32, #tpu.memory_space<hbm>>
    tpu.enqueue_dma source(%dma_start3A_1171 : memref<2000xi32, #tpu.memory_space<hbm>>) target(%dma_start3A_1170 : memref<2000xi32, #tpu.memory_space<vmem>>) target_semaphore(%arg12 : memref<!tpu.dma_semaphore, #tpu.memory_space<semaphore_mem>>)
    %dma_start3A_1172 = arith.constant 0 : i32
    %dma_start3A_1173 = arith.constant 0 : i32
    %dma_start3A_1174 = tpu.memref_slice %arg10[%dma_start3A_1172, %dma_start3A_1173] : memref<2x2000xi32, #tpu.memory_space<vmem>> -> memref<1x2000xi32, #tpu.memory_space<vmem>>
    %dma_start3A_1175 = tpu.memref_squeeze %dma_start3A_1174 : memref<1x2000xi32, #tpu.memory_space<vmem>> -> memref<2000xi32, #tpu.memory_space<vmem>>
    %dma_start3A_1176 = tpu.memref_slice %arg4[%add3A_1162] : memref<1600000xi32, #tpu.memory_space<hbm>> -> memref<2000xi32, #tpu.memory_space<hbm>>
    %dma_start3A_1177 = arith.constant 0 : i32
    %dma_start3A_1178 = tpu.memref_slice %arg10[%dma_start3A_1172, %dma_start3A_1177] : memref<2x2000xi32, #tpu.memory_space<vmem>> -> memref<1x2000xi32, #tpu.memory_space<vmem>>
    %dma_start3A_1179 = tpu.memref_squeeze %dma_start3A_1178 : memref<1x2000xi32, #tpu.memory_space<vmem>> -> memref<2000xi32, #tpu.memory_space<vmem>>
    %dma_start3A_1180 = tpu.memref_slice %arg4[%add3A_1162] : memref<1600000xi32, #tpu.memory_space<hbm>> -> memref<2000xi32, #tpu.memory_space<hbm>>
    tpu.enqueue_dma source(%dma_start3A_1180 : memref<2000xi32, #tpu.memory_space<hbm>>) target(%dma_start3A_1179 : memref<2000xi32, #tpu.memory_space<vmem>>) target_semaphore(%arg12 : memref<!tpu.dma_semaphore, #tpu.memory_space<semaphore_mem>>)
    %dma_wait3A_1181 = arith.constant 1 : i32
    %dma_wait3A_1182 = arith.constant 0 : i32
    %dma_wait3A_1183 = tpu.memref_slice %arg9[%dma_wait3A_1181, %dma_wait3A_1182] : memref<2x2000xi32, #tpu.memory_space<vmem>> -> memref<1x2000xi32, #tpu.memory_space<vmem>>
    %dma_wait3A_1184 = tpu.memref_squeeze %dma_wait3A_1183 : memref<1x2000xi32, #tpu.memory_space<vmem>> -> memref<2000xi32, #tpu.memory_space<vmem>>
    %dma_wait3A_1185 = tpu.memref_slice %arg3[%add3A_1101] : memref<1600000xi32, #tpu.memory_space<hbm>> -> memref<2000xi32, #tpu.memory_space<hbm>>
    %dma_wait3A_1186 = arith.constant 0 : i32
    %dma_wait3A_1187 = tpu.memref_slice %arg9[%dma_wait3A_1181, %dma_wait3A_1186] : memref<2x2000xi32, #tpu.memory_space<vmem>> -> memref<1x2000xi32, #tpu.memory_space<vmem>>
    %dma_wait3A_1188 = tpu.memref_squeeze %dma_wait3A_1187 : memref<1x2000xi32, #tpu.memory_space<vmem>> -> memref<2000xi32, #tpu.memory_space<vmem>>
    %dma_wait3A_1189 = tpu.memref_slice %arg3[%add3A_1101] : memref<1600000xi32, #tpu.memory_space<hbm>> -> memref<2000xi32, #tpu.memory_space<hbm>>
    tpu.wait_dma2 semaphore(%arg13 : memref<!tpu.dma_semaphore, #tpu.memory_space<semaphore_mem>>) src(%dma_wait3A_1189 : memref<2000xi32, #tpu.memory_space<hbm>>) dst(%dma_wait3A_1188 : memref<2000xi32, #tpu.memory_space<vmem>>)
    %dma_wait3A_1190 = arith.constant 1 : i32
    %dma_wait3A_1191 = arith.constant 0 : i32
    %dma_wait3A_1192 = tpu.memref_slice %arg10[%dma_wait3A_1190, %dma_wait3A_1191] : memref<2x2000xi32, #tpu.memory_space<vmem>> -> memref<1x2000xi32, #tpu.memory_space<vmem>>
    %dma_wait3A_1193 = tpu.memref_squeeze %dma_wait3A_1192 : memref<1x2000xi32, #tpu.memory_space<vmem>> -> memref<2000xi32, #tpu.memory_space<vmem>>
    %dma_wait3A_1194 = tpu.memref_slice %arg4[%add3A_1101] : memref<1600000xi32, #tpu.memory_space<hbm>> -> memref<2000xi32, #tpu.memory_space<hbm>>
    %dma_wait3A_1195 = arith.constant 0 : i32
    %dma_wait3A_1196 = tpu.memref_slice %arg10[%dma_wait3A_1190, %dma_wait3A_1195] : memref<2x2000xi32, #tpu.memory_space<vmem>> -> memref<1x2000xi32, #tpu.memory_space<vmem>>
    %dma_wait3A_1197 = tpu.memref_squeeze %dma_wait3A_1196 : memref<1x2000xi32, #tpu.memory_space<vmem>> -> memref<2000xi32, #tpu.memory_space<vmem>>
    %dma_wait3A_1198 = tpu.memref_slice %arg4[%add3A_1101] : memref<1600000xi32, #tpu.memory_space<hbm>> -> memref<2000xi32, #tpu.memory_space<hbm>>
    tpu.wait_dma2 semaphore(%arg13 : memref<!tpu.dma_semaphore, #tpu.memory_space<semaphore_mem>>) src(%dma_wait3A_1198 : memref<2000xi32, #tpu.memory_space<hbm>>) dst(%dma_wait3A_1197 : memref<2000xi32, #tpu.memory_space<vmem>>)
    %dma_wait3A_1199 = arith.constant 1 : i32
    %dma_wait3A_1200 = arith.constant 0 : i32
    %dma_wait3A_1201 = tpu.memref_slice %arg11[%dma_wait3A_1199, %dma_wait3A_1200] : memref<2x2000xf32, #tpu.memory_space<vmem>> -> memref<1x2000xf32, #tpu.memory_space<vmem>>
    %dma_wait3A_1202 = tpu.memref_squeeze %dma_wait3A_1201 : memref<1x2000xf32, #tpu.memory_space<vmem>> -> memref<2000xf32, #tpu.memory_space<vmem>>
    %dma_wait3A_1203 = tpu.memref_slice %arg6[%add3A_1090] : memref<1600000xf32, #tpu.memory_space<hbm>> -> memref<2000xf32, #tpu.memory_space<hbm>>
    %dma_wait3A_1204 = tpu.memref_slice %arg6[%add3A_1090] : memref<1600000xf32, #tpu.memory_space<hbm>> -> memref<2000xf32, #tpu.memory_space<hbm>>
    %dma_wait3A_1205 = arith.constant 0 : i32
    %dma_wait3A_1206 = tpu.memref_slice %arg11[%dma_wait3A_1199, %dma_wait3A_1205] : memref<2x2000xf32, #tpu.memory_space<vmem>> -> memref<1x2000xf32, #tpu.memory_space<vmem>>
    %dma_wait3A_1207 = tpu.memref_squeeze %dma_wait3A_1206 : memref<1x2000xf32, #tpu.memory_space<vmem>> -> memref<2000xf32, #tpu.memory_space<vmem>>
    tpu.wait_dma2 semaphore(%arg15 : memref<!tpu.dma_semaphore, #tpu.memory_space<semaphore_mem>>) src(%dma_wait3A_1207 : memref<2000xf32, #tpu.memory_space<vmem>>) dst(%dma_wait3A_1204 : memref<2000xf32, #tpu.memory_space<hbm>>)
    %parallel_loop3A_1208 = arith.constant 0 : i32
    %parallel_loop3A_1209 = arith.constant 2000 : i32
    %parallel_loop3A_1210 = arith.constant 16 : i32
    scf.for %parallel_loop3A_1525 = %parallel_loop3A_1208 to %parallel_loop3A_1209 step %parallel_loop3A_1210  : i32 {
      %parallel_loop3A_1526 = arith.constant 1 : i32
      %parallel_loop3A_1527 = arith.index_cast %parallel_loop3A_1526 : i32 to index
      %parallel_loop3A_1528 = arith.index_cast %parallel_loop3A_1525 : i32 to index
      %parallel_loop3A_1529 = tpu.vector_load %arg9[%parallel_loop3A_1527, %parallel_loop3A_1528] {strides = array<i32>} : memref<2x2000xi32, #tpu.memory_space<vmem>>, vector<16xi32>,
      %parallel_loop3A_1530 = arith.constant 1 : i32
      %parallel_loop3A_1531 = arith.index_cast %parallel_loop3A_1530 : i32 to index
      %parallel_loop3A_1532 = arith.index_cast %parallel_loop3A_1525 : i32 to index
      %parallel_loop3A_1533 = tpu.vector_load %arg10[%parallel_loop3A_1531, %parallel_loop3A_1532] {strides = array<i32>} : memref<2x2000xi32, #tpu.memory_space<vmem>>, vector<16xi32>,
      %parallel_loop3A_1534 = tpu.vector_load_idx %arg7[%parallel_loop3A_1529] : memref<100000xi32, #tpu.memory_space<vmem>>[vector<16xi32>], vector<16xi32>,
      %parallel_loop3A_1535 = tpu.vector_load_idx %arg7[%parallel_loop3A_1533] : memref<100000xi32, #tpu.memory_space<vmem>>[vector<16xi32>], vector<16xi32>,
      %parallel_loop3A_1536 = tpu.vector_load_idx %arg8[%parallel_loop3A_1534] : memref<128xf32, #tpu.memory_space<vmem>>[vector<16xi32>], vector<16xf32>,
      %parallel_loop3A_1537 = tpu.vector_load_idx %arg8[%parallel_loop3A_1535] : memref<128xf32, #tpu.memory_space<vmem>>[vector<16xi32>], vector<16xf32>,
      %parallel_loop3A_1538 = arith.mulf %parallel_loop3A_1536, %parallel_loop3A_1537 : vector<16xf32>
      %parallel_loop3A_1539 = arith.constant 1 : i32
      %parallel_loop3A_1540 = arith.index_cast %parallel_loop3A_1539 : i32 to index
      %parallel_loop3A_1541 = arith.index_cast %parallel_loop3A_1525 : i32 to index
      %parallel_loop3A_1542 = tpu.vector_load %arg11[%parallel_loop3A_1540, %parallel_loop3A_1541] {strides = array<i32>} : memref<2x2000xf32, #tpu.memory_space<vmem>>, vector<16xf32>,
      tpu.vector_store %arg11[%parallel_loop3A_1540, %parallel_loop3A_1541], %parallel_loop3A_1538 {strides = array<i32>} : memref<2x2000xf32, #tpu.memory_space<vmem>>, vector<16xf32>,
    } {sc.loop_unroll_factor = 5 : i64, sc.parallel_access}
    %add3A_1211 = arith.constant 38000 : i32
    %add3A_1212 = arith.addi %mul3A_2, %add3A_1211 : i32
    %dma_start3A_1213 = arith.constant 1 : i32
    %dma_start3A_1214 = arith.constant 0 : i32
    %dma_start3A_1215 = tpu.memref_slice %arg11[%dma_start3A_1213, %dma_start3A_1214] : memref<2x2000xf32, #tpu.memory_space<vmem>> -> memref<1x2000xf32, #tpu.memory_space<vmem>>
    %dma_start3A_1216 = tpu.memref_squeeze %dma_start3A_1215 : memref<1x2000xf32, #tpu.memory_space<vmem>> -> memref<2000xf32, #tpu.memory_space<vmem>>
    %dma_start3A_1217 = tpu.memref_slice %arg6[%add3A_1212] : memref<1600000xf32, #tpu.memory_space<hbm>> -> memref<2000xf32, #tpu.memory_space<hbm>>
    %dma_start3A_1218 = tpu.memref_slice %arg6[%add3A_1212] : memref<1600000xf32, #tpu.memory_space<hbm>> -> memref<2000xf32, #tpu.memory_space<hbm>>
    %dma_start3A_1219 = arith.constant 0 : i32
    %dma_start3A_1220 = tpu.memref_slice %arg11[%dma_start3A_1213, %dma_start3A_1219] : memref<2x2000xf32, #tpu.memory_space<vmem>> -> memref<1x2000xf32, #tpu.memory_space<vmem>>
    %dma_start3A_1221 = tpu.memref_squeeze %dma_start3A_1220 : memref<1x2000xf32, #tpu.memory_space<vmem>> -> memref<2000xf32, #tpu.memory_space<vmem>>
    tpu.enqueue_dma source(%dma_start3A_1221 : memref<2000xf32, #tpu.memory_space<vmem>>) target(%dma_start3A_1218 : memref<2000xf32, #tpu.memory_space<hbm>>) target_semaphore(%arg15 : memref<!tpu.dma_semaphore, #tpu.memory_space<semaphore_mem>>)
    %add3A_1222 = arith.constant 42000 : i32
    %add3A_1223 = arith.addi %mul3A_2, %add3A_1222 : i32
    %dma_start3A_1224 = arith.constant 1 : i32
    %dma_start3A_1225 = arith.constant 0 : i32
    %dma_start3A_1226 = tpu.memref_slice %arg9[%dma_start3A_1224, %dma_start3A_1225] : memref<2x2000xi32, #tpu.memory_space<vmem>> -> memref<1x2000xi32, #tpu.memory_space<vmem>>
    %dma_start3A_1227 = tpu.memref_squeeze %dma_start3A_1226 : memref<1x2000xi32, #tpu.memory_space<vmem>> -> memref<2000xi32, #tpu.memory_space<vmem>>
    %dma_start3A_1228 = tpu.memref_slice %arg3[%add3A_1223] : memref<1600000xi32, #tpu.memory_space<hbm>> -> memref<2000xi32, #tpu.memory_space<hbm>>
    %dma_start3A_1229 = arith.constant 0 : i32
    %dma_start3A_1230 = tpu.memref_slice %arg9[%dma_start3A_1224, %dma_start3A_1229] : memref<2x2000xi32, #tpu.memory_space<vmem>> -> memref<1x2000xi32, #tpu.memory_space<vmem>>
    %dma_start3A_1231 = tpu.memref_squeeze %dma_start3A_1230 : memref<1x2000xi32, #tpu.memory_space<vmem>> -> memref<2000xi32, #tpu.memory_space<vmem>>
    %dma_start3A_1232 = tpu.memref_slice %arg3[%add3A_1223] : memref<1600000xi32, #tpu.memory_space<hbm>> -> memref<2000xi32, #tpu.memory_space<hbm>>
    tpu.enqueue_dma source(%dma_start3A_1232 : memref<2000xi32, #tpu.memory_space<hbm>>) target(%dma_start3A_1231 : memref<2000xi32, #tpu.memory_space<vmem>>) target_semaphore(%arg13 : memref<!tpu.dma_semaphore, #tpu.memory_space<semaphore_mem>>)
    %dma_start3A_1233 = arith.constant 1 : i32
    %dma_start3A_1234 = arith.constant 0 : i32
    %dma_start3A_1235 = tpu.memref_slice %arg10[%dma_start3A_1233, %dma_start3A_1234] : memref<2x2000xi32, #tpu.memory_space<vmem>> -> memref<1x2000xi32, #tpu.memory_space<vmem>>
    %dma_start3A_1236 = tpu.memref_squeeze %dma_start3A_1235 : memref<1x2000xi32, #tpu.memory_space<vmem>> -> memref<2000xi32, #tpu.memory_space<vmem>>
    %dma_start3A_1237 = tpu.memref_slice %arg4[%add3A_1223] : memref<1600000xi32, #tpu.memory_space<hbm>> -> memref<2000xi32, #tpu.memory_space<hbm>>
    %dma_start3A_1238 = arith.constant 0 : i32
    %dma_start3A_1239 = tpu.memref_slice %arg10[%dma_start3A_1233, %dma_start3A_1238] : memref<2x2000xi32, #tpu.memory_space<vmem>> -> memref<1x2000xi32, #tpu.memory_space<vmem>>
    %dma_start3A_1240 = tpu.memref_squeeze %dma_start3A_1239 : memref<1x2000xi32, #tpu.memory_space<vmem>> -> memref<2000xi32, #tpu.memory_space<vmem>>
    %dma_start3A_1241 = tpu.memref_slice %arg4[%add3A_1223] : memref<1600000xi32, #tpu.memory_space<hbm>> -> memref<2000xi32, #tpu.memory_space<hbm>>
    tpu.enqueue_dma source(%dma_start3A_1241 : memref<2000xi32, #tpu.memory_space<hbm>>) target(%dma_start3A_1240 : memref<2000xi32, #tpu.memory_space<vmem>>) target_semaphore(%arg13 : memref<!tpu.dma_semaphore, #tpu.memory_space<semaphore_mem>>)
    %dma_wait3A_1242 = arith.constant 0 : i32
    %dma_wait3A_1243 = arith.constant 0 : i32
    %dma_wait3A_1244 = tpu.memref_slice %arg9[%dma_wait3A_1242, %dma_wait3A_1243] : memref<2x2000xi32, #tpu.memory_space<vmem>> -> memref<1x2000xi32, #tpu.memory_space<vmem>>
    %dma_wait3A_1245 = tpu.memref_squeeze %dma_wait3A_1244 : memref<1x2000xi32, #tpu.memory_space<vmem>> -> memref<2000xi32, #tpu.memory_space<vmem>>
    %dma_wait3A_1246 = tpu.memref_slice %arg3[%add3A_1162] : memref<1600000xi32, #tpu.memory_space<hbm>> -> memref<2000xi32, #tpu.memory_space<hbm>>
    %dma_wait3A_1247 = arith.constant 0 : i32
    %dma_wait3A_1248 = tpu.memref_slice %arg9[%dma_wait3A_1242, %dma_wait3A_1247] : memref<2x2000xi32, #tpu.memory_space<vmem>> -> memref<1x2000xi32, #tpu.memory_space<vmem>>
    %dma_wait3A_1249 = tpu.memref_squeeze %dma_wait3A_1248 : memref<1x2000xi32, #tpu.memory_space<vmem>> -> memref<2000xi32, #tpu.memory_space<vmem>>
    %dma_wait3A_1250 = tpu.memref_slice %arg3[%add3A_1162] : memref<1600000xi32, #tpu.memory_space<hbm>> -> memref<2000xi32, #tpu.memory_space<hbm>>
    tpu.wait_dma2 semaphore(%arg12 : memref<!tpu.dma_semaphore, #tpu.memory_space<semaphore_mem>>) src(%dma_wait3A_1250 : memref<2000xi32, #tpu.memory_space<hbm>>) dst(%dma_wait3A_1249 : memref<2000xi32, #tpu.memory_space<vmem>>)
    %dma_wait3A_1251 = arith.constant 0 : i32
    %dma_wait3A_1252 = arith.constant 0 : i32
    %dma_wait3A_1253 = tpu.memref_slice %arg10[%dma_wait3A_1251, %dma_wait3A_1252] : memref<2x2000xi32, #tpu.memory_space<vmem>> -> memref<1x2000xi32, #tpu.memory_space<vmem>>
    %dma_wait3A_1254 = tpu.memref_squeeze %dma_wait3A_1253 : memref<1x2000xi32, #tpu.memory_space<vmem>> -> memref<2000xi32, #tpu.memory_space<vmem>>
    %dma_wait3A_1255 = tpu.memref_slice %arg4[%add3A_1162] : memref<1600000xi32, #tpu.memory_space<hbm>> -> memref<2000xi32, #tpu.memory_space<hbm>>
    %dma_wait3A_1256 = arith.constant 0 : i32
    %dma_wait3A_1257 = tpu.memref_slice %arg10[%dma_wait3A_1251, %dma_wait3A_1256] : memref<2x2000xi32, #tpu.memory_space<vmem>> -> memref<1x2000xi32, #tpu.memory_space<vmem>>
    %dma_wait3A_1258 = tpu.memref_squeeze %dma_wait3A_1257 : memref<1x2000xi32, #tpu.memory_space<vmem>> -> memref<2000xi32, #tpu.memory_space<vmem>>
    %dma_wait3A_1259 = tpu.memref_slice %arg4[%add3A_1162] : memref<1600000xi32, #tpu.memory_space<hbm>> -> memref<2000xi32, #tpu.memory_space<hbm>>
    tpu.wait_dma2 semaphore(%arg12 : memref<!tpu.dma_semaphore, #tpu.memory_space<semaphore_mem>>) src(%dma_wait3A_1259 : memref<2000xi32, #tpu.memory_space<hbm>>) dst(%dma_wait3A_1258 : memref<2000xi32, #tpu.memory_space<vmem>>)
    %dma_wait3A_1260 = arith.constant 0 : i32
    %dma_wait3A_1261 = arith.constant 0 : i32
    %dma_wait3A_1262 = tpu.memref_slice %arg11[%dma_wait3A_1260, %dma_wait3A_1261] : memref<2x2000xf32, #tpu.memory_space<vmem>> -> memref<1x2000xf32, #tpu.memory_space<vmem>>
    %dma_wait3A_1263 = tpu.memref_squeeze %dma_wait3A_1262 : memref<1x2000xf32, #tpu.memory_space<vmem>> -> memref<2000xf32, #tpu.memory_space<vmem>>
    %dma_wait3A_1264 = tpu.memref_slice %arg6[%add3A_1151] : memref<1600000xf32, #tpu.memory_space<hbm>> -> memref<2000xf32, #tpu.memory_space<hbm>>
    %dma_wait3A_1265 = tpu.memref_slice %arg6[%add3A_1151] : memref<1600000xf32, #tpu.memory_space<hbm>> -> memref<2000xf32, #tpu.memory_space<hbm>>
    %dma_wait3A_1266 = arith.constant 0 : i32
    %dma_wait3A_1267 = tpu.memref_slice %arg11[%dma_wait3A_1260, %dma_wait3A_1266] : memref<2x2000xf32, #tpu.memory_space<vmem>> -> memref<1x2000xf32, #tpu.memory_space<vmem>>
    %dma_wait3A_1268 = tpu.memref_squeeze %dma_wait3A_1267 : memref<1x2000xf32, #tpu.memory_space<vmem>> -> memref<2000xf32, #tpu.memory_space<vmem>>
    tpu.wait_dma2 semaphore(%arg14 : memref<!tpu.dma_semaphore, #tpu.memory_space<semaphore_mem>>) src(%dma_wait3A_1268 : memref<2000xf32, #tpu.memory_space<vmem>>) dst(%dma_wait3A_1265 : memref<2000xf32, #tpu.memory_space<hbm>>)
    %parallel_loop3A_1269 = arith.constant 0 : i32
    %parallel_loop3A_1270 = arith.constant 2000 : i32
    %parallel_loop3A_1271 = arith.constant 16 : i32
    scf.for %parallel_loop3A_1525 = %parallel_loop3A_1269 to %parallel_loop3A_1270 step %parallel_loop3A_1271  : i32 {
      %parallel_loop3A_1526 = arith.constant 0 : i32
      %parallel_loop3A_1527 = arith.index_cast %parallel_loop3A_1526 : i32 to index
      %parallel_loop3A_1528 = arith.index_cast %parallel_loop3A_1525 : i32 to index
      %parallel_loop3A_1529 = tpu.vector_load %arg9[%parallel_loop3A_1527, %parallel_loop3A_1528] {strides = array<i32>} : memref<2x2000xi32, #tpu.memory_space<vmem>>, vector<16xi32>,
      %parallel_loop3A_1530 = arith.constant 0 : i32
      %parallel_loop3A_1531 = arith.index_cast %parallel_loop3A_1530 : i32 to index
      %parallel_loop3A_1532 = arith.index_cast %parallel_loop3A_1525 : i32 to index
      %parallel_loop3A_1533 = tpu.vector_load %arg10[%parallel_loop3A_1531, %parallel_loop3A_1532] {strides = array<i32>} : memref<2x2000xi32, #tpu.memory_space<vmem>>, vector<16xi32>,
      %parallel_loop3A_1534 = tpu.vector_load_idx %arg7[%parallel_loop3A_1529] : memref<100000xi32, #tpu.memory_space<vmem>>[vector<16xi32>], vector<16xi32>,
      %parallel_loop3A_1535 = tpu.vector_load_idx %arg7[%parallel_loop3A_1533] : memref<100000xi32, #tpu.memory_space<vmem>>[vector<16xi32>], vector<16xi32>,
      %parallel_loop3A_1536 = tpu.vector_load_idx %arg8[%parallel_loop3A_1534] : memref<128xf32, #tpu.memory_space<vmem>>[vector<16xi32>], vector<16xf32>,
      %parallel_loop3A_1537 = tpu.vector_load_idx %arg8[%parallel_loop3A_1535] : memref<128xf32, #tpu.memory_space<vmem>>[vector<16xi32>], vector<16xf32>,
      %parallel_loop3A_1538 = arith.mulf %parallel_loop3A_1536, %parallel_loop3A_1537 : vector<16xf32>
      %parallel_loop3A_1539 = arith.constant 0 : i32
      %parallel_loop3A_1540 = arith.index_cast %parallel_loop3A_1539 : i32 to index
      %parallel_loop3A_1541 = arith.index_cast %parallel_loop3A_1525 : i32 to index
      %parallel_loop3A_1542 = tpu.vector_load %arg11[%parallel_loop3A_1540, %parallel_loop3A_1541] {strides = array<i32>} : memref<2x2000xf32, #tpu.memory_space<vmem>>, vector<16xf32>,
      tpu.vector_store %arg11[%parallel_loop3A_1540, %parallel_loop3A_1541], %parallel_loop3A_1538 {strides = array<i32>} : memref<2x2000xf32, #tpu.memory_space<vmem>>, vector<16xf32>,
    } {sc.loop_unroll_factor = 5 : i64, sc.parallel_access}
    %add3A_1272 = arith.constant 40000 : i32
    %add3A_1273 = arith.addi %mul3A_2, %add3A_1272 : i32
    %dma_start3A_1274 = arith.constant 0 : i32
    %dma_start3A_1275 = arith.constant 0 : i32
    %dma_start3A_1276 = tpu.memref_slice %arg11[%dma_start3A_1274, %dma_start3A_1275] : memref<2x2000xf32, #tpu.memory_space<vmem>> -> memref<1x2000xf32, #tpu.memory_space<vmem>>
    %dma_start3A_1277 = tpu.memref_squeeze %dma_start3A_1276 : memref<1x2000xf32, #tpu.memory_space<vmem>> -> memref<2000xf32, #tpu.memory_space<vmem>>
    %dma_start3A_1278 = tpu.memref_slice %arg6[%add3A_1273] : memref<1600000xf32, #tpu.memory_space<hbm>> -> memref<2000xf32, #tpu.memory_space<hbm>>
    %dma_start3A_1279 = tpu.memref_slice %arg6[%add3A_1273] : memref<1600000xf32, #tpu.memory_space<hbm>> -> memref<2000xf32, #tpu.memory_space<hbm>>
    %dma_start3A_1280 = arith.constant 0 : i32
    %dma_start3A_1281 = tpu.memref_slice %arg11[%dma_start3A_1274, %dma_start3A_1280] : memref<2x2000xf32, #tpu.memory_space<vmem>> -> memref<1x2000xf32, #tpu.memory_space<vmem>>
    %dma_start3A_1282 = tpu.memref_squeeze %dma_start3A_1281 : memref<1x2000xf32, #tpu.memory_space<vmem>> -> memref<2000xf32, #tpu.memory_space<vmem>>
    tpu.enqueue_dma source(%dma_start3A_1282 : memref<2000xf32, #tpu.memory_space<vmem>>) target(%dma_start3A_1279 : memref<2000xf32, #tpu.memory_space<hbm>>) target_semaphore(%arg14 : memref<!tpu.dma_semaphore, #tpu.memory_space<semaphore_mem>>)
    %add3A_1283 = arith.constant 44000 : i32
    %add3A_1284 = arith.addi %mul3A_2, %add3A_1283 : i32
    %dma_start3A_1285 = arith.constant 0 : i32
    %dma_start3A_1286 = arith.constant 0 : i32
    %dma_start3A_1287 = tpu.memref_slice %arg9[%dma_start3A_1285, %dma_start3A_1286] : memref<2x2000xi32, #tpu.memory_space<vmem>> -> memref<1x2000xi32, #tpu.memory_space<vmem>>
    %dma_start3A_1288 = tpu.memref_squeeze %dma_start3A_1287 : memref<1x2000xi32, #tpu.memory_space<vmem>> -> memref<2000xi32, #tpu.memory_space<vmem>>
    %dma_start3A_1289 = tpu.memref_slice %arg3[%add3A_1284] : memref<1600000xi32, #tpu.memory_space<hbm>> -> memref<2000xi32, #tpu.memory_space<hbm>>
    %dma_start3A_1290 = arith.constant 0 : i32
    %dma_start3A_1291 = tpu.memref_slice %arg9[%dma_start3A_1285, %dma_start3A_1290] : memref<2x2000xi32, #tpu.memory_space<vmem>> -> memref<1x2000xi32, #tpu.memory_space<vmem>>
    %dma_start3A_1292 = tpu.memref_squeeze %dma_start3A_1291 : memref<1x2000xi32, #tpu.memory_space<vmem>> -> memref<2000xi32, #tpu.memory_space<vmem>>
    %dma_start3A_1293 = tpu.memref_slice %arg3[%add3A_1284] : memref<1600000xi32, #tpu.memory_space<hbm>> -> memref<2000xi32, #tpu.memory_space<hbm>>
    tpu.enqueue_dma source(%dma_start3A_1293 : memref<2000xi32, #tpu.memory_space<hbm>>) target(%dma_start3A_1292 : memref<2000xi32, #tpu.memory_space<vmem>>) target_semaphore(%arg12 : memref<!tpu.dma_semaphore, #tpu.memory_space<semaphore_mem>>)
    %dma_start3A_1294 = arith.constant 0 : i32
    %dma_start3A_1295 = arith.constant 0 : i32
    %dma_start3A_1296 = tpu.memref_slice %arg10[%dma_start3A_1294, %dma_start3A_1295] : memref<2x2000xi32, #tpu.memory_space<vmem>> -> memref<1x2000xi32, #tpu.memory_space<vmem>>
    %dma_start3A_1297 = tpu.memref_squeeze %dma_start3A_1296 : memref<1x2000xi32, #tpu.memory_space<vmem>> -> memref<2000xi32, #tpu.memory_space<vmem>>
    %dma_start3A_1298 = tpu.memref_slice %arg4[%add3A_1284] : memref<1600000xi32, #tpu.memory_space<hbm>> -> memref<2000xi32, #tpu.memory_space<hbm>>
    %dma_start3A_1299 = arith.constant 0 : i32
    %dma_start3A_1300 = tpu.memref_slice %arg10[%dma_start3A_1294, %dma_start3A_1299] : memref<2x2000xi32, #tpu.memory_space<vmem>> -> memref<1x2000xi32, #tpu.memory_space<vmem>>
    %dma_start3A_1301 = tpu.memref_squeeze %dma_start3A_1300 : memref<1x2000xi32, #tpu.memory_space<vmem>> -> memref<2000xi32, #tpu.memory_space<vmem>>
    %dma_start3A_1302 = tpu.memref_slice %arg4[%add3A_1284] : memref<1600000xi32, #tpu.memory_space<hbm>> -> memref<2000xi32, #tpu.memory_space<hbm>>
    tpu.enqueue_dma source(%dma_start3A_1302 : memref<2000xi32, #tpu.memory_space<hbm>>) target(%dma_start3A_1301 : memref<2000xi32, #tpu.memory_space<vmem>>) target_semaphore(%arg12 : memref<!tpu.dma_semaphore, #tpu.memory_space<semaphore_mem>>)
    %dma_wait3A_1303 = arith.constant 1 : i32
    %dma_wait3A_1304 = arith.constant 0 : i32
    %dma_wait3A_1305 = tpu.memref_slice %arg9[%dma_wait3A_1303, %dma_wait3A_1304] : memref<2x2000xi32, #tpu.memory_space<vmem>> -> memref<1x2000xi32, #tpu.memory_space<vmem>>
    %dma_wait3A_1306 = tpu.memref_squeeze %dma_wait3A_1305 : memref<1x2000xi32, #tpu.memory_space<vmem>> -> memref<2000xi32, #tpu.memory_space<vmem>>
    %dma_wait3A_1307 = tpu.memref_slice %arg3[%add3A_1223] : memref<1600000xi32, #tpu.memory_space<hbm>> -> memref<2000xi32, #tpu.memory_space<hbm>>
    %dma_wait3A_1308 = arith.constant 0 : i32
    %dma_wait3A_1309 = tpu.memref_slice %arg9[%dma_wait3A_1303, %dma_wait3A_1308] : memref<2x2000xi32, #tpu.memory_space<vmem>> -> memref<1x2000xi32, #tpu.memory_space<vmem>>
    %dma_wait3A_1310 = tpu.memref_squeeze %dma_wait3A_1309 : memref<1x2000xi32, #tpu.memory_space<vmem>> -> memref<2000xi32, #tpu.memory_space<vmem>>
    %dma_wait3A_1311 = tpu.memref_slice %arg3[%add3A_1223] : memref<1600000xi32, #tpu.memory_space<hbm>> -> memref<2000xi32, #tpu.memory_space<hbm>>
    tpu.wait_dma2 semaphore(%arg13 : memref<!tpu.dma_semaphore, #tpu.memory_space<semaphore_mem>>) src(%dma_wait3A_1311 : memref<2000xi32, #tpu.memory_space<hbm>>) dst(%dma_wait3A_1310 : memref<2000xi32, #tpu.memory_space<vmem>>)
    %dma_wait3A_1312 = arith.constant 1 : i32
    %dma_wait3A_1313 = arith.constant 0 : i32
    %dma_wait3A_1314 = tpu.memref_slice %arg10[%dma_wait3A_1312, %dma_wait3A_1313] : memref<2x2000xi32, #tpu.memory_space<vmem>> -> memref<1x2000xi32, #tpu.memory_space<vmem>>
    %dma_wait3A_1315 = tpu.memref_squeeze %dma_wait3A_1314 : memref<1x2000xi32, #tpu.memory_space<vmem>> -> memref<2000xi32, #tpu.memory_space<vmem>>
    %dma_wait3A_1316 = tpu.memref_slice %arg4[%add3A_1223] : memref<1600000xi32, #tpu.memory_space<hbm>> -> memref<2000xi32, #tpu.memory_space<hbm>>
    %dma_wait3A_1317 = arith.constant 0 : i32
    %dma_wait3A_1318 = tpu.memref_slice %arg10[%dma_wait3A_1312, %dma_wait3A_1317] : memref<2x2000xi32, #tpu.memory_space<vmem>> -> memref<1x2000xi32, #tpu.memory_space<vmem>>
    %dma_wait3A_1319 = tpu.memref_squeeze %dma_wait3A_1318 : memref<1x2000xi32, #tpu.memory_space<vmem>> -> memref<2000xi32, #tpu.memory_space<vmem>>
    %dma_wait3A_1320 = tpu.memref_slice %arg4[%add3A_1223] : memref<1600000xi32, #tpu.memory_space<hbm>> -> memref<2000xi32, #tpu.memory_space<hbm>>
    tpu.wait_dma2 semaphore(%arg13 : memref<!tpu.dma_semaphore, #tpu.memory_space<semaphore_mem>>) src(%dma_wait3A_1320 : memref<2000xi32, #tpu.memory_space<hbm>>) dst(%dma_wait3A_1319 : memref<2000xi32, #tpu.memory_space<vmem>>)
    %dma_wait3A_1321 = arith.constant 1 : i32
    %dma_wait3A_1322 = arith.constant 0 : i32
    %dma_wait3A_1323 = tpu.memref_slice %arg11[%dma_wait3A_1321, %dma_wait3A_1322] : memref<2x2000xf32, #tpu.memory_space<vmem>> -> memref<1x2000xf32, #tpu.memory_space<vmem>>
    %dma_wait3A_1324 = tpu.memref_squeeze %dma_wait3A_1323 : memref<1x2000xf32, #tpu.memory_space<vmem>> -> memref<2000xf32, #tpu.memory_space<vmem>>
    %dma_wait3A_1325 = tpu.memref_slice %arg6[%add3A_1212] : memref<1600000xf32, #tpu.memory_space<hbm>> -> memref<2000xf32, #tpu.memory_space<hbm>>
    %dma_wait3A_1326 = tpu.memref_slice %arg6[%add3A_1212] : memref<1600000xf32, #tpu.memory_space<hbm>> -> memref<2000xf32, #tpu.memory_space<hbm>>
    %dma_wait3A_1327 = arith.constant 0 : i32
    %dma_wait3A_1328 = tpu.memref_slice %arg11[%dma_wait3A_1321, %dma_wait3A_1327] : memref<2x2000xf32, #tpu.memory_space<vmem>> -> memref<1x2000xf32, #tpu.memory_space<vmem>>
    %dma_wait3A_1329 = tpu.memref_squeeze %dma_wait3A_1328 : memref<1x2000xf32, #tpu.memory_space<vmem>> -> memref<2000xf32, #tpu.memory_space<vmem>>
    tpu.wait_dma2 semaphore(%arg15 : memref<!tpu.dma_semaphore, #tpu.memory_space<semaphore_mem>>) src(%dma_wait3A_1329 : memref<2000xf32, #tpu.memory_space<vmem>>) dst(%dma_wait3A_1326 : memref<2000xf32, #tpu.memory_space<hbm>>)
    %parallel_loop3A_1330 = arith.constant 0 : i32
    %parallel_loop3A_1331 = arith.constant 2000 : i32
    %parallel_loop3A_1332 = arith.constant 16 : i32
    scf.for %parallel_loop3A_1525 = %parallel_loop3A_1330 to %parallel_loop3A_1331 step %parallel_loop3A_1332  : i32 {
      %parallel_loop3A_1526 = arith.constant 1 : i32
      %parallel_loop3A_1527 = arith.index_cast %parallel_loop3A_1526 : i32 to index
      %parallel_loop3A_1528 = arith.index_cast %parallel_loop3A_1525 : i32 to index
      %parallel_loop3A_1529 = tpu.vector_load %arg9[%parallel_loop3A_1527, %parallel_loop3A_1528] {strides = array<i32>} : memref<2x2000xi32, #tpu.memory_space<vmem>>, vector<16xi32>,
      %parallel_loop3A_1530 = arith.constant 1 : i32
      %parallel_loop3A_1531 = arith.index_cast %parallel_loop3A_1530 : i32 to index
      %parallel_loop3A_1532 = arith.index_cast %parallel_loop3A_1525 : i32 to index
      %parallel_loop3A_1533 = tpu.vector_load %arg10[%parallel_loop3A_1531, %parallel_loop3A_1532] {strides = array<i32>} : memref<2x2000xi32, #tpu.memory_space<vmem>>, vector<16xi32>,
      %parallel_loop3A_1534 = tpu.vector_load_idx %arg7[%parallel_loop3A_1529] : memref<100000xi32, #tpu.memory_space<vmem>>[vector<16xi32>], vector<16xi32>,
      %parallel_loop3A_1535 = tpu.vector_load_idx %arg7[%parallel_loop3A_1533] : memref<100000xi32, #tpu.memory_space<vmem>>[vector<16xi32>], vector<16xi32>,
      %parallel_loop3A_1536 = tpu.vector_load_idx %arg8[%parallel_loop3A_1534] : memref<128xf32, #tpu.memory_space<vmem>>[vector<16xi32>], vector<16xf32>,
      %parallel_loop3A_1537 = tpu.vector_load_idx %arg8[%parallel_loop3A_1535] : memref<128xf32, #tpu.memory_space<vmem>>[vector<16xi32>], vector<16xf32>,
      %parallel_loop3A_1538 = arith.mulf %parallel_loop3A_1536, %parallel_loop3A_1537 : vector<16xf32>
      %parallel_loop3A_1539 = arith.constant 1 : i32
      %parallel_loop3A_1540 = arith.index_cast %parallel_loop3A_1539 : i32 to index
      %parallel_loop3A_1541 = arith.index_cast %parallel_loop3A_1525 : i32 to index
      %parallel_loop3A_1542 = tpu.vector_load %arg11[%parallel_loop3A_1540, %parallel_loop3A_1541] {strides = array<i32>} : memref<2x2000xf32, #tpu.memory_space<vmem>>, vector<16xf32>,
      tpu.vector_store %arg11[%parallel_loop3A_1540, %parallel_loop3A_1541], %parallel_loop3A_1538 {strides = array<i32>} : memref<2x2000xf32, #tpu.memory_space<vmem>>, vector<16xf32>,
    } {sc.loop_unroll_factor = 5 : i64, sc.parallel_access}
    %add3A_1333 = arith.constant 42000 : i32
    %add3A_1334 = arith.addi %mul3A_2, %add3A_1333 : i32
    %dma_start3A_1335 = arith.constant 1 : i32
    %dma_start3A_1336 = arith.constant 0 : i32
    %dma_start3A_1337 = tpu.memref_slice %arg11[%dma_start3A_1335, %dma_start3A_1336] : memref<2x2000xf32, #tpu.memory_space<vmem>> -> memref<1x2000xf32, #tpu.memory_space<vmem>>
    %dma_start3A_1338 = tpu.memref_squeeze %dma_start3A_1337 : memref<1x2000xf32, #tpu.memory_space<vmem>> -> memref<2000xf32, #tpu.memory_space<vmem>>
    %dma_start3A_1339 = tpu.memref_slice %arg6[%add3A_1334] : memref<1600000xf32, #tpu.memory_space<hbm>> -> memref<2000xf32, #tpu.memory_space<hbm>>
    %dma_start3A_1340 = tpu.memref_slice %arg6[%add3A_1334] : memref<1600000xf32, #tpu.memory_space<hbm>> -> memref<2000xf32, #tpu.memory_space<hbm>>
    %dma_start3A_1341 = arith.constant 0 : i32
    %dma_start3A_1342 = tpu.memref_slice %arg11[%dma_start3A_1335, %dma_start3A_1341] : memref<2x2000xf32, #tpu.memory_space<vmem>> -> memref<1x2000xf32, #tpu.memory_space<vmem>>
    %dma_start3A_1343 = tpu.memref_squeeze %dma_start3A_1342 : memref<1x2000xf32, #tpu.memory_space<vmem>> -> memref<2000xf32, #tpu.memory_space<vmem>>
    tpu.enqueue_dma source(%dma_start3A_1343 : memref<2000xf32, #tpu.memory_space<vmem>>) target(%dma_start3A_1340 : memref<2000xf32, #tpu.memory_space<hbm>>) target_semaphore(%arg15 : memref<!tpu.dma_semaphore, #tpu.memory_space<semaphore_mem>>)
    %add3A_1344 = arith.constant 46000 : i32
    %add3A_1345 = arith.addi %mul3A_2, %add3A_1344 : i32
    %dma_start3A_1346 = arith.constant 1 : i32
    %dma_start3A_1347 = arith.constant 0 : i32
    %dma_start3A_1348 = tpu.memref_slice %arg9[%dma_start3A_1346, %dma_start3A_1347] : memref<2x2000xi32, #tpu.memory_space<vmem>> -> memref<1x2000xi32, #tpu.memory_space<vmem>>
    %dma_start3A_1349 = tpu.memref_squeeze %dma_start3A_1348 : memref<1x2000xi32, #tpu.memory_space<vmem>> -> memref<2000xi32, #tpu.memory_space<vmem>>
    %dma_start3A_1350 = tpu.memref_slice %arg3[%add3A_1345] : memref<1600000xi32, #tpu.memory_space<hbm>> -> memref<2000xi32, #tpu.memory_space<hbm>>
    %dma_start3A_1351 = arith.constant 0 : i32
    %dma_start3A_1352 = tpu.memref_slice %arg9[%dma_start3A_1346, %dma_start3A_1351] : memref<2x2000xi32, #tpu.memory_space<vmem>> -> memref<1x2000xi32, #tpu.memory_space<vmem>>
    %dma_start3A_1353 = tpu.memref_squeeze %dma_start3A_1352 : memref<1x2000xi32, #tpu.memory_space<vmem>> -> memref<2000xi32, #tpu.memory_space<vmem>>
    %dma_start3A_1354 = tpu.memref_slice %arg3[%add3A_1345] : memref<1600000xi32, #tpu.memory_space<hbm>> -> memref<2000xi32, #tpu.memory_space<hbm>>
    tpu.enqueue_dma source(%dma_start3A_1354 : memref<2000xi32, #tpu.memory_space<hbm>>) target(%dma_start3A_1353 : memref<2000xi32, #tpu.memory_space<vmem>>) target_semaphore(%arg13 : memref<!tpu.dma_semaphore, #tpu.memory_space<semaphore_mem>>)
    %dma_start3A_1355 = arith.constant 1 : i32
    %dma_start3A_1356 = arith.constant 0 : i32
    %dma_start3A_1357 = tpu.memref_slice %arg10[%dma_start3A_1355, %dma_start3A_1356] : memref<2x2000xi32, #tpu.memory_space<vmem>> -> memref<1x2000xi32, #tpu.memory_space<vmem>>
    %dma_start3A_1358 = tpu.memref_squeeze %dma_start3A_1357 : memref<1x2000xi32, #tpu.memory_space<vmem>> -> memref<2000xi32, #tpu.memory_space<vmem>>
    %dma_start3A_1359 = tpu.memref_slice %arg4[%add3A_1345] : memref<1600000xi32, #tpu.memory_space<hbm>> -> memref<2000xi32, #tpu.memory_space<hbm>>
    %dma_start3A_1360 = arith.constant 0 : i32
    %dma_start3A_1361 = tpu.memref_slice %arg10[%dma_start3A_1355, %dma_start3A_1360] : memref<2x2000xi32, #tpu.memory_space<vmem>> -> memref<1x2000xi32, #tpu.memory_space<vmem>>
    %dma_start3A_1362 = tpu.memref_squeeze %dma_start3A_1361 : memref<1x2000xi32, #tpu.memory_space<vmem>> -> memref<2000xi32, #tpu.memory_space<vmem>>
    %dma_start3A_1363 = tpu.memref_slice %arg4[%add3A_1345] : memref<1600000xi32, #tpu.memory_space<hbm>> -> memref<2000xi32, #tpu.memory_space<hbm>>
    tpu.enqueue_dma source(%dma_start3A_1363 : memref<2000xi32, #tpu.memory_space<hbm>>) target(%dma_start3A_1362 : memref<2000xi32, #tpu.memory_space<vmem>>) target_semaphore(%arg13 : memref<!tpu.dma_semaphore, #tpu.memory_space<semaphore_mem>>)
    %dma_wait3A_1364 = arith.constant 0 : i32
    %dma_wait3A_1365 = arith.constant 0 : i32
    %dma_wait3A_1366 = tpu.memref_slice %arg9[%dma_wait3A_1364, %dma_wait3A_1365] : memref<2x2000xi32, #tpu.memory_space<vmem>> -> memref<1x2000xi32, #tpu.memory_space<vmem>>
    %dma_wait3A_1367 = tpu.memref_squeeze %dma_wait3A_1366 : memref<1x2000xi32, #tpu.memory_space<vmem>> -> memref<2000xi32, #tpu.memory_space<vmem>>
    %dma_wait3A_1368 = tpu.memref_slice %arg3[%add3A_1284] : memref<1600000xi32, #tpu.memory_space<hbm>> -> memref<2000xi32, #tpu.memory_space<hbm>>
    %dma_wait3A_1369 = arith.constant 0 : i32
    %dma_wait3A_1370 = tpu.memref_slice %arg9[%dma_wait3A_1364, %dma_wait3A_1369] : memref<2x2000xi32, #tpu.memory_space<vmem>> -> memref<1x2000xi32, #tpu.memory_space<vmem>>
    %dma_wait3A_1371 = tpu.memref_squeeze %dma_wait3A_1370 : memref<1x2000xi32, #tpu.memory_space<vmem>> -> memref<2000xi32, #tpu.memory_space<vmem>>
    %dma_wait3A_1372 = tpu.memref_slice %arg3[%add3A_1284] : memref<1600000xi32, #tpu.memory_space<hbm>> -> memref<2000xi32, #tpu.memory_space<hbm>>
    tpu.wait_dma2 semaphore(%arg12 : memref<!tpu.dma_semaphore, #tpu.memory_space<semaphore_mem>>) src(%dma_wait3A_1372 : memref<2000xi32, #tpu.memory_space<hbm>>) dst(%dma_wait3A_1371 : memref<2000xi32, #tpu.memory_space<vmem>>)
    %dma_wait3A_1373 = arith.constant 0 : i32
    %dma_wait3A_1374 = arith.constant 0 : i32
    %dma_wait3A_1375 = tpu.memref_slice %arg10[%dma_wait3A_1373, %dma_wait3A_1374] : memref<2x2000xi32, #tpu.memory_space<vmem>> -> memref<1x2000xi32, #tpu.memory_space<vmem>>
    %dma_wait3A_1376 = tpu.memref_squeeze %dma_wait3A_1375 : memref<1x2000xi32, #tpu.memory_space<vmem>> -> memref<2000xi32, #tpu.memory_space<vmem>>
    %dma_wait3A_1377 = tpu.memref_slice %arg4[%add3A_1284] : memref<1600000xi32, #tpu.memory_space<hbm>> -> memref<2000xi32, #tpu.memory_space<hbm>>
    %dma_wait3A_1378 = arith.constant 0 : i32
    %dma_wait3A_1379 = tpu.memref_slice %arg10[%dma_wait3A_1373, %dma_wait3A_1378] : memref<2x2000xi32, #tpu.memory_space<vmem>> -> memref<1x2000xi32, #tpu.memory_space<vmem>>
    %dma_wait3A_1380 = tpu.memref_squeeze %dma_wait3A_1379 : memref<1x2000xi32, #tpu.memory_space<vmem>> -> memref<2000xi32, #tpu.memory_space<vmem>>
    %dma_wait3A_1381 = tpu.memref_slice %arg4[%add3A_1284] : memref<1600000xi32, #tpu.memory_space<hbm>> -> memref<2000xi32, #tpu.memory_space<hbm>>
    tpu.wait_dma2 semaphore(%arg12 : memref<!tpu.dma_semaphore, #tpu.memory_space<semaphore_mem>>) src(%dma_wait3A_1381 : memref<2000xi32, #tpu.memory_space<hbm>>) dst(%dma_wait3A_1380 : memref<2000xi32, #tpu.memory_space<vmem>>)
    %dma_wait3A_1382 = arith.constant 0 : i32
    %dma_wait3A_1383 = arith.constant 0 : i32
    %dma_wait3A_1384 = tpu.memref_slice %arg11[%dma_wait3A_1382, %dma_wait3A_1383] : memref<2x2000xf32, #tpu.memory_space<vmem>> -> memref<1x2000xf32, #tpu.memory_space<vmem>>
    %dma_wait3A_1385 = tpu.memref_squeeze %dma_wait3A_1384 : memref<1x2000xf32, #tpu.memory_space<vmem>> -> memref<2000xf32, #tpu.memory_space<vmem>>
    %dma_wait3A_1386 = tpu.memref_slice %arg6[%add3A_1273] : memref<1600000xf32, #tpu.memory_space<hbm>> -> memref<2000xf32, #tpu.memory_space<hbm>>
    %dma_wait3A_1387 = tpu.memref_slice %arg6[%add3A_1273] : memref<1600000xf32, #tpu.memory_space<hbm>> -> memref<2000xf32, #tpu.memory_space<hbm>>
    %dma_wait3A_1388 = arith.constant 0 : i32
    %dma_wait3A_1389 = tpu.memref_slice %arg11[%dma_wait3A_1382, %dma_wait3A_1388] : memref<2x2000xf32, #tpu.memory_space<vmem>> -> memref<1x2000xf32, #tpu.memory_space<vmem>>
    %dma_wait3A_1390 = tpu.memref_squeeze %dma_wait3A_1389 : memref<1x2000xf32, #tpu.memory_space<vmem>> -> memref<2000xf32, #tpu.memory_space<vmem>>
    tpu.wait_dma2 semaphore(%arg14 : memref<!tpu.dma_semaphore, #tpu.memory_space<semaphore_mem>>) src(%dma_wait3A_1390 : memref<2000xf32, #tpu.memory_space<vmem>>) dst(%dma_wait3A_1387 : memref<2000xf32, #tpu.memory_space<hbm>>)
    %parallel_loop3A_1391 = arith.constant 0 : i32
    %parallel_loop3A_1392 = arith.constant 2000 : i32
    %parallel_loop3A_1393 = arith.constant 16 : i32
    scf.for %parallel_loop3A_1525 = %parallel_loop3A_1391 to %parallel_loop3A_1392 step %parallel_loop3A_1393  : i32 {
      %parallel_loop3A_1526 = arith.constant 0 : i32
      %parallel_loop3A_1527 = arith.index_cast %parallel_loop3A_1526 : i32 to index
      %parallel_loop3A_1528 = arith.index_cast %parallel_loop3A_1525 : i32 to index
      %parallel_loop3A_1529 = tpu.vector_load %arg9[%parallel_loop3A_1527, %parallel_loop3A_1528] {strides = array<i32>} : memref<2x2000xi32, #tpu.memory_space<vmem>>, vector<16xi32>,
      %parallel_loop3A_1530 = arith.constant 0 : i32
      %parallel_loop3A_1531 = arith.index_cast %parallel_loop3A_1530 : i32 to index
      %parallel_loop3A_1532 = arith.index_cast %parallel_loop3A_1525 : i32 to index
      %parallel_loop3A_1533 = tpu.vector_load %arg10[%parallel_loop3A_1531, %parallel_loop3A_1532] {strides = array<i32>} : memref<2x2000xi32, #tpu.memory_space<vmem>>, vector<16xi32>,
      %parallel_loop3A_1534 = tpu.vector_load_idx %arg7[%parallel_loop3A_1529] : memref<100000xi32, #tpu.memory_space<vmem>>[vector<16xi32>], vector<16xi32>,
      %parallel_loop3A_1535 = tpu.vector_load_idx %arg7[%parallel_loop3A_1533] : memref<100000xi32, #tpu.memory_space<vmem>>[vector<16xi32>], vector<16xi32>,
      %parallel_loop3A_1536 = tpu.vector_load_idx %arg8[%parallel_loop3A_1534] : memref<128xf32, #tpu.memory_space<vmem>>[vector<16xi32>], vector<16xf32>,
      %parallel_loop3A_1537 = tpu.vector_load_idx %arg8[%parallel_loop3A_1535] : memref<128xf32, #tpu.memory_space<vmem>>[vector<16xi32>], vector<16xf32>,
      %parallel_loop3A_1538 = arith.mulf %parallel_loop3A_1536, %parallel_loop3A_1537 : vector<16xf32>
      %parallel_loop3A_1539 = arith.constant 0 : i32
      %parallel_loop3A_1540 = arith.index_cast %parallel_loop3A_1539 : i32 to index
      %parallel_loop3A_1541 = arith.index_cast %parallel_loop3A_1525 : i32 to index
      %parallel_loop3A_1542 = tpu.vector_load %arg11[%parallel_loop3A_1540, %parallel_loop3A_1541] {strides = array<i32>} : memref<2x2000xf32, #tpu.memory_space<vmem>>, vector<16xf32>,
      tpu.vector_store %arg11[%parallel_loop3A_1540, %parallel_loop3A_1541], %parallel_loop3A_1538 {strides = array<i32>} : memref<2x2000xf32, #tpu.memory_space<vmem>>, vector<16xf32>,
    } {sc.loop_unroll_factor = 5 : i64, sc.parallel_access}
    %add3A_1394 = arith.constant 44000 : i32
    %add3A_1395 = arith.addi %mul3A_2, %add3A_1394 : i32
    %dma_start3A_1396 = arith.constant 0 : i32
    %dma_start3A_1397 = arith.constant 0 : i32
    %dma_start3A_1398 = tpu.memref_slice %arg11[%dma_start3A_1396, %dma_start3A_1397] : memref<2x2000xf32, #tpu.memory_space<vmem>> -> memref<1x2000xf32, #tpu.memory_space<vmem>>
    %dma_start3A_1399 = tpu.memref_squeeze %dma_start3A_1398 : memref<1x2000xf32, #tpu.memory_space<vmem>> -> memref<2000xf32, #tpu.memory_space<vmem>>
    %dma_start3A_1400 = tpu.memref_slice %arg6[%add3A_1395] : memref<1600000xf32, #tpu.memory_space<hbm>> -> memref<2000xf32, #tpu.memory_space<hbm>>
    %dma_start3A_1401 = tpu.memref_slice %arg6[%add3A_1395] : memref<1600000xf32, #tpu.memory_space<hbm>> -> memref<2000xf32, #tpu.memory_space<hbm>>
    %dma_start3A_1402 = arith.constant 0 : i32
    %dma_start3A_1403 = tpu.memref_slice %arg11[%dma_start3A_1396, %dma_start3A_1402] : memref<2x2000xf32, #tpu.memory_space<vmem>> -> memref<1x2000xf32, #tpu.memory_space<vmem>>
    %dma_start3A_1404 = tpu.memref_squeeze %dma_start3A_1403 : memref<1x2000xf32, #tpu.memory_space<vmem>> -> memref<2000xf32, #tpu.memory_space<vmem>>
    tpu.enqueue_dma source(%dma_start3A_1404 : memref<2000xf32, #tpu.memory_space<vmem>>) target(%dma_start3A_1401 : memref<2000xf32, #tpu.memory_space<hbm>>) target_semaphore(%arg14 : memref<!tpu.dma_semaphore, #tpu.memory_space<semaphore_mem>>)
    %add3A_1405 = arith.constant 48000 : i32
    %add3A_1406 = arith.addi %mul3A_2, %add3A_1405 : i32
    %dma_start3A_1407 = arith.constant 0 : i32
    %dma_start3A_1408 = arith.constant 0 : i32
    %dma_start3A_1409 = tpu.memref_slice %arg9[%dma_start3A_1407, %dma_start3A_1408] : memref<2x2000xi32, #tpu.memory_space<vmem>> -> memref<1x2000xi32, #tpu.memory_space<vmem>>
    %dma_start3A_1410 = tpu.memref_squeeze %dma_start3A_1409 : memref<1x2000xi32, #tpu.memory_space<vmem>> -> memref<2000xi32, #tpu.memory_space<vmem>>
    %dma_start3A_1411 = tpu.memref_slice %arg3[%add3A_1406] : memref<1600000xi32, #tpu.memory_space<hbm>> -> memref<2000xi32, #tpu.memory_space<hbm>>
    %dma_start3A_1412 = arith.constant 0 : i32
    %dma_start3A_1413 = tpu.memref_slice %arg9[%dma_start3A_1407, %dma_start3A_1412] : memref<2x2000xi32, #tpu.memory_space<vmem>> -> memref<1x2000xi32, #tpu.memory_space<vmem>>
    %dma_start3A_1414 = tpu.memref_squeeze %dma_start3A_1413 : memref<1x2000xi32, #tpu.memory_space<vmem>> -> memref<2000xi32, #tpu.memory_space<vmem>>
    %dma_start3A_1415 = tpu.memref_slice %arg3[%add3A_1406] : memref<1600000xi32, #tpu.memory_space<hbm>> -> memref<2000xi32, #tpu.memory_space<hbm>>
    tpu.enqueue_dma source(%dma_start3A_1415 : memref<2000xi32, #tpu.memory_space<hbm>>) target(%dma_start3A_1414 : memref<2000xi32, #tpu.memory_space<vmem>>) target_semaphore(%arg12 : memref<!tpu.dma_semaphore, #tpu.memory_space<semaphore_mem>>)
    %dma_start3A_1416 = arith.constant 0 : i32
    %dma_start3A_1417 = arith.constant 0 : i32
    %dma_start3A_1418 = tpu.memref_slice %arg10[%dma_start3A_1416, %dma_start3A_1417] : memref<2x2000xi32, #tpu.memory_space<vmem>> -> memref<1x2000xi32, #tpu.memory_space<vmem>>
    %dma_start3A_1419 = tpu.memref_squeeze %dma_start3A_1418 : memref<1x2000xi32, #tpu.memory_space<vmem>> -> memref<2000xi32, #tpu.memory_space<vmem>>
    %dma_start3A_1420 = tpu.memref_slice %arg4[%add3A_1406] : memref<1600000xi32, #tpu.memory_space<hbm>> -> memref<2000xi32, #tpu.memory_space<hbm>>
    %dma_start3A_1421 = arith.constant 0 : i32
    %dma_start3A_1422 = tpu.memref_slice %arg10[%dma_start3A_1416, %dma_start3A_1421] : memref<2x2000xi32, #tpu.memory_space<vmem>> -> memref<1x2000xi32, #tpu.memory_space<vmem>>
    %dma_start3A_1423 = tpu.memref_squeeze %dma_start3A_1422 : memref<1x2000xi32, #tpu.memory_space<vmem>> -> memref<2000xi32, #tpu.memory_space<vmem>>
    %dma_start3A_1424 = tpu.memref_slice %arg4[%add3A_1406] : memref<1600000xi32, #tpu.memory_space<hbm>> -> memref<2000xi32, #tpu.memory_space<hbm>>
    tpu.enqueue_dma source(%dma_start3A_1424 : memref<2000xi32, #tpu.memory_space<hbm>>) target(%dma_start3A_1423 : memref<2000xi32, #tpu.memory_space<vmem>>) target_semaphore(%arg12 : memref<!tpu.dma_semaphore, #tpu.memory_space<semaphore_mem>>)
    %dma_wait3A_1425 = arith.constant 1 : i32
    %dma_wait3A_1426 = arith.constant 0 : i32
    %dma_wait3A_1427 = tpu.memref_slice %arg9[%dma_wait3A_1425, %dma_wait3A_1426] : memref<2x2000xi32, #tpu.memory_space<vmem>> -> memref<1x2000xi32, #tpu.memory_space<vmem>>
    %dma_wait3A_1428 = tpu.memref_squeeze %dma_wait3A_1427 : memref<1x2000xi32, #tpu.memory_space<vmem>> -> memref<2000xi32, #tpu.memory_space<vmem>>
    %dma_wait3A_1429 = tpu.memref_slice %arg3[%add3A_1345] : memref<1600000xi32, #tpu.memory_space<hbm>> -> memref<2000xi32, #tpu.memory_space<hbm>>
    %dma_wait3A_1430 = arith.constant 0 : i32
    %dma_wait3A_1431 = tpu.memref_slice %arg9[%dma_wait3A_1425, %dma_wait3A_1430] : memref<2x2000xi32, #tpu.memory_space<vmem>> -> memref<1x2000xi32, #tpu.memory_space<vmem>>
    %dma_wait3A_1432 = tpu.memref_squeeze %dma_wait3A_1431 : memref<1x2000xi32, #tpu.memory_space<vmem>> -> memref<2000xi32, #tpu.memory_space<vmem>>
    %dma_wait3A_1433 = tpu.memref_slice %arg3[%add3A_1345] : memref<1600000xi32, #tpu.memory_space<hbm>> -> memref<2000xi32, #tpu.memory_space<hbm>>
    tpu.wait_dma2 semaphore(%arg13 : memref<!tpu.dma_semaphore, #tpu.memory_space<semaphore_mem>>) src(%dma_wait3A_1433 : memref<2000xi32, #tpu.memory_space<hbm>>) dst(%dma_wait3A_1432 : memref<2000xi32, #tpu.memory_space<vmem>>)
    %dma_wait3A_1434 = arith.constant 1 : i32
    %dma_wait3A_1435 = arith.constant 0 : i32
    %dma_wait3A_1436 = tpu.memref_slice %arg10[%dma_wait3A_1434, %dma_wait3A_1435] : memref<2x2000xi32, #tpu.memory_space<vmem>> -> memref<1x2000xi32, #tpu.memory_space<vmem>>
    %dma_wait3A_1437 = tpu.memref_squeeze %dma_wait3A_1436 : memref<1x2000xi32, #tpu.memory_space<vmem>> -> memref<2000xi32, #tpu.memory_space<vmem>>
    %dma_wait3A_1438 = tpu.memref_slice %arg4[%add3A_1345] : memref<1600000xi32, #tpu.memory_space<hbm>> -> memref<2000xi32, #tpu.memory_space<hbm>>
    %dma_wait3A_1439 = arith.constant 0 : i32
    %dma_wait3A_1440 = tpu.memref_slice %arg10[%dma_wait3A_1434, %dma_wait3A_1439] : memref<2x2000xi32, #tpu.memory_space<vmem>> -> memref<1x2000xi32, #tpu.memory_space<vmem>>
    %dma_wait3A_1441 = tpu.memref_squeeze %dma_wait3A_1440 : memref<1x2000xi32, #tpu.memory_space<vmem>> -> memref<2000xi32, #tpu.memory_space<vmem>>
    %dma_wait3A_1442 = tpu.memref_slice %arg4[%add3A_1345] : memref<1600000xi32, #tpu.memory_space<hbm>> -> memref<2000xi32, #tpu.memory_space<hbm>>
    tpu.wait_dma2 semaphore(%arg13 : memref<!tpu.dma_semaphore, #tpu.memory_space<semaphore_mem>>) src(%dma_wait3A_1442 : memref<2000xi32, #tpu.memory_space<hbm>>) dst(%dma_wait3A_1441 : memref<2000xi32, #tpu.memory_space<vmem>>)
    %dma_wait3A_1443 = arith.constant 1 : i32
    %dma_wait3A_1444 = arith.constant 0 : i32
    %dma_wait3A_1445 = tpu.memref_slice %arg11[%dma_wait3A_1443, %dma_wait3A_1444] : memref<2x2000xf32, #tpu.memory_space<vmem>> -> memref<1x2000xf32, #tpu.memory_space<vmem>>
    %dma_wait3A_1446 = tpu.memref_squeeze %dma_wait3A_1445 : memref<1x2000xf32, #tpu.memory_space<vmem>> -> memref<2000xf32, #tpu.memory_space<vmem>>
    %dma_wait3A_1447 = tpu.memref_slice %arg6[%add3A_1334] : memref<1600000xf32, #tpu.memory_space<hbm>> -> memref<2000xf32, #tpu.memory_space<hbm>>
    %dma_wait3A_1448 = tpu.memref_slice %arg6[%add3A_1334] : memref<1600000xf32, #tpu.memory_space<hbm>> -> memref<2000xf32, #tpu.memory_space<hbm>>
    %dma_wait3A_1449 = arith.constant 0 : i32
    %dma_wait3A_1450 = tpu.memref_slice %arg11[%dma_wait3A_1443, %dma_wait3A_1449] : memref<2x2000xf32, #tpu.memory_space<vmem>> -> memref<1x2000xf32, #tpu.memory_space<vmem>>
    %dma_wait3A_1451 = tpu.memref_squeeze %dma_wait3A_1450 : memref<1x2000xf32, #tpu.memory_space<vmem>> -> memref<2000xf32, #tpu.memory_space<vmem>>
    tpu.wait_dma2 semaphore(%arg15 : memref<!tpu.dma_semaphore, #tpu.memory_space<semaphore_mem>>) src(%dma_wait3A_1451 : memref<2000xf32, #tpu.memory_space<vmem>>) dst(%dma_wait3A_1448 : memref<2000xf32, #tpu.memory_space<hbm>>)
    %parallel_loop3A_1452 = arith.constant 0 : i32
    %parallel_loop3A_1453 = arith.constant 2000 : i32
    %parallel_loop3A_1454 = arith.constant 16 : i32
    scf.for %parallel_loop3A_1525 = %parallel_loop3A_1452 to %parallel_loop3A_1453 step %parallel_loop3A_1454  : i32 {
      %parallel_loop3A_1526 = arith.constant 1 : i32
      %parallel_loop3A_1527 = arith.index_cast %parallel_loop3A_1526 : i32 to index
      %parallel_loop3A_1528 = arith.index_cast %parallel_loop3A_1525 : i32 to index
      %parallel_loop3A_1529 = tpu.vector_load %arg9[%parallel_loop3A_1527, %parallel_loop3A_1528] {strides = array<i32>} : memref<2x2000xi32, #tpu.memory_space<vmem>>, vector<16xi32>,
      %parallel_loop3A_1530 = arith.constant 1 : i32
      %parallel_loop3A_1531 = arith.index_cast %parallel_loop3A_1530 : i32 to index
      %parallel_loop3A_1532 = arith.index_cast %parallel_loop3A_1525 : i32 to index
      %parallel_loop3A_1533 = tpu.vector_load %arg10[%parallel_loop3A_1531, %parallel_loop3A_1532] {strides = array<i32>} : memref<2x2000xi32, #tpu.memory_space<vmem>>, vector<16xi32>,
      %parallel_loop3A_1534 = tpu.vector_load_idx %arg7[%parallel_loop3A_1529] : memref<100000xi32, #tpu.memory_space<vmem>>[vector<16xi32>], vector<16xi32>,
      %parallel_loop3A_1535 = tpu.vector_load_idx %arg7[%parallel_loop3A_1533] : memref<100000xi32, #tpu.memory_space<vmem>>[vector<16xi32>], vector<16xi32>,
      %parallel_loop3A_1536 = tpu.vector_load_idx %arg8[%parallel_loop3A_1534] : memref<128xf32, #tpu.memory_space<vmem>>[vector<16xi32>], vector<16xf32>,
      %parallel_loop3A_1537 = tpu.vector_load_idx %arg8[%parallel_loop3A_1535] : memref<128xf32, #tpu.memory_space<vmem>>[vector<16xi32>], vector<16xf32>,
      %parallel_loop3A_1538 = arith.mulf %parallel_loop3A_1536, %parallel_loop3A_1537 : vector<16xf32>
      %parallel_loop3A_1539 = arith.constant 1 : i32
      %parallel_loop3A_1540 = arith.index_cast %parallel_loop3A_1539 : i32 to index
      %parallel_loop3A_1541 = arith.index_cast %parallel_loop3A_1525 : i32 to index
      %parallel_loop3A_1542 = tpu.vector_load %arg11[%parallel_loop3A_1540, %parallel_loop3A_1541] {strides = array<i32>} : memref<2x2000xf32, #tpu.memory_space<vmem>>, vector<16xf32>,
      tpu.vector_store %arg11[%parallel_loop3A_1540, %parallel_loop3A_1541], %parallel_loop3A_1538 {strides = array<i32>} : memref<2x2000xf32, #tpu.memory_space<vmem>>, vector<16xf32>,
    } {sc.loop_unroll_factor = 5 : i64, sc.parallel_access}
    %add3A_1455 = arith.constant 46000 : i32
    %add3A_1456 = arith.addi %mul3A_2, %add3A_1455 : i32
    %dma_start3A_1457 = arith.constant 1 : i32
    %dma_start3A_1458 = arith.constant 0 : i32
    %dma_start3A_1459 = tpu.memref_slice %arg11[%dma_start3A_1457, %dma_start3A_1458] : memref<2x2000xf32, #tpu.memory_space<vmem>> -> memref<1x2000xf32, #tpu.memory_space<vmem>>
    %dma_start3A_1460 = tpu.memref_squeeze %dma_start3A_1459 : memref<1x2000xf32, #tpu.memory_space<vmem>> -> memref<2000xf32, #tpu.memory_space<vmem>>
    %dma_start3A_1461 = tpu.memref_slice %arg6[%add3A_1456] : memref<1600000xf32, #tpu.memory_space<hbm>> -> memref<2000xf32, #tpu.memory_space<hbm>>
    %dma_start3A_1462 = tpu.memref_slice %arg6[%add3A_1456] : memref<1600000xf32, #tpu.memory_space<hbm>> -> memref<2000xf32, #tpu.memory_space<hbm>>
    %dma_start3A_1463 = arith.constant 0 : i32
    %dma_start3A_1464 = tpu.memref_slice %arg11[%dma_start3A_1457, %dma_start3A_1463] : memref<2x2000xf32, #tpu.memory_space<vmem>> -> memref<1x2000xf32, #tpu.memory_space<vmem>>
    %dma_start3A_1465 = tpu.memref_squeeze %dma_start3A_1464 : memref<1x2000xf32, #tpu.memory_space<vmem>> -> memref<2000xf32, #tpu.memory_space<vmem>>
    tpu.enqueue_dma source(%dma_start3A_1465 : memref<2000xf32, #tpu.memory_space<vmem>>) target(%dma_start3A_1462 : memref<2000xf32, #tpu.memory_space<hbm>>) target_semaphore(%arg15 : memref<!tpu.dma_semaphore, #tpu.memory_space<semaphore_mem>>)
    %dma_wait3A_1466 = arith.constant 0 : i32
    %dma_wait3A_1467 = arith.constant 0 : i32
    %dma_wait3A_1468 = tpu.memref_slice %arg9[%dma_wait3A_1466, %dma_wait3A_1467] : memref<2x2000xi32, #tpu.memory_space<vmem>> -> memref<1x2000xi32, #tpu.memory_space<vmem>>
    %dma_wait3A_1469 = tpu.memref_squeeze %dma_wait3A_1468 : memref<1x2000xi32, #tpu.memory_space<vmem>> -> memref<2000xi32, #tpu.memory_space<vmem>>
    %dma_wait3A_1470 = tpu.memref_slice %arg3[%add3A_1406] : memref<1600000xi32, #tpu.memory_space<hbm>> -> memref<2000xi32, #tpu.memory_space<hbm>>
    %dma_wait3A_1471 = arith.constant 0 : i32
    %dma_wait3A_1472 = tpu.memref_slice %arg9[%dma_wait3A_1466, %dma_wait3A_1471] : memref<2x2000xi32, #tpu.memory_space<vmem>> -> memref<1x2000xi32, #tpu.memory_space<vmem>>
    %dma_wait3A_1473 = tpu.memref_squeeze %dma_wait3A_1472 : memref<1x2000xi32, #tpu.memory_space<vmem>> -> memref<2000xi32, #tpu.memory_space<vmem>>
    %dma_wait3A_1474 = tpu.memref_slice %arg3[%add3A_1406] : memref<1600000xi32, #tpu.memory_space<hbm>> -> memref<2000xi32, #tpu.memory_space<hbm>>
    tpu.wait_dma2 semaphore(%arg12 : memref<!tpu.dma_semaphore, #tpu.memory_space<semaphore_mem>>) src(%dma_wait3A_1474 : memref<2000xi32, #tpu.memory_space<hbm>>) dst(%dma_wait3A_1473 : memref<2000xi32, #tpu.memory_space<vmem>>)
    %dma_wait3A_1475 = arith.constant 0 : i32
    %dma_wait3A_1476 = arith.constant 0 : i32
    %dma_wait3A_1477 = tpu.memref_slice %arg10[%dma_wait3A_1475, %dma_wait3A_1476] : memref<2x2000xi32, #tpu.memory_space<vmem>> -> memref<1x2000xi32, #tpu.memory_space<vmem>>
    %dma_wait3A_1478 = tpu.memref_squeeze %dma_wait3A_1477 : memref<1x2000xi32, #tpu.memory_space<vmem>> -> memref<2000xi32, #tpu.memory_space<vmem>>
    %dma_wait3A_1479 = tpu.memref_slice %arg4[%add3A_1406] : memref<1600000xi32, #tpu.memory_space<hbm>> -> memref<2000xi32, #tpu.memory_space<hbm>>
    %dma_wait3A_1480 = arith.constant 0 : i32
    %dma_wait3A_1481 = tpu.memref_slice %arg10[%dma_wait3A_1475, %dma_wait3A_1480] : memref<2x2000xi32, #tpu.memory_space<vmem>> -> memref<1x2000xi32, #tpu.memory_space<vmem>>
    %dma_wait3A_1482 = tpu.memref_squeeze %dma_wait3A_1481 : memref<1x2000xi32, #tpu.memory_space<vmem>> -> memref<2000xi32, #tpu.memory_space<vmem>>
    %dma_wait3A_1483 = tpu.memref_slice %arg4[%add3A_1406] : memref<1600000xi32, #tpu.memory_space<hbm>> -> memref<2000xi32, #tpu.memory_space<hbm>>
    tpu.wait_dma2 semaphore(%arg12 : memref<!tpu.dma_semaphore, #tpu.memory_space<semaphore_mem>>) src(%dma_wait3A_1483 : memref<2000xi32, #tpu.memory_space<hbm>>) dst(%dma_wait3A_1482 : memref<2000xi32, #tpu.memory_space<vmem>>)
    %dma_wait3A_1484 = arith.constant 0 : i32
    %dma_wait3A_1485 = arith.constant 0 : i32
    %dma_wait3A_1486 = tpu.memref_slice %arg11[%dma_wait3A_1484, %dma_wait3A_1485] : memref<2x2000xf32, #tpu.memory_space<vmem>> -> memref<1x2000xf32, #tpu.memory_space<vmem>>
    %dma_wait3A_1487 = tpu.memref_squeeze %dma_wait3A_1486 : memref<1x2000xf32, #tpu.memory_space<vmem>> -> memref<2000xf32, #tpu.memory_space<vmem>>
    %dma_wait3A_1488 = tpu.memref_slice %arg6[%add3A_1395] : memref<1600000xf32, #tpu.memory_space<hbm>> -> memref<2000xf32, #tpu.memory_space<hbm>>
    %dma_wait3A_1489 = tpu.memref_slice %arg6[%add3A_1395] : memref<1600000xf32, #tpu.memory_space<hbm>> -> memref<2000xf32, #tpu.memory_space<hbm>>
    %dma_wait3A_1490 = arith.constant 0 : i32
    %dma_wait3A_1491 = tpu.memref_slice %arg11[%dma_wait3A_1484, %dma_wait3A_1490] : memref<2x2000xf32, #tpu.memory_space<vmem>> -> memref<1x2000xf32, #tpu.memory_space<vmem>>
    %dma_wait3A_1492 = tpu.memref_squeeze %dma_wait3A_1491 : memref<1x2000xf32, #tpu.memory_space<vmem>> -> memref<2000xf32, #tpu.memory_space<vmem>>
    tpu.wait_dma2 semaphore(%arg14 : memref<!tpu.dma_semaphore, #tpu.memory_space<semaphore_mem>>) src(%dma_wait3A_1492 : memref<2000xf32, #tpu.memory_space<vmem>>) dst(%dma_wait3A_1489 : memref<2000xf32, #tpu.memory_space<hbm>>)
    %parallel_loop3A_1493 = arith.constant 0 : i32
    %parallel_loop3A_1494 = arith.constant 2000 : i32
    %parallel_loop3A_1495 = arith.constant 16 : i32
    scf.for %parallel_loop3A_1525 = %parallel_loop3A_1493 to %parallel_loop3A_1494 step %parallel_loop3A_1495  : i32 {
      %parallel_loop3A_1526 = arith.constant 0 : i32
      %parallel_loop3A_1527 = arith.index_cast %parallel_loop3A_1526 : i32 to index
      %parallel_loop3A_1528 = arith.index_cast %parallel_loop3A_1525 : i32 to index
      %parallel_loop3A_1529 = tpu.vector_load %arg9[%parallel_loop3A_1527, %parallel_loop3A_1528] {strides = array<i32>} : memref<2x2000xi32, #tpu.memory_space<vmem>>, vector<16xi32>,
      %parallel_loop3A_1530 = arith.constant 0 : i32
      %parallel_loop3A_1531 = arith.index_cast %parallel_loop3A_1530 : i32 to index
      %parallel_loop3A_1532 = arith.index_cast %parallel_loop3A_1525 : i32 to index
      %parallel_loop3A_1533 = tpu.vector_load %arg10[%parallel_loop3A_1531, %parallel_loop3A_1532] {strides = array<i32>} : memref<2x2000xi32, #tpu.memory_space<vmem>>, vector<16xi32>,
      %parallel_loop3A_1534 = tpu.vector_load_idx %arg7[%parallel_loop3A_1529] : memref<100000xi32, #tpu.memory_space<vmem>>[vector<16xi32>], vector<16xi32>,
      %parallel_loop3A_1535 = tpu.vector_load_idx %arg7[%parallel_loop3A_1533] : memref<100000xi32, #tpu.memory_space<vmem>>[vector<16xi32>], vector<16xi32>,
      %parallel_loop3A_1536 = tpu.vector_load_idx %arg8[%parallel_loop3A_1534] : memref<128xf32, #tpu.memory_space<vmem>>[vector<16xi32>], vector<16xf32>,
      %parallel_loop3A_1537 = tpu.vector_load_idx %arg8[%parallel_loop3A_1535] : memref<128xf32, #tpu.memory_space<vmem>>[vector<16xi32>], vector<16xf32>,
      %parallel_loop3A_1538 = arith.mulf %parallel_loop3A_1536, %parallel_loop3A_1537 : vector<16xf32>
      %parallel_loop3A_1539 = arith.constant 0 : i32
      %parallel_loop3A_1540 = arith.index_cast %parallel_loop3A_1539 : i32 to index
      %parallel_loop3A_1541 = arith.index_cast %parallel_loop3A_1525 : i32 to index
      %parallel_loop3A_1542 = tpu.vector_load %arg11[%parallel_loop3A_1540, %parallel_loop3A_1541] {strides = array<i32>} : memref<2x2000xf32, #tpu.memory_space<vmem>>, vector<16xf32>,
      tpu.vector_store %arg11[%parallel_loop3A_1540, %parallel_loop3A_1541], %parallel_loop3A_1538 {strides = array<i32>} : memref<2x2000xf32, #tpu.memory_space<vmem>>, vector<16xf32>,
    } {sc.loop_unroll_factor = 5 : i64, sc.parallel_access}
    %add3A_1496 = arith.constant 48000 : i32
    %add3A_1497 = arith.addi %mul3A_2, %add3A_1496 : i32
    %dma_start3A_1498 = arith.constant 0 : i32
    %dma_start3A_1499 = arith.constant 0 : i32
    %dma_start3A_1500 = tpu.memref_slice %arg11[%dma_start3A_1498, %dma_start3A_1499] : memref<2x2000xf32, #tpu.memory_space<vmem>> -> memref<1x2000xf32, #tpu.memory_space<vmem>>
    %dma_start3A_1501 = tpu.memref_squeeze %dma_start3A_1500 : memref<1x2000xf32, #tpu.memory_space<vmem>> -> memref<2000xf32, #tpu.memory_space<vmem>>
    %dma_start3A_1502 = tpu.memref_slice %arg6[%add3A_1497] : memref<1600000xf32, #tpu.memory_space<hbm>> -> memref<2000xf32, #tpu.memory_space<hbm>>
    %dma_start3A_1503 = tpu.memref_slice %arg6[%add3A_1497] : memref<1600000xf32, #tpu.memory_space<hbm>> -> memref<2000xf32, #tpu.memory_space<hbm>>
    %dma_start3A_1504 = arith.constant 0 : i32
    %dma_start3A_1505 = tpu.memref_slice %arg11[%dma_start3A_1498, %dma_start3A_1504] : memref<2x2000xf32, #tpu.memory_space<vmem>> -> memref<1x2000xf32, #tpu.memory_space<vmem>>
    %dma_start3A_1506 = tpu.memref_squeeze %dma_start3A_1505 : memref<1x2000xf32, #tpu.memory_space<vmem>> -> memref<2000xf32, #tpu.memory_space<vmem>>
    tpu.enqueue_dma source(%dma_start3A_1506 : memref<2000xf32, #tpu.memory_space<vmem>>) target(%dma_start3A_1503 : memref<2000xf32, #tpu.memory_space<hbm>>) target_semaphore(%arg14 : memref<!tpu.dma_semaphore, #tpu.memory_space<semaphore_mem>>)
    %dma_wait3A_1507 = arith.constant 1 : i32
    %dma_wait3A_1508 = arith.constant 0 : i32
    %dma_wait3A_1509 = tpu.memref_slice %arg11[%dma_wait3A_1507, %dma_wait3A_1508] : memref<2x2000xf32, #tpu.memory_space<vmem>> -> memref<1x2000xf32, #tpu.memory_space<vmem>>
    %dma_wait3A_1510 = tpu.memref_squeeze %dma_wait3A_1509 : memref<1x2000xf32, #tpu.memory_space<vmem>> -> memref<2000xf32, #tpu.memory_space<vmem>>
    %dma_wait3A_1511 = tpu.memref_slice %arg6[%add3A_1456] : memref<1600000xf32, #tpu.memory_space<hbm>> -> memref<2000xf32, #tpu.memory_space<hbm>>
    %dma_wait3A_1512 = tpu.memref_slice %arg6[%add3A_1456] : memref<1600000xf32, #tpu.memory_space<hbm>> -> memref<2000xf32, #tpu.memory_space<hbm>>
    %dma_wait3A_1513 = arith.constant 0 : i32
    %dma_wait3A_1514 = tpu.memref_slice %arg11[%dma_wait3A_1507, %dma_wait3A_1513] : memref<2x2000xf32, #tpu.memory_space<vmem>> -> memref<1x2000xf32, #tpu.memory_space<vmem>>
    %dma_wait3A_1515 = tpu.memref_squeeze %dma_wait3A_1514 : memref<1x2000xf32, #tpu.memory_space<vmem>> -> memref<2000xf32, #tpu.memory_space<vmem>>
    tpu.wait_dma2 semaphore(%arg15 : memref<!tpu.dma_semaphore, #tpu.memory_space<semaphore_mem>>) src(%dma_wait3A_1515 : memref<2000xf32, #tpu.memory_space<vmem>>) dst(%dma_wait3A_1512 : memref<2000xf32, #tpu.memory_space<hbm>>)
    %dma_wait3A_1516 = arith.constant 0 : i32
    %dma_wait3A_1517 = arith.constant 0 : i32
    %dma_wait3A_1518 = tpu.memref_slice %arg11[%dma_wait3A_1516, %dma_wait3A_1517] : memref<2x2000xf32, #tpu.memory_space<vmem>> -> memref<1x2000xf32, #tpu.memory_space<vmem>>
    %dma_wait3A_1519 = tpu.memref_squeeze %dma_wait3A_1518 : memref<1x2000xf32, #tpu.memory_space<vmem>> -> memref<2000xf32, #tpu.memory_space<vmem>>
    %dma_wait3A_1520 = tpu.memref_slice %arg6[%add3A_1497] : memref<1600000xf32, #tpu.memory_space<hbm>> -> memref<2000xf32, #tpu.memory_space<hbm>>
    %dma_wait3A_1521 = tpu.memref_slice %arg6[%add3A_1497] : memref<1600000xf32, #tpu.memory_space<hbm>> -> memref<2000xf32, #tpu.memory_space<hbm>>
    %dma_wait3A_1522 = arith.constant 0 : i32
    %dma_wait3A_1523 = tpu.memref_slice %arg11[%dma_wait3A_1516, %dma_wait3A_1522] : memref<2x2000xf32, #tpu.memory_space<vmem>> -> memref<1x2000xf32, #tpu.memory_space<vmem>>
    %dma_wait3A_1524 = tpu.memref_squeeze %dma_wait3A_1523 : memref<1x2000xf32, #tpu.memory_space<vmem>> -> memref<2000xf32, #tpu.memory_space<vmem>>
    tpu.wait_dma2 semaphore(%arg14 : memref<!tpu.dma_semaphore, #tpu.memory_space<semaphore_mem>>) src(%dma_wait3A_1524 : memref<2000xf32, #tpu.memory_space<vmem>>) dst(%dma_wait3A_1521 : memref<2000xf32, #tpu.memory_space<hbm>>)
    return
  }
}

module attributes {stable_mosaic.version = 14 : i64} {
  func.func @_tc_body(%arg0: i32, %arg1: memref<65536xf32, #tpu.memory_space<vmem>>, %arg2: memref<65536xf32, #tpu.memory_space<vmem>>, %arg3: memref<65536xf32, #tpu.memory_space<vmem>>, %arg4: memref<65536xf32, #tpu.memory_space<vmem>>, %arg5: memref<32x65536xf32, #tpu.memory_space<vmem>>) attributes {dimension_semantics = [#tpu.dimension_semantics<arbitrary>], iteration_bounds = array<i64: 25>, scalar_prefetch = 0 : i64, scratch_operands = 0 : i64, tpu.core_type = #tpu.core_type<tc>, window_params = [{transform_indices = @transform_0, window_bounds = array<i64: 65536>}, {transform_indices = @transform_1, window_bounds = array<i64: 65536>}, {transform_indices = @transform_2, window_bounds = array<i64: 65536>}, {transform_indices = @transform_3, window_bounds = array<i64: 65536>}, {transform_indices = @transform_4, window_bounds = array<i64: 32, 65536>}]} {
    %get3A = arith.constant 0 : index
    %get3A_0 = vector.load %arg1[%get3A] : memref<65536xf32, #tpu.memory_space<vmem>>, vector<65536xf32>
    %reshape3A = vector.shape_cast %get3A_0 : vector<65536xf32> to vector<1x65536xf32>
    %get3A_1 = arith.constant 0 : index
    %get3A_2 = vector.load %arg2[%get3A_1] : memref<65536xf32, #tpu.memory_space<vmem>>, vector<65536xf32>
    %reshape3A_3 = vector.shape_cast %get3A_2 : vector<65536xf32> to vector<1x65536xf32>
    %get3A_4 = arith.constant 0 : index
    %get3A_5 = vector.load %arg3[%get3A_4] : memref<65536xf32, #tpu.memory_space<vmem>>, vector<65536xf32>
    %reshape3A_6 = vector.shape_cast %get3A_5 : vector<65536xf32> to vector<1x65536xf32>
    %get3A_7 = arith.constant 0 : index
    %get3A_8 = vector.load %arg4[%get3A_7] : memref<65536xf32, #tpu.memory_space<vmem>>, vector<65536xf32>
    %reshape3A_9 = vector.shape_cast %get3A_8 : vector<65536xf32> to vector<1x65536xf32>
    %mul3A = arith.mulf %reshape3A, %reshape3A : vector<1x65536xf32>
    %mul3A_10 = arith.mulf %reshape3A_3, %reshape3A_3 : vector<1x65536xf32>
    %add3A = arith.addf %mul3A, %mul3A_10 : vector<1x65536xf32>
    %mul3A_11 = arith.mulf %reshape3A_6, %reshape3A_6 : vector<1x65536xf32>
    %add3A_12 = arith.addf %add3A, %mul3A_11 : vector<1x65536xf32>
    %rsqrt3A = math.rsqrt %add3A_12 : vector<1x65536xf32>
    %mul3A_13 = arith.mulf %add3A_12, %rsqrt3A : vector<1x65536xf32>
    %mul3A_14 = arith.constant 0.628318548 : f32
    %mul3A_15 = vector.broadcast %mul3A_14 : f32 to vector<1x65536xf32>
    %mul3A_16 = arith.mulf %mul3A_13, %mul3A_15 : vector<1x65536xf32>
    %cos3A = math.cos %mul3A_16 : vector<1x65536xf32>
    %mul3A_17 = arith.constant 2.000000e+00 : f32
    %mul3A_18 = vector.broadcast %mul3A_17 : f32 to vector<1x65536xf32>
    %mul3A_19 = arith.mulf %mul3A_18, %cos3A : vector<1x65536xf32>
    %sin3A = math.sin %mul3A_16 : vector<1x65536xf32>
    %sqrt3A = arith.constant 4.000000e-01 : f32
    %sqrt3A_20 = math.sqrt %sqrt3A : f32
    %mul3A_21 = vector.broadcast %sqrt3A_20 : f32 to vector<1x65536xf32>
    %mul3A_22 = arith.mulf %reshape3A_9, %mul3A_21 : vector<1x65536xf32>
    %mul3A_23 = arith.mulf %mul3A_22, %rsqrt3A : vector<1x65536xf32>
    %mul3A_24 = arith.mulf %sin3A, %mul3A_23 : vector<1x65536xf32>
    %broadcast_in_dim3A = arith.constant 0.000000e+00 : f32
    %broadcast_in_dim3A_25 = vector.broadcast %broadcast_in_dim3A : f32 to vector<1x65536xf32>
    %mul3A_26 = arith.mulf %mul3A_19, %mul3A_24 : vector<1x65536xf32>
    %sub3A = arith.subf %mul3A_26, %broadcast_in_dim3A_25 : vector<1x65536xf32>
    %mul3A_27 = arith.mulf %mul3A_19, %sub3A : vector<1x65536xf32>
    %sub3A_28 = arith.subf %mul3A_27, %mul3A_24 : vector<1x65536xf32>
    %mul3A_29 = arith.mulf %mul3A_19, %sub3A_28 : vector<1x65536xf32>
    %sub3A_30 = arith.subf %mul3A_29, %sub3A : vector<1x65536xf32>
    %mul3A_31 = arith.mulf %mul3A_19, %sub3A_30 : vector<1x65536xf32>
    %sub3A_32 = arith.subf %mul3A_31, %sub3A_28 : vector<1x65536xf32>
    %mul3A_33 = arith.mulf %mul3A_19, %sub3A_32 : vector<1x65536xf32>
    %sub3A_34 = arith.subf %mul3A_33, %sub3A_30 : vector<1x65536xf32>
    %mul3A_35 = arith.mulf %mul3A_19, %sub3A_34 : vector<1x65536xf32>
    %sub3A_36 = arith.subf %mul3A_35, %sub3A_32 : vector<1x65536xf32>
    %mul3A_37 = arith.mulf %mul3A_19, %sub3A_36 : vector<1x65536xf32>
    %sub3A_38 = arith.subf %mul3A_37, %sub3A_34 : vector<1x65536xf32>
    %concatenate3A = tpu.concatenate %mul3A_24, %sub3A, %sub3A_28, %sub3A_30, %sub3A_32, %sub3A_34, %sub3A_36, %sub3A_38 in 0 : vector<1x65536xf32>, vector<1x65536xf32>, vector<1x65536xf32>, vector<1x65536xf32>, vector<1x65536xf32>, vector<1x65536xf32>, vector<1x65536xf32>, vector<1x65536xf32> -> vector<8x65536xf32>
    %mul3A_39 = arith.constant 0.488602519 : f32
    %mul3A_40 = vector.broadcast %mul3A_39 : f32 to vector<1x65536xf32>
    %mul3A_41 = arith.mulf %mul3A_40, %rsqrt3A : vector<1x65536xf32>
    %mul3A_42 = arith.constant 0.282094806 : f32
    %mul3A_43 = vector.broadcast %mul3A_42 : f32 to vector<8x65536xf32>
    %mul3A_44 = arith.mulf %mul3A_43, %concatenate3A : vector<8x65536xf32>
    %mul3A_45 = arith.mulf %mul3A_41, %reshape3A_3 : vector<1x65536xf32>
    %mul3A_46 = vector.broadcast %mul3A_45 : vector<1x65536xf32> to vector<8x65536xf32>
    %mul3A_47 = arith.mulf %mul3A_46, %concatenate3A : vector<8x65536xf32>
    %mul3A_48 = arith.mulf %mul3A_41, %reshape3A_6 : vector<1x65536xf32>
    %mul3A_49 = vector.broadcast %mul3A_48 : vector<1x65536xf32> to vector<8x65536xf32>
    %mul3A_50 = arith.mulf %mul3A_49, %concatenate3A : vector<8x65536xf32>
    %mul3A_51 = arith.mulf %mul3A_41, %reshape3A : vector<1x65536xf32>
    %mul3A_52 = vector.broadcast %mul3A_51 : vector<1x65536xf32> to vector<8x65536xf32>
    %mul3A_53 = arith.mulf %mul3A_52, %concatenate3A : vector<8x65536xf32>
    %concatenate3A_54 = tpu.concatenate %mul3A_44, %mul3A_47, %mul3A_50, %mul3A_53 in 0 : vector<8x65536xf32>, vector<8x65536xf32>, vector<8x65536xf32>, vector<8x65536xf32> -> vector<32x65536xf32>
    %swap3A = arith.constant 0 : index
    %swap3A_55 = arith.constant 0 : index
    %swap3A_56 = vector.load %arg5[%swap3A, %swap3A_55] : memref<32x65536xf32, #tpu.memory_space<vmem>>, vector<32x65536xf32>
    tpu.vector_store %arg5[%swap3A, %swap3A_55], %concatenate3A_54 {strides = array<i32>} : memref<32x65536xf32, #tpu.memory_space<vmem>>, vector<32x65536xf32>,
    return
  }
  func.func @transform_0(%arg0: i32) -> i32 {
    %c0_i32 = arith.constant 0 : i32
    return %arg0 : i32
  }
  func.func @transform_1(%arg0: i32) -> i32 {
    %c0_i32 = arith.constant 0 : i32
    return %arg0 : i32
  }
  func.func @transform_2(%arg0: i32) -> i32 {
    %c0_i32 = arith.constant 0 : i32
    return %arg0 : i32
  }
  func.func @transform_3(%arg0: i32) -> i32 {
    %c0_i32 = arith.constant 0 : i32
    return %arg0 : i32
  }
  func.func @transform_4(%arg0: i32) -> (i32, i32) {
    %c0_i32 = arith.constant 0 : i32
    %c0_i32_0 = arith.constant 0 : i32
    return %c0_i32, %arg0 : i32, i32
  }
}

</mosaic_0001>

<sc_bundles>
// kernel: kernel.4.cloned.1.call-start
scs
__scs_entry_jumppad:
0x0: {  	(pc) =	sbr.rel $0x88, $3  }
0x1: {  	(tag) =	ssettag $0x0;
	lr =	simm.s32 $0x1  }
0x2: {  	[smem:$0x3F9C] =	sst lr;
	_ =	strace $0xD0000000  }
0x3: {  	_ = 	snop  }
0x4: {  	_ = 	snop  }
0x5: {  	_ = 	snop  }
0x6: {  	_ = 	snop  }
0x7: {  	_ = 	snop  }
__scs_overlays_trampoline_lowered:
0x8: {  	[smem:$0x3FAB] =	sst s0  }
0x9: {  	[smem:$0x3FAC] =	sst s1  }
0xa: {  	[smem:$0x3FAD] =	sst s2  }
0xb: {  	[smem:$0x3FAE] =	sst s3  }
0xc: {  	[smem:$0x3FAF] =	sst s4  }
0xd: {  	[smem:$0x3FB0] =	sst s5  }
0xe: {  	[smem:$0x3FB1] =	sst s6  }
0xf: {  	[smem:$0x3FB2] =	sst s7  }
0x10: {  	[smem:$0x3FB3] =	sst s8  }
0x11: {  	[smem:$0x3FB4] =	sst s9;
	s0 =	simm.s32 @!p0 $0x0  }
0x12: {  	s1 =	sld [smem:$0x3F9A];
	s0 =	simm.s32 @p0 $0x1  }
0x13: {  	[smem:$0x3FB5] =	sst s0;
	s0 =	simm.s32 @!p1 $0x0  }
0x14: {  	s2 =	sld [smem:$0x3F99];
	s0 =	simm.s32 @p1 $0x1  }
0x15: {  	[smem:$0x3FB6] =	sst s0;
	s0 =	simm.s32 @!p2 $0x0  }
0x16: {  	s3 =	sld [smem:$0x3FDB];
	s0 =	simm.s32 @p2 $0x1  }
0x17: {  	s4 =	simm.s32 $0x1BF5;
	[smem:$0x3FB8] =	sst s0  }
0x18: {  	s0 =	sld [smem:$0x3F9B];
	_ =	swait.ge [sflag:s4], $0x0  }
0x19: {  	s7 =	sld [smem:$0x3F9C]  }
0x1a: {  	s8 =	sadd.s32 $0xFFFFE003, lr  }
0x1b: {  	s9 =	sadd.s32 $0xFFFFFEF7, lr;
	s5 =	simm.s32 $0xFFFFFFFF;
	p2 =	slt.u32 s8, $0xFFFFF086  }
0x1c: {  	p1 =	slt.u32 s9, $0xF7A;
	s5 =	simm.s32 @!p2 $0x0  }
0x1d: {  	s5 =	simm.s32 @p1 $0x1;
	p0 =	seq.s32 s7, s2  }
0x1e: {  	s7 =	smul.u32 @!p0 $0xF7A, s2;
	p2 =	seq.s32 @!p0 s5, $0x0  }
0x1f: {  	s9 =	smul.u32 $0xF7A, s1;
	s8 =	simm.s32 @!p0 $0x1BF5;
	p2 =	por !p2, p0  }
0x20: {  	[sflag:s8] =	ssyncset.s32 @!p0 $0xFFFFF086;
	s6 =	sadd.s32 @!p0 s3, s7;
	s7 =	simm.s32 @!p0 $0x108  }
0x21: {  	s3 =	sadd.s32 s3, s9;
	s6 =	sadd.s32 @!p0 $0x88, s6;
	s7 =	simm.s32 @p2 $0x1082  }
0x22: {  	[simem:s7], [sflag:s8] =	dma.local @!p0 [hbm:s6], $0xF7A  }
0x23: {  	s9 =	sor.u32 $0xD0000000, s2;
	s6 =	simm.s32 $0x108;
	_ =	swait.ge @!p0 [sflag:s8], $0x0  }
0x24: {  	s3 =	sadd.s32 $0x88, s3;
	s6 =	simm.s32 @!p1 $0x1082;
	[sflag:s4] =	ssyncset.s32 $0xFFFFF086  }
0x25: {  	[simem:s6], [sflag:s4] =	dma.local [hbm:s3], $0xF7A  }
0x26: {  	[smem:$0x3F9C] =	sst s1;
	(tag) =	ssettag s2;
	_ =	strace s9  }
0x27: {  	s1 =	sld [smem:$0x3FAC]  }
0x28: {  	s2 =	sld [smem:$0x3FAD]  }
0x29: {  	s4 =	sld [smem:$0x3FAF]  }
0x2a: {  	p0 =	seq.s32 s5, $0x0;
	s5 =	sld [smem:$0x3FB0]  }
0x2b: {  	s6 =	sld [smem:$0x3FB1]  }
0x2c: {  	s7 =	sld [smem:$0x3FB2]  }
0x2d: {  	s3 =	simm.s32 $0x108;
	s8 =	sld [smem:$0x3FB3]  }
0x2e: {  	s3 =	simm.s32 @!p0 $0x1082;
	s9 =	sld [smem:$0x3FB4]  }
0x2f: {  	lr =	sadd.s32 s0, s3;
	s0 =	sld [smem:$0x3FAB]  }
0x30: {  	s3 =	sld [smem:$0x3FAE]  }
0x31: {  	[smem:$0x3FB7] =	sst s10  }
0x32: {  	s10 =	sld [smem:$0x3FB5];
	_ =	sdelay $0x3  }
0x33: {  	p0 =	seq.s32 s10, $0x1;
	s10 =	sld [smem:$0x3FB7];
	_ =	sdelay $0x3  }
0x34: {  	[smem:$0x3FB7] =	sst s10  }
0x35: {  	s10 =	sld [smem:$0x3FB6];
	_ =	sdelay $0x3  }
0x36: {  	p1 =	seq.s32 s10, $0x1;
	s10 =	sld [smem:$0x3FB7];
	_ =	sdelay $0x3  }
0x37: {  	[smem:$0x3FB7] =	sst s10  }
0x38: {  	s10 =	sld [smem:$0x3FB8]  }
0x39: {  	_ = 	snop;
	(pc) =	sbr.ind lr, $3  }
0x3a: {  	_ = 	snop  }
0x3b: {  	_ = 	snop  }
0x3c: {  	p2 =	seq.s32 s10, $0x1;
	s10 =	sld [smem:$0x3FB7]  }
0x3d: {  	_ =	shalt  }
0x3e: {  	_ =	shalt  }
0x3f: {  	_ =	shalt  }
0x40: {  	_ =	shalt  }
0x41: {  	_ =	shalt  }
0x42: {  	_ =	shalt  }
0x43: {  	_ =	shalt  }
0x44: {  	_ =	shalt  }
0x45: {  	_ =	shalt  }
0x46: {  	_ =	shalt  }
0x47: {  	_ =	shalt  }
0x48: {  	_ =	shalt  }
0x49: {  	_ =	shalt  }
0x4a: {  	_ =	shalt  }
0x4b: {  	_ =	shalt  }
0x4c: {  	_ =	shalt  }
0x4d: {  	_ =	shalt  }
0x4e: {  	_ =	shalt  }
0x4f: {  	_ =	shalt  }
0x50: {  	_ =	shalt  }
0x51: {  	_ =	shalt  }
0x52: {  	_ =	shalt  }
0x53: {  	_ =	shalt  }
0x54: {  	_ =	shalt  }
0x55: {  	_ =	shalt  }
0x56: {  	_ =	shalt  }
0x57: {  	_ =	shalt  }
0x58: {  	_ =	shalt  }
0x59: {  	_ =	shalt  }
0x5a: {  	_ =	shalt  }
0x5b: {  	_ =	shalt  }
0x5c: {  	_ =	shalt  }
0x5d: {  	_ =	shalt  }
0x5e: {  	_ =	shalt  }
0x5f: {  	_ =	shalt  }
0x60: {  	_ =	shalt  }
0x61: {  	_ =	shalt  }
0x62: {  	_ =	shalt  }
0x63: {  	_ =	shalt  }
0x64: {  	_ =	shalt  }
0x65: {  	_ =	shalt  }
0x66: {  	_ =	shalt  }
0x67: {  	_ =	shalt  }
0x68: {  	_ =	shalt  }
0x69: {  	_ =	shalt  }
0x6a: {  	_ =	shalt  }
0x6b: {  	_ =	shalt  }
0x6c: {  	_ =	shalt  }
0x6d: {  	_ =	shalt  }
0x6e: {  	_ =	shalt  }
0x6f: {  	_ =	shalt  }
0x70: {  	_ =	shalt  }
0x71: {  	_ =	shalt  }
0x72: {  	_ =	shalt  }
0x73: {  	_ =	shalt  }
0x74: {  	_ =	shalt  }
0x75: {  	_ =	shalt  }
0x76: {  	_ =	shalt  }
0x77: {  	_ =	shalt  }
0x78: {  	_ =	shalt  }
0x79: {  	_ =	shalt  }
0x7a: {  	_ =	shalt  }
0x7b: {  	_ =	shalt  }
0x7c: {  	_ =	shalt  }
0x7d: {  	_ =	shalt  }
0x7e: {  	_ =	shalt  }
0x7f: {  	_ =	shalt  }
0x80: {  	_ =	shalt  }
0x81: {  	_ =	shalt  }
0x82: {  	_ =	shalt  }
0x83: {  	_ =	shalt  }
0x84: {  	_ =	shalt  }
0x85: {  	_ =	shalt  }
0x86: {  	_ =	shalt  }
0x87: {  	_ =	shalt  }
.Lfunc_end0:
.L_simem_size_0:
called_computation_lowered:
.L_overlay_start_0:
0x88: {  	s2 =	sld [smem:$0x3FD9]  }
0x89: {  	s3 =	sld [smem:$0x3FFE];
	_ =	sdelay $0x1  }
0x8a: {  	s1 =	srdreg.scid  }
0x8b: {  	s0 =	sand.u32 $0x1, s1  }
0x8c: {  	s17 =	sshll.u32 s0, $0xA;
	s2 =	sadd.s32 s3, s2  }
0x8d: {  	s2 =	sadd.s32 s2, s17  }
0x8e: {  	[smem:$0x3FC3] =	sst s2  }
0x8f: {  	_ = 	snop  }
0x90: {  	s2 =	sld [smem:$0x3FC9]  }
0x91: {  	s18 =	sld [smem:$0x3FC8]  }
0x92: {  	s4 =	sld [smem:$0x3FC7]  }
0x93: {  	s5 =	sld [smem:$0x3FD0];
	(tm) =	ssettm $0x1  }
0x94: {  	s6 =	sld [smem:$0x3FFB];
	_ =	sdelay $0x3  }
0x95: {  	_ =	strace s6  }
0x96: {  	s6 =	sld [smem:$0x3FFC];
	_ =	sdelay $0x3  }
0x97: {  	_ =	strace s6  }
0x98: {  	s6 =	sld [smem:$0x3FFD];
	_ =	sdelay $0x3  }
0x99: {  	_ =	strace s6  }
0x9a: {  	_ =	strace $0x8FFFFFFF  }
0x9b: {  	s19 =	sld [smem:$0x3FDB];
	_ =	sdelay $0x1  }
0x9c: {  	s7 =	simm.s32 $_scs_section_size  }
0x9d: {  	s8 =	simm.s32 $_size__tile_overlayer_lowered;
	s9 =	simm.s32 $_tile_overlayer_lowered  }
0x9e: {  	s22 =	simm.s32 $0x1BFF;
	s21 =	sshll.u32 s9, $0x1;
	s6 =	sadd.s32 s7, s19  }
0x9f: {  	s10 =	simm.s32 $0x0;
	s20 =	sshll.u32 s8, $0x1;
	s8 =	sadd.s32 s21, s6  }
0xa0: {  	[timem:s10], [sflag:s22] =	dma.local [hbm:s8], s20  }
0xa1: {  	_ =	swait.ge [sflag:s22], s20  }
0xa2: {  	s7 =	ssub.s32 $0x0, s20;
	[sflag:s22] =	ssyncset.done $0x0  }
0xa3: {  	[sflag:s22] =	ssyncadd.s32 s7;
	_ =	sdelay $0x1  }
0xa4: {  	s23 =	simm.s32 $0x1B8B  }
0xa5: {  	_ =	swait.ge [sflag:s23], $0x1  }
0xa6: {  	[sflag:s23] =	ssyncset.done $0x0  }
0xa7: {  	s25 =	simm.s32 $0x1B8E;
	s24 =	sld [smem:$0x3FFE];
	[sflag:s23] =	ssyncadd.s32 $0xFFFFFFFF  }
0xa8: {  	s26 =	simm.s32 $execute0_lowered;
	[smem:$0x3FD2] =	sst s25  }
0xa9: {  	s8 =	sshll.u32 s26, $0x1;
	_ =	strace $0x80000046;
	[dreg:$0x1] =	wrdreg $0xFFFFFFFF  }
0xaa: {  	s28 =	simm.s32 $_size_execute0_lowered;
	s6 =	sadd.s32 s6, s8;
	[dreg:$0x0] =	wrdreg $0x0  }
0xab: {  	s8 =	sshll.u32 s28, $0x1;
	[dreg:$0x2] =	wrdreg s6  }
0xac: {  	[dreg:$0x3] =	wrdreg s8  }
0xad: {  	[dreg:$0x4] =	wrdreg $0xC0  }
0xae: {  	_ =	task [dreg:s10], $0x5FFFF  }
0xaf: {  	[dreg:$0x1] =	wrdreg $0xFFFFFFFF  }
0xb0: {  	[dreg:$0x0] =	wrdreg $0x60  }
0xb1: {  	[dreg:$0x2] =	wrdreg s2  }
0xb2: {  	[dreg:$0x3] =	wrdreg s18  }
0xb3: {  	[dreg:$0x4] =	wrdreg s4  }
0xb4: {  	[dreg:$0x5] =	wrdreg s5  }
0xb5: {  	[dreg:$0x6] =	wrdreg s24  }
0xb6: {  	[dreg:$0x7] =	wrdreg $0x9  }
0xb7: {  	_ =	task.clear_ibuf [dreg:s10], $0x8FFFF;
	_ =	strace $0x90000046  }
0xb8: {  	s29 =	simm.s32 $0x9;
	_ =	strace $0x80000048  }
0xb9: {  	_ =	swait.ge [sflag:s29], $0x1  }
0xba: {  	[sflag:s29] =	ssyncadd.s32 $0xFFFFFFFF  }
0xbb: {  	_ =	strace $0x90000048  }
0xbc: {  	_ =	sfence  }
0xbd: {  	s30 =	sld [smem:$0x0];
	_ =	sdelay $0x2  }
0xbe: {  	s31 =	sshll.u32 s1, $0xD;
	s1 =	sshrl.u32 s1, $0x2  }
0xbf: {  	s3 =	sand.u32 $0x4000, s31;
	s1 =	sadd.s32 s1, s30  }
0xc0: {  	s0 =	sor.u32 s3, s0;
	s1 =	sshll.u32 s1, $0x11  }
0xc1: {  	s0 =	sor.u32 s1, s0  }
0xc2: {  	s0 =	sadd.s32 $0x8F2B, s0  }
0xc3: {  	[sflag:s0] =	ssyncadd.remote.s32 $0x1  }
0xc4: {  	_ =	sfence.sel $0xFFFF  }
0xc5: {  	[dreg:$0x0] =	wrdreg $0xFFFFFFFF;
	(pc) =	sbr.abs _section_cstart, $3  }
0xc6: {  	[dreg:$0x1] =	wrdreg $0xFFFFFFFF  }
0xc7: {  	_ =	task.clear_ibuf [dreg:s10], $0x2FFFF;
	_ =	strace $0x9FFFFFFF  }
0xc8: {  	(tm) =	ssettm $0x7FFFFFFF  }
0xc9: {  	_ =	shalt  }
tec
execute0_lowered:
.L_overlay_start_1:
0x0: {  	(tag) =	ssettag $0x1  }
0x1: {  	s0 =	srdreg.scid;
	s1 =	stileid.u32  }
0x2: {  	s2 =	sand.u32 $0x1, s0;
	s8 =	sshll.u32 s1, $0x1  }
0x3: {  	s0 =	sor.u32 s2, s8  }
0x4: {  	s3 =	smul.u32 $0xC350, s0  }
0x5: {  	s12 =	rddreg [dreg:$0x1]  }
0x6: {  	s14 =	rddreg [dreg:$0x2];
	s1 =	simm.s32 $0x0;
	s11 =	sshrl.u32 s3, $0x3  }
0x7: {  	[smem:$0x7FF] =	sst s1;
	s4 =	sadd.s32 $0xFA, s11  }
0x8: {  	s0 =	rddreg [dreg:$0x4];
	s10 =	sadd.s32 s12, s4  }
0x9: {  	s13 =	sadd.s32 $0x1F4, s11;
	s15 =	sadd.s32 s14, s4;
	[dreg:$0x6] =	wrdreg s10  }
0xa: {  	s16 =	sadd.s32 s12, s13;
	[dreg:$0x7] =	wrdreg s15  }
0xb: {  	s2 =	ssub.s32 $0x2, s2;
	s5 =	sadd.s32 s14, s13;
	[dreg:$0x8] =	wrdreg s16  }
0xc: {  	s18 =	sadd.s32 $0x2EE, s11;
	s4 =	sadd.s32 s0, s4;
	[dreg:$0x9] =	wrdreg s5  }
0xd: {  	s9 =	sshrl.u32 s2, $0x1;
	s19 =	sadd.s32 s12, s18;
	[dreg:$0xa] =	wrdreg s4  }
0xe: {  	s17 =	ssub.s32 s2, s9;
	s20 =	sadd.s32 s14, s18;
	[dreg:$0xb] =	wrdreg s19  }
0xf: {  	s21 =	sadd.s32 $0x3E8, s11;
	s2 =	sadd.s32 s0, s13;
	[dreg:$0xc] =	wrdreg s20  }
0x10: {  	s22 =	sadd.s32 s12, s21;
	[dreg:$0xd] =	wrdreg s2  }
0x11: {  	s23 =	sadd.s32 s14, s21;
	[dreg:$0xe] =	wrdreg s22  }
0x12: {  	s24 =	sadd.s32 $0x4E2, s11;
	s3 =	sadd.s32 s0, s18;
	[dreg:$0xf] =	wrdreg s23  }
0x13: {  	s25 =	sadd.s32 s12, s24;
	[dreg:$0x10] =	wrdreg s3  }
0x14: {  	s26 =	sadd.s32 $0x5DC, s11;
	s6 =	sadd.s32 s14, s24;
	[dreg:$0x11] =	wrdreg s25  }
0x15: {  	s7 =	sadd.s32 s12, s26;
	[dreg:$0x12] =	wrdreg s6  }
0x16: {  	s8 =	sadd.s32 s14, s26;
	[dreg:$0x14] =	wrdreg s7  }
0x17: {  	s9 =	sadd.s32 s0, s24;
	[dreg:$0x15] =	wrdreg s8  }
0x18: {  	s2 =	sadd.s32 s0, s21;
	[dreg:$0x16] =	wrdreg s9  }
0x19: {  	s24 =	sadd.s32 $0x9C4, s11;
	s3 =	sadd.s32 s0, s26;
	[dreg:$0x13] =	wrdreg s2  }
0x1a: {  	s25 =	sadd.s32 s12, s24;
	[dreg:$0x17] =	wrdreg s3  }
0x1b: {  	s10 =	sadd.s32 $0x6D6, s11;
	s5 =	sadd.s32 s14, s24;
	[smem:$0x7DA] =	sst s25  }
0x1c: {  	s13 =	sadd.s32 s12, s10;
	[smem:$0x7DB] =	sst s5  }
0x1d: {  	s16 =	sadd.s32 s14, s10;
	[dreg:$0x18] =	wrdreg s13  }
0x1e: {  	s15 =	sadd.s32 $0x7D0, s11;
	s2 =	sadd.s32 s0, s10;
	[dreg:$0x19] =	wrdreg s16  }
0x1f: {  	s18 =	sadd.s32 s12, s15;
	[dreg:$0x1a] =	wrdreg s2  }
0x20: {  	s19 =	sadd.s32 s14, s15;
	[dreg:$0x1b] =	wrdreg s18  }
0x21: {  	s21 =	sadd.s32 $0x8CA, s11;
	s20 =	sadd.s32 s0, s15;
	[dreg:$0x1c] =	wrdreg s19  }
0x22: {  	s22 =	sadd.s32 s12, s21;
	[dreg:$0x1d] =	wrdreg s20  }
0x23: {  	s23 =	sadd.s32 s14, s21;
	[dreg:$0x1e] =	wrdreg s22  }
0x24: {  	s26 =	sadd.s32 $0xABE, s11;
	s3 =	sadd.s32 s0, s24;
	[dreg:$0x1f] =	wrdreg s23  }
0x25: {  	s6 =	sadd.s32 s12, s26;
	[smem:$0x7DC] =	sst s3  }
0x26: {  	s8 =	sadd.s32 $0xBB8, s11;
	s7 =	sadd.s32 s14, s26;
	[smem:$0x7DD] =	sst s6  }
0x27: {  	s9 =	sadd.s32 s12, s8;
	[smem:$0x7DE] =	sst s7  }
0x28: {  	s28 =	simm.s32 $0x1AE30;
	s10 =	sadd.s32 s14, s8;
	[smem:$0x7E0] =	sst s9  }
0x29: {  	s24 =	sadd.s32 $0xFA0, s11;
	s2 =	sadd.s32 s0, s21;
	[smem:$0x7E1] =	sst s10  }
0x2a: {  	s29 =	simm.s32 $0x3;
	s25 =	sadd.s32 s12, s24;
	[smem:$0x7D9] =	sst s2  }
0x2b: {  	s30 =	simm.s32 $0x4;
	s5 =	sadd.s32 s14, s24;
	[smem:$0x7EC] =	sst s25  }
0x2c: {  	s13 =	sadd.s32 $0xCB2, s11;
	s2 =	sadd.s32 s0, s26;
	[smem:$0x7ED] =	sst s5  }
0x2d: {  	s31 =	simm.s32 $0x0;
	s15 =	sadd.s32 s12, s13;
	[smem:$0x7DF] =	sst s2  }
0x2e: {  	s17 =	smax.u32 s17, $0x1;
	s18 =	sadd.s32 s14, s13;
	[smem:$0x7E3] =	sst s15  }
0x2f: {  	s16 =	sadd.s32 $0xDAC, s11;
	s3 =	sadd.s32 s0, s13;
	[smem:$0x7E4] =	sst s18  }
0x30: {  	s21 =	sadd.s32 $0xEA6, s11;
	s19 =	sadd.s32 s12, s16;
	[smem:$0x7E5] =	sst s3  }
0x31: {  	s20 =	sadd.s32 s14, s16;
	s22 =	sadd.s32 s12, s21;
	[smem:$0x7E6] =	sst s19  }
0x32: {  	s23 =	sadd.s32 s14, s21;
	s26 =	sadd.s32 $0x109A, s11;
	[smem:$0x7E7] =	sst s20  }
0x33: {  	s13 =	sadd.s32 $0x128E, s11;
	s25 =	sadd.s32 $0x1676, s11;
	[smem:$0x7E9] =	sst s22  }
0x34: {  	s2 =	sadd.s32 s0, s8;
	[smem:$0x7EA] =	sst s23;
	s3 =	sadd.s32 s0, s24  }
0x35: {  	s6 =	sadd.s32 s12, s26;
	s7 =	sadd.s32 s14, s26;
	[smem:$0x7E2] =	sst s2  }
0x36: {  	s8 =	sadd.s32 $0x1194, s11;
	s15 =	sadd.s32 s12, s13;
	[smem:$0x7EE] =	sst s3  }
0x37: {  	s18 =	sadd.s32 s14, s13;
	s24 =	sadd.s32 $0x157C, s11;
	[smem:$0x7EF] =	sst s6  }
0x38: {  	s2 =	sadd.s32 s0, s16;
	[smem:$0x7F0] =	sst s7;
	s9 =	sadd.s32 s12, s8  }
0x39: {  	s10 =	sadd.s32 s14, s8;
	[smem:$0x7F5] =	sst s15;
	s16 =	sadd.s32 $0x1388, s11  }
0x3a: {  	[smem:$0x7F6] =	sst s18;
	s3 =	sadd.s32 s0, s13;
	s5 =	sadd.s32 s12, s24  }
0x3b: {  	s6 =	sadd.s32 s14, s24;
	s7 =	sadd.s32 s0, s24;
	[smem:$0x7E8] =	sst s2  }
0x3c: {  	s13 =	sadd.s32 s14, s25;
	s15 =	sadd.s32 s0, s25;
	[smem:$0x7F2] =	sst s9  }
0x3d: {  	s18 =	simm.s32 $0x5;
	s24 =	simm.s32 $0x1;
	[smem:$0x7F3] =	sst s10  }
0x3e: {  	s2 =	sadd.s32 s0, s21;
	[smem:$0x7F7] =	sst s3;
	s19 =	sadd.s32 s12, s16  }
0x3f: {  	s20 =	sadd.s32 s14, s16;
	s21 =	sadd.s32 $0x1482, s11;
	[smem:$0x7EB] =	sst s2  }
0x40: {  	s9 =	sadd.s32 s14, s11;
	s10 =	sadd.s32 s0, s11;
	[smem:$0x7F8] =	sst s19  }
0x41: {  	s2 =	sadd.s32 s0, s26;
	[smem:$0x7F9] =	sst s20;
	s22 =	sadd.s32 s12, s21  }
0x42: {  	s23 =	sadd.s32 s14, s21;
	s26 =	sadd.s32 $0x1770, s11;
	[smem:$0x7F1] =	sst s2  }
0x43: {  	s19 =	simm.s32 $0x186A0;
	s20 =	simm.s32 $0x18720;
	[smem:$0x7FB] =	sst s22  }
0x44: {  	s2 =	sadd.s32 s0, s8;
	[smem:$0x7FC] =	sst s23;
	s8 =	sadd.s32 s12, s11  }
0x45: {  	s11 =	sadd.s32 s12, s25;
	s12 =	sadd.s32 s12, s26;
	s14 =	sadd.s32 s14, s26  }
0x46: {  	s22 =	simm.s32 $0x18EF0;
	[smem:$0x7F4] =	sst s2;
	s2 =	sadd.s32 s0, s16  }
0x47: {  	s23 =	simm.s32 $0x19E90;
	[smem:$0x7FA] =	sst s2;
	s2 =	sadd.s32 s0, s21  }
0x48: {  	s25 =	simm.s32 $0x1A660;
	s16 =	sadd.s32 s0, s26;
	[smem:$0x7FD] =	sst s2  }
0x49: {  	s26 =	simm.s32 $0x2;
	s21 =	simm.s32 $0x196C0;
	_ =	strace $0x80000047  }
.LBB2_1:
0x4a: {  	s0 =	rddreg [dreg:$0x0]  }
0x4b: {  	[tilespmem:s1], [sflag:$0x5] =	stream.linear.gather [hbm4b:s0+s1], $0x186A0, $0x38;
	[tilespmem:$0x1B600] =	vst v63  }
0x4c: {  	_ =	swait.ge [sflag:s18], $0x186A0  }
0x4d: {  	[sflag:s18] =	ssyncset.done $0x0  }
0x4e: {  	[sflag:s18] =	ssyncadd.s32 $0xFFFE7960  }
0x4f: {  	s2 =	rddreg [dreg:$0x3]  }
0x50: {  	[tilespmem:s19], [sflag:$0x5] =	stream.linear.gather [hbm4b:s2+s1], $0x80, $0x38;
	[tilespmem:$0x1B600] =	vst v63  }
0x51: {  	_ =	swait.ge [sflag:s18], $0x80  }
0x52: {  	[sflag:s18] =	ssyncset.done $0x0  }
0x53: {  	[sflag:s18] =	ssyncadd.s32 $0xFFFFFF80  }
0x54: {  	[tilespmem:s20], [sflag:$0x1] =	stream.linear.gather [hbm4b:s8+s1], $0x7D0, $0x38;
	[tilespmem:$0x1B600] =	vst v63  }
0x55: {  	_ = 	snop  }
0x56: {  	[tilespmem:s21], [sflag:$0x1] =	stream.linear.gather [hbm4b:s9+s1], $0x7D0, $0x38;
	[tilespmem:$0x1B600] =	vst v63  }
0x57: {  	s3 =	rddreg [dreg:$0x6]  }
0x58: {  	[tilespmem:s22], [sflag:$0x2] =	stream.linear.gather [hbm4b:s3+s1], $0x7D0, $0x38;
	[tilespmem:$0x1B600] =	vst v63  }
0x59: {  	s4 =	rddreg [dreg:$0x7]  }
0x5a: {  	[tilespmem:s23], [sflag:$0x2] =	stream.linear.gather [hbm4b:s4+s1], $0x7D0, $0x38;
	[tilespmem:$0x1B600] =	vst v63  }
0x5b: {  	_ =	swait.ge [sflag:s24], $0x7D0  }
0x5c: {  	[sflag:s24] =	ssyncset.done $0x0  }
0x5d: {  	[sflag:s24] =	ssyncadd.s32 $0xFFFFF830  }
0x5e: {  	_ =	swait.ge [sflag:s24], $0x7D0  }
0x5f: {  	[sflag:s24] =	ssyncset.done $0x0  }
0x60: {  	s2 =	simm.s32 $0x18740;
	[sflag:s24] =	ssyncadd.s32 $0xFFFFF830  }
0x61: {  	s0 =	simm.s32 $0x196E0;
	v0 =	vld [tilespmem:s2+$0x20]  }
0x62: {  	v1 =	vld [tilespmem:s0+$0x20]  }
0x63: {  	v2 =	vld [tilespmem:s0+$0xFFFFFFE0]  }
0x64: {  	v3 =	vld [tilespmem:s2+$0xFFFFFFF0]  }
0x65: {  	v4 =	vld [tilespmem:s0+$0xFFFFFFF0]  }
0x66: {  	v5 =	vld [tilespmem:s2+$0x0]  }
0x67: {  	v6 =	vld [tilespmem:s0+$0x0]  }
0x68: {  	v7 =	vld [tilespmem:s2+$0x10]  }
0x69: {  	v8 =	vld [tilespmem:s0+$0x10]  }
0x6a: {  	v9 =	vld [tilespmem:s2+$0xFFFFFFE0]  }
0x6b: {  	v0 =	vld.idx.msk [tilespmem:v0+s1+$0x0], $0xffff  }
0x6c: {  	v1 =	vld.idx.msk [tilespmem:v1+s1+$0x0], $0xffff  }
0x6d: {  	v2 =	vld.idx.msk [tilespmem:v2+s1+$0x0], $0xffff  }
0x6e: {  	v3 =	vld.idx.msk [tilespmem:v3+s1+$0x0], $0xffff  }
0x6f: {  	v4 =	vld.idx.msk [tilespmem:v4+s1+$0x0], $0xffff  }
0x70: {  	v5 =	vld.idx.msk [tilespmem:v5+s1+$0x0], $0xffff  }
0x71: {  	v6 =	vld.idx.msk [tilespmem:v6+s1+$0x0], $0xffff  }
0x72: {  	v9 =	vld.idx.msk [tilespmem:v9+s1+$0x0], $0xffff  }
0x73: {  	v11 =	vld.idx.msk [tilespmem:v7+s1+$0x0], $0xffff  }
0x74: {  	v8 =	vld.idx.msk [tilespmem:v8+s1+$0x0], $0xffff  }
0x75: {  	v10 =	vld.idx.msk [tilespmem:v0+s19+$0x0], $0xffff  }
0x76: {  	v1 =	vld.idx.msk [tilespmem:v1+s19+$0x0], $0xffff  }
0x77: {  	v0 =	vld.idx.msk [tilespmem:v2+s19+$0x0], $0xffff  }
0x78: {  	v3 =	vld.idx.msk [tilespmem:v3+s19+$0x0], $0xffff  }
0x79: {  	v7 =	vld.idx.msk [tilespmem:v4+s19+$0x0], $0xffff  }
0x7a: {  	v2 =	vld.idx.msk [tilespmem:v5+s19+$0x0], $0xffff  }
0x7b: {  	v6 =	vld.idx.msk [tilespmem:v6+s19+$0x0], $0xffff  }
0x7c: {  	v4 =	vld.idx.msk [tilespmem:v9+s19+$0x0], $0xffff;
	v5 =	vmul.f32 v1, v10  }
0x7d: {  	s2 =	simm.s32 $0x1A680;
	v1 =	vld.idx.msk [tilespmem:v11+s19+$0x0], $0xffff  }
0x7e: {  	s3 =	simm.s32 $0x0;
	s4 =	simm.s32 $0x18790;
	[tilespmem:s2+$0x20] =	vst v5;
	v5 =	vld.idx.msk [tilespmem:v8+s19+$0x0], $0xffff  }
.LBB2_2:
0x7f: {  	v8 =	vld [tilespmem:s4+$0x20];
	v3 =	vmul.f32 v7, v3;
	s0 =	sadd.s32 $0x50, s0  }
0x80: {  	s3 =	sadd.s32 $0x50, s3;
	v7 =	vld [tilespmem:s0+$0x20]  }
0x81: {  	p0 =	slt.u32 s3, $0x780;
	v2 =	vmul.f32 v6, v2;
	v9 =	vld [tilespmem:s0+$0xFFFFFFE0];
	[tilespmem:s2+$0xFFFFFFF0] =	vst v3  }
0x82: {  	v0 =	vmul.f32 v0, v4;
	v3 =	vld [tilespmem:s4+$0xFFFFFFF0]  }
0x83: {  	v4 =	vld [tilespmem:s0+$0xFFFFFFF0];
	[tilespmem:s2+$0x0] =	vst v2  }
0x84: {  	v2 =	vld [tilespmem:s4+$0x0];
	[tilespmem:s2+$0xFFFFFFE0] =	vst v0;
	v0 =	vmul.f32 v5, v1  }
0x85: {  	v1 =	vld [tilespmem:s0+$0x0]  }
0x86: {  	v5 =	vld [tilespmem:s4+$0x10];
	[tilespmem:s2+$0x10] =	vst v0  }
0x87: {  	v0 =	vld.idx.msk [tilespmem:v8+s1+$0x0], $0xffff  }
0x88: {  	v6 =	vld.idx.msk [tilespmem:v7+s1+$0x0], $0xffff  }
0x89: {  	v7 =	vld [tilespmem:s0+$0x10]  }
0x8a: {  	v8 =	vld [tilespmem:s4+$0xFFFFFFE0]  }
0x8b: {  	v9 =	vld.idx.msk [tilespmem:v9+s1+$0x0], $0xffff  }
0x8c: {  	v3 =	vld.idx.msk [tilespmem:v3+s1+$0x0], $0xffff  }
0x8d: {  	v4 =	vld.idx.msk [tilespmem:v4+s1+$0x0], $0xffff  }
0x8e: {  	v2 =	vld.idx.msk [tilespmem:v2+s1+$0x0], $0xffff  }
0x8f: {  	v10 =	vld.idx.msk [tilespmem:v0+s19+$0x0], $0xffff  }
0x90: {  	v6 =	vld.idx.msk [tilespmem:v6+s19+$0x0], $0xffff  }
0x91: {  	v1 =	vld.idx.msk [tilespmem:v1+s1+$0x0], $0xffff  }
0x92: {  	v8 =	vld.idx.msk [tilespmem:v8+s1+$0x0], $0xffff  }
0x93: {  	v5 =	vld.idx.msk [tilespmem:v5+s1+$0x0], $0xffff  }
0x94: {  	v11 =	vld.idx.msk [tilespmem:v7+s1+$0x0], $0xffff  }
0x95: {  	v0 =	vld.idx.msk [tilespmem:v9+s19+$0x0], $0xffff  }
0x96: {  	v6 =	vmul.f32 v6, v10;
	v3 =	vld.idx.msk [tilespmem:v3+s19+$0x0], $0xffff  }
0x97: {  	s2 =	sadd.s32 $0x50, s2;
	v7 =	vld.idx.msk [tilespmem:v4+s19+$0x0], $0xffff  }
.Ltmp0:
0x98: {  	v2 =	vld.idx.msk [tilespmem:v2+s19+$0x0], $0xffff;
	[tilespmem:s2+$0x20] =	vst v6;
	(pc) =	sbr.rel @p0 .LBB2_2-.Ltmp0, $4  }
0x99: {  	v6 =	vld.idx.msk [tilespmem:v1+s19+$0x0], $0xffff  }
0x9a: {  	v4 =	vld.idx.msk [tilespmem:v8+s19+$0x0], $0xffff  }
0x9b: {  	v1 =	vld.idx.msk [tilespmem:v5+s19+$0x0], $0xffff  }
0x9c: {  	s4 =	sadd.s32 $0x50, s4;
	v5 =	vld.idx.msk [tilespmem:v11+s19+$0x0], $0xffff  }
0x9d: {  	_ = 	snop  }
0x9e: {  	v3 =	vmul.f32 v7, v3  }
0x9f: {  	v2 =	vmul.f32 v6, v2  }
0xa0: {  	[tilespmem:s2+$0xFFFFFFF0] =	vst v3;
	v0 =	vmul.f32 v0, v4  }
0xa1: {  	[tilespmem:s2+$0x0] =	vst v2;
	v1 =	vmul.f32 v5, v1  }
0xa2: {  	[tilespmem:s2+$0xFFFFFFE0] =	vst v0  }
0xa3: {  	[tilespmem:s2+$0x10] =	vst v1  }
0xa4: {  	[hbm4b:s10+s1] =	stream.linear.scatter [tilespmem:s25], [sflag:$0x3], $0x7D0, $0x38;
	[tilespmem:$0x1B600] =	vst v63  }
0xa5: {  	s0 =	rddreg [dreg:$0x8]  }
0xa6: {  	[tilespmem:s20], [sflag:$0x1] =	stream.linear.gather [hbm4b:s0+s1], $0x7D0, $0x38;
	[tilespmem:$0x1B600] =	vst v63  }
0xa7: {  	s3 =	rddreg [dreg:$0x9]  }
0xa8: {  	[tilespmem:s21], [sflag:$0x1] =	stream.linear.gather [hbm4b:s3+s1], $0x7D0, $0x38;
	[tilespmem:$0x1B600] =	vst v63  }
0xa9: {  	_ =	swait.ge [sflag:s26], $0x7D0  }
0xaa: {  	[sflag:s26] =	ssyncset.done $0x0  }
0xab: {  	[sflag:s26] =	ssyncadd.s32 $0xFFFFF830  }
0xac: {  	_ =	swait.ge [sflag:s26], $0x7D0  }
0xad: {  	[sflag:s26] =	ssyncset.done $0x0  }
0xae: {  	s4 =	simm.s32 $0x18F30;
	[sflag:s26] =	ssyncadd.s32 $0xFFFFF830  }
0xaf: {  	s0 =	simm.s32 $0x19ED0;
	v0 =	vld [tilespmem:s4+$0x0]  }
0xb0: {  	v1 =	vld [tilespmem:s0+$0x0]  }
0xb1: {  	v2 =	vld [tilespmem:s0+$0xFFFFFFC0]  }
0xb2: {  	v3 =	vld [tilespmem:s4+$0xFFFFFFD0]  }
0xb3: {  	v4 =	vld [tilespmem:s0+$0xFFFFFFD0]  }
0xb4: {  	v5 =	vld [tilespmem:s4+$0xFFFFFFE0]  }
0xb5: {  	v6 =	vld [tilespmem:s0+$0xFFFFFFE0]  }
0xb6: {  	v7 =	vld [tilespmem:s4+$0xFFFFFFF0]  }
0xb7: {  	v8 =	vld [tilespmem:s0+$0xFFFFFFF0]  }
0xb8: {  	v9 =	vld [tilespmem:s4+$0xFFFFFFC0]  }
0xb9: {  	v0 =	vld.idx.msk [tilespmem:v0+s1+$0x0], $0xffff  }
0xba: {  	v1 =	vld.idx.msk [tilespmem:v1+s1+$0x0], $0xffff  }
0xbb: {  	v2 =	vld.idx.msk [tilespmem:v2+s1+$0x0], $0xffff  }
0xbc: {  	v3 =	vld.idx.msk [tilespmem:v3+s1+$0x0], $0xffff  }
0xbd: {  	v4 =	vld.idx.msk [tilespmem:v4+s1+$0x0], $0xffff  }
0xbe: {  	v5 =	vld.idx.msk [tilespmem:v5+s1+$0x0], $0xffff  }
0xbf: {  	v6 =	vld.idx.msk [tilespmem:v6+s1+$0x0], $0xffff  }
0xc0: {  	v9 =	vld.idx.msk [tilespmem:v9+s1+$0x0], $0xffff  }
0xc1: {  	v11 =	vld.idx.msk [tilespmem:v7+s1+$0x0], $0xffff  }
0xc2: {  	v8 =	vld.idx.msk [tilespmem:v8+s1+$0x0], $0xffff  }
0xc3: {  	v10 =	vld.idx.msk [tilespmem:v0+s19+$0x0], $0xffff  }
0xc4: {  	v1 =	vld.idx.msk [tilespmem:v1+s19+$0x0], $0xffff  }
0xc5: {  	v0 =	vld.idx.msk [tilespmem:v2+s19+$0x0], $0xffff  }
0xc6: {  	v3 =	vld.idx.msk [tilespmem:v3+s19+$0x0], $0xffff  }
0xc7: {  	v7 =	vld.idx.msk [tilespmem:v4+s19+$0x0], $0xffff  }
0xc8: {  	v2 =	vld.idx.msk [tilespmem:v5+s19+$0x0], $0xffff  }
0xc9: {  	v6 =	vld.idx.msk [tilespmem:v6+s19+$0x0], $0xffff  }
0xca: {  	v4 =	vld.idx.msk [tilespmem:v9+s19+$0x0], $0xffff;
	v5 =	vmul.f32 v1, v10  }
0xcb: {  	s2 =	simm.s32 $0x1AE70;
	v1 =	vld.idx.msk [tilespmem:v11+s19+$0x0], $0xffff  }
0xcc: {  	s3 =	simm.s32 $0x0;
	s4 =	simm.s32 $0x18F80;
	[tilespmem:s2+$0x0] =	vst v5;
	v5 =	vld.idx.msk [tilespmem:v8+s19+$0x0], $0xffff  }
.LBB2_4:
0xcd: {  	v8 =	vld [tilespmem:s4+$0x0];
	v3 =	vmul.f32 v7, v3;
	s0 =	sadd.s32 $0x50, s0  }
0xce: {  	s3 =	sadd.s32 $0x50, s3;
	v7 =	vld [tilespmem:s0+$0x0]  }
0xcf: {  	p0 =	slt.u32 s3, $0x780;
	v2 =	vmul.f32 v6, v2;
	v9 =	vld [tilespmem:s0+$0xFFFFFFC0];
	[tilespmem:s2+$0xFFFFFFD0] =	vst v3  }
0xd0: {  	v0 =	vmul.f32 v0, v4;
	v3 =	vld [tilespmem:s4+$0xFFFFFFD0]  }
0xd1: {  	v4 =	vld [tilespmem:s0+$0xFFFFFFD0];
	[tilespmem:s2+$0xFFFFFFE0] =	vst v2  }
0xd2: {  	v2 =	vld [tilespmem:s4+$0xFFFFFFE0];
	[tilespmem:s2+$0xFFFFFFC0] =	vst v0;
	v0 =	vmul.f32 v5, v1  }
0xd3: {  	v1 =	vld [tilespmem:s0+$0xFFFFFFE0]  }
0xd4: {  	v5 =	vld [tilespmem:s4+$0xFFFFFFF0];
	[tilespmem:s2+$0xFFFFFFF0] =	vst v0  }
0xd5: {  	v0 =	vld.idx.msk [tilespmem:v8+s1+$0x0], $0xffff  }
0xd6: {  	v6 =	vld.idx.msk [tilespmem:v7+s1+$0x0], $0xffff  }
0xd7: {  	v7 =	vld [tilespmem:s0+$0xFFFFFFF0]  }
0xd8: {  	v8 =	vld [tilespmem:s4+$0xFFFFFFC0]  }
0xd9: {  	v9 =	vld.idx.msk [tilespmem:v9+s1+$0x0], $0xffff  }
0xda: {  	v3 =	vld.idx.msk [tilespmem:v3+s1+$0x0], $0xffff  }
0xdb: {  	v4 =	vld.idx.msk [tilespmem:v4+s1+$0x0], $0xffff  }
0xdc: {  	v2 =	vld.idx.msk [tilespmem:v2+s1+$0x0], $0xffff  }
0xdd: {  	v10 =	vld.idx.msk [tilespmem:v0+s19+$0x0], $0xffff  }
0xde: {  	v6 =	vld.idx.msk [tilespmem:v6+s19+$0x0], $0xffff  }
0xdf: {  	v1 =	vld.idx.msk [tilespmem:v1+s1+$0x0], $0xffff  }
0xe0: {  	v8 =	vld.idx.msk [tilespmem:v8+s1+$0x0], $0xffff  }
0xe1: {  	v5 =	vld.idx.msk [tilespmem:v5+s1+$0x0], $0xffff  }
0xe2: {  	v11 =	vld.idx.msk [tilespmem:v7+s1+$0x0], $0xffff  }
0xe3: {  	v0 =	vld.idx.msk [tilespmem:v9+s19+$0x0], $0xffff  }
0xe4: {  	v6 =	vmul.f32 v6, v10;
	v3 =	vld.idx.msk [tilespmem:v3+s19+$0x0], $0xffff  }
0xe5: {  	s2 =	sadd.s32 $0x50, s2;
	v7 =	vld.idx.msk [tilespmem:v4+s19+$0x0], $0xffff  }
.Ltmp1:
0xe6: {  	v2 =	vld.idx.msk [tilespmem:v2+s19+$0x0], $0xffff;
	[tilespmem:s2+$0x0] =	vst v6;
	(pc) =	sbr.rel @p0 .LBB2_4-.Ltmp1, $4  }
0xe7: {  	v6 =	vld.idx.msk [tilespmem:v1+s19+$0x0], $0xffff  }
0xe8: {  	v4 =	vld.idx.msk [tilespmem:v8+s19+$0x0], $0xffff  }
0xe9: {  	v1 =	vld.idx.msk [tilespmem:v5+s19+$0x0], $0xffff  }
0xea: {  	s4 =	sadd.s32 $0x50, s4;
	v5 =	vld.idx.msk [tilespmem:v11+s19+$0x0], $0xffff  }
0xeb: {  	_ = 	snop  }
0xec: {  	v3 =	vmul.f32 v7, v3  }
0xed: {  	v2 =	vmul.f32 v6, v2  }
0xee: {  	[tilespmem:s2+$0xFFFFFFD0] =	vst v3;
	v0 =	vmul.f32 v0, v4  }
0xef: {  	[tilespmem:s2+$0xFFFFFFE0] =	vst v2;
	v1 =	vmul.f32 v5, v1  }
0xf0: {  	[tilespmem:s2+$0xFFFFFFC0] =	vst v0  }
0xf1: {  	[tilespmem:s2+$0xFFFFFFF0] =	vst v1  }
0xf2: {  	s0 =	rddreg [dreg:$0xa]  }
0xf3: {  	[hbm4b:s0+s1] =	stream.linear.scatter [tilespmem:s28], [sflag:$0x4], $0x7D0, $0x38;
	[tilespmem:$0x1B600] =	vst v63  }
0xf4: {  	s2 =	rddreg [dreg:$0xb]  }
0xf5: {  	[tilespmem:s22], [sflag:$0x2] =	stream.linear.gather [hbm4b:s2+s1], $0x7D0, $0x38;
	[tilespmem:$0x1B600] =	vst v63  }
0xf6: {  	s3 =	rddreg [dreg:$0xc]  }
0xf7: {  	[tilespmem:s23], [sflag:$0x2] =	stream.linear.gather [hbm4b:s3+s1], $0x7D0, $0x38;
	[tilespmem:$0x1B600] =	vst v63  }
0xf8: {  	_ =	swait.ge [sflag:s24], $0x7D0  }
0xf9: {  	[sflag:s24] =	ssyncset.done $0x0  }
0xfa: {  	[sflag:s24] =	ssyncadd.s32 $0xFFFFF830  }
0xfb: {  	_ =	swait.ge [sflag:s24], $0x7D0  }
0xfc: {  	[sflag:s24] =	ssyncset.done $0x0  }
0xfd: {  	[sflag:s24] =	ssyncadd.s32 $0xFFFFF830  }
0xfe: {  	_ =	swait.ge [sflag:s29], $0x7D0  }
0xff: {  	[sflag:s29] =	ssyncset.done $0x0  }
0x100: {  	s4 =	simm.s32 $0x18740;
	[sflag:s29] =	ssyncadd.s32 $0xFFFFF830  }
0x101: {  	s0 =	simm.s32 $0x196E0;
	v0 =	vld [tilespmem:s4+$0x20]  }
0x102: {  	v1 =	vld [tilespmem:s0+$0x20]  }
0x103: {  	v2 =	vld [tilespmem:s0+$0xFFFFFFE0]  }
0x104: {  	v3 =	vld [tilespmem:s4+$0xFFFFFFF0]  }
0x105: {  	v4 =	vld [tilespmem:s0+$0xFFFFFFF0]  }
0x106: {  	v5 =	vld [tilespmem:s4+$0x0]  }
0x107: {  	v6 =	vld [tilespmem:s0+$0x0]  }
0x108: {  	v7 =	vld [tilespmem:s4+$0x10]  }
0x109: {  	v8 =	vld [tilespmem:s0+$0x10]  }
0x10a: {  	v9 =	vld [tilespmem:s4+$0xFFFFFFE0]  }
0x10b: {  	v0 =	vld.idx.msk [tilespmem:v0+s1+$0x0], $0xffff  }
0x10c: {  	v1 =	vld.idx.msk [tilespmem:v1+s1+$0x0], $0xffff  }
0x10d: {  	v2 =	vld.idx.msk [tilespmem:v2+s1+$0x0], $0xffff  }
0x10e: {  	v3 =	vld.idx.msk [tilespmem:v3+s1+$0x0], $0xffff  }
0x10f: {  	v4 =	vld.idx.msk [tilespmem:v4+s1+$0x0], $0xffff  }
0x110: {  	v5 =	vld.idx.msk [tilespmem:v5+s1+$0x0], $0xffff  }
0x111: {  	v6 =	vld.idx.msk [tilespmem:v6+s1+$0x0], $0xffff  }
0x112: {  	v9 =	vld.idx.msk [tilespmem:v9+s1+$0x0], $0xffff  }
0x113: {  	v11 =	vld.idx.msk [tilespmem:v7+s1+$0x0], $0xffff  }
0x114: {  	v8 =	vld.idx.msk [tilespmem:v8+s1+$0x0], $0xffff  }
0x115: {  	v10 =	vld.idx.msk [tilespmem:v0+s19+$0x0], $0xffff  }
0x116: {  	v1 =	vld.idx.msk [tilespmem:v1+s19+$0x0], $0xffff  }
0x117: {  	v0 =	vld.idx.msk [tilespmem:v2+s19+$0x0], $0xffff  }
0x118: {  	v3 =	vld.idx.msk [tilespmem:v3+s19+$0x0], $0xffff  }
0x119: {  	v7 =	vld.idx.msk [tilespmem:v4+s19+$0x0], $0xffff  }
0x11a: {  	v2 =	vld.idx.msk [tilespmem:v5+s19+$0x0], $0xffff  }
0x11b: {  	v6 =	vld.idx.msk [tilespmem:v6+s19+$0x0], $0xffff  }
0x11c: {  	v4 =	vld.idx.msk [tilespmem:v9+s19+$0x0], $0xffff;
	v5 =	vmul.f32 v1, v10  }
0x11d: {  	s2 =	simm.s32 $0x1A680;
	v1 =	vld.idx.msk [tilespmem:v11+s19+$0x0], $0xffff  }
0x11e: {  	s3 =	simm.s32 $0x0;
	s4 =	simm.s32 $0x18790;
	[tilespmem:s2+$0x20] =	vst v5;
	v5 =	vld.idx.msk [tilespmem:v8+s19+$0x0], $0xffff  }
.LBB2_6:
0x11f: {  	v8 =	vld [tilespmem:s4+$0x20];
	v3 =	vmul.f32 v7, v3;
	s0 =	sadd.s32 $0x50, s0  }
0x120: {  	s3 =	sadd.s32 $0x50, s3;
	v7 =	vld [tilespmem:s0+$0x20]  }
0x121: {  	p0 =	slt.u32 s3, $0x780;
	v2 =	vmul.f32 v6, v2;
	v9 =	vld [tilespmem:s0+$0xFFFFFFE0];
	[tilespmem:s2+$0xFFFFFFF0] =	vst v3  }
0x122: {  	v0 =	vmul.f32 v0, v4;
	v3 =	vld [tilespmem:s4+$0xFFFFFFF0]  }
0x123: {  	v4 =	vld [tilespmem:s0+$0xFFFFFFF0];
	[tilespmem:s2+$0x0] =	vst v2  }
0x124: {  	v2 =	vld [tilespmem:s4+$0x0];
	[tilespmem:s2+$0xFFFFFFE0] =	vst v0;
	v0 =	vmul.f32 v5, v1  }
0x125: {  	v1 =	vld [tilespmem:s0+$0x0]  }
0x126: {  	v5 =	vld [tilespmem:s4+$0x10];
	[tilespmem:s2+$0x10] =	vst v0  }
0x127: {  	v0 =	vld.idx.msk [tilespmem:v8+s1+$0x0], $0xffff  }
0x128: {  	v6 =	vld.idx.msk [tilespmem:v7+s1+$0x0], $0xffff  }
0x129: {  	v7 =	vld [tilespmem:s0+$0x10]  }
0x12a: {  	v8 =	vld [tilespmem:s4+$0xFFFFFFE0]  }
0x12b: {  	v9 =	vld.idx.msk [tilespmem:v9+s1+$0x0], $0xffff  }
0x12c: {  	v3 =	vld.idx.msk [tilespmem:v3+s1+$0x0], $0xffff  }
0x12d: {  	v4 =	vld.idx.msk [tilespmem:v4+s1+$0x0], $0xffff  }
0x12e: {  	v2 =	vld.idx.msk [tilespmem:v2+s1+$0x0], $0xffff  }
0x12f: {  	v10 =	vld.idx.msk [tilespmem:v0+s19+$0x0], $0xffff  }
0x130: {  	v6 =	vld.idx.msk [tilespmem:v6+s19+$0x0], $0xffff  }
0x131: {  	v1 =	vld.idx.msk [tilespmem:v1+s1+$0x0], $0xffff  }
0x132: {  	v8 =	vld.idx.msk [tilespmem:v8+s1+$0x0], $0xffff  }
0x133: {  	v5 =	vld.idx.msk [tilespmem:v5+s1+$0x0], $0xffff  }
0x134: {  	v11 =	vld.idx.msk [tilespmem:v7+s1+$0x0], $0xffff  }
0x135: {  	v0 =	vld.idx.msk [tilespmem:v9+s19+$0x0], $0xffff  }
0x136: {  	v6 =	vmul.f32 v6, v10;
	v3 =	vld.idx.msk [tilespmem:v3+s19+$0x0], $0xffff  }
0x137: {  	s2 =	sadd.s32 $0x50, s2;
	v7 =	vld.idx.msk [tilespmem:v4+s19+$0x0], $0xffff  }
.Ltmp2:
0x138: {  	v2 =	vld.idx.msk [tilespmem:v2+s19+$0x0], $0xffff;
	[tilespmem:s2+$0x20] =	vst v6;
	(pc) =	sbr.rel @p0 .LBB2_6-.Ltmp2, $4  }
0x139: {  	v6 =	vld.idx.msk [tilespmem:v1+s19+$0x0], $0xffff  }
0x13a: {  	v4 =	vld.idx.msk [tilespmem:v8+s19+$0x0], $0xffff  }
0x13b: {  	v1 =	vld.idx.msk [tilespmem:v5+s19+$0x0], $0xffff  }
0x13c: {  	s4 =	sadd.s32 $0x50, s4;
	v5 =	vld.idx.msk [tilespmem:v11+s19+$0x0], $0xffff  }
0x13d: {  	_ = 	snop  }
0x13e: {  	v3 =	vmul.f32 v7, v3  }
0x13f: {  	v2 =	vmul.f32 v6, v2  }
0x140: {  	[tilespmem:s2+$0xFFFFFFF0] =	vst v3;
	v0 =	vmul.f32 v0, v4  }
0x141: {  	[tilespmem:s2+$0x0] =	vst v2;
	v1 =	vmul.f32 v5, v1  }
0x142: {  	[tilespmem:s2+$0xFFFFFFE0] =	vst v0  }
0x143: {  	[tilespmem:s2+$0x10] =	vst v1  }
0x144: {  	s0 =	rddreg [dreg:$0xd]  }
0x145: {  	[hbm4b:s0+s1] =	stream.linear.scatter [tilespmem:s25], [sflag:$0x3], $0x7D0, $0x38;
	[tilespmem:$0x1B600] =	vst v63  }
0x146: {  	s2 =	rddreg [dreg:$0xe]  }
0x147: {  	[tilespmem:s20], [sflag:$0x1] =	stream.linear.gather [hbm4b:s2+s1], $0x7D0, $0x38;
	[tilespmem:$0x1B600] =	vst v63  }
0x148: {  	s3 =	rddreg [dreg:$0xf]  }
0x149: {  	[tilespmem:s21], [sflag:$0x1] =	stream.linear.gather [hbm4b:s3+s1], $0x7D0, $0x38;
	[tilespmem:$0x1B600] =	vst v63  }
0x14a: {  	_ =	swait.ge [sflag:s26], $0x7D0  }
0x14b: {  	[sflag:s26] =	ssyncset.done $0x0  }
0x14c: {  	[sflag:s26] =	ssyncadd.s32 $0xFFFFF830  }
0x14d: {  	_ =	swait.ge [sflag:s26], $0x7D0  }
0x14e: {  	[sflag:s26] =	ssyncset.done $0x0  }
0x14f: {  	[sflag:s26] =	ssyncadd.s32 $0xFFFFF830  }
0x150: {  	_ =	swait.ge [sflag:s30], $0x7D0  }
0x151: {  	[sflag:s30] =	ssyncset.done $0x0  }
0x152: {  	s4 =	simm.s32 $0x18F30;
	[sflag:s30] =	ssyncadd.s32 $0xFFFFF830  }
0x153: {  	s0 =	simm.s32 $0x19ED0;
	v0 =	vld [tilespmem:s4+$0x0]  }
0x154: {  	v1 =	vld [tilespmem:s0+$0x0]  }
0x155: {  	v2 =	vld [tilespmem:s0+$0xFFFFFFC0]  }
0x156: {  	v3 =	vld [tilespmem:s4+$0xFFFFFFD0]  }
0x157: {  	v4 =	vld [tilespmem:s0+$0xFFFFFFD0]  }
0x158: {  	v5 =	vld [tilespmem:s4+$0xFFFFFFE0]  }
0x159: {  	v6 =	vld [tilespmem:s0+$0xFFFFFFE0]  }
0x15a: {  	v7 =	vld [tilespmem:s4+$0xFFFFFFF0]  }
0x15b: {  	v8 =	vld [tilespmem:s0+$0xFFFFFFF0]  }
0x15c: {  	v9 =	vld [tilespmem:s4+$0xFFFFFFC0]  }
0x15d: {  	v0 =	vld.idx.msk [tilespmem:v0+s1+$0x0], $0xffff  }
0x15e: {  	v1 =	vld.idx.msk [tilespmem:v1+s1+$0x0], $0xffff  }
0x15f: {  	v2 =	vld.idx.msk [tilespmem:v2+s1+$0x0], $0xffff  }
0x160: {  	v3 =	vld.idx.msk [tilespmem:v3+s1+$0x0], $0xffff  }
0x161: {  	v4 =	vld.idx.msk [tilespmem:v4+s1+$0x0], $0xffff  }
0x162: {  	v5 =	vld.idx.msk [tilespmem:v5+s1+$0x0], $0xffff  }
0x163: {  	v6 =	vld.idx.msk [tilespmem:v6+s1+$0x0], $0xffff  }
0x164: {  	v9 =	vld.idx.msk [tilespmem:v9+s1+$0x0], $0xffff  }
0x165: {  	v11 =	vld.idx.msk [tilespmem:v7+s1+$0x0], $0xffff  }
0x166: {  	v8 =	vld.idx.msk [tilespmem:v8+s1+$0x0], $0xffff  }
0x167: {  	v10 =	vld.idx.msk [tilespmem:v0+s19+$0x0], $0xffff  }
0x168: {  	v1 =	vld.idx.msk [tilespmem:v1+s19+$0x0], $0xffff  }
0x169: {  	v0 =	vld.idx.msk [tilespmem:v2+s19+$0x0], $0xffff  }
0x16a: {  	v3 =	vld.idx.msk [tilespmem:v3+s19+$0x0], $0xffff  }
0x16b: {  	v7 =	vld.idx.msk [tilespmem:v4+s19+$0x0], $0xffff  }
0x16c: {  	v2 =	vld.idx.msk [tilespmem:v5+s19+$0x0], $0xffff  }
0x16d: {  	v6 =	vld.idx.msk [tilespmem:v6+s19+$0x0], $0xffff  }
0x16e: {  	v4 =	vld.idx.msk [tilespmem:v9+s19+$0x0], $0xffff;
	v5 =	vmul.f32 v1, v10  }
0x16f: {  	s2 =	simm.s32 $0x1AE70;
	v1 =	vld.idx.msk [tilespmem:v11+s19+$0x0], $0xffff  }
0x170: {  	s3 =	simm.s32 $0x0;
	s4 =	simm.s32 $0x18F80;
	[tilespmem:s2+$0x0] =	vst v5;
	v5 =	vld.idx.msk [tilespmem:v8+s19+$0x0], $0xffff  }
.LBB2_8:
0x171: {  	v8 =	vld [tilespmem:s4+$0x0];
	v3 =	vmul.f32 v7, v3;
	s0 =	sadd.s32 $0x50, s0  }
0x172: {  	s3 =	sadd.s32 $0x50, s3;
	v7 =	vld [tilespmem:s0+$0x0]  }
0x173: {  	p0 =	slt.u32 s3, $0x780;
	v2 =	vmul.f32 v6, v2;
	v9 =	vld [tilespmem:s0+$0xFFFFFFC0];
	[tilespmem:s2+$0xFFFFFFD0] =	vst v3  }
0x174: {  	v0 =	vmul.f32 v0, v4;
	v3 =	vld [tilespmem:s4+$0xFFFFFFD0]  }
0x175: {  	v4 =	vld [tilespmem:s0+$0xFFFFFFD0];
	[tilespmem:s2+$0xFFFFFFE0] =	vst v2  }
0x176: {  	v2 =	vld [tilespmem:s4+$0xFFFFFFE0];
	[tilespmem:s2+$0xFFFFFFC0] =	vst v0;
	v0 =	vmul.f32 v5, v1  }
0x177: {  	v1 =	vld [tilespmem:s0+$0xFFFFFFE0]  }
0x178: {  	v5 =	vld [tilespmem:s4+$0xFFFFFFF0];
	[tilespmem:s2+$0xFFFFFFF0] =	vst v0  }
0x179: {  	v0 =	vld.idx.msk [tilespmem:v8+s1+$0x0], $0xffff  }
0x17a: {  	v6 =	vld.idx.msk [tilespmem:v7+s1+$0x0], $0xffff  }
0x17b: {  	v7 =	vld [tilespmem:s0+$0xFFFFFFF0]  }
0x17c: {  	v8 =	vld [tilespmem:s4+$0xFFFFFFC0]  }
0x17d: {  	v9 =	vld.idx.msk [tilespmem:v9+s1+$0x0], $0xffff  }
0x17e: {  	v3 =	vld.idx.msk [tilespmem:v3+s1+$0x0], $0xffff  }
0x17f: {  	v4 =	vld.idx.msk [tilespmem:v4+s1+$0x0], $0xffff  }
0x180: {  	v2 =	vld.idx.msk [tilespmem:v2+s1+$0x0], $0xffff  }
0x181: {  	v10 =	vld.idx.msk [tilespmem:v0+s19+$0x0], $0xffff  }
0x182: {  	v6 =	vld.idx.msk [tilespmem:v6+s19+$0x0], $0xffff  }
0x183: {  	v1 =	vld.idx.msk [tilespmem:v1+s1+$0x0], $0xffff  }
0x184: {  	v8 =	vld.idx.msk [tilespmem:v8+s1+$0x0], $0xffff  }
0x185: {  	v5 =	vld.idx.msk [tilespmem:v5+s1+$0x0], $0xffff  }
0x186: {  	v11 =	vld.idx.msk [tilespmem:v7+s1+$0x0], $0xffff  }
0x187: {  	v0 =	vld.idx.msk [tilespmem:v9+s19+$0x0], $0xffff  }
0x188: {  	v6 =	vmul.f32 v6, v10;
	v3 =	vld.idx.msk [tilespmem:v3+s19+$0x0], $0xffff  }
0x189: {  	s2 =	sadd.s32 $0x50, s2;
	v7 =	vld.idx.msk [tilespmem:v4+s19+$0x0], $0xffff  }
.Ltmp3:
0x18a: {  	v2 =	vld.idx.msk [tilespmem:v2+s19+$0x0], $0xffff;
	[tilespmem:s2+$0x0] =	vst v6;
	(pc) =	sbr.rel @p0 .LBB2_8-.Ltmp3, $4  }
0x18b: {  	v6 =	vld.idx.msk [tilespmem:v1+s19+$0x0], $0xffff  }
0x18c: {  	v4 =	vld.idx.msk [tilespmem:v8+s19+$0x0], $0xffff  }
0x18d: {  	v1 =	vld.idx.msk [tilespmem:v5+s19+$0x0], $0xffff  }
0x18e: {  	s4 =	sadd.s32 $0x50, s4;
	v5 =	vld.idx.msk [tilespmem:v11+s19+$0x0], $0xffff  }
0x18f: {  	_ = 	snop  }
0x190: {  	v3 =	vmul.f32 v7, v3  }
0x191: {  	v2 =	vmul.f32 v6, v2  }
0x192: {  	[tilespmem:s2+$0xFFFFFFD0] =	vst v3;
	v0 =	vmul.f32 v0, v4  }
0x193: {  	[tilespmem:s2+$0xFFFFFFE0] =	vst v2;
	v1 =	vmul.f32 v5, v1  }
0x194: {  	[tilespmem:s2+$0xFFFFFFC0] =	vst v0  }
0x195: {  	[tilespmem:s2+$0xFFFFFFF0] =	vst v1  }
0x196: {  	s0 =	rddreg [dreg:$0x10]  }
0x197: {  	[hbm4b:s0+s1] =	stream.linear.scatter [tilespmem:s28], [sflag:$0x4], $0x7D0, $0x38;
	[tilespmem:$0x1B600] =	vst v63  }
0x198: {  	s2 =	rddreg [dreg:$0x11]  }
0x199: {  	[tilespmem:s22], [sflag:$0x2] =	stream.linear.gather [hbm4b:s2+s1], $0x7D0, $0x38;
	[tilespmem:$0x1B600] =	vst v63  }
0x19a: {  	s3 =	rddreg [dreg:$0x12]  }
0x19b: {  	[tilespmem:s23], [sflag:$0x2] =	stream.linear.gather [hbm4b:s3+s1], $0x7D0, $0x38;
	[tilespmem:$0x1B600] =	vst v63  }
0x19c: {  	_ =	swait.ge [sflag:s24], $0x7D0  }
0x19d: {  	[sflag:s24] =	ssyncset.done $0x0  }
0x19e: {  	[sflag:s24] =	ssyncadd.s32 $0xFFFFF830  }
0x19f: {  	_ =	swait.ge [sflag:s24], $0x7D0  }
0x1a0: {  	[sflag:s24] =	ssyncset.done $0x0  }
0x1a1: {  	[sflag:s24] =	ssyncadd.s32 $0xFFFFF830  }
0x1a2: {  	_ =	swait.ge [sflag:s29], $0x7D0  }
0x1a3: {  	[sflag:s29] =	ssyncset.done $0x0  }
0x1a4: {  	s4 =	simm.s32 $0x18740;
	[sflag:s29] =	ssyncadd.s32 $0xFFFFF830  }
0x1a5: {  	s0 =	simm.s32 $0x196E0;
	v0 =	vld [tilespmem:s4+$0x20]  }
0x1a6: {  	v1 =	vld [tilespmem:s0+$0x20]  }
0x1a7: {  	v2 =	vld [tilespmem:s0+$0xFFFFFFE0]  }
0x1a8: {  	v3 =	vld [tilespmem:s4+$0xFFFFFFF0]  }
0x1a9: {  	v4 =	vld [tilespmem:s0+$0xFFFFFFF0]  }
0x1aa: {  	v5 =	vld [tilespmem:s4+$0x0]  }
0x1ab: {  	v6 =	vld [tilespmem:s0+$0x0]  }
0x1ac: {  	v7 =	vld [tilespmem:s4+$0x10]  }
0x1ad: {  	v8 =	vld [tilespmem:s0+$0x10]  }
0x1ae: {  	v9 =	vld [tilespmem:s4+$0xFFFFFFE0]  }
0x1af: {  	v0 =	vld.idx.msk [tilespmem:v0+s1+$0x0], $0xffff  }
0x1b0: {  	v1 =	vld.idx.msk [tilespmem:v1+s1+$0x0], $0xffff  }
0x1b1: {  	v2 =	vld.idx.msk [tilespmem:v2+s1+$0x0], $0xffff  }
0x1b2: {  	v3 =	vld.idx.msk [tilespmem:v3+s1+$0x0], $0xffff  }
0x1b3: {  	v4 =	vld.idx.msk [tilespmem:v4+s1+$0x0], $0xffff  }
0x1b4: {  	v5 =	vld.idx.msk [tilespmem:v5+s1+$0x0], $0xffff  }
0x1b5: {  	v6 =	vld.idx.msk [tilespmem:v6+s1+$0x0], $0xffff  }
0x1b6: {  	v9 =	vld.idx.msk [tilespmem:v9+s1+$0x0], $0xffff  }
0x1b7: {  	v11 =	vld.idx.msk [tilespmem:v7+s1+$0x0], $0xffff  }
0x1b8: {  	v8 =	vld.idx.msk [tilespmem:v8+s1+$0x0], $0xffff  }
0x1b9: {  	v10 =	vld.idx.msk [tilespmem:v0+s19+$0x0], $0xffff  }
0x1ba: {  	v1 =	vld.idx.msk [tilespmem:v1+s19+$0x0], $0xffff  }
0x1bb: {  	v0 =	vld.idx.msk [tilespmem:v2+s19+$0x0], $0xffff  }
0x1bc: {  	v3 =	vld.idx.msk [tilespmem:v3+s19+$0x0], $0xffff  }
0x1bd: {  	v7 =	vld.idx.msk [tilespmem:v4+s19+$0x0], $0xffff  }
0x1be: {  	v2 =	vld.idx.msk [tilespmem:v5+s19+$0x0], $0xffff  }
0x1bf: {  	v6 =	vld.idx.msk [tilespmem:v6+s19+$0x0], $0xffff  }
0x1c0: {  	v4 =	vld.idx.msk [tilespmem:v9+s19+$0x0], $0xffff;
	v5 =	vmul.f32 v1, v10  }
0x1c1: {  	s2 =	simm.s32 $0x1A680;
	v1 =	vld.idx.msk [tilespmem:v11+s19+$0x0], $0xffff  }
0x1c2: {  	s3 =	simm.s32 $0x0;
	s4 =	simm.s32 $0x18790;
	[tilespmem:s2+$0x20] =	vst v5;
	v5 =	vld.idx.msk [tilespmem:v8+s19+$0x0], $0xffff  }
.LBB2_10:
0x1c3: {  	v8 =	vld [tilespmem:s4+$0x20];
	v3 =	vmul.f32 v7, v3;
	s0 =	sadd.s32 $0x50, s0  }
0x1c4: {  	s3 =	sadd.s32 $0x50, s3;
	v7 =	vld [tilespmem:s0+$0x20]  }
0x1c5: {  	p0 =	slt.u32 s3, $0x780;
	v2 =	vmul.f32 v6, v2;
	v9 =	vld [tilespmem:s0+$0xFFFFFFE0];
	[tilespmem:s2+$0xFFFFFFF0] =	vst v3  }
0x1c6: {  	v0 =	vmul.f32 v0, v4;
	v3 =	vld [tilespmem:s4+$0xFFFFFFF0]  }
0x1c7: {  	v4 =	vld [tilespmem:s0+$0xFFFFFFF0];
	[tilespmem:s2+$0x0] =	vst v2  }
0x1c8: {  	v2 =	vld [tilespmem:s4+$0x0];
	[tilespmem:s2+$0xFFFFFFE0] =	vst v0;
	v0 =	vmul.f32 v5, v1  }
0x1c9: {  	v1 =	vld [tilespmem:s0+$0x0]  }
0x1ca: {  	v5 =	vld [tilespmem:s4+$0x10];
	[tilespmem:s2+$0x10] =	vst v0  }
0x1cb: {  	v0 =	vld.idx.msk [tilespmem:v8+s1+$0x0], $0xffff  }
0x1cc: {  	v6 =	vld.idx.msk [tilespmem:v7+s1+$0x0], $0xffff  }
0x1cd: {  	v7 =	vld [tilespmem:s0+$0x10]  }
0x1ce: {  	v8 =	vld [tilespmem:s4+$0xFFFFFFE0]  }
0x1cf: {  	v9 =	vld.idx.msk [tilespmem:v9+s1+$0x0], $0xffff  }
0x1d0: {  	v3 =	vld.idx.msk [tilespmem:v3+s1+$0x0], $0xffff  }
0x1d1: {  	v4 =	vld.idx.msk [tilespmem:v4+s1+$0x0], $0xffff  }
0x1d2: {  	v2 =	vld.idx.msk [tilespmem:v2+s1+$0x0], $0xffff  }
0x1d3: {  	v10 =	vld.idx.msk [tilespmem:v0+s19+$0x0], $0xffff  }
0x1d4: {  	v6 =	vld.idx.msk [tilespmem:v6+s19+$0x0], $0xffff  }
0x1d5: {  	v1 =	vld.idx.msk [tilespmem:v1+s1+$0x0], $0xffff  }
0x1d6: {  	v8 =	vld.idx.msk [tilespmem:v8+s1+$0x0], $0xffff  }
0x1d7: {  	v5 =	vld.idx.msk [tilespmem:v5+s1+$0x0], $0xffff  }
0x1d8: {  	v11 =	vld.idx.msk [tilespmem:v7+s1+$0x0], $0xffff  }
0x1d9: {  	v0 =	vld.idx.msk [tilespmem:v9+s19+$0x0], $0xffff  }
0x1da: {  	v6 =	vmul.f32 v6, v10;
	v3 =	vld.idx.msk [tilespmem:v3+s19+$0x0], $0xffff  }
0x1db: {  	s2 =	sadd.s32 $0x50, s2;
	v7 =	vld.idx.msk [tilespmem:v4+s19+$0x0], $0xffff  }
.Ltmp4:
0x1dc: {  	v2 =	vld.idx.msk [tilespmem:v2+s19+$0x0], $0xffff;
	[tilespmem:s2+$0x20] =	vst v6;
	(pc) =	sbr.rel @p0 .LBB2_10-.Ltmp4, $4  }
0x1dd: {  	v6 =	vld.idx.msk [tilespmem:v1+s19+$0x0], $0xffff  }
0x1de: {  	v4 =	vld.idx.msk [tilespmem:v8+s19+$0x0], $0xffff  }
0x1df: {  	v1 =	vld.idx.msk [tilespmem:v5+s19+$0x0], $0xffff  }
0x1e0: {  	s4 =	sadd.s32 $0x50, s4;
	v5 =	vld.idx.msk [tilespmem:v11+s19+$0x0], $0xffff  }
0x1e1: {  	_ = 	snop  }
0x1e2: {  	v3 =	vmul.f32 v7, v3  }
0x1e3: {  	v2 =	vmul.f32 v6, v2  }
0x1e4: {  	[tilespmem:s2+$0xFFFFFFF0] =	vst v3;
	v0 =	vmul.f32 v0, v4  }
0x1e5: {  	[tilespmem:s2+$0x0] =	vst v2;
	v1 =	vmul.f32 v5, v1  }
0x1e6: {  	[tilespmem:s2+$0xFFFFFFE0] =	vst v0  }
0x1e7: {  	[tilespmem:s2+$0x10] =	vst v1  }
0x1e8: {  	s0 =	rddreg [dreg:$0x13]  }
0x1e9: {  	[hbm4b:s0+s1] =	stream.linear.scatter [tilespmem:s25], [sflag:$0x3], $0x7D0, $0x38;
	[tilespmem:$0x1B600] =	vst v63  }
0x1ea: {  	s2 =	rddreg [dreg:$0x14]  }
0x1eb: {  	[tilespmem:s20], [sflag:$0x1] =	stream.linear.gather [hbm4b:s2+s1], $0x7D0, $0x38;
	[tilespmem:$0x1B600] =	vst v63  }
0x1ec: {  	s3 =	rddreg [dreg:$0x15]  }
0x1ed: {  	[tilespmem:s21], [sflag:$0x1] =	stream.linear.gather [hbm4b:s3+s1], $0x7D0, $0x38;
	[tilespmem:$0x1B600] =	vst v63  }
0x1ee: {  	_ =	swait.ge [sflag:s26], $0x7D0  }
0x1ef: {  	[sflag:s26] =	ssyncset.done $0x0  }
0x1f0: {  	[sflag:s26] =	ssyncadd.s32 $0xFFFFF830  }
0x1f1: {  	_ =	swait.ge [sflag:s26], $0x7D0  }
0x1f2: {  	[sflag:s26] =	ssyncset.done $0x0  }
0x1f3: {  	[sflag:s26] =	ssyncadd.s32 $0xFFFFF830  }
0x1f4: {  	_ =	swait.ge [sflag:s30], $0x7D0  }
0x1f5: {  	[sflag:s30] =	ssyncset.done $0x0  }
0x1f6: {  	s4 =	simm.s32 $0x18F30;
	[sflag:s30] =	ssyncadd.s32 $0xFFFFF830  }
0x1f7: {  	s0 =	simm.s32 $0x19ED0;
	v0 =	vld [tilespmem:s4+$0x0]  }
0x1f8: {  	v1 =	vld [tilespmem:s0+$0x0]  }
0x1f9: {  	v2 =	vld [tilespmem:s0+$0xFFFFFFC0]  }
0x1fa: {  	v3 =	vld [tilespmem:s4+$0xFFFFFFD0]  }
0x1fb: {  	v4 =	vld [tilespmem:s0+$0xFFFFFFD0]  }
0x1fc: {  	v5 =	vld [tilespmem:s4+$0xFFFFFFE0]  }
0x1fd: {  	v6 =	vld [tilespmem:s0+$0xFFFFFFE0]  }
0x1fe: {  	v7 =	vld [tilespmem:s4+$0xFFFFFFF0]  }
0x1ff: {  	v8 =	vld [tilespmem:s0+$0xFFFFFFF0]  }
0x200: {  	v9 =	vld [tilespmem:s4+$0xFFFFFFC0]  }
0x201: {  	v0 =	vld.idx.msk [tilespmem:v0+s1+$0x0], $0xffff  }
0x202: {  	v1 =	vld.idx.msk [tilespmem:v1+s1+$0x0], $0xffff  }
0x203: {  	v2 =	vld.idx.msk [tilespmem:v2+s1+$0x0], $0xffff  }
0x204: {  	v3 =	vld.idx.msk [tilespmem:v3+s1+$0x0], $0xffff  }
0x205: {  	v4 =	vld.idx.msk [tilespmem:v4+s1+$0x0], $0xffff  }
0x206: {  	v5 =	vld.idx.msk [tilespmem:v5+s1+$0x0], $0xffff  }
0x207: {  	v6 =	vld.idx.msk [tilespmem:v6+s1+$0x0], $0xffff  }
0x208: {  	v9 =	vld.idx.msk [tilespmem:v9+s1+$0x0], $0xffff  }
0x209: {  	v11 =	vld.idx.msk [tilespmem:v7+s1+$0x0], $0xffff  }
0x20a: {  	v8 =	vld.idx.msk [tilespmem:v8+s1+$0x0], $0xffff  }
0x20b: {  	v10 =	vld.idx.msk [tilespmem:v0+s19+$0x0], $0xffff  }
0x20c: {  	v1 =	vld.idx.msk [tilespmem:v1+s19+$0x0], $0xffff  }
0x20d: {  	v0 =	vld.idx.msk [tilespmem:v2+s19+$0x0], $0xffff  }
0x20e: {  	v3 =	vld.idx.msk [tilespmem:v3+s19+$0x0], $0xffff  }
0x20f: {  	v7 =	vld.idx.msk [tilespmem:v4+s19+$0x0], $0xffff  }
0x210: {  	v2 =	vld.idx.msk [tilespmem:v5+s19+$0x0], $0xffff  }
0x211: {  	v6 =	vld.idx.msk [tilespmem:v6+s19+$0x0], $0xffff  }
0x212: {  	v4 =	vld.idx.msk [tilespmem:v9+s19+$0x0], $0xffff;
	v5 =	vmul.f32 v1, v10  }
0x213: {  	s2 =	simm.s32 $0x1AE70;
	v1 =	vld.idx.msk [tilespmem:v11+s19+$0x0], $0xffff  }
0x214: {  	s3 =	simm.s32 $0x0;
	s4 =	simm.s32 $0x18F80;
	[tilespmem:s2+$0x0] =	vst v5;
	v5 =	vld.idx.msk [tilespmem:v8+s19+$0x0], $0xffff  }
.LBB2_12:
0x215: {  	v8 =	vld [tilespmem:s4+$0x0];
	v3 =	vmul.f32 v7, v3;
	s0 =	sadd.s32 $0x50, s0  }
0x216: {  	s3 =	sadd.s32 $0x50, s3;
	v7 =	vld [tilespmem:s0+$0x0]  }
0x217: {  	p0 =	slt.u32 s3, $0x780;
	v2 =	vmul.f32 v6, v2;
	v9 =	vld [tilespmem:s0+$0xFFFFFFC0];
	[tilespmem:s2+$0xFFFFFFD0] =	vst v3  }
0x218: {  	v0 =	vmul.f32 v0, v4;
	v3 =	vld [tilespmem:s4+$0xFFFFFFD0]  }
0x219: {  	v4 =	vld [tilespmem:s0+$0xFFFFFFD0];
	[tilespmem:s2+$0xFFFFFFE0] =	vst v2  }
0x21a: {  	v2 =	vld [tilespmem:s4+$0xFFFFFFE0];
	[tilespmem:s2+$0xFFFFFFC0] =	vst v0;
	v0 =	vmul.f32 v5, v1  }
0x21b: {  	v1 =	vld [tilespmem:s0+$0xFFFFFFE0]  }
0x21c: {  	v5 =	vld [tilespmem:s4+$0xFFFFFFF0];
	[tilespmem:s2+$0xFFFFFFF0] =	vst v0  }
0x21d: {  	v0 =	vld.idx.msk [tilespmem:v8+s1+$0x0], $0xffff  }
0x21e: {  	v6 =	vld.idx.msk [tilespmem:v7+s1+$0x0], $0xffff  }
0x21f: {  	v7 =	vld [tilespmem:s0+$0xFFFFFFF0]  }
0x220: {  	v8 =	vld [tilespmem:s4+$0xFFFFFFC0]  }
0x221: {  	v9 =	vld.idx.msk [tilespmem:v9+s1+$0x0], $0xffff  }
0x222: {  	v3 =	vld.idx.msk [tilespmem:v3+s1+$0x0], $0xffff  }
0x223: {  	v4 =	vld.idx.msk [tilespmem:v4+s1+$0x0], $0xffff  }
0x224: {  	v2 =	vld.idx.msk [tilespmem:v2+s1+$0x0], $0xffff  }
0x225: {  	v10 =	vld.idx.msk [tilespmem:v0+s19+$0x0], $0xffff  }
0x226: {  	v6 =	vld.idx.msk [tilespmem:v6+s19+$0x0], $0xffff  }
0x227: {  	v1 =	vld.idx.msk [tilespmem:v1+s1+$0x0], $0xffff  }
0x228: {  	v8 =	vld.idx.msk [tilespmem:v8+s1+$0x0], $0xffff  }
0x229: {  	v5 =	vld.idx.msk [tilespmem:v5+s1+$0x0], $0xffff  }
0x22a: {  	v11 =	vld.idx.msk [tilespmem:v7+s1+$0x0], $0xffff  }
0x22b: {  	v0 =	vld.idx.msk [tilespmem:v9+s19+$0x0], $0xffff  }
0x22c: {  	v6 =	vmul.f32 v6, v10;
	v3 =	vld.idx.msk [tilespmem:v3+s19+$0x0], $0xffff  }
0x22d: {  	s2 =	sadd.s32 $0x50, s2;
	v7 =	vld.idx.msk [tilespmem:v4+s19+$0x0], $0xffff  }
.Ltmp5:
0x22e: {  	v2 =	vld.idx.msk [tilespmem:v2+s19+$0x0], $0xffff;
	[tilespmem:s2+$0x0] =	vst v6;
	(pc) =	sbr.rel @p0 .LBB2_12-.Ltmp5, $4  }
0x22f: {  	v6 =	vld.idx.msk [tilespmem:v1+s19+$0x0], $0xffff  }
0x230: {  	v4 =	vld.idx.msk [tilespmem:v8+s19+$0x0], $0xffff  }
0x231: {  	v1 =	vld.idx.msk [tilespmem:v5+s19+$0x0], $0xffff  }
0x232: {  	s4 =	sadd.s32 $0x50, s4;
	v5 =	vld.idx.msk [tilespmem:v11+s19+$0x0], $0xffff  }
0x233: {  	_ = 	snop  }
0x234: {  	v3 =	vmul.f32 v7, v3  }
0x235: {  	v2 =	vmul.f32 v6, v2  }
0x236: {  	[tilespmem:s2+$0xFFFFFFD0] =	vst v3;
	v0 =	vmul.f32 v0, v4  }
0x237: {  	[tilespmem:s2+$0xFFFFFFE0] =	vst v2;
	v1 =	vmul.f32 v5, v1  }
0x238: {  	[tilespmem:s2+$0xFFFFFFC0] =	vst v0  }
0x239: {  	[tilespmem:s2+$0xFFFFFFF0] =	vst v1  }
0x23a: {  	s0 =	rddreg [dreg:$0x16]  }
0x23b: {  	[hbm4b:s0+s1] =	stream.linear.scatter [tilespmem:s28], [sflag:$0x4], $0x7D0, $0x38;
	[tilespmem:$0x1B600] =	vst v63  }
0x23c: {  	s2 =	rddreg [dreg:$0x18]  }
0x23d: {  	[tilespmem:s22], [sflag:$0x2] =	stream.linear.gather [hbm4b:s2+s1], $0x7D0, $0x38;
	[tilespmem:$0x1B600] =	vst v63  }
0x23e: {  	s3 =	rddreg [dreg:$0x19]  }
0x23f: {  	[tilespmem:s23], [sflag:$0x2] =	stream.linear.gather [hbm4b:s3+s1], $0x7D0, $0x38;
	[tilespmem:$0x1B600] =	vst v63  }
0x240: {  	_ =	swait.ge [sflag:s24], $0x7D0  }
0x241: {  	[sflag:s24] =	ssyncset.done $0x0  }
0x242: {  	[sflag:s24] =	ssyncadd.s32 $0xFFFFF830  }
0x243: {  	_ =	swait.ge [sflag:s24], $0x7D0  }
0x244: {  	[sflag:s24] =	ssyncset.done $0x0  }
0x245: {  	[sflag:s24] =	ssyncadd.s32 $0xFFFFF830  }
0x246: {  	_ =	swait.ge [sflag:s29], $0x7D0  }
0x247: {  	[sflag:s29] =	ssyncset.done $0x0  }
0x248: {  	s4 =	simm.s32 $0x18740;
	[sflag:s29] =	ssyncadd.s32 $0xFFFFF830  }
0x249: {  	s0 =	simm.s32 $0x196E0;
	v0 =	vld [tilespmem:s4+$0x20]  }
0x24a: {  	v1 =	vld [tilespmem:s0+$0x20]  }
0x24b: {  	v2 =	vld [tilespmem:s0+$0xFFFFFFE0]  }
0x24c: {  	v3 =	vld [tilespmem:s4+$0xFFFFFFF0]  }
0x24d: {  	v4 =	vld [tilespmem:s0+$0xFFFFFFF0]  }
0x24e: {  	v5 =	vld [tilespmem:s4+$0x0]  }
0x24f: {  	v6 =	vld [tilespmem:s0+$0x0]  }
0x250: {  	v7 =	vld [tilespmem:s4+$0x10]  }
0x251: {  	v8 =	vld [tilespmem:s0+$0x10]  }
0x252: {  	v9 =	vld [tilespmem:s4+$0xFFFFFFE0]  }
0x253: {  	v0 =	vld.idx.msk [tilespmem:v0+s1+$0x0], $0xffff  }
0x254: {  	v1 =	vld.idx.msk [tilespmem:v1+s1+$0x0], $0xffff  }
0x255: {  	v2 =	vld.idx.msk [tilespmem:v2+s1+$0x0], $0xffff  }
0x256: {  	v3 =	vld.idx.msk [tilespmem:v3+s1+$0x0], $0xffff  }
0x257: {  	v4 =	vld.idx.msk [tilespmem:v4+s1+$0x0], $0xffff  }
0x258: {  	v5 =	vld.idx.msk [tilespmem:v5+s1+$0x0], $0xffff  }
0x259: {  	v6 =	vld.idx.msk [tilespmem:v6+s1+$0x0], $0xffff  }
0x25a: {  	v9 =	vld.idx.msk [tilespmem:v9+s1+$0x0], $0xffff  }
0x25b: {  	v11 =	vld.idx.msk [tilespmem:v7+s1+$0x0], $0xffff  }
0x25c: {  	v8 =	vld.idx.msk [tilespmem:v8+s1+$0x0], $0xffff  }
0x25d: {  	v10 =	vld.idx.msk [tilespmem:v0+s19+$0x0], $0xffff  }
0x25e: {  	v1 =	vld.idx.msk [tilespmem:v1+s19+$0x0], $0xffff  }
0x25f: {  	v0 =	vld.idx.msk [tilespmem:v2+s19+$0x0], $0xffff  }
0x260: {  	v3 =	vld.idx.msk [tilespmem:v3+s19+$0x0], $0xffff  }
0x261: {  	v7 =	vld.idx.msk [tilespmem:v4+s19+$0x0], $0xffff  }
0x262: {  	v2 =	vld.idx.msk [tilespmem:v5+s19+$0x0], $0xffff  }
0x263: {  	v6 =	vld.idx.msk [tilespmem:v6+s19+$0x0], $0xffff  }
0x264: {  	v4 =	vld.idx.msk [tilespmem:v9+s19+$0x0], $0xffff;
	v5 =	vmul.f32 v1, v10  }
0x265: {  	s2 =	simm.s32 $0x1A680;
	v1 =	vld.idx.msk [tilespmem:v11+s19+$0x0], $0xffff  }
0x266: {  	s3 =	simm.s32 $0x0;
	s4 =	simm.s32 $0x18790;
	[tilespmem:s2+$0x20] =	vst v5;
	v5 =	vld.idx.msk [tilespmem:v8+s19+$0x0], $0xffff  }
.LBB2_14:
0x267: {  	v8 =	vld [tilespmem:s4+$0x20];
	v3 =	vmul.f32 v7, v3;
	s0 =	sadd.s32 $0x50, s0  }
0x268: {  	s3 =	sadd.s32 $0x50, s3;
	v7 =	vld [tilespmem:s0+$0x20]  }
0x269: {  	p0 =	slt.u32 s3, $0x780;
	v2 =	vmul.f32 v6, v2;
	v9 =	vld [tilespmem:s0+$0xFFFFFFE0];
	[tilespmem:s2+$0xFFFFFFF0] =	vst v3  }
0x26a: {  	v0 =	vmul.f32 v0, v4;
	v3 =	vld [tilespmem:s4+$0xFFFFFFF0]  }
0x26b: {  	v4 =	vld [tilespmem:s0+$0xFFFFFFF0];
	[tilespmem:s2+$0x0] =	vst v2  }
0x26c: {  	v2 =	vld [tilespmem:s4+$0x0];
	[tilespmem:s2+$0xFFFFFFE0] =	vst v0;
	v0 =	vmul.f32 v5, v1  }
0x26d: {  	v1 =	vld [tilespmem:s0+$0x0]  }
0x26e: {  	v5 =	vld [tilespmem:s4+$0x10];
	[tilespmem:s2+$0x10] =	vst v0  }
0x26f: {  	v0 =	vld.idx.msk [tilespmem:v8+s1+$0x0], $0xffff  }
0x270: {  	v6 =	vld.idx.msk [tilespmem:v7+s1+$0x0], $0xffff  }
0x271: {  	v7 =	vld [tilespmem:s0+$0x10]  }
0x272: {  	v8 =	vld [tilespmem:s4+$0xFFFFFFE0]  }
0x273: {  	v9 =	vld.idx.msk [tilespmem:v9+s1+$0x0], $0xffff  }
0x274: {  	v3 =	vld.idx.msk [tilespmem:v3+s1+$0x0], $0xffff  }
0x275: {  	v4 =	vld.idx.msk [tilespmem:v4+s1+$0x0], $0xffff  }
0x276: {  	v2 =	vld.idx.msk [tilespmem:v2+s1+$0x0], $0xffff  }
0x277: {  	v10 =	vld.idx.msk [tilespmem:v0+s19+$0x0], $0xffff  }
0x278: {  	v6 =	vld.idx.msk [tilespmem:v6+s19+$0x0], $0xffff  }
0x279: {  	v1 =	vld.idx.msk [tilespmem:v1+s1+$0x0], $0xffff  }
0x27a: {  	v8 =	vld.idx.msk [tilespmem:v8+s1+$0x0], $0xffff  }
0x27b: {  	v5 =	vld.idx.msk [tilespmem:v5+s1+$0x0], $0xffff  }
0x27c: {  	v11 =	vld.idx.msk [tilespmem:v7+s1+$0x0], $0xffff  }
0x27d: {  	v0 =	vld.idx.msk [tilespmem:v9+s19+$0x0], $0xffff  }
0x27e: {  	v6 =	vmul.f32 v6, v10;
	v3 =	vld.idx.msk [tilespmem:v3+s19+$0x0], $0xffff  }
0x27f: {  	s2 =	sadd.s32 $0x50, s2;
	v7 =	vld.idx.msk [tilespmem:v4+s19+$0x0], $0xffff  }
.Ltmp6:
0x280: {  	v2 =	vld.idx.msk [tilespmem:v2+s19+$0x0], $0xffff;
	[tilespmem:s2+$0x20] =	vst v6;
	(pc) =	sbr.rel @p0 .LBB2_14-.Ltmp6, $4  }
0x281: {  	v6 =	vld.idx.msk [tilespmem:v1+s19+$0x0], $0xffff  }
0x282: {  	v4 =	vld.idx.msk [tilespmem:v8+s19+$0x0], $0xffff  }
0x283: {  	v1 =	vld.idx.msk [tilespmem:v5+s19+$0x0], $0xffff  }
0x284: {  	s4 =	sadd.s32 $0x50, s4;
	v5 =	vld.idx.msk [tilespmem:v11+s19+$0x0], $0xffff  }
0x285: {  	_ = 	snop  }
0x286: {  	v3 =	vmul.f32 v7, v3  }
0x287: {  	v2 =	vmul.f32 v6, v2  }
0x288: {  	[tilespmem:s2+$0xFFFFFFF0] =	vst v3;
	v0 =	vmul.f32 v0, v4  }
0x289: {  	[tilespmem:s2+$0x0] =	vst v2;
	v1 =	vmul.f32 v5, v1  }
0x28a: {  	[tilespmem:s2+$0xFFFFFFE0] =	vst v0  }
0x28b: {  	[tilespmem:s2+$0x10] =	vst v1  }
0x28c: {  	s0 =	rddreg [dreg:$0x17]  }
0x28d: {  	[hbm4b:s0+s1] =	stream.linear.scatter [tilespmem:s25], [sflag:$0x3], $0x7D0, $0x38;
	[tilespmem:$0x1B600] =	vst v63  }
0x28e: {  	s2 =	rddreg [dreg:$0x1b]  }
0x28f: {  	[tilespmem:s20], [sflag:$0x1] =	stream.linear.gather [hbm4b:s2+s1], $0x7D0, $0x38;
	[tilespmem:$0x1B600] =	vst v63  }
0x290: {  	s3 =	rddreg [dreg:$0x1c]  }
0x291: {  	[tilespmem:s21], [sflag:$0x1] =	stream.linear.gather [hbm4b:s3+s1], $0x7D0, $0x38;
	[tilespmem:$0x1B600] =	vst v63  }
0x292: {  	_ =	swait.ge [sflag:s26], $0x7D0  }
0x293: {  	[sflag:s26] =	ssyncset.done $0x0  }
0x294: {  	[sflag:s26] =	ssyncadd.s32 $0xFFFFF830  }
0x295: {  	_ =	swait.ge [sflag:s26], $0x7D0  }
0x296: {  	[sflag:s26] =	ssyncset.done $0x0  }
0x297: {  	[sflag:s26] =	ssyncadd.s32 $0xFFFFF830  }
0x298: {  	_ =	swait.ge [sflag:s30], $0x7D0  }
0x299: {  	[sflag:s30] =	ssyncset.done $0x0  }
0x29a: {  	s4 =	simm.s32 $0x18F30;
	[sflag:s30] =	ssyncadd.s32 $0xFFFFF830  }
0x29b: {  	s0 =	simm.s32 $0x19ED0;
	v0 =	vld [tilespmem:s4+$0x0]  }
0x29c: {  	v1 =	vld [tilespmem:s0+$0x0]  }
0x29d: {  	v2 =	vld [tilespmem:s0+$0xFFFFFFC0]  }
0x29e: {  	v3 =	vld [tilespmem:s4+$0xFFFFFFD0]  }
0x29f: {  	v4 =	vld [tilespmem:s0+$0xFFFFFFD0]  }
0x2a0: {  	v5 =	vld [tilespmem:s4+$0xFFFFFFE0]  }
0x2a1: {  	v6 =	vld [tilespmem:s0+$0xFFFFFFE0]  }
0x2a2: {  	v7 =	vld [tilespmem:s4+$0xFFFFFFF0]  }
0x2a3: {  	v8 =	vld [tilespmem:s0+$0xFFFFFFF0]  }
0x2a4: {  	v9 =	vld [tilespmem:s4+$0xFFFFFFC0]  }
0x2a5: {  	v0 =	vld.idx.msk [tilespmem:v0+s1+$0x0], $0xffff  }
0x2a6: {  	v1 =	vld.idx.msk [tilespmem:v1+s1+$0x0], $0xffff  }
0x2a7: {  	v2 =	vld.idx.msk [tilespmem:v2+s1+$0x0], $0xffff  }
0x2a8: {  	v3 =	vld.idx.msk [tilespmem:v3+s1+$0x0], $0xffff  }
0x2a9: {  	v4 =	vld.idx.msk [tilespmem:v4+s1+$0x0], $0xffff  }
0x2aa: {  	v5 =	vld.idx.msk [tilespmem:v5+s1+$0x0], $0xffff  }
0x2ab: {  	v6 =	vld.idx.msk [tilespmem:v6+s1+$0x0], $0xffff  }
0x2ac: {  	v9 =	vld.idx.msk [tilespmem:v9+s1+$0x0], $0xffff  }
0x2ad: {  	v11 =	vld.idx.msk [tilespmem:v7+s1+$0x0], $0xffff  }
0x2ae: {  	v8 =	vld.idx.msk [tilespmem:v8+s1+$0x0], $0xffff  }
0x2af: {  	v10 =	vld.idx.msk [tilespmem:v0+s19+$0x0], $0xffff  }
0x2b0: {  	v1 =	vld.idx.msk [tilespmem:v1+s19+$0x0], $0xffff  }
0x2b1: {  	v0 =	vld.idx.msk [tilespmem:v2+s19+$0x0], $0xffff  }
0x2b2: {  	v3 =	vld.idx.msk [tilespmem:v3+s19+$0x0], $0xffff  }
0x2b3: {  	v7 =	vld.idx.msk [tilespmem:v4+s19+$0x0], $0xffff  }
0x2b4: {  	v2 =	vld.idx.msk [tilespmem:v5+s19+$0x0], $0xffff  }
0x2b5: {  	v6 =	vld.idx.msk [tilespmem:v6+s19+$0x0], $0xffff  }
0x2b6: {  	v4 =	vld.idx.msk [tilespmem:v9+s19+$0x0], $0xffff;
	v5 =	vmul.f32 v1, v10  }
0x2b7: {  	s2 =	simm.s32 $0x1AE70;
	v1 =	vld.idx.msk [tilespmem:v11+s19+$0x0], $0xffff  }
0x2b8: {  	s3 =	simm.s32 $0x0;
	s4 =	simm.s32 $0x18F80;
	[tilespmem:s2+$0x0] =	vst v5;
	v5 =	vld.idx.msk [tilespmem:v8+s19+$0x0], $0xffff  }
.LBB2_16:
0x2b9: {  	v8 =	vld [tilespmem:s4+$0x0];
	v3 =	vmul.f32 v7, v3;
	s0 =	sadd.s32 $0x50, s0  }
0x2ba: {  	s3 =	sadd.s32 $0x50, s3;
	v7 =	vld [tilespmem:s0+$0x0]  }
0x2bb: {  	p0 =	slt.u32 s3, $0x780;
	v2 =	vmul.f32 v6, v2;
	v9 =	vld [tilespmem:s0+$0xFFFFFFC0];
	[tilespmem:s2+$0xFFFFFFD0] =	vst v3  }
0x2bc: {  	v0 =	vmul.f32 v0, v4;
	v3 =	vld [tilespmem:s4+$0xFFFFFFD0]  }
0x2bd: {  	v4 =	vld [tilespmem:s0+$0xFFFFFFD0];
	[tilespmem:s2+$0xFFFFFFE0] =	vst v2  }
0x2be: {  	v2 =	vld [tilespmem:s4+$0xFFFFFFE0];
	[tilespmem:s2+$0xFFFFFFC0] =	vst v0;
	v0 =	vmul.f32 v5, v1  }
0x2bf: {  	v1 =	vld [tilespmem:s0+$0xFFFFFFE0]  }
0x2c0: {  	v5 =	vld [tilespmem:s4+$0xFFFFFFF0];
	[tilespmem:s2+$0xFFFFFFF0] =	vst v0  }
0x2c1: {  	v0 =	vld.idx.msk [tilespmem:v8+s1+$0x0], $0xffff  }
0x2c2: {  	v6 =	vld.idx.msk [tilespmem:v7+s1+$0x0], $0xffff  }
0x2c3: {  	v7 =	vld [tilespmem:s0+$0xFFFFFFF0]  }
0x2c4: {  	v8 =	vld [tilespmem:s4+$0xFFFFFFC0]  }
0x2c5: {  	v9 =	vld.idx.msk [tilespmem:v9+s1+$0x0], $0xffff  }
0x2c6: {  	v3 =	vld.idx.msk [tilespmem:v3+s1+$0x0], $0xffff  }
0x2c7: {  	v4 =	vld.idx.msk [tilespmem:v4+s1+$0x0], $0xffff  }
0x2c8: {  	v2 =	vld.idx.msk [tilespmem:v2+s1+$0x0], $0xffff  }
0x2c9: {  	v10 =	vld.idx.msk [tilespmem:v0+s19+$0x0], $0xffff  }
0x2ca: {  	v6 =	vld.idx.msk [tilespmem:v6+s19+$0x0], $0xffff  }
0x2cb: {  	v1 =	vld.idx.msk [tilespmem:v1+s1+$0x0], $0xffff  }
0x2cc: {  	v8 =	vld.idx.msk [tilespmem:v8+s1+$0x0], $0xffff  }
0x2cd: {  	v5 =	vld.idx.msk [tilespmem:v5+s1+$0x0], $0xffff  }
0x2ce: {  	v11 =	vld.idx.msk [tilespmem:v7+s1+$0x0], $0xffff  }
0x2cf: {  	v0 =	vld.idx.msk [tilespmem:v9+s19+$0x0], $0xffff  }
0x2d0: {  	v6 =	vmul.f32 v6, v10;
	v3 =	vld.idx.msk [tilespmem:v3+s19+$0x0], $0xffff  }
0x2d1: {  	s2 =	sadd.s32 $0x50, s2;
	v7 =	vld.idx.msk [tilespmem:v4+s19+$0x0], $0xffff  }
.Ltmp7:
0x2d2: {  	v2 =	vld.idx.msk [tilespmem:v2+s19+$0x0], $0xffff;
	[tilespmem:s2+$0x0] =	vst v6;
	(pc) =	sbr.rel @p0 .LBB2_16-.Ltmp7, $4  }
0x2d3: {  	v6 =	vld.idx.msk [tilespmem:v1+s19+$0x0], $0xffff  }
0x2d4: {  	v4 =	vld.idx.msk [tilespmem:v8+s19+$0x0], $0xffff  }
0x2d5: {  	v1 =	vld.idx.msk [tilespmem:v5+s19+$0x0], $0xffff  }
0x2d6: {  	s4 =	sadd.s32 $0x50, s4;
	v5 =	vld.idx.msk [tilespmem:v11+s19+$0x0], $0xffff  }
0x2d7: {  	_ = 	snop  }
0x2d8: {  	v3 =	vmul.f32 v7, v3  }
0x2d9: {  	v2 =	vmul.f32 v6, v2  }
0x2da: {  	[tilespmem:s2+$0xFFFFFFD0] =	vst v3;
	v0 =	vmul.f32 v0, v4  }
0x2db: {  	[tilespmem:s2+$0xFFFFFFE0] =	vst v2;
	v1 =	vmul.f32 v5, v1  }
0x2dc: {  	[tilespmem:s2+$0xFFFFFFC0] =	vst v0  }
0x2dd: {  	[tilespmem:s2+$0xFFFFFFF0] =	vst v1  }
0x2de: {  	s0 =	rddreg [dreg:$0x1a]  }
0x2df: {  	[hbm4b:s0+s1] =	stream.linear.scatter [tilespmem:s28], [sflag:$0x4], $0x7D0, $0x38;
	[tilespmem:$0x1B600] =	vst v63  }
0x2e0: {  	s2 =	rddreg [dreg:$0x1e]  }
0x2e1: {  	[tilespmem:s22], [sflag:$0x2] =	stream.linear.gather [hbm4b:s2+s1], $0x7D0, $0x38;
	[tilespmem:$0x1B600] =	vst v63  }
0x2e2: {  	s3 =	rddreg [dreg:$0x1f]  }
0x2e3: {  	[tilespmem:s23], [sflag:$0x2] =	stream.linear.gather [hbm4b:s3+s1], $0x7D0, $0x38;
	[tilespmem:$0x1B600] =	vst v63  }
0x2e4: {  	_ =	swait.ge [sflag:s24], $0x7D0  }
0x2e5: {  	[sflag:s24] =	ssyncset.done $0x0  }
0x2e6: {  	[sflag:s24] =	ssyncadd.s32 $0xFFFFF830  }
0x2e7: {  	_ =	swait.ge [sflag:s24], $0x7D0  }
0x2e8: {  	[sflag:s24] =	ssyncset.done $0x0  }
0x2e9: {  	[sflag:s24] =	ssyncadd.s32 $0xFFFFF830  }
0x2ea: {  	_ =	swait.ge [sflag:s29], $0x7D0  }
0x2eb: {  	[sflag:s29] =	ssyncset.done $0x0  }
0x2ec: {  	s4 =	simm.s32 $0x18740;
	[sflag:s29] =	ssyncadd.s32 $0xFFFFF830  }
0x2ed: {  	s0 =	simm.s32 $0x196E0;
	v0 =	vld [tilespmem:s4+$0x20]  }
0x2ee: {  	v1 =	vld [tilespmem:s0+$0x20]  }
0x2ef: {  	v2 =	vld [tilespmem:s0+$0xFFFFFFE0]  }
0x2f0: {  	v3 =	vld [tilespmem:s4+$0xFFFFFFF0]  }
0x2f1: {  	v4 =	vld [tilespmem:s0+$0xFFFFFFF0]  }
0x2f2: {  	v5 =	vld [tilespmem:s4+$0x0]  }
0x2f3: {  	v6 =	vld [tilespmem:s0+$0x0]  }
0x2f4: {  	v7 =	vld [tilespmem:s4+$0x10]  }
0x2f5: {  	v8 =	vld [tilespmem:s0+$0x10]  }
0x2f6: {  	v9 =	vld [tilespmem:s4+$0xFFFFFFE0]  }
0x2f7: {  	v0 =	vld.idx.msk [tilespmem:v0+s1+$0x0], $0xffff  }
0x2f8: {  	v1 =	vld.idx.msk [tilespmem:v1+s1+$0x0], $0xffff  }
0x2f9: {  	v2 =	vld.idx.msk [tilespmem:v2+s1+$0x0], $0xffff  }
0x2fa: {  	v3 =	vld.idx.msk [tilespmem:v3+s1+$0x0], $0xffff  }
0x2fb: {  	v4 =	vld.idx.msk [tilespmem:v4+s1+$0x0], $0xffff  }
0x2fc: {  	v5 =	vld.idx.msk [tilespmem:v5+s1+$0x0], $0xffff  }
0x2fd: {  	v6 =	vld.idx.msk [tilespmem:v6+s1+$0x0], $0xffff  }
0x2fe: {  	v9 =	vld.idx.msk [tilespmem:v9+s1+$0x0], $0xffff  }
0x2ff: {  	v11 =	vld.idx.msk [tilespmem:v7+s1+$0x0], $0xffff  }
0x300: {  	v8 =	vld.idx.msk [tilespmem:v8+s1+$0x0], $0xffff  }
0x301: {  	v10 =	vld.idx.msk [tilespmem:v0+s19+$0x0], $0xffff  }
0x302: {  	v1 =	vld.idx.msk [tilespmem:v1+s19+$0x0], $0xffff  }
0x303: {  	v0 =	vld.idx.msk [tilespmem:v2+s19+$0x0], $0xffff  }
0x304: {  	v3 =	vld.idx.msk [tilespmem:v3+s19+$0x0], $0xffff  }
0x305: {  	v7 =	vld.idx.msk [tilespmem:v4+s19+$0x0], $0xffff  }
0x306: {  	v2 =	vld.idx.msk [tilespmem:v5+s19+$0x0], $0xffff  }
0x307: {  	v6 =	vld.idx.msk [tilespmem:v6+s19+$0x0], $0xffff  }
0x308: {  	v4 =	vld.idx.msk [tilespmem:v9+s19+$0x0], $0xffff;
	v5 =	vmul.f32 v1, v10  }
0x309: {  	s2 =	simm.s32 $0x1A680;
	v1 =	vld.idx.msk [tilespmem:v11+s19+$0x0], $0xffff  }
0x30a: {  	s3 =	simm.s32 $0x0;
	s4 =	simm.s32 $0x18790;
	[tilespmem:s2+$0x20] =	vst v5;
	v5 =	vld.idx.msk [tilespmem:v8+s19+$0x0], $0xffff  }
.LBB2_18:
0x30b: {  	v8 =	vld [tilespmem:s4+$0x20];
	v3 =	vmul.f32 v7, v3;
	s0 =	sadd.s32 $0x50, s0  }
0x30c: {  	s3 =	sadd.s32 $0x50, s3;
	v7 =	vld [tilespmem:s0+$0x20]  }
0x30d: {  	p0 =	slt.u32 s3, $0x780;
	v2 =	vmul.f32 v6, v2;
	v9 =	vld [tilespmem:s0+$0xFFFFFFE0];
	[tilespmem:s2+$0xFFFFFFF0] =	vst v3  }
0x30e: {  	v0 =	vmul.f32 v0, v4;
	v3 =	vld [tilespmem:s4+$0xFFFFFFF0]  }
0x30f: {  	v4 =	vld [tilespmem:s0+$0xFFFFFFF0];
	[tilespmem:s2+$0x0] =	vst v2  }
0x310: {  	v2 =	vld [tilespmem:s4+$0x0];
	[tilespmem:s2+$0xFFFFFFE0] =	vst v0;
	v0 =	vmul.f32 v5, v1  }
0x311: {  	v1 =	vld [tilespmem:s0+$0x0]  }
0x312: {  	v5 =	vld [tilespmem:s4+$0x10];
	[tilespmem:s2+$0x10] =	vst v0  }
0x313: {  	v0 =	vld.idx.msk [tilespmem:v8+s1+$0x0], $0xffff  }
0x314: {  	v6 =	vld.idx.msk [tilespmem:v7+s1+$0x0], $0xffff  }
0x315: {  	v7 =	vld [tilespmem:s0+$0x10]  }
0x316: {  	v8 =	vld [tilespmem:s4+$0xFFFFFFE0]  }
0x317: {  	v9 =	vld.idx.msk [tilespmem:v9+s1+$0x0], $0xffff  }
0x318: {  	v3 =	vld.idx.msk [tilespmem:v3+s1+$0x0], $0xffff  }
0x319: {  	v4 =	vld.idx.msk [tilespmem:v4+s1+$0x0], $0xffff  }
0x31a: {  	v2 =	vld.idx.msk [tilespmem:v2+s1+$0x0], $0xffff  }
0x31b: {  	v10 =	vld.idx.msk [tilespmem:v0+s19+$0x0], $0xffff  }
0x31c: {  	v6 =	vld.idx.msk [tilespmem:v6+s19+$0x0], $0xffff  }
0x31d: {  	v1 =	vld.idx.msk [tilespmem:v1+s1+$0x0], $0xffff  }
0x31e: {  	v8 =	vld.idx.msk [tilespmem:v8+s1+$0x0], $0xffff  }
0x31f: {  	v5 =	vld.idx.msk [tilespmem:v5+s1+$0x0], $0xffff  }
0x320: {  	v11 =	vld.idx.msk [tilespmem:v7+s1+$0x0], $0xffff  }
0x321: {  	v0 =	vld.idx.msk [tilespmem:v9+s19+$0x0], $0xffff  }
0x322: {  	v6 =	vmul.f32 v6, v10;
	v3 =	vld.idx.msk [tilespmem:v3+s19+$0x0], $0xffff  }
0x323: {  	s2 =	sadd.s32 $0x50, s2;
	v7 =	vld.idx.msk [tilespmem:v4+s19+$0x0], $0xffff  }
.Ltmp8:
0x324: {  	v2 =	vld.idx.msk [tilespmem:v2+s19+$0x0], $0xffff;
	[tilespmem:s2+$0x20] =	vst v6;
	(pc) =	sbr.rel @p0 .LBB2_18-.Ltmp8, $4  }
0x325: {  	v6 =	vld.idx.msk [tilespmem:v1+s19+$0x0], $0xffff  }
0x326: {  	v4 =	vld.idx.msk [tilespmem:v8+s19+$0x0], $0xffff  }
0x327: {  	v1 =	vld.idx.msk [tilespmem:v5+s19+$0x0], $0xffff  }
0x328: {  	s4 =	sadd.s32 $0x50, s4;
	v5 =	vld.idx.msk [tilespmem:v11+s19+$0x0], $0xffff  }
0x329: {  	_ = 	snop  }
0x32a: {  	v3 =	vmul.f32 v7, v3  }
0x32b: {  	v2 =	vmul.f32 v6, v2  }
0x32c: {  	[tilespmem:s2+$0xFFFFFFF0] =	vst v3;
	v0 =	vmul.f32 v0, v4  }
0x32d: {  	[tilespmem:s2+$0x0] =	vst v2;
	v1 =	vmul.f32 v5, v1  }
0x32e: {  	[tilespmem:s2+$0xFFFFFFE0] =	vst v0  }
0x32f: {  	[tilespmem:s2+$0x10] =	vst v1  }
0x330: {  	s0 =	rddreg [dreg:$0x1d]  }
0x331: {  	s2 =	sld [smem:$0x7DA]  }
0x332: {  	[hbm4b:s0+s1] =	stream.linear.scatter [tilespmem:s25], [sflag:$0x3], $0x7D0, $0x38;
	[tilespmem:$0x1B600] =	vst v63  }
0x333: {  	s3 =	sld [smem:$0x7DB]  }
0x334: {  	[tilespmem:s20], [sflag:$0x1] =	stream.linear.gather [hbm4b:s2+s1], $0x7D0, $0x38;
	[tilespmem:$0x1B600] =	vst v63  }
0x335: {  	_ = 	snop  }
0x336: {  	[tilespmem:s21], [sflag:$0x1] =	stream.linear.gather [hbm4b:s3+s1], $0x7D0, $0x38;
	[tilespmem:$0x1B600] =	vst v63  }
0x337: {  	_ =	swait.ge [sflag:s26], $0x7D0  }
0x338: {  	[sflag:s26] =	ssyncset.done $0x0  }
0x339: {  	[sflag:s26] =	ssyncadd.s32 $0xFFFFF830  }
0x33a: {  	_ =	swait.ge [sflag:s26], $0x7D0  }
0x33b: {  	[sflag:s26] =	ssyncset.done $0x0  }
0x33c: {  	[sflag:s26] =	ssyncadd.s32 $0xFFFFF830  }
0x33d: {  	_ =	swait.ge [sflag:s30], $0x7D0  }
0x33e: {  	[sflag:s30] =	ssyncset.done $0x0  }
0x33f: {  	s4 =	simm.s32 $0x18F30;
	[sflag:s30] =	ssyncadd.s32 $0xFFFFF830  }
0x340: {  	s0 =	simm.s32 $0x19ED0;
	v0 =	vld [tilespmem:s4+$0x0]  }
0x341: {  	v1 =	vld [tilespmem:s0+$0x0]  }
0x342: {  	v2 =	vld [tilespmem:s0+$0xFFFFFFC0]  }
0x343: {  	v3 =	vld [tilespmem:s4+$0xFFFFFFD0]  }
0x344: {  	v4 =	vld [tilespmem:s0+$0xFFFFFFD0]  }
0x345: {  	v5 =	vld [tilespmem:s4+$0xFFFFFFE0]  }
0x346: {  	v6 =	vld [tilespmem:s0+$0xFFFFFFE0]  }
0x347: {  	v7 =	vld [tilespmem:s4+$0xFFFFFFF0]  }
0x348: {  	v8 =	vld [tilespmem:s0+$0xFFFFFFF0]  }
0x349: {  	v9 =	vld [tilespmem:s4+$0xFFFFFFC0]  }
0x34a: {  	v0 =	vld.idx.msk [tilespmem:v0+s1+$0x0], $0xffff  }
0x34b: {  	v1 =	vld.idx.msk [tilespmem:v1+s1+$0x0], $0xffff  }
0x34c: {  	v2 =	vld.idx.msk [tilespmem:v2+s1+$0x0], $0xffff  }
0x34d: {  	v3 =	vld.idx.msk [tilespmem:v3+s1+$0x0], $0xffff  }
0x34e: {  	v4 =	vld.idx.msk [tilespmem:v4+s1+$0x0], $0xffff  }
0x34f: {  	v5 =	vld.idx.msk [tilespmem:v5+s1+$0x0], $0xffff  }
0x350: {  	v6 =	vld.idx.msk [tilespmem:v6+s1+$0x0], $0xffff  }
0x351: {  	v9 =	vld.idx.msk [tilespmem:v9+s1+$0x0], $0xffff  }
0x352: {  	v11 =	vld.idx.msk [tilespmem:v7+s1+$0x0], $0xffff  }
0x353: {  	v8 =	vld.idx.msk [tilespmem:v8+s1+$0x0], $0xffff  }
0x354: {  	v10 =	vld.idx.msk [tilespmem:v0+s19+$0x0], $0xffff  }
0x355: {  	v1 =	vld.idx.msk [tilespmem:v1+s19+$0x0], $0xffff  }
0x356: {  	v0 =	vld.idx.msk [tilespmem:v2+s19+$0x0], $0xffff  }
0x357: {  	v3 =	vld.idx.msk [tilespmem:v3+s19+$0x0], $0xffff  }
0x358: {  	v7 =	vld.idx.msk [tilespmem:v4+s19+$0x0], $0xffff  }
0x359: {  	v2 =	vld.idx.msk [tilespmem:v5+s19+$0x0], $0xffff  }
0x35a: {  	v6 =	vld.idx.msk [tilespmem:v6+s19+$0x0], $0xffff  }
0x35b: {  	v4 =	vld.idx.msk [tilespmem:v9+s19+$0x0], $0xffff;
	v5 =	vmul.f32 v1, v10  }
0x35c: {  	s2 =	simm.s32 $0x1AE70;
	v1 =	vld.idx.msk [tilespmem:v11+s19+$0x0], $0xffff  }
0x35d: {  	s3 =	simm.s32 $0x0;
	s4 =	simm.s32 $0x18F80;
	[tilespmem:s2+$0x0] =	vst v5;
	v5 =	vld.idx.msk [tilespmem:v8+s19+$0x0], $0xffff  }
.LBB2_20:
0x35e: {  	v8 =	vld [tilespmem:s4+$0x0];
	v3 =	vmul.f32 v7, v3;
	s0 =	sadd.s32 $0x50, s0  }
0x35f: {  	s3 =	sadd.s32 $0x50, s3;
	v7 =	vld [tilespmem:s0+$0x0]  }
0x360: {  	p0 =	slt.u32 s3, $0x780;
	v2 =	vmul.f32 v6, v2;
	v9 =	vld [tilespmem:s0+$0xFFFFFFC0];
	[tilespmem:s2+$0xFFFFFFD0] =	vst v3  }
0x361: {  	v0 =	vmul.f32 v0, v4;
	v3 =	vld [tilespmem:s4+$0xFFFFFFD0]  }
0x362: {  	v4 =	vld [tilespmem:s0+$0xFFFFFFD0];
	[tilespmem:s2+$0xFFFFFFE0] =	vst v2  }
0x363: {  	v2 =	vld [tilespmem:s4+$0xFFFFFFE0];
	[tilespmem:s2+$0xFFFFFFC0] =	vst v0;
	v0 =	vmul.f32 v5, v1  }
0x364: {  	v1 =	vld [tilespmem:s0+$0xFFFFFFE0]  }
0x365: {  	v5 =	vld [tilespmem:s4+$0xFFFFFFF0];
	[tilespmem:s2+$0xFFFFFFF0] =	vst v0  }
0x366: {  	v0 =	vld.idx.msk [tilespmem:v8+s1+$0x0], $0xffff  }
0x367: {  	v6 =	vld.idx.msk [tilespmem:v7+s1+$0x0], $0xffff  }
0x368: {  	v7 =	vld [tilespmem:s0+$0xFFFFFFF0]  }
0x369: {  	v8 =	vld [tilespmem:s4+$0xFFFFFFC0]  }
0x36a: {  	v9 =	vld.idx.msk [tilespmem:v9+s1+$0x0], $0xffff  }
0x36b: {  	v3 =	vld.idx.msk [tilespmem:v3+s1+$0x0], $0xffff  }
0x36c: {  	v4 =	vld.idx.msk [tilespmem:v4+s1+$0x0], $0xffff  }
0x36d: {  	v2 =	vld.idx.msk [tilespmem:v2+s1+$0x0], $0xffff  }
0x36e: {  	v10 =	vld.idx.msk [tilespmem:v0+s19+$0x0], $0xffff  }
0x36f: {  	v6 =	vld.idx.msk [tilespmem:v6+s19+$0x0], $0xffff  }
0x370: {  	v1 =	vld.idx.msk [tilespmem:v1+s1+$0x0], $0xffff  }
0x371: {  	v8 =	vld.idx.msk [tilespmem:v8+s1+$0x0], $0xffff  }
0x372: {  	v5 =	vld.idx.msk [tilespmem:v5+s1+$0x0], $0xffff  }
0x373: {  	v11 =	vld.idx.msk [tilespmem:v7+s1+$0x0], $0xffff  }
0x374: {  	v0 =	vld.idx.msk [tilespmem:v9+s19+$0x0], $0xffff  }
0x375: {  	v6 =	vmul.f32 v6, v10;
	v3 =	vld.idx.msk [tilespmem:v3+s19+$0x0], $0xffff  }
0x376: {  	s2 =	sadd.s32 $0x50, s2;
	v7 =	vld.idx.msk [tilespmem:v4+s19+$0x0], $0xffff  }
.Ltmp9:
0x377: {  	v2 =	vld.idx.msk [tilespmem:v2+s19+$0x0], $0xffff;
	[tilespmem:s2+$0x0] =	vst v6;
	(pc) =	sbr.rel @p0 .LBB2_20-.Ltmp9, $4  }
0x378: {  	v6 =	vld.idx.msk [tilespmem:v1+s19+$0x0], $0xffff  }
0x379: {  	v4 =	vld.idx.msk [tilespmem:v8+s19+$0x0], $0xffff  }
0x37a: {  	v1 =	vld.idx.msk [tilespmem:v5+s19+$0x0], $0xffff  }
0x37b: {  	s4 =	sadd.s32 $0x50, s4;
	v5 =	vld.idx.msk [tilespmem:v11+s19+$0x0], $0xffff  }
0x37c: {  	_ = 	snop  }
0x37d: {  	v3 =	vmul.f32 v7, v3  }
0x37e: {  	v2 =	vmul.f32 v6, v2  }
0x37f: {  	[tilespmem:s2+$0xFFFFFFD0] =	vst v3;
	v0 =	vmul.f32 v0, v4  }
0x380: {  	[tilespmem:s2+$0xFFFFFFE0] =	vst v2;
	v1 =	vmul.f32 v5, v1  }
0x381: {  	[tilespmem:s2+$0xFFFFFFC0] =	vst v0  }
0x382: {  	[tilespmem:s2+$0xFFFFFFF0] =	vst v1  }
0x383: {  	s0 =	sld [smem:$0x7D9];
	_ =	sdelay $0x1  }
0x384: {  	s2 =	sld [smem:$0x7DD]  }
0x385: {  	[hbm4b:s0+s1] =	stream.linear.scatter [tilespmem:s28], [sflag:$0x4], $0x7D0, $0x38;
	[tilespmem:$0x1B600] =	vst v63  }
0x386: {  	s3 =	sld [smem:$0x7DE]  }
0x387: {  	[tilespmem:s22], [sflag:$0x2] =	stream.linear.gather [hbm4b:s2+s1], $0x7D0, $0x38;
	[tilespmem:$0x1B600] =	vst v63  }
0x388: {  	_ = 	snop  }
0x389: {  	[tilespmem:s23], [sflag:$0x2] =	stream.linear.gather [hbm4b:s3+s1], $0x7D0, $0x38;
	[tilespmem:$0x1B600] =	vst v63  }
0x38a: {  	_ =	swait.ge [sflag:s24], $0x7D0  }
0x38b: {  	[sflag:s24] =	ssyncset.done $0x0  }
0x38c: {  	[sflag:s24] =	ssyncadd.s32 $0xFFFFF830  }
0x38d: {  	_ =	swait.ge [sflag:s24], $0x7D0  }
0x38e: {  	[sflag:s24] =	ssyncset.done $0x0  }
0x38f: {  	[sflag:s24] =	ssyncadd.s32 $0xFFFFF830  }
0x390: {  	_ =	swait.ge [sflag:s29], $0x7D0  }
0x391: {  	[sflag:s29] =	ssyncset.done $0x0  }
0x392: {  	s4 =	simm.s32 $0x18740;
	[sflag:s29] =	ssyncadd.s32 $0xFFFFF830  }
0x393: {  	s0 =	simm.s32 $0x196E0;
	v0 =	vld [tilespmem:s4+$0x20]  }
0x394: {  	v1 =	vld [tilespmem:s0+$0x20]  }
0x395: {  	v2 =	vld [tilespmem:s0+$0xFFFFFFE0]  }
0x396: {  	v3 =	vld [tilespmem:s4+$0xFFFFFFF0]  }
0x397: {  	v4 =	vld [tilespmem:s0+$0xFFFFFFF0]  }
0x398: {  	v5 =	vld [tilespmem:s4+$0x0]  }
0x399: {  	v6 =	vld [tilespmem:s0+$0x0]  }
0x39a: {  	v7 =	vld [tilespmem:s4+$0x10]  }
0x39b: {  	v8 =	vld [tilespmem:s0+$0x10]  }
0x39c: {  	v9 =	vld [tilespmem:s4+$0xFFFFFFE0]  }
0x39d: {  	v0 =	vld.idx.msk [tilespmem:v0+s1+$0x0], $0xffff  }
0x39e: {  	v1 =	vld.idx.msk [tilespmem:v1+s1+$0x0], $0xffff  }
0x39f: {  	v2 =	vld.idx.msk [tilespmem:v2+s1+$0x0], $0xffff  }
0x3a0: {  	v3 =	vld.idx.msk [tilespmem:v3+s1+$0x0], $0xffff  }
0x3a1: {  	v4 =	vld.idx.msk [tilespmem:v4+s1+$0x0], $0xffff  }
0x3a2: {  	v5 =	vld.idx.msk [tilespmem:v5+s1+$0x0], $0xffff  }
0x3a3: {  	v6 =	vld.idx.msk [tilespmem:v6+s1+$0x0], $0xffff  }
0x3a4: {  	v9 =	vld.idx.msk [tilespmem:v9+s1+$0x0], $0xffff  }
0x3a5: {  	v11 =	vld.idx.msk [tilespmem:v7+s1+$0x0], $0xffff  }
0x3a6: {  	v8 =	vld.idx.msk [tilespmem:v8+s1+$0x0], $0xffff  }
0x3a7: {  	v10 =	vld.idx.msk [tilespmem:v0+s19+$0x0], $0xffff  }
0x3a8: {  	v1 =	vld.idx.msk [tilespmem:v1+s19+$0x0], $0xffff  }
0x3a9: {  	v0 =	vld.idx.msk [tilespmem:v2+s19+$0x0], $0xffff  }
0x3aa: {  	v3 =	vld.idx.msk [tilespmem:v3+s19+$0x0], $0xffff  }
0x3ab: {  	v7 =	vld.idx.msk [tilespmem:v4+s19+$0x0], $0xffff  }
0x3ac: {  	v2 =	vld.idx.msk [tilespmem:v5+s19+$0x0], $0xffff  }
0x3ad: {  	v6 =	vld.idx.msk [tilespmem:v6+s19+$0x0], $0xffff  }
0x3ae: {  	v4 =	vld.idx.msk [tilespmem:v9+s19+$0x0], $0xffff;
	v5 =	vmul.f32 v1, v10  }
0x3af: {  	s2 =	simm.s32 $0x1A680;
	v1 =	vld.idx.msk [tilespmem:v11+s19+$0x0], $0xffff  }
0x3b0: {  	s3 =	simm.s32 $0x0;
	s4 =	simm.s32 $0x18790;
	[tilespmem:s2+$0x20] =	vst v5;
	v5 =	vld.idx.msk [tilespmem:v8+s19+$0x0], $0xffff  }
.LBB2_22:
0x3b1: {  	v8 =	vld [tilespmem:s4+$0x20];
	v3 =	vmul.f32 v7, v3;
	s0 =	sadd.s32 $0x50, s0  }
0x3b2: {  	s3 =	sadd.s32 $0x50, s3;
	v7 =	vld [tilespmem:s0+$0x20]  }
0x3b3: {  	p0 =	slt.u32 s3, $0x780;
	v2 =	vmul.f32 v6, v2;
	v9 =	vld [tilespmem:s0+$0xFFFFFFE0];
	[tilespmem:s2+$0xFFFFFFF0] =	vst v3  }
0x3b4: {  	v0 =	vmul.f32 v0, v4;
	v3 =	vld [tilespmem:s4+$0xFFFFFFF0]  }
0x3b5: {  	v4 =	vld [tilespmem:s0+$0xFFFFFFF0];
	[tilespmem:s2+$0x0] =	vst v2  }
0x3b6: {  	v2 =	vld [tilespmem:s4+$0x0];
	[tilespmem:s2+$0xFFFFFFE0] =	vst v0;
	v0 =	vmul.f32 v5, v1  }
0x3b7: {  	v1 =	vld [tilespmem:s0+$0x0]  }
0x3b8: {  	v5 =	vld [tilespmem:s4+$0x10];
	[tilespmem:s2+$0x10] =	vst v0  }
0x3b9: {  	v0 =	vld.idx.msk [tilespmem:v8+s1+$0x0], $0xffff  }
0x3ba: {  	v6 =	vld.idx.msk [tilespmem:v7+s1+$0x0], $0xffff  }
0x3bb: {  	v7 =	vld [tilespmem:s0+$0x10]  }
0x3bc: {  	v8 =	vld [tilespmem:s4+$0xFFFFFFE0]  }
0x3bd: {  	v9 =	vld.idx.msk [tilespmem:v9+s1+$0x0], $0xffff  }
0x3be: {  	v3 =	vld.idx.msk [tilespmem:v3+s1+$0x0], $0xffff  }
0x3bf: {  	v4 =	vld.idx.msk [tilespmem:v4+s1+$0x0], $0xffff  }
0x3c0: {  	v2 =	vld.idx.msk [tilespmem:v2+s1+$0x0], $0xffff  }
0x3c1: {  	v10 =	vld.idx.msk [tilespmem:v0+s19+$0x0], $0xffff  }
0x3c2: {  	v6 =	vld.idx.msk [tilespmem:v6+s19+$0x0], $0xffff  }
0x3c3: {  	v1 =	vld.idx.msk [tilespmem:v1+s1+$0x0], $0xffff  }
0x3c4: {  	v8 =	vld.idx.msk [tilespmem:v8+s1+$0x0], $0xffff  }
0x3c5: {  	v5 =	vld.idx.msk [tilespmem:v5+s1+$0x0], $0xffff  }
0x3c6: {  	v11 =	vld.idx.msk [tilespmem:v7+s1+$0x0], $0xffff  }
0x3c7: {  	v0 =	vld.idx.msk [tilespmem:v9+s19+$0x0], $0xffff  }
0x3c8: {  	v6 =	vmul.f32 v6, v10;
	v3 =	vld.idx.msk [tilespmem:v3+s19+$0x0], $0xffff  }
0x3c9: {  	s2 =	sadd.s32 $0x50, s2;
	v7 =	vld.idx.msk [tilespmem:v4+s19+$0x0], $0xffff  }
.Ltmp10:
0x3ca: {  	v2 =	vld.idx.msk [tilespmem:v2+s19+$0x0], $0xffff;
	[tilespmem:s2+$0x20] =	vst v6;
	(pc) =	sbr.rel @p0 .LBB2_22-.Ltmp10, $4  }
0x3cb: {  	v6 =	vld.idx.msk [tilespmem:v1+s19+$0x0], $0xffff  }
0x3cc: {  	v4 =	vld.idx.msk [tilespmem:v8+s19+$0x0], $0xffff  }
0x3cd: {  	v1 =	vld.idx.msk [tilespmem:v5+s19+$0x0], $0xffff  }
0x3ce: {  	s4 =	sadd.s32 $0x50, s4;
	v5 =	vld.idx.msk [tilespmem:v11+s19+$0x0], $0xffff  }
0x3cf: {  	_ = 	snop  }
0x3d0: {  	v3 =	vmul.f32 v7, v3  }
0x3d1: {  	v2 =	vmul.f32 v6, v2  }
0x3d2: {  	[tilespmem:s2+$0xFFFFFFF0] =	vst v3;
	v0 =	vmul.f32 v0, v4  }
0x3d3: {  	[tilespmem:s2+$0x0] =	vst v2;
	v1 =	vmul.f32 v5, v1  }
0x3d4: {  	[tilespmem:s2+$0xFFFFFFE0] =	vst v0  }
0x3d5: {  	[tilespmem:s2+$0x10] =	vst v1  }
0x3d6: {  	s0 =	sld [smem:$0x7DC];
	_ =	sdelay $0x1  }
0x3d7: {  	s2 =	sld [smem:$0x7E0]  }
0x3d8: {  	[hbm4b:s0+s1] =	stream.linear.scatter [tilespmem:s25], [sflag:$0x3], $0x7D0, $0x38;
	[tilespmem:$0x1B600] =	vst v63  }
0x3d9: {  	s3 =	sld [smem:$0x7E1]  }
0x3da: {  	[tilespmem:s20], [sflag:$0x1] =	stream.linear.gather [hbm4b:s2+s1], $0x7D0, $0x38;
	[tilespmem:$0x1B600] =	vst v63  }
0x3db: {  	_ = 	snop  }
0x3dc: {  	[tilespmem:s21], [sflag:$0x1] =	stream.linear.gather [hbm4b:s3+s1], $0x7D0, $0x38;
	[tilespmem:$0x1B600] =	vst v63  }
0x3dd: {  	_ =	swait.ge [sflag:s26], $0x7D0  }
0x3de: {  	[sflag:s26] =	ssyncset.done $0x0  }
0x3df: {  	[sflag:s26] =	ssyncadd.s32 $0xFFFFF830  }
0x3e0: {  	_ =	swait.ge [sflag:s26], $0x7D0  }
0x3e1: {  	[sflag:s26] =	ssyncset.done $0x0  }
0x3e2: {  	[sflag:s26] =	ssyncadd.s32 $0xFFFFF830  }
0x3e3: {  	_ =	swait.ge [sflag:s30], $0x7D0  }
0x3e4: {  	[sflag:s30] =	ssyncset.done $0x0  }
0x3e5: {  	s4 =	simm.s32 $0x18F30;
	[sflag:s30] =	ssyncadd.s32 $0xFFFFF830  }
0x3e6: {  	s0 =	simm.s32 $0x19ED0;
	v0 =	vld [tilespmem:s4+$0x0]  }
0x3e7: {  	v1 =	vld [tilespmem:s0+$0x0]  }
0x3e8: {  	v2 =	vld [tilespmem:s0+$0xFFFFFFC0]  }
0x3e9: {  	v3 =	vld [tilespmem:s4+$0xFFFFFFD0]  }
0x3ea: {  	v4 =	vld [tilespmem:s0+$0xFFFFFFD0]  }
0x3eb: {  	v5 =	vld [tilespmem:s4+$0xFFFFFFE0]  }
0x3ec: {  	v6 =	vld [tilespmem:s0+$0xFFFFFFE0]  }
0x3ed: {  	v7 =	vld [tilespmem:s4+$0xFFFFFFF0]  }
0x3ee: {  	v8 =	vld [tilespmem:s0+$0xFFFFFFF0]  }
0x3ef: {  	v9 =	vld [tilespmem:s4+$0xFFFFFFC0]  }
0x3f0: {  	v0 =	vld.idx.msk [tilespmem:v0+s1+$0x0], $0xffff  }
0x3f1: {  	v1 =	vld.idx.msk [tilespmem:v1+s1+$0x0], $0xffff  }
0x3f2: {  	v2 =	vld.idx.msk [tilespmem:v2+s1+$0x0], $0xffff  }
0x3f3: {  	v3 =	vld.idx.msk [tilespmem:v3+s1+$0x0], $0xffff  }
0x3f4: {  	v4 =	vld.idx.msk [tilespmem:v4+s1+$0x0], $0xffff  }
0x3f5: {  	v5 =	vld.idx.msk [tilespmem:v5+s1+$0x0], $0xffff  }
0x3f6: {  	v6 =	vld.idx.msk [tilespmem:v6+s1+$0x0], $0xffff  }
0x3f7: {  	v9 =	vld.idx.msk [tilespmem:v9+s1+$0x0], $0xffff  }
0x3f8: {  	v11 =	vld.idx.msk [tilespmem:v7+s1+$0x0], $0xffff  }
0x3f9: {  	v8 =	vld.idx.msk [tilespmem:v8+s1+$0x0], $0xffff  }
0x3fa: {  	v10 =	vld.idx.msk [tilespmem:v0+s19+$0x0], $0xffff  }
0x3fb: {  	v1 =	vld.idx.msk [tilespmem:v1+s19+$0x0], $0xffff  }
0x3fc: {  	v0 =	vld.idx.msk [tilespmem:v2+s19+$0x0], $0xffff  }
0x3fd: {  	v3 =	vld.idx.msk [tilespmem:v3+s19+$0x0], $0xffff  }
0x3fe: {  	v7 =	vld.idx.msk [tilespmem:v4+s19+$0x0], $0xffff  }
0x3ff: {  	v2 =	vld.idx.msk [tilespmem:v5+s19+$0x0], $0xffff  }
0x400: {  	v6 =	vld.idx.msk [tilespmem:v6+s19+$0x0], $0xffff  }
0x401: {  	v4 =	vld.idx.msk [tilespmem:v9+s19+$0x0], $0xffff;
	v5 =	vmul.f32 v1, v10  }
0x402: {  	s2 =	simm.s32 $0x1AE70;
	v1 =	vld.idx.msk [tilespmem:v11+s19+$0x0], $0xffff  }
0x403: {  	s3 =	simm.s32 $0x0;
	s4 =	simm.s32 $0x18F80;
	[tilespmem:s2+$0x0] =	vst v5;
	v5 =	vld.idx.msk [tilespmem:v8+s19+$0x0], $0xffff  }
.LBB2_24:
0x404: {  	v8 =	vld [tilespmem:s4+$0x0];
	v3 =	vmul.f32 v7, v3;
	s0 =	sadd.s32 $0x50, s0  }
0x405: {  	s3 =	sadd.s32 $0x50, s3;
	v7 =	vld [tilespmem:s0+$0x0]  }
0x406: {  	p0 =	slt.u32 s3, $0x780;
	v2 =	vmul.f32 v6, v2;
	v9 =	vld [tilespmem:s0+$0xFFFFFFC0];
	[tilespmem:s2+$0xFFFFFFD0] =	vst v3  }
0x407: {  	v0 =	vmul.f32 v0, v4;
	v3 =	vld [tilespmem:s4+$0xFFFFFFD0]  }
0x408: {  	v4 =	vld [tilespmem:s0+$0xFFFFFFD0];
	[tilespmem:s2+$0xFFFFFFE0] =	vst v2  }
0x409: {  	v2 =	vld [tilespmem:s4+$0xFFFFFFE0];
	[tilespmem:s2+$0xFFFFFFC0] =	vst v0;
	v0 =	vmul.f32 v5, v1  }
0x40a: {  	v1 =	vld [tilespmem:s0+$0xFFFFFFE0]  }
0x40b: {  	v5 =	vld [tilespmem:s4+$0xFFFFFFF0];
	[tilespmem:s2+$0xFFFFFFF0] =	vst v0  }
0x40c: {  	v0 =	vld.idx.msk [tilespmem:v8+s1+$0x0], $0xffff  }
0x40d: {  	v6 =	vld.idx.msk [tilespmem:v7+s1+$0x0], $0xffff  }
0x40e: {  	v7 =	vld [tilespmem:s0+$0xFFFFFFF0]  }
0x40f: {  	v8 =	vld [tilespmem:s4+$0xFFFFFFC0]  }
0x410: {  	v9 =	vld.idx.msk [tilespmem:v9+s1+$0x0], $0xffff  }
0x411: {  	v3 =	vld.idx.msk [tilespmem:v3+s1+$0x0], $0xffff  }
0x412: {  	v4 =	vld.idx.msk [tilespmem:v4+s1+$0x0], $0xffff  }
0x413: {  	v2 =	vld.idx.msk [tilespmem:v2+s1+$0x0], $0xffff  }
0x414: {  	v10 =	vld.idx.msk [tilespmem:v0+s19+$0x0], $0xffff  }
0x415: {  	v6 =	vld.idx.msk [tilespmem:v6+s19+$0x0], $0xffff  }
0x416: {  	v1 =	vld.idx.msk [tilespmem:v1+s1+$0x0], $0xffff  }
0x417: {  	v8 =	vld.idx.msk [tilespmem:v8+s1+$0x0], $0xffff  }
0x418: {  	v5 =	vld.idx.msk [tilespmem:v5+s1+$0x0], $0xffff  }
0x419: {  	v11 =	vld.idx.msk [tilespmem:v7+s1+$0x0], $0xffff  }
0x41a: {  	v0 =	vld.idx.msk [tilespmem:v9+s19+$0x0], $0xffff  }
0x41b: {  	v6 =	vmul.f32 v6, v10;
	v3 =	vld.idx.msk [tilespmem:v3+s19+$0x0], $0xffff  }
0x41c: {  	s2 =	sadd.s32 $0x50, s2;
	v7 =	vld.idx.msk [tilespmem:v4+s19+$0x0], $0xffff  }
.Ltmp11:
0x41d: {  	v2 =	vld.idx.msk [tilespmem:v2+s19+$0x0], $0xffff;
	[tilespmem:s2+$0x0] =	vst v6;
	(pc) =	sbr.rel @p0 .LBB2_24-.Ltmp11, $4  }
0x41e: {  	v6 =	vld.idx.msk [tilespmem:v1+s19+$0x0], $0xffff  }
0x41f: {  	v4 =	vld.idx.msk [tilespmem:v8+s19+$0x0], $0xffff  }
0x420: {  	v1 =	vld.idx.msk [tilespmem:v5+s19+$0x0], $0xffff  }
0x421: {  	s4 =	sadd.s32 $0x50, s4;
	v5 =	vld.idx.msk [tilespmem:v11+s19+$0x0], $0xffff  }
0x422: {  	_ = 	snop  }
0x423: {  	v3 =	vmul.f32 v7, v3  }
0x424: {  	v2 =	vmul.f32 v6, v2  }
0x425: {  	[tilespmem:s2+$0xFFFFFFD0] =	vst v3;
	v0 =	vmul.f32 v0, v4  }
0x426: {  	[tilespmem:s2+$0xFFFFFFE0] =	vst v2;
	v1 =	vmul.f32 v5, v1  }
0x427: {  	[tilespmem:s2+$0xFFFFFFC0] =	vst v0  }
0x428: {  	[tilespmem:s2+$0xFFFFFFF0] =	vst v1  }
0x429: {  	s0 =	sld [smem:$0x7DF];
	_ =	sdelay $0x1  }
0x42a: {  	s2 =	sld [smem:$0x7E3]  }
0x42b: {  	[hbm4b:s0+s1] =	stream.linear.scatter [tilespmem:s28], [sflag:$0x4], $0x7D0, $0x38;
	[tilespmem:$0x1B600] =	vst v63  }
0x42c: {  	s3 =	sld [smem:$0x7E4]  }
0x42d: {  	[tilespmem:s22], [sflag:$0x2] =	stream.linear.gather [hbm4b:s2+s1], $0x7D0, $0x38;
	[tilespmem:$0x1B600] =	vst v63  }
0x42e: {  	_ = 	snop  }
0x42f: {  	[tilespmem:s23], [sflag:$0x2] =	stream.linear.gather [hbm4b:s3+s1], $0x7D0, $0x38;
	[tilespmem:$0x1B600] =	vst v63  }
0x430: {  	_ =	swait.ge [sflag:s24], $0x7D0  }
0x431: {  	[sflag:s24] =	ssyncset.done $0x0  }
0x432: {  	[sflag:s24] =	ssyncadd.s32 $0xFFFFF830  }
0x433: {  	_ =	swait.ge [sflag:s24], $0x7D0  }
0x434: {  	[sflag:s24] =	ssyncset.done $0x0  }
0x435: {  	[sflag:s24] =	ssyncadd.s32 $0xFFFFF830  }
0x436: {  	_ =	swait.ge [sflag:s29], $0x7D0  }
0x437: {  	[sflag:s29] =	ssyncset.done $0x0  }
0x438: {  	s4 =	simm.s32 $0x18740;
	[sflag:s29] =	ssyncadd.s32 $0xFFFFF830  }
0x439: {  	s0 =	simm.s32 $0x196E0;
	v0 =	vld [tilespmem:s4+$0x20]  }
0x43a: {  	v1 =	vld [tilespmem:s0+$0x20]  }
0x43b: {  	v2 =	vld [tilespmem:s0+$0xFFFFFFE0]  }
0x43c: {  	v3 =	vld [tilespmem:s4+$0xFFFFFFF0]  }
0x43d: {  	v4 =	vld [tilespmem:s0+$0xFFFFFFF0]  }
0x43e: {  	v5 =	vld [tilespmem:s4+$0x0]  }
0x43f: {  	v6 =	vld [tilespmem:s0+$0x0]  }
0x440: {  	v7 =	vld [tilespmem:s4+$0x10]  }
0x441: {  	v8 =	vld [tilespmem:s0+$0x10]  }
0x442: {  	v9 =	vld [tilespmem:s4+$0xFFFFFFE0]  }
0x443: {  	v0 =	vld.idx.msk [tilespmem:v0+s1+$0x0], $0xffff  }
0x444: {  	v1 =	vld.idx.msk [tilespmem:v1+s1+$0x0], $0xffff  }
0x445: {  	v2 =	vld.idx.msk [tilespmem:v2+s1+$0x0], $0xffff  }
0x446: {  	v3 =	vld.idx.msk [tilespmem:v3+s1+$0x0], $0xffff  }
0x447: {  	v4 =	vld.idx.msk [tilespmem:v4+s1+$0x0], $0xffff  }
0x448: {  	v5 =	vld.idx.msk [tilespmem:v5+s1+$0x0], $0xffff  }
0x449: {  	v6 =	vld.idx.msk [tilespmem:v6+s1+$0x0], $0xffff  }
0x44a: {  	v9 =	vld.idx.msk [tilespmem:v9+s1+$0x0], $0xffff  }
0x44b: {  	v11 =	vld.idx.msk [tilespmem:v7+s1+$0x0], $0xffff  }
0x44c: {  	v8 =	vld.idx.msk [tilespmem:v8+s1+$0x0], $0xffff  }
0x44d: {  	v10 =	vld.idx.msk [tilespmem:v0+s19+$0x0], $0xffff  }
0x44e: {  	v1 =	vld.idx.msk [tilespmem:v1+s19+$0x0], $0xffff  }
0x44f: {  	v0 =	vld.idx.msk [tilespmem:v2+s19+$0x0], $0xffff  }
0x450: {  	v3 =	vld.idx.msk [tilespmem:v3+s19+$0x0], $0xffff  }
0x451: {  	v7 =	vld.idx.msk [tilespmem:v4+s19+$0x0], $0xffff  }
0x452: {  	v2 =	vld.idx.msk [tilespmem:v5+s19+$0x0], $0xffff  }
0x453: {  	v6 =	vld.idx.msk [tilespmem:v6+s19+$0x0], $0xffff  }
0x454: {  	v4 =	vld.idx.msk [tilespmem:v9+s19+$0x0], $0xffff;
	v5 =	vmul.f32 v1, v10  }
0x455: {  	s2 =	simm.s32 $0x1A680;
	v1 =	vld.idx.msk [tilespmem:v11+s19+$0x0], $0xffff  }
0x456: {  	s3 =	simm.s32 $0x0;
	s4 =	simm.s32 $0x18790;
	[tilespmem:s2+$0x20] =	vst v5;
	v5 =	vld.idx.msk [tilespmem:v8+s19+$0x0], $0xffff  }
.LBB2_26:
0x457: {  	v8 =	vld [tilespmem:s4+$0x20];
	v3 =	vmul.f32 v7, v3;
	s0 =	sadd.s32 $0x50, s0  }
0x458: {  	s3 =	sadd.s32 $0x50, s3;
	v7 =	vld [tilespmem:s0+$0x20]  }
0x459: {  	p0 =	slt.u32 s3, $0x780;
	v2 =	vmul.f32 v6, v2;
	v9 =	vld [tilespmem:s0+$0xFFFFFFE0];
	[tilespmem:s2+$0xFFFFFFF0] =	vst v3  }
0x45a: {  	v0 =	vmul.f32 v0, v4;
	v3 =	vld [tilespmem:s4+$0xFFFFFFF0]  }
0x45b: {  	v4 =	vld [tilespmem:s0+$0xFFFFFFF0];
	[tilespmem:s2+$0x0] =	vst v2  }
0x45c: {  	v2 =	vld [tilespmem:s4+$0x0];
	[tilespmem:s2+$0xFFFFFFE0] =	vst v0;
	v0 =	vmul.f32 v5, v1  }
0x45d: {  	v1 =	vld [tilespmem:s0+$0x0]  }
0x45e: {  	v5 =	vld [tilespmem:s4+$0x10];
	[tilespmem:s2+$0x10] =	vst v0  }
0x45f: {  	v0 =	vld.idx.msk [tilespmem:v8+s1+$0x0], $0xffff  }
0x460: {  	v6 =	vld.idx.msk [tilespmem:v7+s1+$0x0], $0xffff  }
0x461: {  	v7 =	vld [tilespmem:s0+$0x10]  }
0x462: {  	v8 =	vld [tilespmem:s4+$0xFFFFFFE0]  }
0x463: {  	v9 =	vld.idx.msk [tilespmem:v9+s1+$0x0], $0xffff  }
0x464: {  	v3 =	vld.idx.msk [tilespmem:v3+s1+$0x0], $0xffff  }
0x465: {  	v4 =	vld.idx.msk [tilespmem:v4+s1+$0x0], $0xffff  }
0x466: {  	v2 =	vld.idx.msk [tilespmem:v2+s1+$0x0], $0xffff  }
0x467: {  	v10 =	vld.idx.msk [tilespmem:v0+s19+$0x0], $0xffff  }
0x468: {  	v6 =	vld.idx.msk [tilespmem:v6+s19+$0x0], $0xffff  }
0x469: {  	v1 =	vld.idx.msk [tilespmem:v1+s1+$0x0], $0xffff  }
0x46a: {  	v8 =	vld.idx.msk [tilespmem:v8+s1+$0x0], $0xffff  }
0x46b: {  	v5 =	vld.idx.msk [tilespmem:v5+s1+$0x0], $0xffff  }
0x46c: {  	v11 =	vld.idx.msk [tilespmem:v7+s1+$0x0], $0xffff  }
0x46d: {  	v0 =	vld.idx.msk [tilespmem:v9+s19+$0x0], $0xffff  }
0x46e: {  	v6 =	vmul.f32 v6, v10;
	v3 =	vld.idx.msk [tilespmem:v3+s19+$0x0], $0xffff  }
0x46f: {  	s2 =	sadd.s32 $0x50, s2;
	v7 =	vld.idx.msk [tilespmem:v4+s19+$0x0], $0xffff  }
.Ltmp12:
0x470: {  	v2 =	vld.idx.msk [tilespmem:v2+s19+$0x0], $0xffff;
	[tilespmem:s2+$0x20] =	vst v6;
	(pc) =	sbr.rel @p0 .LBB2_26-.Ltmp12, $4  }
0x471: {  	v6 =	vld.idx.msk [tilespmem:v1+s19+$0x0], $0xffff  }
0x472: {  	v4 =	vld.idx.msk [tilespmem:v8+s19+$0x0], $0xffff  }
0x473: {  	v1 =	vld.idx.msk [tilespmem:v5+s19+$0x0], $0xffff  }
0x474: {  	s4 =	sadd.s32 $0x50, s4;
	v5 =	vld.idx.msk [tilespmem:v11+s19+$0x0], $0xffff  }
0x475: {  	_ = 	snop  }
0x476: {  	v3 =	vmul.f32 v7, v3  }
0x477: {  	v2 =	vmul.f32 v6, v2  }
0x478: {  	[tilespmem:s2+$0xFFFFFFF0] =	vst v3;
	v0 =	vmul.f32 v0, v4  }
0x479: {  	[tilespmem:s2+$0x0] =	vst v2;
	v1 =	vmul.f32 v5, v1  }
0x47a: {  	[tilespmem:s2+$0xFFFFFFE0] =	vst v0  }
0x47b: {  	[tilespmem:s2+$0x10] =	vst v1  }
0x47c: {  	s0 =	sld [smem:$0x7E2];
	_ =	sdelay $0x1  }
0x47d: {  	s2 =	sld [smem:$0x7E6]  }
0x47e: {  	[hbm4b:s0+s1] =	stream.linear.scatter [tilespmem:s25], [sflag:$0x3], $0x7D0, $0x38;
	[tilespmem:$0x1B600] =	vst v63  }
0x47f: {  	s3 =	sld [smem:$0x7E7]  }
0x480: {  	[tilespmem:s20], [sflag:$0x1] =	stream.linear.gather [hbm4b:s2+s1], $0x7D0, $0x38;
	[tilespmem:$0x1B600] =	vst v63  }
0x481: {  	_ = 	snop  }
0x482: {  	[tilespmem:s21], [sflag:$0x1] =	stream.linear.gather [hbm4b:s3+s1], $0x7D0, $0x38;
	[tilespmem:$0x1B600] =	vst v63  }
0x483: {  	_ =	swait.ge [sflag:s26], $0x7D0  }
0x484: {  	[sflag:s26] =	ssyncset.done $0x0  }
0x485: {  	[sflag:s26] =	ssyncadd.s32 $0xFFFFF830  }
0x486: {  	_ =	swait.ge [sflag:s26], $0x7D0  }
0x487: {  	[sflag:s26] =	ssyncset.done $0x0  }
0x488: {  	[sflag:s26] =	ssyncadd.s32 $0xFFFFF830  }
0x489: {  	_ =	swait.ge [sflag:s30], $0x7D0  }
0x48a: {  	[sflag:s30] =	ssyncset.done $0x0  }
0x48b: {  	s4 =	simm.s32 $0x18F30;
	[sflag:s30] =	ssyncadd.s32 $0xFFFFF830  }
0x48c: {  	s0 =	simm.s32 $0x19ED0;
	v0 =	vld [tilespmem:s4+$0x0]  }
0x48d: {  	v1 =	vld [tilespmem:s0+$0x0]  }
0x48e: {  	v2 =	vld [tilespmem:s0+$0xFFFFFFC0]  }
0x48f: {  	v3 =	vld [tilespmem:s4+$0xFFFFFFD0]  }
0x490: {  	v4 =	vld [tilespmem:s0+$0xFFFFFFD0]  }
0x491: {  	v5 =	vld [tilespmem:s4+$0xFFFFFFE0]  }
0x492: {  	v6 =	vld [tilespmem:s0+$0xFFFFFFE0]  }
0x493: {  	v7 =	vld [tilespmem:s4+$0xFFFFFFF0]  }
0x494: {  	v8 =	vld [tilespmem:s0+$0xFFFFFFF0]  }
0x495: {  	v9 =	vld [tilespmem:s4+$0xFFFFFFC0]  }
0x496: {  	v0 =	vld.idx.msk [tilespmem:v0+s1+$0x0], $0xffff  }
0x497: {  	v1 =	vld.idx.msk [tilespmem:v1+s1+$0x0], $0xffff  }
0x498: {  	v2 =	vld.idx.msk [tilespmem:v2+s1+$0x0], $0xffff  }
0x499: {  	v3 =	vld.idx.msk [tilespmem:v3+s1+$0x0], $0xffff  }
0x49a: {  	v4 =	vld.idx.msk [tilespmem:v4+s1+$0x0], $0xffff  }
0x49b: {  	v5 =	vld.idx.msk [tilespmem:v5+s1+$0x0], $0xffff  }
0x49c: {  	v6 =	vld.idx.msk [tilespmem:v6+s1+$0x0], $0xffff  }
0x49d: {  	v9 =	vld.idx.msk [tilespmem:v9+s1+$0x0], $0xffff  }
0x49e: {  	v11 =	vld.idx.msk [tilespmem:v7+s1+$0x0], $0xffff  }
0x49f: {  	v8 =	vld.idx.msk [tilespmem:v8+s1+$0x0], $0xffff  }
0x4a0: {  	v10 =	vld.idx.msk [tilespmem:v0+s19+$0x0], $0xffff  }
0x4a1: {  	v1 =	vld.idx.msk [tilespmem:v1+s19+$0x0], $0xffff  }
0x4a2: {  	v0 =	vld.idx.msk [tilespmem:v2+s19+$0x0], $0xffff  }
0x4a3: {  	v3 =	vld.idx.msk [tilespmem:v3+s19+$0x0], $0xffff  }
0x4a4: {  	v7 =	vld.idx.msk [tilespmem:v4+s19+$0x0], $0xffff  }
0x4a5: {  	v2 =	vld.idx.msk [tilespmem:v5+s19+$0x0], $0xffff  }
0x4a6: {  	v6 =	vld.idx.msk [tilespmem:v6+s19+$0x0], $0xffff  }
0x4a7: {  	v4 =	vld.idx.msk [tilespmem:v9+s19+$0x0], $0xffff;
	v5 =	vmul.f32 v1, v10  }
0x4a8: {  	s2 =	simm.s32 $0x1AE70;
	v1 =	vld.idx.msk [tilespmem:v11+s19+$0x0], $0xffff  }
0x4a9: {  	s3 =	simm.s32 $0x0;
	s4 =	simm.s32 $0x18F80;
	[tilespmem:s2+$0x0] =	vst v5;
	v5 =	vld.idx.msk [tilespmem:v8+s19+$0x0], $0xffff  }
.LBB2_28:
0x4aa: {  	v8 =	vld [tilespmem:s4+$0x0];
	v3 =	vmul.f32 v7, v3;
	s0 =	sadd.s32 $0x50, s0  }
0x4ab: {  	s3 =	sadd.s32 $0x50, s3;
	v7 =	vld [tilespmem:s0+$0x0]  }
0x4ac: {  	p0 =	slt.u32 s3, $0x780;
	v2 =	vmul.f32 v6, v2;
	v9 =	vld [tilespmem:s0+$0xFFFFFFC0];
	[tilespmem:s2+$0xFFFFFFD0] =	vst v3  }
0x4ad: {  	v0 =	vmul.f32 v0, v4;
	v3 =	vld [tilespmem:s4+$0xFFFFFFD0]  }
0x4ae: {  	v4 =	vld [tilespmem:s0+$0xFFFFFFD0];
	[tilespmem:s2+$0xFFFFFFE0] =	vst v2  }
0x4af: {  	v2 =	vld [tilespmem:s4+$0xFFFFFFE0];
	[tilespmem:s2+$0xFFFFFFC0] =	vst v0;
	v0 =	vmul.f32 v5, v1  }
0x4b0: {  	v1 =	vld [tilespmem:s0+$0xFFFFFFE0]  }
0x4b1: {  	v5 =	vld [tilespmem:s4+$0xFFFFFFF0];
	[tilespmem:s2+$0xFFFFFFF0] =	vst v0  }
0x4b2: {  	v0 =	vld.idx.msk [tilespmem:v8+s1+$0x0], $0xffff  }
0x4b3: {  	v6 =	vld.idx.msk [tilespmem:v7+s1+$0x0], $0xffff  }
0x4b4: {  	v7 =	vld [tilespmem:s0+$0xFFFFFFF0]  }
0x4b5: {  	v8 =	vld [tilespmem:s4+$0xFFFFFFC0]  }
0x4b6: {  	v9 =	vld.idx.msk [tilespmem:v9+s1+$0x0], $0xffff  }
0x4b7: {  	v3 =	vld.idx.msk [tilespmem:v3+s1+$0x0], $0xffff  }
0x4b8: {  	v4 =	vld.idx.msk [tilespmem:v4+s1+$0x0], $0xffff  }
0x4b9: {  	v2 =	vld.idx.msk [tilespmem:v2+s1+$0x0], $0xffff  }
0x4ba: {  	v10 =	vld.idx.msk [tilespmem:v0+s19+$0x0], $0xffff  }
0x4bb: {  	v6 =	vld.idx.msk [tilespmem:v6+s19+$0x0], $0xffff  }
0x4bc: {  	v1 =	vld.idx.msk [tilespmem:v1+s1+$0x0], $0xffff  }
0x4bd: {  	v8 =	vld.idx.msk [tilespmem:v8+s1+$0x0], $0xffff  }
0x4be: {  	v5 =	vld.idx.msk [tilespmem:v5+s1+$0x0], $0xffff  }
0x4bf: {  	v11 =	vld.idx.msk [tilespmem:v7+s1+$0x0], $0xffff  }
0x4c0: {  	v0 =	vld.idx.msk [tilespmem:v9+s19+$0x0], $0xffff  }
0x4c1: {  	v6 =	vmul.f32 v6, v10;
	v3 =	vld.idx.msk [tilespmem:v3+s19+$0x0], $0xffff  }
0x4c2: {  	s2 =	sadd.s32 $0x50, s2;
	v7 =	vld.idx.msk [tilespmem:v4+s19+$0x0], $0xffff  }
.Ltmp13:
0x4c3: {  	v2 =	vld.idx.msk [tilespmem:v2+s19+$0x0], $0xffff;
	[tilespmem:s2+$0x0] =	vst v6;
	(pc) =	sbr.rel @p0 .LBB2_28-.Ltmp13, $4  }
0x4c4: {  	v6 =	vld.idx.msk [tilespmem:v1+s19+$0x0], $0xffff  }
0x4c5: {  	v4 =	vld.idx.msk [tilespmem:v8+s19+$0x0], $0xffff  }
0x4c6: {  	v1 =	vld.idx.msk [tilespmem:v5+s19+$0x0], $0xffff  }
0x4c7: {  	s4 =	sadd.s32 $0x50, s4;
	v5 =	vld.idx.msk [tilespmem:v11+s19+$0x0], $0xffff  }
0x4c8: {  	_ = 	snop  }
0x4c9: {  	v3 =	vmul.f32 v7, v3  }
0x4ca: {  	v2 =	vmul.f32 v6, v2  }
0x4cb: {  	[tilespmem:s2+$0xFFFFFFD0] =	vst v3;
	v0 =	vmul.f32 v0, v4  }
0x4cc: {  	[tilespmem:s2+$0xFFFFFFE0] =	vst v2;
	v1 =	vmul.f32 v5, v1  }
0x4cd: {  	[tilespmem:s2+$0xFFFFFFC0] =	vst v0  }
0x4ce: {  	[tilespmem:s2+$0xFFFFFFF0] =	vst v1  }
0x4cf: {  	s0 =	sld [smem:$0x7E5];
	_ =	sdelay $0x1  }
0x4d0: {  	s2 =	sld [smem:$0x7E9]  }
0x4d1: {  	[hbm4b:s0+s1] =	stream.linear.scatter [tilespmem:s28], [sflag:$0x4], $0x7D0, $0x38;
	[tilespmem:$0x1B600] =	vst v63  }
0x4d2: {  	s3 =	sld [smem:$0x7EA]  }
0x4d3: {  	[tilespmem:s22], [sflag:$0x2] =	stream.linear.gather [hbm4b:s2+s1], $0x7D0, $0x38;
	[tilespmem:$0x1B600] =	vst v63  }
0x4d4: {  	_ = 	snop  }
0x4d5: {  	[tilespmem:s23], [sflag:$0x2] =	stream.linear.gather [hbm4b:s3+s1], $0x7D0, $0x38;
	[tilespmem:$0x1B600] =	vst v63  }
0x4d6: {  	_ =	swait.ge [sflag:s24], $0x7D0  }
0x4d7: {  	[sflag:s24] =	ssyncset.done $0x0  }
0x4d8: {  	[sflag:s24] =	ssyncadd.s32 $0xFFFFF830  }
0x4d9: {  	_ =	swait.ge [sflag:s24], $0x7D0  }
0x4da: {  	[sflag:s24] =	ssyncset.done $0x0  }
0x4db: {  	[sflag:s24] =	ssyncadd.s32 $0xFFFFF830  }
0x4dc: {  	_ =	swait.ge [sflag:s29], $0x7D0  }
0x4dd: {  	[sflag:s29] =	ssyncset.done $0x0  }
0x4de: {  	s4 =	simm.s32 $0x18740;
	[sflag:s29] =	ssyncadd.s32 $0xFFFFF830  }
0x4df: {  	s0 =	simm.s32 $0x196E0;
	v0 =	vld [tilespmem:s4+$0x20]  }
0x4e0: {  	v1 =	vld [tilespmem:s0+$0x20]  }
0x4e1: {  	v2 =	vld [tilespmem:s0+$0xFFFFFFE0]  }
0x4e2: {  	v3 =	vld [tilespmem:s4+$0xFFFFFFF0]  }
0x4e3: {  	v4 =	vld [tilespmem:s0+$0xFFFFFFF0]  }
0x4e4: {  	v5 =	vld [tilespmem:s4+$0x0]  }
0x4e5: {  	v6 =	vld [tilespmem:s0+$0x0]  }
0x4e6: {  	v7 =	vld [tilespmem:s4+$0x10]  }
0x4e7: {  	v8 =	vld [tilespmem:s0+$0x10]  }
0x4e8: {  	v9 =	vld [tilespmem:s4+$0xFFFFFFE0]  }
0x4e9: {  	v0 =	vld.idx.msk [tilespmem:v0+s1+$0x0], $0xffff  }
0x4ea: {  	v1 =	vld.idx.msk [tilespmem:v1+s1+$0x0], $0xffff  }
0x4eb: {  	v2 =	vld.idx.msk [tilespmem:v2+s1+$0x0], $0xffff  }
0x4ec: {  	v3 =	vld.idx.msk [tilespmem:v3+s1+$0x0], $0xffff  }
0x4ed: {  	v4 =	vld.idx.msk [tilespmem:v4+s1+$0x0], $0xffff  }
0x4ee: {  	v5 =	vld.idx.msk [tilespmem:v5+s1+$0x0], $0xffff  }
0x4ef: {  	v6 =	vld.idx.msk [tilespmem:v6+s1+$0x0], $0xffff  }
0x4f0: {  	v9 =	vld.idx.msk [tilespmem:v9+s1+$0x0], $0xffff  }
0x4f1: {  	v11 =	vld.idx.msk [tilespmem:v7+s1+$0x0], $0xffff  }
0x4f2: {  	v8 =	vld.idx.msk [tilespmem:v8+s1+$0x0], $0xffff  }
0x4f3: {  	v10 =	vld.idx.msk [tilespmem:v0+s19+$0x0], $0xffff  }
0x4f4: {  	v1 =	vld.idx.msk [tilespmem:v1+s19+$0x0], $0xffff  }
0x4f5: {  	v0 =	vld.idx.msk [tilespmem:v2+s19+$0x0], $0xffff  }
0x4f6: {  	v3 =	vld.idx.msk [tilespmem:v3+s19+$0x0], $0xffff  }
0x4f7: {  	v7 =	vld.idx.msk [tilespmem:v4+s19+$0x0], $0xffff  }
0x4f8: {  	v2 =	vld.idx.msk [tilespmem:v5+s19+$0x0], $0xffff  }
0x4f9: {  	v6 =	vld.idx.msk [tilespmem:v6+s19+$0x0], $0xffff  }
0x4fa: {  	v4 =	vld.idx.msk [tilespmem:v9+s19+$0x0], $0xffff;
	v5 =	vmul.f32 v1, v10  }
0x4fb: {  	s2 =	simm.s32 $0x1A680;
	v1 =	vld.idx.msk [tilespmem:v11+s19+$0x0], $0xffff  }
0x4fc: {  	s3 =	simm.s32 $0x0;
	s4 =	simm.s32 $0x18790;
	[tilespmem:s2+$0x20] =	vst v5;
	v5 =	vld.idx.msk [tilespmem:v8+s19+$0x0], $0xffff  }
.LBB2_30:
0x4fd: {  	v8 =	vld [tilespmem:s4+$0x20];
	v3 =	vmul.f32 v7, v3;
	s0 =	sadd.s32 $0x50, s0  }
0x4fe: {  	s3 =	sadd.s32 $0x50, s3;
	v7 =	vld [tilespmem:s0+$0x20]  }
0x4ff: {  	p0 =	slt.u32 s3, $0x780;
	v2 =	vmul.f32 v6, v2;
	v9 =	vld [tilespmem:s0+$0xFFFFFFE0];
	[tilespmem:s2+$0xFFFFFFF0] =	vst v3  }
0x500: {  	v0 =	vmul.f32 v0, v4;
	v3 =	vld [tilespmem:s4+$0xFFFFFFF0]  }
0x501: {  	v4 =	vld [tilespmem:s0+$0xFFFFFFF0];
	[tilespmem:s2+$0x0] =	vst v2  }
0x502: {  	v2 =	vld [tilespmem:s4+$0x0];
	[tilespmem:s2+$0xFFFFFFE0] =	vst v0;
	v0 =	vmul.f32 v5, v1  }
0x503: {  	v1 =	vld [tilespmem:s0+$0x0]  }
0x504: {  	v5 =	vld [tilespmem:s4+$0x10];
	[tilespmem:s2+$0x10] =	vst v0  }
0x505: {  	v0 =	vld.idx.msk [tilespmem:v8+s1+$0x0], $0xffff  }
0x506: {  	v6 =	vld.idx.msk [tilespmem:v7+s1+$0x0], $0xffff  }
0x507: {  	v7 =	vld [tilespmem:s0+$0x10]  }
0x508: {  	v8 =	vld [tilespmem:s4+$0xFFFFFFE0]  }
0x509: {  	v9 =	vld.idx.msk [tilespmem:v9+s1+$0x0], $0xffff  }
0x50a: {  	v3 =	vld.idx.msk [tilespmem:v3+s1+$0x0], $0xffff  }
0x50b: {  	v4 =	vld.idx.msk [tilespmem:v4+s1+$0x0], $0xffff  }
0x50c: {  	v2 =	vld.idx.msk [tilespmem:v2+s1+$0x0], $0xffff  }
0x50d: {  	v10 =	vld.idx.msk [tilespmem:v0+s19+$0x0], $0xffff  }
0x50e: {  	v6 =	vld.idx.msk [tilespmem:v6+s19+$0x0], $0xffff  }
0x50f: {  	v1 =	vld.idx.msk [tilespmem:v1+s1+$0x0], $0xffff  }
0x510: {  	v8 =	vld.idx.msk [tilespmem:v8+s1+$0x0], $0xffff  }
0x511: {  	v5 =	vld.idx.msk [tilespmem:v5+s1+$0x0], $0xffff  }
0x512: {  	v11 =	vld.idx.msk [tilespmem:v7+s1+$0x0], $0xffff  }
0x513: {  	v0 =	vld.idx.msk [tilespmem:v9+s19+$0x0], $0xffff  }
0x514: {  	v6 =	vmul.f32 v6, v10;
	v3 =	vld.idx.msk [tilespmem:v3+s19+$0x0], $0xffff  }
0x515: {  	s2 =	sadd.s32 $0x50, s2;
	v7 =	vld.idx.msk [tilespmem:v4+s19+$0x0], $0xffff  }
.Ltmp14:
0x516: {  	v2 =	vld.idx.msk [tilespmem:v2+s19+$0x0], $0xffff;
	[tilespmem:s2+$0x20] =	vst v6;
	(pc) =	sbr.rel @p0 .LBB2_30-.Ltmp14, $4  }
0x517: {  	v6 =	vld.idx.msk [tilespmem:v1+s19+$0x0], $0xffff  }
0x518: {  	v4 =	vld.idx.msk [tilespmem:v8+s19+$0x0], $0xffff  }
0x519: {  	v1 =	vld.idx.msk [tilespmem:v5+s19+$0x0], $0xffff  }
0x51a: {  	s4 =	sadd.s32 $0x50, s4;
	v5 =	vld.idx.msk [tilespmem:v11+s19+$0x0], $0xffff  }
0x51b: {  	_ = 	snop  }
0x51c: {  	v3 =	vmul.f32 v7, v3  }
0x51d: {  	v2 =	vmul.f32 v6, v2  }
0x51e: {  	[tilespmem:s2+$0xFFFFFFF0] =	vst v3;
	v0 =	vmul.f32 v0, v4  }
0x51f: {  	[tilespmem:s2+$0x0] =	vst v2;
	v1 =	vmul.f32 v5, v1  }
0x520: {  	[tilespmem:s2+$0xFFFFFFE0] =	vst v0  }
0x521: {  	[tilespmem:s2+$0x10] =	vst v1  }
0x522: {  	s0 =	sld [smem:$0x7E8];
	_ =	sdelay $0x1  }
0x523: {  	s2 =	sld [smem:$0x7EC]  }
0x524: {  	[hbm4b:s0+s1] =	stream.linear.scatter [tilespmem:s25], [sflag:$0x3], $0x7D0, $0x38;
	[tilespmem:$0x1B600] =	vst v63  }
0x525: {  	s3 =	sld [smem:$0x7ED]  }
0x526: {  	[tilespmem:s20], [sflag:$0x1] =	stream.linear.gather [hbm4b:s2+s1], $0x7D0, $0x38;
	[tilespmem:$0x1B600] =	vst v63  }
0x527: {  	_ = 	snop  }
0x528: {  	[tilespmem:s21], [sflag:$0x1] =	stream.linear.gather [hbm4b:s3+s1], $0x7D0, $0x38;
	[tilespmem:$0x1B600] =	vst v63  }
0x529: {  	_ =	swait.ge [sflag:s26], $0x7D0  }
0x52a: {  	[sflag:s26] =	ssyncset.done $0x0  }
0x52b: {  	[sflag:s26] =	ssyncadd.s32 $0xFFFFF830  }
0x52c: {  	_ =	swait.ge [sflag:s26], $0x7D0  }
0x52d: {  	[sflag:s26] =	ssyncset.done $0x0  }
0x52e: {  	[sflag:s26] =	ssyncadd.s32 $0xFFFFF830  }
0x52f: {  	_ =	swait.ge [sflag:s30], $0x7D0  }
0x530: {  	[sflag:s30] =	ssyncset.done $0x0  }
0x531: {  	s4 =	simm.s32 $0x18F30;
	[sflag:s30] =	ssyncadd.s32 $0xFFFFF830  }
0x532: {  	s0 =	simm.s32 $0x19ED0;
	v0 =	vld [tilespmem:s4+$0x0]  }
0x533: {  	v1 =	vld [tilespmem:s0+$0x0]  }
0x534: {  	v2 =	vld [tilespmem:s0+$0xFFFFFFC0]  }
0x535: {  	v3 =	vld [tilespmem:s4+$0xFFFFFFD0]  }
0x536: {  	v4 =	vld [tilespmem:s0+$0xFFFFFFD0]  }
0x537: {  	v5 =	vld [tilespmem:s4+$0xFFFFFFE0]  }
0x538: {  	v6 =	vld [tilespmem:s0+$0xFFFFFFE0]  }
0x539: {  	v7 =	vld [tilespmem:s4+$0xFFFFFFF0]  }
0x53a: {  	v8 =	vld [tilespmem:s0+$0xFFFFFFF0]  }
0x53b: {  	v9 =	vld [tilespmem:s4+$0xFFFFFFC0]  }
0x53c: {  	v0 =	vld.idx.msk [tilespmem:v0+s1+$0x0], $0xffff  }
0x53d: {  	v1 =	vld.idx.msk [tilespmem:v1+s1+$0x0], $0xffff  }
0x53e: {  	v2 =	vld.idx.msk [tilespmem:v2+s1+$0x0], $0xffff  }
0x53f: {  	v3 =	vld.idx.msk [tilespmem:v3+s1+$0x0], $0xffff  }
0x540: {  	v4 =	vld.idx.msk [tilespmem:v4+s1+$0x0], $0xffff  }
0x541: {  	v5 =	vld.idx.msk [tilespmem:v5+s1+$0x0], $0xffff  }
0x542: {  	v6 =	vld.idx.msk [tilespmem:v6+s1+$0x0], $0xffff  }
0x543: {  	v9 =	vld.idx.msk [tilespmem:v9+s1+$0x0], $0xffff  }
0x544: {  	v11 =	vld.idx.msk [tilespmem:v7+s1+$0x0], $0xffff  }
0x545: {  	v8 =	vld.idx.msk [tilespmem:v8+s1+$0x0], $0xffff  }
0x546: {  	v10 =	vld.idx.msk [tilespmem:v0+s19+$0x0], $0xffff  }
0x547: {  	v1 =	vld.idx.msk [tilespmem:v1+s19+$0x0], $0xffff  }
0x548: {  	v0 =	vld.idx.msk [tilespmem:v2+s19+$0x0], $0xffff  }
0x549: {  	v3 =	vld.idx.msk [tilespmem:v3+s19+$0x0], $0xffff  }
0x54a: {  	v7 =	vld.idx.msk [tilespmem:v4+s19+$0x0], $0xffff  }
0x54b: {  	v2 =	vld.idx.msk [tilespmem:v5+s19+$0x0], $0xffff  }
0x54c: {  	v6 =	vld.idx.msk [tilespmem:v6+s19+$0x0], $0xffff  }
0x54d: {  	v4 =	vld.idx.msk [tilespmem:v9+s19+$0x0], $0xffff;
	v5 =	vmul.f32 v1, v10  }
0x54e: {  	s2 =	simm.s32 $0x1AE70;
	v1 =	vld.idx.msk [tilespmem:v11+s19+$0x0], $0xffff  }
0x54f: {  	s3 =	simm.s32 $0x0;
	s4 =	simm.s32 $0x18F80;
	[tilespmem:s2+$0x0] =	vst v5;
	v5 =	vld.idx.msk [tilespmem:v8+s19+$0x0], $0xffff  }
.LBB2_32:
0x550: {  	v8 =	vld [tilespmem:s4+$0x0];
	v3 =	vmul.f32 v7, v3;
	s0 =	sadd.s32 $0x50, s0  }
0x551: {  	s3 =	sadd.s32 $0x50, s3;
	v7 =	vld [tilespmem:s0+$0x0]  }
0x552: {  	p0 =	slt.u32 s3, $0x780;
	v2 =	vmul.f32 v6, v2;
	v9 =	vld [tilespmem:s0+$0xFFFFFFC0];
	[tilespmem:s2+$0xFFFFFFD0] =	vst v3  }
0x553: {  	v0 =	vmul.f32 v0, v4;
	v3 =	vld [tilespmem:s4+$0xFFFFFFD0]  }
0x554: {  	v4 =	vld [tilespmem:s0+$0xFFFFFFD0];
	[tilespmem:s2+$0xFFFFFFE0] =	vst v2  }
0x555: {  	v2 =	vld [tilespmem:s4+$0xFFFFFFE0];
	[tilespmem:s2+$0xFFFFFFC0] =	vst v0;
	v0 =	vmul.f32 v5, v1  }
0x556: {  	v1 =	vld [tilespmem:s0+$0xFFFFFFE0]  }
0x557: {  	v5 =	vld [tilespmem:s4+$0xFFFFFFF0];
	[tilespmem:s2+$0xFFFFFFF0] =	vst v0  }
0x558: {  	v0 =	vld.idx.msk [tilespmem:v8+s1+$0x0], $0xffff  }
0x559: {  	v6 =	vld.idx.msk [tilespmem:v7+s1+$0x0], $0xffff  }
0x55a: {  	v7 =	vld [tilespmem:s0+$0xFFFFFFF0]  }
0x55b: {  	v8 =	vld [tilespmem:s4+$0xFFFFFFC0]  }
0x55c: {  	v9 =	vld.idx.msk [tilespmem:v9+s1+$0x0], $0xffff  }
0x55d: {  	v3 =	vld.idx.msk [tilespmem:v3+s1+$0x0], $0xffff  }
0x55e: {  	v4 =	vld.idx.msk [tilespmem:v4+s1+$0x0], $0xffff  }
0x55f: {  	v2 =	vld.idx.msk [tilespmem:v2+s1+$0x0], $0xffff  }
0x560: {  	v10 =	vld.idx.msk [tilespmem:v0+s19+$0x0], $0xffff  }
0x561: {  	v6 =	vld.idx.msk [tilespmem:v6+s19+$0x0], $0xffff  }
0x562: {  	v1 =	vld.idx.msk [tilespmem:v1+s1+$0x0], $0xffff  }
0x563: {  	v8 =	vld.idx.msk [tilespmem:v8+s1+$0x0], $0xffff  }
0x564: {  	v5 =	vld.idx.msk [tilespmem:v5+s1+$0x0], $0xffff  }
0x565: {  	v11 =	vld.idx.msk [tilespmem:v7+s1+$0x0], $0xffff  }
0x566: {  	v0 =	vld.idx.msk [tilespmem:v9+s19+$0x0], $0xffff  }
0x567: {  	v6 =	vmul.f32 v6, v10;
	v3 =	vld.idx.msk [tilespmem:v3+s19+$0x0], $0xffff  }
0x568: {  	s2 =	sadd.s32 $0x50, s2;
	v7 =	vld.idx.msk [tilespmem:v4+s19+$0x0], $0xffff  }
.Ltmp15:
0x569: {  	v2 =	vld.idx.msk [tilespmem:v2+s19+$0x0], $0xffff;
	[tilespmem:s2+$0x0] =	vst v6;
	(pc) =	sbr.rel @p0 .LBB2_32-.Ltmp15, $4  }
0x56a: {  	v6 =	vld.idx.msk [tilespmem:v1+s19+$0x0], $0xffff  }
0x56b: {  	v4 =	vld.idx.msk [tilespmem:v8+s19+$0x0], $0xffff  }
0x56c: {  	v1 =	vld.idx.msk [tilespmem:v5+s19+$0x0], $0xffff  }
0x56d: {  	s4 =	sadd.s32 $0x50, s4;
	v5 =	vld.idx.msk [tilespmem:v11+s19+$0x0], $0xffff  }
0x56e: {  	_ = 	snop  }
0x56f: {  	v3 =	vmul.f32 v7, v3  }
0x570: {  	v2 =	vmul.f32 v6, v2  }
0x571: {  	[tilespmem:s2+$0xFFFFFFD0] =	vst v3;
	v0 =	vmul.f32 v0, v4  }
0x572: {  	[tilespmem:s2+$0xFFFFFFE0] =	vst v2;
	v1 =	vmul.f32 v5, v1  }
0x573: {  	[tilespmem:s2+$0xFFFFFFC0] =	vst v0  }
0x574: {  	[tilespmem:s2+$0xFFFFFFF0] =	vst v1  }
0x575: {  	s0 =	sld [smem:$0x7EB];
	_ =	sdelay $0x1  }
0x576: {  	s2 =	sld [smem:$0x7EF]  }
0x577: {  	[hbm4b:s0+s1] =	stream.linear.scatter [tilespmem:s28], [sflag:$0x4], $0x7D0, $0x38;
	[tilespmem:$0x1B600] =	vst v63  }
0x578: {  	s3 =	sld [smem:$0x7F0]  }
0x579: {  	[tilespmem:s22], [sflag:$0x2] =	stream.linear.gather [hbm4b:s2+s1], $0x7D0, $0x38;
	[tilespmem:$0x1B600] =	vst v63  }
0x57a: {  	_ = 	snop  }
0x57b: {  	[tilespmem:s23], [sflag:$0x2] =	stream.linear.gather [hbm4b:s3+s1], $0x7D0, $0x38;
	[tilespmem:$0x1B600] =	vst v63  }
0x57c: {  	_ =	swait.ge [sflag:s24], $0x7D0  }
0x57d: {  	[sflag:s24] =	ssyncset.done $0x0  }
0x57e: {  	[sflag:s24] =	ssyncadd.s32 $0xFFFFF830  }
0x57f: {  	_ =	swait.ge [sflag:s24], $0x7D0  }
0x580: {  	[sflag:s24] =	ssyncset.done $0x0  }
0x581: {  	[sflag:s24] =	ssyncadd.s32 $0xFFFFF830  }
0x582: {  	_ =	swait.ge [sflag:s29], $0x7D0  }
0x583: {  	[sflag:s29] =	ssyncset.done $0x0  }
0x584: {  	s4 =	simm.s32 $0x18740;
	[sflag:s29] =	ssyncadd.s32 $0xFFFFF830  }
0x585: {  	s0 =	simm.s32 $0x196E0;
	v0 =	vld [tilespmem:s4+$0x20]  }
0x586: {  	v1 =	vld [tilespmem:s0+$0x20]  }
0x587: {  	v2 =	vld [tilespmem:s0+$0xFFFFFFE0]  }
0x588: {  	v3 =	vld [tilespmem:s4+$0xFFFFFFF0]  }
0x589: {  	v4 =	vld [tilespmem:s0+$0xFFFFFFF0]  }
0x58a: {  	v5 =	vld [tilespmem:s4+$0x0]  }
0x58b: {  	v6 =	vld [tilespmem:s0+$0x0]  }
0x58c: {  	v7 =	vld [tilespmem:s4+$0x10]  }
0x58d: {  	v8 =	vld [tilespmem:s0+$0x10]  }
0x58e: {  	v9 =	vld [tilespmem:s4+$0xFFFFFFE0]  }
0x58f: {  	v0 =	vld.idx.msk [tilespmem:v0+s1+$0x0], $0xffff  }
0x590: {  	v1 =	vld.idx.msk [tilespmem:v1+s1+$0x0], $0xffff  }
0x591: {  	v2 =	vld.idx.msk [tilespmem:v2+s1+$0x0], $0xffff  }
0x592: {  	v3 =	vld.idx.msk [tilespmem:v3+s1+$0x0], $0xffff  }
0x593: {  	v4 =	vld.idx.msk [tilespmem:v4+s1+$0x0], $0xffff  }
0x594: {  	v5 =	vld.idx.msk [tilespmem:v5+s1+$0x0], $0xffff  }
0x595: {  	v6 =	vld.idx.msk [tilespmem:v6+s1+$0x0], $0xffff  }
0x596: {  	v9 =	vld.idx.msk [tilespmem:v9+s1+$0x0], $0xffff  }
0x597: {  	v11 =	vld.idx.msk [tilespmem:v7+s1+$0x0], $0xffff  }
0x598: {  	v8 =	vld.idx.msk [tilespmem:v8+s1+$0x0], $0xffff  }
0x599: {  	v10 =	vld.idx.msk [tilespmem:v0+s19+$0x0], $0xffff  }
0x59a: {  	v1 =	vld.idx.msk [tilespmem:v1+s19+$0x0], $0xffff  }
0x59b: {  	v0 =	vld.idx.msk [tilespmem:v2+s19+$0x0], $0xffff  }
0x59c: {  	v3 =	vld.idx.msk [tilespmem:v3+s19+$0x0], $0xffff  }
0x59d: {  	v7 =	vld.idx.msk [tilespmem:v4+s19+$0x0], $0xffff  }
0x59e: {  	v2 =	vld.idx.msk [tilespmem:v5+s19+$0x0], $0xffff  }
0x59f: {  	v6 =	vld.idx.msk [tilespmem:v6+s19+$0x0], $0xffff  }
0x5a0: {  	v4 =	vld.idx.msk [tilespmem:v9+s19+$0x0], $0xffff;
	v5 =	vmul.f32 v1, v10  }
0x5a1: {  	s2 =	simm.s32 $0x1A680;
	v1 =	vld.idx.msk [tilespmem:v11+s19+$0x0], $0xffff  }
0x5a2: {  	s3 =	simm.s32 $0x0;
	s4 =	simm.s32 $0x18790;
	[tilespmem:s2+$0x20] =	vst v5;
	v5 =	vld.idx.msk [tilespmem:v8+s19+$0x0], $0xffff  }
.LBB2_34:
0x5a3: {  	v8 =	vld [tilespmem:s4+$0x20];
	v3 =	vmul.f32 v7, v3;
	s0 =	sadd.s32 $0x50, s0  }
0x5a4: {  	s3 =	sadd.s32 $0x50, s3;
	v7 =	vld [tilespmem:s0+$0x20]  }
0x5a5: {  	p0 =	slt.u32 s3, $0x780;
	v2 =	vmul.f32 v6, v2;
	v9 =	vld [tilespmem:s0+$0xFFFFFFE0];
	[tilespmem:s2+$0xFFFFFFF0] =	vst v3  }
0x5a6: {  	v0 =	vmul.f32 v0, v4;
	v3 =	vld [tilespmem:s4+$0xFFFFFFF0]  }
0x5a7: {  	v4 =	vld [tilespmem:s0+$0xFFFFFFF0];
	[tilespmem:s2+$0x0] =	vst v2  }
0x5a8: {  	v2 =	vld [tilespmem:s4+$0x0];
	[tilespmem:s2+$0xFFFFFFE0] =	vst v0;
	v0 =	vmul.f32 v5, v1  }
0x5a9: {  	v1 =	vld [tilespmem:s0+$0x0]  }
0x5aa: {  	v5 =	vld [tilespmem:s4+$0x10];
	[tilespmem:s2+$0x10] =	vst v0  }
0x5ab: {  	v0 =	vld.idx.msk [tilespmem:v8+s1+$0x0], $0xffff  }
0x5ac: {  	v6 =	vld.idx.msk [tilespmem:v7+s1+$0x0], $0xffff  }
0x5ad: {  	v7 =	vld [tilespmem:s0+$0x10]  }
0x5ae: {  	v8 =	vld [tilespmem:s4+$0xFFFFFFE0]  }
0x5af: {  	v9 =	vld.idx.msk [tilespmem:v9+s1+$0x0], $0xffff  }
0x5b0: {  	v3 =	vld.idx.msk [tilespmem:v3+s1+$0x0], $0xffff  }
0x5b1: {  	v4 =	vld.idx.msk [tilespmem:v4+s1+$0x0], $0xffff  }
0x5b2: {  	v2 =	vld.idx.msk [tilespmem:v2+s1+$0x0], $0xffff  }
0x5b3: {  	v10 =	vld.idx.msk [tilespmem:v0+s19+$0x0], $0xffff  }
0x5b4: {  	v6 =	vld.idx.msk [tilespmem:v6+s19+$0x0], $0xffff  }
0x5b5: {  	v1 =	vld.idx.msk [tilespmem:v1+s1+$0x0], $0xffff  }
0x5b6: {  	v8 =	vld.idx.msk [tilespmem:v8+s1+$0x0], $0xffff  }
0x5b7: {  	v5 =	vld.idx.msk [tilespmem:v5+s1+$0x0], $0xffff  }
0x5b8: {  	v11 =	vld.idx.msk [tilespmem:v7+s1+$0x0], $0xffff  }
0x5b9: {  	v0 =	vld.idx.msk [tilespmem:v9+s19+$0x0], $0xffff  }
0x5ba: {  	v6 =	vmul.f32 v6, v10;
	v3 =	vld.idx.msk [tilespmem:v3+s19+$0x0], $0xffff  }
0x5bb: {  	s2 =	sadd.s32 $0x50, s2;
	v7 =	vld.idx.msk [tilespmem:v4+s19+$0x0], $0xffff  }
.Ltmp16:
0x5bc: {  	v2 =	vld.idx.msk [tilespmem:v2+s19+$0x0], $0xffff;
	[tilespmem:s2+$0x20] =	vst v6;
	(pc) =	sbr.rel @p0 .LBB2_34-.Ltmp16, $4  }
0x5bd: {  	v6 =	vld.idx.msk [tilespmem:v1+s19+$0x0], $0xffff  }
0x5be: {  	v4 =	vld.idx.msk [tilespmem:v8+s19+$0x0], $0xffff  }
0x5bf: {  	v1 =	vld.idx.msk [tilespmem:v5+s19+$0x0], $0xffff  }
0x5c0: {  	s4 =	sadd.s32 $0x50, s4;
	v5 =	vld.idx.msk [tilespmem:v11+s19+$0x0], $0xffff  }
0x5c1: {  	_ = 	snop  }
0x5c2: {  	v3 =	vmul.f32 v7, v3  }
0x5c3: {  	v2 =	vmul.f32 v6, v2  }
0x5c4: {  	[tilespmem:s2+$0xFFFFFFF0] =	vst v3;
	v0 =	vmul.f32 v0, v4  }
0x5c5: {  	[tilespmem:s2+$0x0] =	vst v2;
	v1 =	vmul.f32 v5, v1  }
0x5c6: {  	[tilespmem:s2+$0xFFFFFFE0] =	vst v0  }
0x5c7: {  	[tilespmem:s2+$0x10] =	vst v1  }
0x5c8: {  	s0 =	sld [smem:$0x7EE];
	_ =	sdelay $0x1  }
0x5c9: {  	s2 =	sld [smem:$0x7F2]  }
0x5ca: {  	[hbm4b:s0+s1] =	stream.linear.scatter [tilespmem:s25], [sflag:$0x3], $0x7D0, $0x38;
	[tilespmem:$0x1B600] =	vst v63  }
0x5cb: {  	s3 =	sld [smem:$0x7F3]  }
0x5cc: {  	[tilespmem:s20], [sflag:$0x1] =	stream.linear.gather [hbm4b:s2+s1], $0x7D0, $0x38;
	[tilespmem:$0x1B600] =	vst v63  }
0x5cd: {  	_ = 	snop  }
0x5ce: {  	[tilespmem:s21], [sflag:$0x1] =	stream.linear.gather [hbm4b:s3+s1], $0x7D0, $0x38;
	[tilespmem:$0x1B600] =	vst v63  }
0x5cf: {  	_ =	swait.ge [sflag:s26], $0x7D0  }
0x5d0: {  	[sflag:s26] =	ssyncset.done $0x0  }
0x5d1: {  	[sflag:s26] =	ssyncadd.s32 $0xFFFFF830  }
0x5d2: {  	_ =	swait.ge [sflag:s26], $0x7D0  }
0x5d3: {  	[sflag:s26] =	ssyncset.done $0x0  }
0x5d4: {  	[sflag:s26] =	ssyncadd.s32 $0xFFFFF830  }
0x5d5: {  	_ =	swait.ge [sflag:s30], $0x7D0  }
0x5d6: {  	[sflag:s30] =	ssyncset.done $0x0  }
0x5d7: {  	s4 =	simm.s32 $0x18F30;
	[sflag:s30] =	ssyncadd.s32 $0xFFFFF830  }
0x5d8: {  	s0 =	simm.s32 $0x19ED0;
	v0 =	vld [tilespmem:s4+$0x0]  }
0x5d9: {  	v1 =	vld [tilespmem:s0+$0x0]  }
0x5da: {  	v2 =	vld [tilespmem:s0+$0xFFFFFFC0]  }
0x5db: {  	v3 =	vld [tilespmem:s4+$0xFFFFFFD0]  }
0x5dc: {  	v4 =	vld [tilespmem:s0+$0xFFFFFFD0]  }
0x5dd: {  	v5 =	vld [tilespmem:s4+$0xFFFFFFE0]  }
0x5de: {  	v6 =	vld [tilespmem:s0+$0xFFFFFFE0]  }
0x5df: {  	v7 =	vld [tilespmem:s4+$0xFFFFFFF0]  }
0x5e0: {  	v8 =	vld [tilespmem:s0+$0xFFFFFFF0]  }
0x5e1: {  	v9 =	vld [tilespmem:s4+$0xFFFFFFC0]  }
0x5e2: {  	v0 =	vld.idx.msk [tilespmem:v0+s1+$0x0], $0xffff  }
0x5e3: {  	v1 =	vld.idx.msk [tilespmem:v1+s1+$0x0], $0xffff  }
0x5e4: {  	v2 =	vld.idx.msk [tilespmem:v2+s1+$0x0], $0xffff  }
0x5e5: {  	v3 =	vld.idx.msk [tilespmem:v3+s1+$0x0], $0xffff  }
0x5e6: {  	v4 =	vld.idx.msk [tilespmem:v4+s1+$0x0], $0xffff  }
0x5e7: {  	v5 =	vld.idx.msk [tilespmem:v5+s1+$0x0], $0xffff  }
0x5e8: {  	v6 =	vld.idx.msk [tilespmem:v6+s1+$0x0], $0xffff  }
0x5e9: {  	v9 =	vld.idx.msk [tilespmem:v9+s1+$0x0], $0xffff  }
0x5ea: {  	v11 =	vld.idx.msk [tilespmem:v7+s1+$0x0], $0xffff  }
0x5eb: {  	v8 =	vld.idx.msk [tilespmem:v8+s1+$0x0], $0xffff  }
0x5ec: {  	v10 =	vld.idx.msk [tilespmem:v0+s19+$0x0], $0xffff  }
0x5ed: {  	v1 =	vld.idx.msk [tilespmem:v1+s19+$0x0], $0xffff  }
0x5ee: {  	v0 =	vld.idx.msk [tilespmem:v2+s19+$0x0], $0xffff  }
0x5ef: {  	v3 =	vld.idx.msk [tilespmem:v3+s19+$0x0], $0xffff  }
0x5f0: {  	v7 =	vld.idx.msk [tilespmem:v4+s19+$0x0], $0xffff  }
0x5f1: {  	v2 =	vld.idx.msk [tilespmem:v5+s19+$0x0], $0xffff  }
0x5f2: {  	v6 =	vld.idx.msk [tilespmem:v6+s19+$0x0], $0xffff  }
0x5f3: {  	v4 =	vld.idx.msk [tilespmem:v9+s19+$0x0], $0xffff;
	v5 =	vmul.f32 v1, v10  }
0x5f4: {  	s2 =	simm.s32 $0x1AE70;
	v1 =	vld.idx.msk [tilespmem:v11+s19+$0x0], $0xffff  }
0x5f5: {  	s3 =	simm.s32 $0x0;
	s4 =	simm.s32 $0x18F80;
	[tilespmem:s2+$0x0] =	vst v5;
	v5 =	vld.idx.msk [tilespmem:v8+s19+$0x0], $0xffff  }
.LBB2_36:
0x5f6: {  	v8 =	vld [tilespmem:s4+$0x0];
	v3 =	vmul.f32 v7, v3;
	s0 =	sadd.s32 $0x50, s0  }
0x5f7: {  	s3 =	sadd.s32 $0x50, s3;
	v7 =	vld [tilespmem:s0+$0x0]  }
0x5f8: {  	p0 =	slt.u32 s3, $0x780;
	v2 =	vmul.f32 v6, v2;
	v9 =	vld [tilespmem:s0+$0xFFFFFFC0];
	[tilespmem:s2+$0xFFFFFFD0] =	vst v3  }
0x5f9: {  	v0 =	vmul.f32 v0, v4;
	v3 =	vld [tilespmem:s4+$0xFFFFFFD0]  }
0x5fa: {  	v4 =	vld [tilespmem:s0+$0xFFFFFFD0];
	[tilespmem:s2+$0xFFFFFFE0] =	vst v2  }
0x5fb: {  	v2 =	vld [tilespmem:s4+$0xFFFFFFE0];
	[tilespmem:s2+$0xFFFFFFC0] =	vst v0;
	v0 =	vmul.f32 v5, v1  }
0x5fc: {  	v1 =	vld [tilespmem:s0+$0xFFFFFFE0]  }
0x5fd: {  	v5 =	vld [tilespmem:s4+$0xFFFFFFF0];
	[tilespmem:s2+$0xFFFFFFF0] =	vst v0  }
0x5fe: {  	v0 =	vld.idx.msk [tilespmem:v8+s1+$0x0], $0xffff  }
0x5ff: {  	v6 =	vld.idx.msk [tilespmem:v7+s1+$0x0], $0xffff  }
0x600: {  	v7 =	vld [tilespmem:s0+$0xFFFFFFF0]  }
0x601: {  	v8 =	vld [tilespmem:s4+$0xFFFFFFC0]  }
0x602: {  	v9 =	vld.idx.msk [tilespmem:v9+s1+$0x0], $0xffff  }
0x603: {  	v3 =	vld.idx.msk [tilespmem:v3+s1+$0x0], $0xffff  }
0x604: {  	v4 =	vld.idx.msk [tilespmem:v4+s1+$0x0], $0xffff  }
0x605: {  	v2 =	vld.idx.msk [tilespmem:v2+s1+$0x0], $0xffff  }
0x606: {  	v10 =	vld.idx.msk [tilespmem:v0+s19+$0x0], $0xffff  }
0x607: {  	v6 =	vld.idx.msk [tilespmem:v6+s19+$0x0], $0xffff  }
0x608: {  	v1 =	vld.idx.msk [tilespmem:v1+s1+$0x0], $0xffff  }
0x609: {  	v8 =	vld.idx.msk [tilespmem:v8+s1+$0x0], $0xffff  }
0x60a: {  	v5 =	vld.idx.msk [tilespmem:v5+s1+$0x0], $0xffff  }
0x60b: {  	v11 =	vld.idx.msk [tilespmem:v7+s1+$0x0], $0xffff  }
0x60c: {  	v0 =	vld.idx.msk [tilespmem:v9+s19+$0x0], $0xffff  }
0x60d: {  	v6 =	vmul.f32 v6, v10;
	v3 =	vld.idx.msk [tilespmem:v3+s19+$0x0], $0xffff  }
0x60e: {  	s2 =	sadd.s32 $0x50, s2;
	v7 =	vld.idx.msk [tilespmem:v4+s19+$0x0], $0xffff  }
.Ltmp17:
0x60f: {  	v2 =	vld.idx.msk [tilespmem:v2+s19+$0x0], $0xffff;
	[tilespmem:s2+$0x0] =	vst v6;
	(pc) =	sbr.rel @p0 .LBB2_36-.Ltmp17, $4  }
0x610: {  	v6 =	vld.idx.msk [tilespmem:v1+s19+$0x0], $0xffff  }
0x611: {  	v4 =	vld.idx.msk [tilespmem:v8+s19+$0x0], $0xffff  }
0x612: {  	v1 =	vld.idx.msk [tilespmem:v5+s19+$0x0], $0xffff  }
0x613: {  	s4 =	sadd.s32 $0x50, s4;
	v5 =	vld.idx.msk [tilespmem:v11+s19+$0x0], $0xffff  }
0x614: {  	_ = 	snop  }
0x615: {  	v3 =	vmul.f32 v7, v3  }
0x616: {  	v2 =	vmul.f32 v6, v2  }
0x617: {  	[tilespmem:s2+$0xFFFFFFD0] =	vst v3;
	v0 =	vmul.f32 v0, v4  }
0x618: {  	[tilespmem:s2+$0xFFFFFFE0] =	vst v2;
	v1 =	vmul.f32 v5, v1  }
0x619: {  	[tilespmem:s2+$0xFFFFFFC0] =	vst v0  }
0x61a: {  	[tilespmem:s2+$0xFFFFFFF0] =	vst v1  }
0x61b: {  	s0 =	sld [smem:$0x7F1];
	_ =	sdelay $0x1  }
0x61c: {  	s2 =	sld [smem:$0x7F5]  }
0x61d: {  	[hbm4b:s0+s1] =	stream.linear.scatter [tilespmem:s28], [sflag:$0x4], $0x7D0, $0x38;
	[tilespmem:$0x1B600] =	vst v63  }
0x61e: {  	s3 =	sld [smem:$0x7F6]  }
0x61f: {  	[tilespmem:s22], [sflag:$0x2] =	stream.linear.gather [hbm4b:s2+s1], $0x7D0, $0x38;
	[tilespmem:$0x1B600] =	vst v63  }
0x620: {  	_ = 	snop  }
0x621: {  	[tilespmem:s23], [sflag:$0x2] =	stream.linear.gather [hbm4b:s3+s1], $0x7D0, $0x38;
	[tilespmem:$0x1B600] =	vst v63  }
0x622: {  	_ =	swait.ge [sflag:s24], $0x7D0  }
0x623: {  	[sflag:s24] =	ssyncset.done $0x0  }
0x624: {  	[sflag:s24] =	ssyncadd.s32 $0xFFFFF830  }
0x625: {  	_ =	swait.ge [sflag:s24], $0x7D0  }
0x626: {  	[sflag:s24] =	ssyncset.done $0x0  }
0x627: {  	[sflag:s24] =	ssyncadd.s32 $0xFFFFF830  }
0x628: {  	_ =	swait.ge [sflag:s29], $0x7D0  }
0x629: {  	[sflag:s29] =	ssyncset.done $0x0  }
0x62a: {  	s4 =	simm.s32 $0x18740;
	[sflag:s29] =	ssyncadd.s32 $0xFFFFF830  }
0x62b: {  	s0 =	simm.s32 $0x196E0;
	v0 =	vld [tilespmem:s4+$0x20]  }
0x62c: {  	v1 =	vld [tilespmem:s0+$0x20]  }
0x62d: {  	v2 =	vld [tilespmem:s0+$0xFFFFFFE0]  }
0x62e: {  	v3 =	vld [tilespmem:s4+$0xFFFFFFF0]  }
0x62f: {  	v4 =	vld [tilespmem:s0+$0xFFFFFFF0]  }
0x630: {  	v5 =	vld [tilespmem:s4+$0x0]  }
0x631: {  	v6 =	vld [tilespmem:s0+$0x0]  }
0x632: {  	v7 =	vld [tilespmem:s4+$0x10]  }
0x633: {  	v8 =	vld [tilespmem:s0+$0x10]  }
0x634: {  	v9 =	vld [tilespmem:s4+$0xFFFFFFE0]  }
0x635: {  	v0 =	vld.idx.msk [tilespmem:v0+s1+$0x0], $0xffff  }
0x636: {  	v1 =	vld.idx.msk [tilespmem:v1+s1+$0x0], $0xffff  }
0x637: {  	v2 =	vld.idx.msk [tilespmem:v2+s1+$0x0], $0xffff  }
0x638: {  	v3 =	vld.idx.msk [tilespmem:v3+s1+$0x0], $0xffff  }
0x639: {  	v4 =	vld.idx.msk [tilespmem:v4+s1+$0x0], $0xffff  }
0x63a: {  	v5 =	vld.idx.msk [tilespmem:v5+s1+$0x0], $0xffff  }
0x63b: {  	v6 =	vld.idx.msk [tilespmem:v6+s1+$0x0], $0xffff  }
0x63c: {  	v9 =	vld.idx.msk [tilespmem:v9+s1+$0x0], $0xffff  }
0x63d: {  	v11 =	vld.idx.msk [tilespmem:v7+s1+$0x0], $0xffff  }
0x63e: {  	v8 =	vld.idx.msk [tilespmem:v8+s1+$0x0], $0xffff  }
0x63f: {  	v10 =	vld.idx.msk [tilespmem:v0+s19+$0x0], $0xffff  }
0x640: {  	v1 =	vld.idx.msk [tilespmem:v1+s19+$0x0], $0xffff  }
0x641: {  	v0 =	vld.idx.msk [tilespmem:v2+s19+$0x0], $0xffff  }
0x642: {  	v3 =	vld.idx.msk [tilespmem:v3+s19+$0x0], $0xffff  }
0x643: {  	v7 =	vld.idx.msk [tilespmem:v4+s19+$0x0], $0xffff  }
0x644: {  	v2 =	vld.idx.msk [tilespmem:v5+s19+$0x0], $0xffff  }
0x645: {  	v6 =	vld.idx.msk [tilespmem:v6+s19+$0x0], $0xffff  }
0x646: {  	v4 =	vld.idx.msk [tilespmem:v9+s19+$0x0], $0xffff;
	v5 =	vmul.f32 v1, v10  }
0x647: {  	s2 =	simm.s32 $0x1A680;
	v1 =	vld.idx.msk [tilespmem:v11+s19+$0x0], $0xffff  }
0x648: {  	s3 =	simm.s32 $0x0;
	s4 =	simm.s32 $0x18790;
	[tilespmem:s2+$0x20] =	vst v5;
	v5 =	vld.idx.msk [tilespmem:v8+s19+$0x0], $0xffff  }
.LBB2_38:
0x649: {  	v8 =	vld [tilespmem:s4+$0x20];
	v3 =	vmul.f32 v7, v3;
	s0 =	sadd.s32 $0x50, s0  }
0x64a: {  	s3 =	sadd.s32 $0x50, s3;
	v7 =	vld [tilespmem:s0+$0x20]  }
0x64b: {  	p0 =	slt.u32 s3, $0x780;
	v2 =	vmul.f32 v6, v2;
	v9 =	vld [tilespmem:s0+$0xFFFFFFE0];
	[tilespmem:s2+$0xFFFFFFF0] =	vst v3  }
0x64c: {  	v0 =	vmul.f32 v0, v4;
	v3 =	vld [tilespmem:s4+$0xFFFFFFF0]  }
0x64d: {  	v4 =	vld [tilespmem:s0+$0xFFFFFFF0];
	[tilespmem:s2+$0x0] =	vst v2  }
0x64e: {  	v2 =	vld [tilespmem:s4+$0x0];
	[tilespmem:s2+$0xFFFFFFE0] =	vst v0;
	v0 =	vmul.f32 v5, v1  }
0x64f: {  	v1 =	vld [tilespmem:s0+$0x0]  }
0x650: {  	v5 =	vld [tilespmem:s4+$0x10];
	[tilespmem:s2+$0x10] =	vst v0  }
0x651: {  	v0 =	vld.idx.msk [tilespmem:v8+s1+$0x0], $0xffff  }
0x652: {  	v6 =	vld.idx.msk [tilespmem:v7+s1+$0x0], $0xffff  }
0x653: {  	v7 =	vld [tilespmem:s0+$0x10]  }
0x654: {  	v8 =	vld [tilespmem:s4+$0xFFFFFFE0]  }
0x655: {  	v9 =	vld.idx.msk [tilespmem:v9+s1+$0x0], $0xffff  }
0x656: {  	v3 =	vld.idx.msk [tilespmem:v3+s1+$0x0], $0xffff  }
0x657: {  	v4 =	vld.idx.msk [tilespmem:v4+s1+$0x0], $0xffff  }
0x658: {  	v2 =	vld.idx.msk [tilespmem:v2+s1+$0x0], $0xffff  }
0x659: {  	v10 =	vld.idx.msk [tilespmem:v0+s19+$0x0], $0xffff  }
0x65a: {  	v6 =	vld.idx.msk [tilespmem:v6+s19+$0x0], $0xffff  }
0x65b: {  	v1 =	vld.idx.msk [tilespmem:v1+s1+$0x0], $0xffff  }
0x65c: {  	v8 =	vld.idx.msk [tilespmem:v8+s1+$0x0], $0xffff  }
0x65d: {  	v5 =	vld.idx.msk [tilespmem:v5+s1+$0x0], $0xffff  }
0x65e: {  	v11 =	vld.idx.msk [tilespmem:v7+s1+$0x0], $0xffff  }
0x65f: {  	v0 =	vld.idx.msk [tilespmem:v9+s19+$0x0], $0xffff  }
0x660: {  	v6 =	vmul.f32 v6, v10;
	v3 =	vld.idx.msk [tilespmem:v3+s19+$0x0], $0xffff  }
0x661: {  	s2 =	sadd.s32 $0x50, s2;
	v7 =	vld.idx.msk [tilespmem:v4+s19+$0x0], $0xffff  }
.Ltmp18:
0x662: {  	v2 =	vld.idx.msk [tilespmem:v2+s19+$0x0], $0xffff;
	[tilespmem:s2+$0x20] =	vst v6;
	(pc) =	sbr.rel @p0 .LBB2_38-.Ltmp18, $4  }
0x663: {  	v6 =	vld.idx.msk [tilespmem:v1+s19+$0x0], $0xffff  }
0x664: {  	v4 =	vld.idx.msk [tilespmem:v8+s19+$0x0], $0xffff  }
0x665: {  	v1 =	vld.idx.msk [tilespmem:v5+s19+$0x0], $0xffff  }
0x666: {  	s4 =	sadd.s32 $0x50, s4;
	v5 =	vld.idx.msk [tilespmem:v11+s19+$0x0], $0xffff  }
0x667: {  	_ = 	snop  }
0x668: {  	v3 =	vmul.f32 v7, v3  }
0x669: {  	v2 =	vmul.f32 v6, v2  }
0x66a: {  	[tilespmem:s2+$0xFFFFFFF0] =	vst v3;
	v0 =	vmul.f32 v0, v4  }
0x66b: {  	[tilespmem:s2+$0x0] =	vst v2;
	v1 =	vmul.f32 v5, v1  }
0x66c: {  	[tilespmem:s2+$0xFFFFFFE0] =	vst v0  }
0x66d: {  	[tilespmem:s2+$0x10] =	vst v1  }
0x66e: {  	s0 =	sld [smem:$0x7F4];
	_ =	sdelay $0x1  }
0x66f: {  	s2 =	sld [smem:$0x7F8]  }
0x670: {  	[hbm4b:s0+s1] =	stream.linear.scatter [tilespmem:s25], [sflag:$0x3], $0x7D0, $0x38;
	[tilespmem:$0x1B600] =	vst v63  }
0x671: {  	s3 =	sld [smem:$0x7F9]  }
0x672: {  	[tilespmem:s20], [sflag:$0x1] =	stream.linear.gather [hbm4b:s2+s1], $0x7D0, $0x38;
	[tilespmem:$0x1B600] =	vst v63  }
0x673: {  	_ = 	snop  }
0x674: {  	[tilespmem:s21], [sflag:$0x1] =	stream.linear.gather [hbm4b:s3+s1], $0x7D0, $0x38;
	[tilespmem:$0x1B600] =	vst v63  }
0x675: {  	_ =	swait.ge [sflag:s26], $0x7D0  }
0x676: {  	[sflag:s26] =	ssyncset.done $0x0  }
0x677: {  	[sflag:s26] =	ssyncadd.s32 $0xFFFFF830  }
0x678: {  	_ =	swait.ge [sflag:s26], $0x7D0  }
0x679: {  	[sflag:s26] =	ssyncset.done $0x0  }
0x67a: {  	[sflag:s26] =	ssyncadd.s32 $0xFFFFF830  }
0x67b: {  	_ =	swait.ge [sflag:s30], $0x7D0  }
0x67c: {  	[sflag:s30] =	ssyncset.done $0x0  }
0x67d: {  	s4 =	simm.s32 $0x18F30;
	[sflag:s30] =	ssyncadd.s32 $0xFFFFF830  }
0x67e: {  	s0 =	simm.s32 $0x19ED0;
	v0 =	vld [tilespmem:s4+$0x0]  }
0x67f: {  	v1 =	vld [tilespmem:s0+$0x0]  }
0x680: {  	v2 =	vld [tilespmem:s0+$0xFFFFFFC0]  }
0x681: {  	v3 =	vld [tilespmem:s4+$0xFFFFFFD0]  }
0x682: {  	v4 =	vld [tilespmem:s0+$0xFFFFFFD0]  }
0x683: {  	v5 =	vld [tilespmem:s4+$0xFFFFFFE0]  }
0x684: {  	v6 =	vld [tilespmem:s0+$0xFFFFFFE0]  }
0x685: {  	v7 =	vld [tilespmem:s4+$0xFFFFFFF0]  }
0x686: {  	v8 =	vld [tilespmem:s0+$0xFFFFFFF0]  }
0x687: {  	v9 =	vld [tilespmem:s4+$0xFFFFFFC0]  }
0x688: {  	v0 =	vld.idx.msk [tilespmem:v0+s1+$0x0], $0xffff  }
0x689: {  	v1 =	vld.idx.msk [tilespmem:v1+s1+$0x0], $0xffff  }
0x68a: {  	v2 =	vld.idx.msk [tilespmem:v2+s1+$0x0], $0xffff  }
0x68b: {  	v3 =	vld.idx.msk [tilespmem:v3+s1+$0x0], $0xffff  }
0x68c: {  	v4 =	vld.idx.msk [tilespmem:v4+s1+$0x0], $0xffff  }
0x68d: {  	v5 =	vld.idx.msk [tilespmem:v5+s1+$0x0], $0xffff  }
0x68e: {  	v6 =	vld.idx.msk [tilespmem:v6+s1+$0x0], $0xffff  }
0x68f: {  	v9 =	vld.idx.msk [tilespmem:v9+s1+$0x0], $0xffff  }
0x690: {  	v11 =	vld.idx.msk [tilespmem:v7+s1+$0x0], $0xffff  }
0x691: {  	v8 =	vld.idx.msk [tilespmem:v8+s1+$0x0], $0xffff  }
0x692: {  	v10 =	vld.idx.msk [tilespmem:v0+s19+$0x0], $0xffff  }
0x693: {  	v1 =	vld.idx.msk [tilespmem:v1+s19+$0x0], $0xffff  }
0x694: {  	v0 =	vld.idx.msk [tilespmem:v2+s19+$0x0], $0xffff  }
0x695: {  	v3 =	vld.idx.msk [tilespmem:v3+s19+$0x0], $0xffff  }
0x696: {  	v7 =	vld.idx.msk [tilespmem:v4+s19+$0x0], $0xffff  }
0x697: {  	v2 =	vld.idx.msk [tilespmem:v5+s19+$0x0], $0xffff  }
0x698: {  	v6 =	vld.idx.msk [tilespmem:v6+s19+$0x0], $0xffff  }
0x699: {  	v4 =	vld.idx.msk [tilespmem:v9+s19+$0x0], $0xffff;
	v5 =	vmul.f32 v1, v10  }
0x69a: {  	s2 =	simm.s32 $0x1AE70;
	v1 =	vld.idx.msk [tilespmem:v11+s19+$0x0], $0xffff  }
0x69b: {  	s3 =	simm.s32 $0x0;
	s4 =	simm.s32 $0x18F80;
	[tilespmem:s2+$0x0] =	vst v5;
	v5 =	vld.idx.msk [tilespmem:v8+s19+$0x0], $0xffff  }
.LBB2_40:
0x69c: {  	v8 =	vld [tilespmem:s4+$0x0];
	v3 =	vmul.f32 v7, v3;
	s0 =	sadd.s32 $0x50, s0  }
0x69d: {  	s3 =	sadd.s32 $0x50, s3;
	v7 =	vld [tilespmem:s0+$0x0]  }
0x69e: {  	p0 =	slt.u32 s3, $0x780;
	v2 =	vmul.f32 v6, v2;
	v9 =	vld [tilespmem:s0+$0xFFFFFFC0];
	[tilespmem:s2+$0xFFFFFFD0] =	vst v3  }
0x69f: {  	v0 =	vmul.f32 v0, v4;
	v3 =	vld [tilespmem:s4+$0xFFFFFFD0]  }
0x6a0: {  	v4 =	vld [tilespmem:s0+$0xFFFFFFD0];
	[tilespmem:s2+$0xFFFFFFE0] =	vst v2  }
0x6a1: {  	v2 =	vld [tilespmem:s4+$0xFFFFFFE0];
	[tilespmem:s2+$0xFFFFFFC0] =	vst v0;
	v0 =	vmul.f32 v5, v1  }
0x6a2: {  	v1 =	vld [tilespmem:s0+$0xFFFFFFE0]  }
0x6a3: {  	v5 =	vld [tilespmem:s4+$0xFFFFFFF0];
	[tilespmem:s2+$0xFFFFFFF0] =	vst v0  }
0x6a4: {  	v0 =	vld.idx.msk [tilespmem:v8+s1+$0x0], $0xffff  }
0x6a5: {  	v6 =	vld.idx.msk [tilespmem:v7+s1+$0x0], $0xffff  }
0x6a6: {  	v7 =	vld [tilespmem:s0+$0xFFFFFFF0]  }
0x6a7: {  	v8 =	vld [tilespmem:s4+$0xFFFFFFC0]  }
0x6a8: {  	v9 =	vld.idx.msk [tilespmem:v9+s1+$0x0], $0xffff  }
0x6a9: {  	v3 =	vld.idx.msk [tilespmem:v3+s1+$0x0], $0xffff  }
0x6aa: {  	v4 =	vld.idx.msk [tilespmem:v4+s1+$0x0], $0xffff  }
0x6ab: {  	v2 =	vld.idx.msk [tilespmem:v2+s1+$0x0], $0xffff  }
0x6ac: {  	v10 =	vld.idx.msk [tilespmem:v0+s19+$0x0], $0xffff  }
0x6ad: {  	v6 =	vld.idx.msk [tilespmem:v6+s19+$0x0], $0xffff  }
0x6ae: {  	v1 =	vld.idx.msk [tilespmem:v1+s1+$0x0], $0xffff  }
0x6af: {  	v8 =	vld.idx.msk [tilespmem:v8+s1+$0x0], $0xffff  }
0x6b0: {  	v5 =	vld.idx.msk [tilespmem:v5+s1+$0x0], $0xffff  }
0x6b1: {  	v11 =	vld.idx.msk [tilespmem:v7+s1+$0x0], $0xffff  }
0x6b2: {  	v0 =	vld.idx.msk [tilespmem:v9+s19+$0x0], $0xffff  }
0x6b3: {  	v6 =	vmul.f32 v6, v10;
	v3 =	vld.idx.msk [tilespmem:v3+s19+$0x0], $0xffff  }
0x6b4: {  	s2 =	sadd.s32 $0x50, s2;
	v7 =	vld.idx.msk [tilespmem:v4+s19+$0x0], $0xffff  }
.Ltmp19:
0x6b5: {  	v2 =	vld.idx.msk [tilespmem:v2+s19+$0x0], $0xffff;
	[tilespmem:s2+$0x0] =	vst v6;
	(pc) =	sbr.rel @p0 .LBB2_40-.Ltmp19, $4  }
0x6b6: {  	v6 =	vld.idx.msk [tilespmem:v1+s19+$0x0], $0xffff  }
0x6b7: {  	v4 =	vld.idx.msk [tilespmem:v8+s19+$0x0], $0xffff  }
0x6b8: {  	v1 =	vld.idx.msk [tilespmem:v5+s19+$0x0], $0xffff  }
0x6b9: {  	s4 =	sadd.s32 $0x50, s4;
	v5 =	vld.idx.msk [tilespmem:v11+s19+$0x0], $0xffff  }
0x6ba: {  	_ = 	snop  }
0x6bb: {  	v3 =	vmul.f32 v7, v3  }
0x6bc: {  	v2 =	vmul.f32 v6, v2  }
0x6bd: {  	[tilespmem:s2+$0xFFFFFFD0] =	vst v3;
	v0 =	vmul.f32 v0, v4  }
0x6be: {  	[tilespmem:s2+$0xFFFFFFE0] =	vst v2;
	v1 =	vmul.f32 v5, v1  }
0x6bf: {  	[tilespmem:s2+$0xFFFFFFC0] =	vst v0  }
0x6c0: {  	[tilespmem:s2+$0xFFFFFFF0] =	vst v1  }
0x6c1: {  	s0 =	sld [smem:$0x7F7];
	_ =	sdelay $0x1  }
0x6c2: {  	s2 =	sld [smem:$0x7FB]  }
0x6c3: {  	[hbm4b:s0+s1] =	stream.linear.scatter [tilespmem:s28], [sflag:$0x4], $0x7D0, $0x38;
	[tilespmem:$0x1B600] =	vst v63  }
0x6c4: {  	s3 =	sld [smem:$0x7FC]  }
0x6c5: {  	[tilespmem:s22], [sflag:$0x2] =	stream.linear.gather [hbm4b:s2+s1], $0x7D0, $0x38;
	[tilespmem:$0x1B600] =	vst v63  }
0x6c6: {  	_ = 	snop  }
0x6c7: {  	[tilespmem:s23], [sflag:$0x2] =	stream.linear.gather [hbm4b:s3+s1], $0x7D0, $0x38;
	[tilespmem:$0x1B600] =	vst v63  }
0x6c8: {  	_ =	swait.ge [sflag:s24], $0x7D0  }
0x6c9: {  	[sflag:s24] =	ssyncset.done $0x0  }
0x6ca: {  	[sflag:s24] =	ssyncadd.s32 $0xFFFFF830  }
0x6cb: {  	_ =	swait.ge [sflag:s24], $0x7D0  }
0x6cc: {  	[sflag:s24] =	ssyncset.done $0x0  }
0x6cd: {  	[sflag:s24] =	ssyncadd.s32 $0xFFFFF830  }
0x6ce: {  	_ =	swait.ge [sflag:s29], $0x7D0  }
0x6cf: {  	[sflag:s29] =	ssyncset.done $0x0  }
0x6d0: {  	s4 =	simm.s32 $0x18740;
	[sflag:s29] =	ssyncadd.s32 $0xFFFFF830  }
0x6d1: {  	s0 =	simm.s32 $0x196E0;
	v0 =	vld [tilespmem:s4+$0x20]  }
0x6d2: {  	v1 =	vld [tilespmem:s0+$0x20]  }
0x6d3: {  	v2 =	vld [tilespmem:s0+$0xFFFFFFE0]  }
0x6d4: {  	v3 =	vld [tilespmem:s4+$0xFFFFFFF0]  }
0x6d5: {  	v4 =	vld [tilespmem:s0+$0xFFFFFFF0]  }
0x6d6: {  	v5 =	vld [tilespmem:s4+$0x0]  }
0x6d7: {  	v6 =	vld [tilespmem:s0+$0x0]  }
0x6d8: {  	v7 =	vld [tilespmem:s4+$0x10]  }
0x6d9: {  	v8 =	vld [tilespmem:s0+$0x10]  }
0x6da: {  	v9 =	vld [tilespmem:s4+$0xFFFFFFE0]  }
0x6db: {  	v0 =	vld.idx.msk [tilespmem:v0+s1+$0x0], $0xffff  }
0x6dc: {  	v1 =	vld.idx.msk [tilespmem:v1+s1+$0x0], $0xffff  }
0x6dd: {  	v2 =	vld.idx.msk [tilespmem:v2+s1+$0x0], $0xffff  }
0x6de: {  	v3 =	vld.idx.msk [tilespmem:v3+s1+$0x0], $0xffff  }
0x6df: {  	v4 =	vld.idx.msk [tilespmem:v4+s1+$0x0], $0xffff  }
0x6e0: {  	v5 =	vld.idx.msk [tilespmem:v5+s1+$0x0], $0xffff  }
0x6e1: {  	v6 =	vld.idx.msk [tilespmem:v6+s1+$0x0], $0xffff  }
0x6e2: {  	v9 =	vld.idx.msk [tilespmem:v9+s1+$0x0], $0xffff  }
0x6e3: {  	v11 =	vld.idx.msk [tilespmem:v7+s1+$0x0], $0xffff  }
0x6e4: {  	v8 =	vld.idx.msk [tilespmem:v8+s1+$0x0], $0xffff  }
0x6e5: {  	v10 =	vld.idx.msk [tilespmem:v0+s19+$0x0], $0xffff  }
0x6e6: {  	v1 =	vld.idx.msk [tilespmem:v1+s19+$0x0], $0xffff  }
0x6e7: {  	v0 =	vld.idx.msk [tilespmem:v2+s19+$0x0], $0xffff  }
0x6e8: {  	v3 =	vld.idx.msk [tilespmem:v3+s19+$0x0], $0xffff  }
0x6e9: {  	v7 =	vld.idx.msk [tilespmem:v4+s19+$0x0], $0xffff  }
0x6ea: {  	v2 =	vld.idx.msk [tilespmem:v5+s19+$0x0], $0xffff  }
0x6eb: {  	v6 =	vld.idx.msk [tilespmem:v6+s19+$0x0], $0xffff  }
0x6ec: {  	v4 =	vld.idx.msk [tilespmem:v9+s19+$0x0], $0xffff;
	v5 =	vmul.f32 v1, v10  }
0x6ed: {  	s2 =	simm.s32 $0x1A680;
	v1 =	vld.idx.msk [tilespmem:v11+s19+$0x0], $0xffff  }
0x6ee: {  	s3 =	simm.s32 $0x0;
	s4 =	simm.s32 $0x18790;
	[tilespmem:s2+$0x20] =	vst v5;
	v5 =	vld.idx.msk [tilespmem:v8+s19+$0x0], $0xffff  }
.LBB2_42:
0x6ef: {  	v8 =	vld [tilespmem:s4+$0x20];
	v3 =	vmul.f32 v7, v3;
	s0 =	sadd.s32 $0x50, s0  }
0x6f0: {  	s3 =	sadd.s32 $0x50, s3;
	v7 =	vld [tilespmem:s0+$0x20]  }
0x6f1: {  	p0 =	slt.u32 s3, $0x780;
	v2 =	vmul.f32 v6, v2;
	v9 =	vld [tilespmem:s0+$0xFFFFFFE0];
	[tilespmem:s2+$0xFFFFFFF0] =	vst v3  }
0x6f2: {  	v0 =	vmul.f32 v0, v4;
	v3 =	vld [tilespmem:s4+$0xFFFFFFF0]  }
0x6f3: {  	v4 =	vld [tilespmem:s0+$0xFFFFFFF0];
	[tilespmem:s2+$0x0] =	vst v2  }
0x6f4: {  	v2 =	vld [tilespmem:s4+$0x0];
	[tilespmem:s2+$0xFFFFFFE0] =	vst v0;
	v0 =	vmul.f32 v5, v1  }
0x6f5: {  	v1 =	vld [tilespmem:s0+$0x0]  }
0x6f6: {  	v5 =	vld [tilespmem:s4+$0x10];
	[tilespmem:s2+$0x10] =	vst v0  }
0x6f7: {  	v0 =	vld.idx.msk [tilespmem:v8+s1+$0x0], $0xffff  }
0x6f8: {  	v6 =	vld.idx.msk [tilespmem:v7+s1+$0x0], $0xffff  }
0x6f9: {  	v7 =	vld [tilespmem:s0+$0x10]  }
0x6fa: {  	v8 =	vld [tilespmem:s4+$0xFFFFFFE0]  }
0x6fb: {  	v9 =	vld.idx.msk [tilespmem:v9+s1+$0x0], $0xffff  }
0x6fc: {  	v3 =	vld.idx.msk [tilespmem:v3+s1+$0x0], $0xffff  }
0x6fd: {  	v4 =	vld.idx.msk [tilespmem:v4+s1+$0x0], $0xffff  }
0x6fe: {  	v2 =	vld.idx.msk [tilespmem:v2+s1+$0x0], $0xffff  }
0x6ff: {  	v10 =	vld.idx.msk [tilespmem:v0+s19+$0x0], $0xffff  }
0x700: {  	v6 =	vld.idx.msk [tilespmem:v6+s19+$0x0], $0xffff  }
0x701: {  	v1 =	vld.idx.msk [tilespmem:v1+s1+$0x0], $0xffff  }
0x702: {  	v8 =	vld.idx.msk [tilespmem:v8+s1+$0x0], $0xffff  }
0x703: {  	v5 =	vld.idx.msk [tilespmem:v5+s1+$0x0], $0xffff  }
0x704: {  	v11 =	vld.idx.msk [tilespmem:v7+s1+$0x0], $0xffff  }
0x705: {  	v0 =	vld.idx.msk [tilespmem:v9+s19+$0x0], $0xffff  }
0x706: {  	v6 =	vmul.f32 v6, v10;
	v3 =	vld.idx.msk [tilespmem:v3+s19+$0x0], $0xffff  }
0x707: {  	s2 =	sadd.s32 $0x50, s2;
	v7 =	vld.idx.msk [tilespmem:v4+s19+$0x0], $0xffff  }
.Ltmp20:
0x708: {  	v2 =	vld.idx.msk [tilespmem:v2+s19+$0x0], $0xffff;
	[tilespmem:s2+$0x20] =	vst v6;
	(pc) =	sbr.rel @p0 .LBB2_42-.Ltmp20, $4  }
0x709: {  	v6 =	vld.idx.msk [tilespmem:v1+s19+$0x0], $0xffff  }
0x70a: {  	v4 =	vld.idx.msk [tilespmem:v8+s19+$0x0], $0xffff  }
0x70b: {  	v1 =	vld.idx.msk [tilespmem:v5+s19+$0x0], $0xffff  }
0x70c: {  	s4 =	sadd.s32 $0x50, s4;
	v5 =	vld.idx.msk [tilespmem:v11+s19+$0x0], $0xffff  }
0x70d: {  	_ = 	snop  }
0x70e: {  	v3 =	vmul.f32 v7, v3  }
0x70f: {  	v2 =	vmul.f32 v6, v2  }
0x710: {  	[tilespmem:s2+$0xFFFFFFF0] =	vst v3;
	v0 =	vmul.f32 v0, v4  }
0x711: {  	[tilespmem:s2+$0x0] =	vst v2;
	v1 =	vmul.f32 v5, v1  }
0x712: {  	[tilespmem:s2+$0xFFFFFFE0] =	vst v0  }
0x713: {  	[tilespmem:s2+$0x10] =	vst v1  }
0x714: {  	s0 =	sld [smem:$0x7FA];
	_ =	sdelay $0x2  }
0x715: {  	[hbm4b:s0+s1] =	stream.linear.scatter [tilespmem:s25], [sflag:$0x3], $0x7D0, $0x38;
	[tilespmem:$0x1B600] =	vst v63  }
0x716: {  	_ = 	snop  }
0x717: {  	[tilespmem:s20], [sflag:$0x1] =	stream.linear.gather [hbm4b:s5+s1], $0x7D0, $0x38;
	[tilespmem:$0x1B600] =	vst v63  }
0x718: {  	_ = 	snop  }
0x719: {  	[tilespmem:s21], [sflag:$0x1] =	stream.linear.gather [hbm4b:s6+s1], $0x7D0, $0x38;
	[tilespmem:$0x1B600] =	vst v63  }
0x71a: {  	_ =	swait.ge [sflag:s26], $0x7D0  }
0x71b: {  	[sflag:s26] =	ssyncset.done $0x0  }
0x71c: {  	[sflag:s26] =	ssyncadd.s32 $0xFFFFF830  }
0x71d: {  	_ =	swait.ge [sflag:s26], $0x7D0  }
0x71e: {  	[sflag:s26] =	ssyncset.done $0x0  }
0x71f: {  	[sflag:s26] =	ssyncadd.s32 $0xFFFFF830  }
0x720: {  	_ =	swait.ge [sflag:s30], $0x7D0  }
0x721: {  	[sflag:s30] =	ssyncset.done $0x0  }
0x722: {  	s4 =	simm.s32 $0x18F30;
	[sflag:s30] =	ssyncadd.s32 $0xFFFFF830  }
0x723: {  	s0 =	simm.s32 $0x19ED0;
	v0 =	vld [tilespmem:s4+$0x0]  }
0x724: {  	v1 =	vld [tilespmem:s0+$0x0]  }
0x725: {  	v2 =	vld [tilespmem:s0+$0xFFFFFFC0]  }
0x726: {  	v3 =	vld [tilespmem:s4+$0xFFFFFFD0]  }
0x727: {  	v4 =	vld [tilespmem:s0+$0xFFFFFFD0]  }
0x728: {  	v5 =	vld [tilespmem:s4+$0xFFFFFFE0]  }
0x729: {  	v6 =	vld [tilespmem:s0+$0xFFFFFFE0]  }
0x72a: {  	v7 =	vld [tilespmem:s4+$0xFFFFFFF0]  }
0x72b: {  	v8 =	vld [tilespmem:s0+$0xFFFFFFF0]  }
0x72c: {  	v9 =	vld [tilespmem:s4+$0xFFFFFFC0]  }
0x72d: {  	v0 =	vld.idx.msk [tilespmem:v0+s1+$0x0], $0xffff  }
0x72e: {  	v1 =	vld.idx.msk [tilespmem:v1+s1+$0x0], $0xffff  }
0x72f: {  	v2 =	vld.idx.msk [tilespmem:v2+s1+$0x0], $0xffff  }
0x730: {  	v3 =	vld.idx.msk [tilespmem:v3+s1+$0x0], $0xffff  }
0x731: {  	v4 =	vld.idx.msk [tilespmem:v4+s1+$0x0], $0xffff  }
0x732: {  	v5 =	vld.idx.msk [tilespmem:v5+s1+$0x0], $0xffff  }
0x733: {  	v6 =	vld.idx.msk [tilespmem:v6+s1+$0x0], $0xffff  }
0x734: {  	v9 =	vld.idx.msk [tilespmem:v9+s1+$0x0], $0xffff  }
0x735: {  	v11 =	vld.idx.msk [tilespmem:v7+s1+$0x0], $0xffff  }
0x736: {  	v8 =	vld.idx.msk [tilespmem:v8+s1+$0x0], $0xffff  }
0x737: {  	v10 =	vld.idx.msk [tilespmem:v0+s19+$0x0], $0xffff  }
0x738: {  	v1 =	vld.idx.msk [tilespmem:v1+s19+$0x0], $0xffff  }
0x739: {  	v0 =	vld.idx.msk [tilespmem:v2+s19+$0x0], $0xffff  }
0x73a: {  	v3 =	vld.idx.msk [tilespmem:v3+s19+$0x0], $0xffff  }
0x73b: {  	v7 =	vld.idx.msk [tilespmem:v4+s19+$0x0], $0xffff  }
0x73c: {  	v2 =	vld.idx.msk [tilespmem:v5+s19+$0x0], $0xffff  }
0x73d: {  	v6 =	vld.idx.msk [tilespmem:v6+s19+$0x0], $0xffff  }
0x73e: {  	v4 =	vld.idx.msk [tilespmem:v9+s19+$0x0], $0xffff;
	v5 =	vmul.f32 v1, v10  }
0x73f: {  	s2 =	simm.s32 $0x1AE70;
	v1 =	vld.idx.msk [tilespmem:v11+s19+$0x0], $0xffff  }
0x740: {  	s3 =	simm.s32 $0x0;
	s4 =	simm.s32 $0x18F80;
	[tilespmem:s2+$0x0] =	vst v5;
	v5 =	vld.idx.msk [tilespmem:v8+s19+$0x0], $0xffff  }
.LBB2_44:
0x741: {  	v8 =	vld [tilespmem:s4+$0x0];
	v3 =	vmul.f32 v7, v3;
	s0 =	sadd.s32 $0x50, s0  }
0x742: {  	s3 =	sadd.s32 $0x50, s3;
	v7 =	vld [tilespmem:s0+$0x0]  }
0x743: {  	p0 =	slt.u32 s3, $0x780;
	v2 =	vmul.f32 v6, v2;
	v9 =	vld [tilespmem:s0+$0xFFFFFFC0];
	[tilespmem:s2+$0xFFFFFFD0] =	vst v3  }
0x744: {  	v0 =	vmul.f32 v0, v4;
	v3 =	vld [tilespmem:s4+$0xFFFFFFD0]  }
0x745: {  	v4 =	vld [tilespmem:s0+$0xFFFFFFD0];
	[tilespmem:s2+$0xFFFFFFE0] =	vst v2  }
0x746: {  	v2 =	vld [tilespmem:s4+$0xFFFFFFE0];
	[tilespmem:s2+$0xFFFFFFC0] =	vst v0;
	v0 =	vmul.f32 v5, v1  }
0x747: {  	v1 =	vld [tilespmem:s0+$0xFFFFFFE0]  }
0x748: {  	v5 =	vld [tilespmem:s4+$0xFFFFFFF0];
	[tilespmem:s2+$0xFFFFFFF0] =	vst v0  }
0x749: {  	v0 =	vld.idx.msk [tilespmem:v8+s1+$0x0], $0xffff  }
0x74a: {  	v6 =	vld.idx.msk [tilespmem:v7+s1+$0x0], $0xffff  }
0x74b: {  	v7 =	vld [tilespmem:s0+$0xFFFFFFF0]  }
0x74c: {  	v8 =	vld [tilespmem:s4+$0xFFFFFFC0]  }
0x74d: {  	v9 =	vld.idx.msk [tilespmem:v9+s1+$0x0], $0xffff  }
0x74e: {  	v3 =	vld.idx.msk [tilespmem:v3+s1+$0x0], $0xffff  }
0x74f: {  	v4 =	vld.idx.msk [tilespmem:v4+s1+$0x0], $0xffff  }
0x750: {  	v2 =	vld.idx.msk [tilespmem:v2+s1+$0x0], $0xffff  }
0x751: {  	v10 =	vld.idx.msk [tilespmem:v0+s19+$0x0], $0xffff  }
0x752: {  	v6 =	vld.idx.msk [tilespmem:v6+s19+$0x0], $0xffff  }
0x753: {  	v1 =	vld.idx.msk [tilespmem:v1+s1+$0x0], $0xffff  }
0x754: {  	v8 =	vld.idx.msk [tilespmem:v8+s1+$0x0], $0xffff  }
0x755: {  	v5 =	vld.idx.msk [tilespmem:v5+s1+$0x0], $0xffff  }
0x756: {  	v11 =	vld.idx.msk [tilespmem:v7+s1+$0x0], $0xffff  }
0x757: {  	v0 =	vld.idx.msk [tilespmem:v9+s19+$0x0], $0xffff  }
0x758: {  	v6 =	vmul.f32 v6, v10;
	v3 =	vld.idx.msk [tilespmem:v3+s19+$0x0], $0xffff  }
0x759: {  	s2 =	sadd.s32 $0x50, s2;
	v7 =	vld.idx.msk [tilespmem:v4+s19+$0x0], $0xffff  }
.Ltmp21:
0x75a: {  	v2 =	vld.idx.msk [tilespmem:v2+s19+$0x0], $0xffff;
	[tilespmem:s2+$0x0] =	vst v6;
	(pc) =	sbr.rel @p0 .LBB2_44-.Ltmp21, $4  }
0x75b: {  	v6 =	vld.idx.msk [tilespmem:v1+s19+$0x0], $0xffff  }
0x75c: {  	v4 =	vld.idx.msk [tilespmem:v8+s19+$0x0], $0xffff  }
0x75d: {  	v1 =	vld.idx.msk [tilespmem:v5+s19+$0x0], $0xffff  }
0x75e: {  	s4 =	sadd.s32 $0x50, s4;
	v5 =	vld.idx.msk [tilespmem:v11+s19+$0x0], $0xffff  }
0x75f: {  	_ = 	snop  }
0x760: {  	v3 =	vmul.f32 v7, v3  }
0x761: {  	v2 =	vmul.f32 v6, v2  }
0x762: {  	[tilespmem:s2+$0xFFFFFFD0] =	vst v3;
	v0 =	vmul.f32 v0, v4  }
0x763: {  	[tilespmem:s2+$0xFFFFFFE0] =	vst v2;
	v1 =	vmul.f32 v5, v1  }
0x764: {  	[tilespmem:s2+$0xFFFFFFC0] =	vst v0  }
0x765: {  	[tilespmem:s2+$0xFFFFFFF0] =	vst v1  }
0x766: {  	s0 =	sld [smem:$0x7FD];
	_ =	sdelay $0x2  }
0x767: {  	[hbm4b:s0+s1] =	stream.linear.scatter [tilespmem:s28], [sflag:$0x4], $0x7D0, $0x38;
	[tilespmem:$0x1B600] =	vst v63  }
0x768: {  	_ = 	snop  }
0x769: {  	[tilespmem:s22], [sflag:$0x2] =	stream.linear.gather [hbm4b:s11+s1], $0x7D0, $0x38;
	[tilespmem:$0x1B600] =	vst v63  }
0x76a: {  	_ = 	snop  }
0x76b: {  	[tilespmem:s23], [sflag:$0x2] =	stream.linear.gather [hbm4b:s13+s1], $0x7D0, $0x38;
	[tilespmem:$0x1B600] =	vst v63  }
0x76c: {  	_ =	swait.ge [sflag:s24], $0x7D0  }
0x76d: {  	[sflag:s24] =	ssyncset.done $0x0  }
0x76e: {  	[sflag:s24] =	ssyncadd.s32 $0xFFFFF830  }
0x76f: {  	_ =	swait.ge [sflag:s24], $0x7D0  }
0x770: {  	[sflag:s24] =	ssyncset.done $0x0  }
0x771: {  	[sflag:s24] =	ssyncadd.s32 $0xFFFFF830  }
0x772: {  	_ =	swait.ge [sflag:s29], $0x7D0  }
0x773: {  	[sflag:s29] =	ssyncset.done $0x0  }
0x774: {  	s4 =	simm.s32 $0x18740;
	[sflag:s29] =	ssyncadd.s32 $0xFFFFF830  }
0x775: {  	s0 =	simm.s32 $0x196E0;
	v0 =	vld [tilespmem:s4+$0x20]  }
0x776: {  	v1 =	vld [tilespmem:s0+$0x20]  }
0x777: {  	v2 =	vld [tilespmem:s0+$0xFFFFFFE0]  }
0x778: {  	v3 =	vld [tilespmem:s4+$0xFFFFFFF0]  }
0x779: {  	v4 =	vld [tilespmem:s0+$0xFFFFFFF0]  }
0x77a: {  	v5 =	vld [tilespmem:s4+$0x0]  }
0x77b: {  	v6 =	vld [tilespmem:s0+$0x0]  }
0x77c: {  	v7 =	vld [tilespmem:s4+$0x10]  }
0x77d: {  	v8 =	vld [tilespmem:s0+$0x10]  }
0x77e: {  	v9 =	vld [tilespmem:s4+$0xFFFFFFE0]  }
0x77f: {  	v0 =	vld.idx.msk [tilespmem:v0+s1+$0x0], $0xffff  }
0x780: {  	v1 =	vld.idx.msk [tilespmem:v1+s1+$0x0], $0xffff  }
0x781: {  	v2 =	vld.idx.msk [tilespmem:v2+s1+$0x0], $0xffff  }
0x782: {  	v3 =	vld.idx.msk [tilespmem:v3+s1+$0x0], $0xffff  }
0x783: {  	v4 =	vld.idx.msk [tilespmem:v4+s1+$0x0], $0xffff  }
0x784: {  	v5 =	vld.idx.msk [tilespmem:v5+s1+$0x0], $0xffff  }
0x785: {  	v6 =	vld.idx.msk [tilespmem:v6+s1+$0x0], $0xffff  }
0x786: {  	v9 =	vld.idx.msk [tilespmem:v9+s1+$0x0], $0xffff  }
0x787: {  	v11 =	vld.idx.msk [tilespmem:v7+s1+$0x0], $0xffff  }
0x788: {  	v8 =	vld.idx.msk [tilespmem:v8+s1+$0x0], $0xffff  }
0x789: {  	v10 =	vld.idx.msk [tilespmem:v0+s19+$0x0], $0xffff  }
0x78a: {  	v1 =	vld.idx.msk [tilespmem:v1+s19+$0x0], $0xffff  }
0x78b: {  	v0 =	vld.idx.msk [tilespmem:v2+s19+$0x0], $0xffff  }
0x78c: {  	v3 =	vld.idx.msk [tilespmem:v3+s19+$0x0], $0xffff  }
0x78d: {  	v7 =	vld.idx.msk [tilespmem:v4+s19+$0x0], $0xffff  }
0x78e: {  	v2 =	vld.idx.msk [tilespmem:v5+s19+$0x0], $0xffff  }
0x78f: {  	v6 =	vld.idx.msk [tilespmem:v6+s19+$0x0], $0xffff  }
0x790: {  	v4 =	vld.idx.msk [tilespmem:v9+s19+$0x0], $0xffff;
	v5 =	vmul.f32 v1, v10  }
0x791: {  	s2 =	simm.s32 $0x1A680;
	v1 =	vld.idx.msk [tilespmem:v11+s19+$0x0], $0xffff  }
0x792: {  	s3 =	simm.s32 $0x0;
	s4 =	simm.s32 $0x18790;
	[tilespmem:s2+$0x20] =	vst v5;
	v5 =	vld.idx.msk [tilespmem:v8+s19+$0x0], $0xffff  }
.LBB2_46:
0x793: {  	v8 =	vld [tilespmem:s4+$0x20];
	v3 =	vmul.f32 v7, v3;
	s0 =	sadd.s32 $0x50, s0  }
0x794: {  	s3 =	sadd.s32 $0x50, s3;
	v7 =	vld [tilespmem:s0+$0x20]  }
0x795: {  	p0 =	slt.u32 s3, $0x780;
	v2 =	vmul.f32 v6, v2;
	v9 =	vld [tilespmem:s0+$0xFFFFFFE0];
	[tilespmem:s2+$0xFFFFFFF0] =	vst v3  }
0x796: {  	v0 =	vmul.f32 v0, v4;
	v3 =	vld [tilespmem:s4+$0xFFFFFFF0]  }
0x797: {  	v4 =	vld [tilespmem:s0+$0xFFFFFFF0];
	[tilespmem:s2+$0x0] =	vst v2  }
0x798: {  	v2 =	vld [tilespmem:s4+$0x0];
	[tilespmem:s2+$0xFFFFFFE0] =	vst v0;
	v0 =	vmul.f32 v5, v1  }
0x799: {  	v1 =	vld [tilespmem:s0+$0x0]  }
0x79a: {  	v5 =	vld [tilespmem:s4+$0x10];
	[tilespmem:s2+$0x10] =	vst v0  }
0x79b: {  	v0 =	vld.idx.msk [tilespmem:v8+s1+$0x0], $0xffff  }
0x79c: {  	v6 =	vld.idx.msk [tilespmem:v7+s1+$0x0], $0xffff  }
0x79d: {  	v7 =	vld [tilespmem:s0+$0x10]  }
0x79e: {  	v8 =	vld [tilespmem:s4+$0xFFFFFFE0]  }
0x79f: {  	v9 =	vld.idx.msk [tilespmem:v9+s1+$0x0], $0xffff  }
0x7a0: {  	v3 =	vld.idx.msk [tilespmem:v3+s1+$0x0], $0xffff  }
0x7a1: {  	v4 =	vld.idx.msk [tilespmem:v4+s1+$0x0], $0xffff  }
0x7a2: {  	v2 =	vld.idx.msk [tilespmem:v2+s1+$0x0], $0xffff  }
0x7a3: {  	v10 =	vld.idx.msk [tilespmem:v0+s19+$0x0], $0xffff  }
0x7a4: {  	v6 =	vld.idx.msk [tilespmem:v6+s19+$0x0], $0xffff  }
0x7a5: {  	v1 =	vld.idx.msk [tilespmem:v1+s1+$0x0], $0xffff  }
0x7a6: {  	v8 =	vld.idx.msk [tilespmem:v8+s1+$0x0], $0xffff  }
0x7a7: {  	v5 =	vld.idx.msk [tilespmem:v5+s1+$0x0], $0xffff  }
0x7a8: {  	v11 =	vld.idx.msk [tilespmem:v7+s1+$0x0], $0xffff  }
0x7a9: {  	v0 =	vld.idx.msk [tilespmem:v9+s19+$0x0], $0xffff  }
0x7aa: {  	v6 =	vmul.f32 v6, v10;
	v3 =	vld.idx.msk [tilespmem:v3+s19+$0x0], $0xffff  }
0x7ab: {  	s2 =	sadd.s32 $0x50, s2;
	v7 =	vld.idx.msk [tilespmem:v4+s19+$0x0], $0xffff  }
.Ltmp22:
0x7ac: {  	v2 =	vld.idx.msk [tilespmem:v2+s19+$0x0], $0xffff;
	[tilespmem:s2+$0x20] =	vst v6;
	(pc) =	sbr.rel @p0 .LBB2_46-.Ltmp22, $4  }
0x7ad: {  	v6 =	vld.idx.msk [tilespmem:v1+s19+$0x0], $0xffff  }
0x7ae: {  	v4 =	vld.idx.msk [tilespmem:v8+s19+$0x0], $0xffff  }
0x7af: {  	v1 =	vld.idx.msk [tilespmem:v5+s19+$0x0], $0xffff  }
0x7b0: {  	s4 =	sadd.s32 $0x50, s4;
	v5 =	vld.idx.msk [tilespmem:v11+s19+$0x0], $0xffff  }
0x7b1: {  	_ = 	snop  }
0x7b2: {  	v3 =	vmul.f32 v7, v3  }
0x7b3: {  	v2 =	vmul.f32 v6, v2  }
0x7b4: {  	[tilespmem:s2+$0xFFFFFFF0] =	vst v3;
	v0 =	vmul.f32 v0, v4  }
0x7b5: {  	[tilespmem:s2+$0x0] =	vst v2;
	v1 =	vmul.f32 v5, v1  }
0x7b6: {  	[tilespmem:s2+$0xFFFFFFE0] =	vst v0  }
0x7b7: {  	[tilespmem:s2+$0x10] =	vst v1  }
0x7b8: {  	[hbm4b:s7+s1] =	stream.linear.scatter [tilespmem:s25], [sflag:$0x3], $0x7D0, $0x38;
	[tilespmem:$0x1B600] =	vst v63  }
0x7b9: {  	_ = 	snop  }
0x7ba: {  	[tilespmem:s20], [sflag:$0x1] =	stream.linear.gather [hbm4b:s12+s1], $0x7D0, $0x38;
	[tilespmem:$0x1B600] =	vst v63  }
0x7bb: {  	_ = 	snop  }
0x7bc: {  	[tilespmem:s21], [sflag:$0x1] =	stream.linear.gather [hbm4b:s14+s1], $0x7D0, $0x38;
	[tilespmem:$0x1B600] =	vst v63  }
0x7bd: {  	_ =	swait.ge [sflag:s26], $0x7D0  }
0x7be: {  	[sflag:s26] =	ssyncset.done $0x0  }
0x7bf: {  	[sflag:s26] =	ssyncadd.s32 $0xFFFFF830  }
0x7c0: {  	_ =	swait.ge [sflag:s26], $0x7D0  }
0x7c1: {  	[sflag:s26] =	ssyncset.done $0x0  }
0x7c2: {  	[sflag:s26] =	ssyncadd.s32 $0xFFFFF830  }
0x7c3: {  	_ =	swait.ge [sflag:s30], $0x7D0  }
0x7c4: {  	[sflag:s30] =	ssyncset.done $0x0  }
0x7c5: {  	s4 =	simm.s32 $0x18F30;
	[sflag:s30] =	ssyncadd.s32 $0xFFFFF830  }
0x7c6: {  	s0 =	simm.s32 $0x19ED0;
	v0 =	vld [tilespmem:s4+$0x0]  }
0x7c7: {  	v1 =	vld [tilespmem:s0+$0x0]  }
0x7c8: {  	v2 =	vld [tilespmem:s0+$0xFFFFFFC0]  }
0x7c9: {  	v3 =	vld [tilespmem:s4+$0xFFFFFFD0]  }
0x7ca: {  	v4 =	vld [tilespmem:s0+$0xFFFFFFD0]  }
0x7cb: {  	v5 =	vld [tilespmem:s4+$0xFFFFFFE0]  }
0x7cc: {  	v6 =	vld [tilespmem:s0+$0xFFFFFFE0]  }
0x7cd: {  	v7 =	vld [tilespmem:s4+$0xFFFFFFF0]  }
0x7ce: {  	v8 =	vld [tilespmem:s0+$0xFFFFFFF0]  }
0x7cf: {  	v9 =	vld [tilespmem:s4+$0xFFFFFFC0]  }
0x7d0: {  	v0 =	vld.idx.msk [tilespmem:v0+s1+$0x0], $0xffff  }
0x7d1: {  	v1 =	vld.idx.msk [tilespmem:v1+s1+$0x0], $0xffff  }
0x7d2: {  	v2 =	vld.idx.msk [tilespmem:v2+s1+$0x0], $0xffff  }
0x7d3: {  	v3 =	vld.idx.msk [tilespmem:v3+s1+$0x0], $0xffff  }
0x7d4: {  	v4 =	vld.idx.msk [tilespmem:v4+s1+$0x0], $0xffff  }
0x7d5: {  	v5 =	vld.idx.msk [tilespmem:v5+s1+$0x0], $0xffff  }
0x7d6: {  	v6 =	vld.idx.msk [tilespmem:v6+s1+$0x0], $0xffff  }
0x7d7: {  	v9 =	vld.idx.msk [tilespmem:v9+s1+$0x0], $0xffff  }
0x7d8: {  	v11 =	vld.idx.msk [tilespmem:v7+s1+$0x0], $0xffff  }
0x7d9: {  	v8 =	vld.idx.msk [tilespmem:v8+s1+$0x0], $0xffff  }
0x7da: {  	v10 =	vld.idx.msk [tilespmem:v0+s19+$0x0], $0xffff  }
0x7db: {  	v1 =	vld.idx.msk [tilespmem:v1+s19+$0x0], $0xffff  }
0x7dc: {  	v0 =	vld.idx.msk [tilespmem:v2+s19+$0x0], $0xffff  }
0x7dd: {  	v3 =	vld.idx.msk [tilespmem:v3+s19+$0x0], $0xffff  }
0x7de: {  	v7 =	vld.idx.msk [tilespmem:v4+s19+$0x0], $0xffff  }
0x7df: {  	v2 =	vld.idx.msk [tilespmem:v5+s19+$0x0], $0xffff  }
0x7e0: {  	v6 =	vld.idx.msk [tilespmem:v6+s19+$0x0], $0xffff  }
0x7e1: {  	v4 =	vld.idx.msk [tilespmem:v9+s19+$0x0], $0xffff;
	v5 =	vmul.f32 v1, v10  }
0x7e2: {  	s2 =	simm.s32 $0x1AE70;
	v1 =	vld.idx.msk [tilespmem:v11+s19+$0x0], $0xffff  }
0x7e3: {  	s3 =	simm.s32 $0x0;
	s4 =	simm.s32 $0x18F80;
	[tilespmem:s2+$0x0] =	vst v5;
	v5 =	vld.idx.msk [tilespmem:v8+s19+$0x0], $0xffff  }
.LBB2_48:
0x7e4: {  	v8 =	vld [tilespmem:s4+$0x0];
	v3 =	vmul.f32 v7, v3;
	s0 =	sadd.s32 $0x50, s0  }
0x7e5: {  	s3 =	sadd.s32 $0x50, s3;
	v7 =	vld [tilespmem:s0+$0x0]  }
0x7e6: {  	p0 =	slt.u32 s3, $0x780;
	v2 =	vmul.f32 v6, v2;
	v9 =	vld [tilespmem:s0+$0xFFFFFFC0];
	[tilespmem:s2+$0xFFFFFFD0] =	vst v3  }
0x7e7: {  	v0 =	vmul.f32 v0, v4;
	v3 =	vld [tilespmem:s4+$0xFFFFFFD0]  }
0x7e8: {  	v4 =	vld [tilespmem:s0+$0xFFFFFFD0];
	[tilespmem:s2+$0xFFFFFFE0] =	vst v2  }
0x7e9: {  	v2 =	vld [tilespmem:s4+$0xFFFFFFE0];
	[tilespmem:s2+$0xFFFFFFC0] =	vst v0;
	v0 =	vmul.f32 v5, v1  }
0x7ea: {  	v1 =	vld [tilespmem:s0+$0xFFFFFFE0]  }
0x7eb: {  	v5 =	vld [tilespmem:s4+$0xFFFFFFF0];
	[tilespmem:s2+$0xFFFFFFF0] =	vst v0  }
0x7ec: {  	v0 =	vld.idx.msk [tilespmem:v8+s1+$0x0], $0xffff  }
0x7ed: {  	v6 =	vld.idx.msk [tilespmem:v7+s1+$0x0], $0xffff  }
0x7ee: {  	v7 =	vld [tilespmem:s0+$0xFFFFFFF0]  }
0x7ef: {  	v8 =	vld [tilespmem:s4+$0xFFFFFFC0]  }
0x7f0: {  	v9 =	vld.idx.msk [tilespmem:v9+s1+$0x0], $0xffff  }
0x7f1: {  	v3 =	vld.idx.msk [tilespmem:v3+s1+$0x0], $0xffff  }
0x7f2: {  	v4 =	vld.idx.msk [tilespmem:v4+s1+$0x0], $0xffff  }
0x7f3: {  	v2 =	vld.idx.msk [tilespmem:v2+s1+$0x0], $0xffff  }
0x7f4: {  	v10 =	vld.idx.msk [tilespmem:v0+s19+$0x0], $0xffff  }
0x7f5: {  	v6 =	vld.idx.msk [tilespmem:v6+s19+$0x0], $0xffff  }
0x7f6: {  	v1 =	vld.idx.msk [tilespmem:v1+s1+$0x0], $0xffff  }
0x7f7: {  	v8 =	vld.idx.msk [tilespmem:v8+s1+$0x0], $0xffff  }
0x7f8: {  	v5 =	vld.idx.msk [tilespmem:v5+s1+$0x0], $0xffff  }
0x7f9: {  	v11 =	vld.idx.msk [tilespmem:v7+s1+$0x0], $0xffff  }
0x7fa: {  	v0 =	vld.idx.msk [tilespmem:v9+s19+$0x0], $0xffff  }
0x7fb: {  	v6 =	vmul.f32 v6, v10;
	v3 =	vld.idx.msk [tilespmem:v3+s19+$0x0], $0xffff  }
0x7fc: {  	s2 =	sadd.s32 $0x50, s2;
	v7 =	vld.idx.msk [tilespmem:v4+s19+$0x0], $0xffff  }
.Ltmp23:
0x7fd: {  	v2 =	vld.idx.msk [tilespmem:v2+s19+$0x0], $0xffff;
	[tilespmem:s2+$0x0] =	vst v6;
	(pc) =	sbr.rel @p0 .LBB2_48-.Ltmp23, $4  }
0x7fe: {  	v6 =	vld.idx.msk [tilespmem:v1+s19+$0x0], $0xffff  }
0x7ff: {  	v4 =	vld.idx.msk [tilespmem:v8+s19+$0x0], $0xffff  }
0x800: {  	v1 =	vld.idx.msk [tilespmem:v5+s19+$0x0], $0xffff  }
0x801: {  	s4 =	sadd.s32 $0x50, s4;
	v5 =	vld.idx.msk [tilespmem:v11+s19+$0x0], $0xffff  }
0x802: {  	_ = 	snop  }
0x803: {  	v3 =	vmul.f32 v7, v3  }
0x804: {  	v2 =	vmul.f32 v6, v2  }
0x805: {  	[tilespmem:s2+$0xFFFFFFD0] =	vst v3;
	v0 =	vmul.f32 v0, v4  }
0x806: {  	[tilespmem:s2+$0xFFFFFFE0] =	vst v2;
	v1 =	vmul.f32 v5, v1  }
0x807: {  	[tilespmem:s2+$0xFFFFFFC0] =	vst v0  }
0x808: {  	[tilespmem:s2+$0xFFFFFFF0] =	vst v1  }
0x809: {  	[hbm4b:s15+s1] =	stream.linear.scatter [tilespmem:s28], [sflag:$0x4], $0x7D0, $0x38;
	[tilespmem:$0x1B600] =	vst v63  }
0x80a: {  	_ =	swait.ge [sflag:s24], $0x7D0  }
0x80b: {  	[sflag:s24] =	ssyncset.done $0x0  }
0x80c: {  	[sflag:s24] =	ssyncadd.s32 $0xFFFFF830  }
0x80d: {  	_ =	swait.ge [sflag:s24], $0x7D0  }
0x80e: {  	[sflag:s24] =	ssyncset.done $0x0  }
0x80f: {  	[sflag:s24] =	ssyncadd.s32 $0xFFFFF830  }
0x810: {  	_ =	swait.ge [sflag:s29], $0x7D0  }
0x811: {  	[sflag:s29] =	ssyncset.done $0x0  }
0x812: {  	s4 =	simm.s32 $0x18740;
	[sflag:s29] =	ssyncadd.s32 $0xFFFFF830  }
0x813: {  	s0 =	simm.s32 $0x196E0;
	v0 =	vld [tilespmem:s4+$0x20]  }
0x814: {  	v1 =	vld [tilespmem:s0+$0x20]  }
0x815: {  	v2 =	vld [tilespmem:s0+$0xFFFFFFE0]  }
0x816: {  	v3 =	vld [tilespmem:s4+$0xFFFFFFF0]  }
0x817: {  	v4 =	vld [tilespmem:s0+$0xFFFFFFF0]  }
0x818: {  	v5 =	vld [tilespmem:s4+$0x0]  }
0x819: {  	v6 =	vld [tilespmem:s0+$0x0]  }
0x81a: {  	v7 =	vld [tilespmem:s4+$0x10]  }
0x81b: {  	v8 =	vld [tilespmem:s0+$0x10]  }
0x81c: {  	v9 =	vld [tilespmem:s4+$0xFFFFFFE0]  }
0x81d: {  	v0 =	vld.idx.msk [tilespmem:v0+s1+$0x0], $0xffff  }
0x81e: {  	v1 =	vld.idx.msk [tilespmem:v1+s1+$0x0], $0xffff  }
0x81f: {  	v2 =	vld.idx.msk [tilespmem:v2+s1+$0x0], $0xffff  }
0x820: {  	v3 =	vld.idx.msk [tilespmem:v3+s1+$0x0], $0xffff  }
0x821: {  	v4 =	vld.idx.msk [tilespmem:v4+s1+$0x0], $0xffff  }
0x822: {  	v5 =	vld.idx.msk [tilespmem:v5+s1+$0x0], $0xffff  }
0x823: {  	v6 =	vld.idx.msk [tilespmem:v6+s1+$0x0], $0xffff  }
0x824: {  	v9 =	vld.idx.msk [tilespmem:v9+s1+$0x0], $0xffff  }
0x825: {  	v11 =	vld.idx.msk [tilespmem:v7+s1+$0x0], $0xffff  }
0x826: {  	v8 =	vld.idx.msk [tilespmem:v8+s1+$0x0], $0xffff  }
0x827: {  	v10 =	vld.idx.msk [tilespmem:v0+s19+$0x0], $0xffff  }
0x828: {  	v1 =	vld.idx.msk [tilespmem:v1+s19+$0x0], $0xffff  }
0x829: {  	v0 =	vld.idx.msk [tilespmem:v2+s19+$0x0], $0xffff  }
0x82a: {  	v3 =	vld.idx.msk [tilespmem:v3+s19+$0x0], $0xffff  }
0x82b: {  	v7 =	vld.idx.msk [tilespmem:v4+s19+$0x0], $0xffff  }
0x82c: {  	v2 =	vld.idx.msk [tilespmem:v5+s19+$0x0], $0xffff  }
0x82d: {  	v6 =	vld.idx.msk [tilespmem:v6+s19+$0x0], $0xffff  }
0x82e: {  	v4 =	vld.idx.msk [tilespmem:v9+s19+$0x0], $0xffff;
	v5 =	vmul.f32 v1, v10  }
0x82f: {  	s2 =	simm.s32 $0x1A680;
	v1 =	vld.idx.msk [tilespmem:v11+s19+$0x0], $0xffff  }
0x830: {  	s3 =	simm.s32 $0x0;
	s4 =	simm.s32 $0x18790;
	[tilespmem:s2+$0x20] =	vst v5;
	v5 =	vld.idx.msk [tilespmem:v8+s19+$0x0], $0xffff  }
.LBB2_50:
0x831: {  	v8 =	vld [tilespmem:s4+$0x20];
	v3 =	vmul.f32 v7, v3;
	s0 =	sadd.s32 $0x50, s0  }
0x832: {  	s3 =	sadd.s32 $0x50, s3;
	v7 =	vld [tilespmem:s0+$0x20]  }
0x833: {  	p0 =	slt.u32 s3, $0x780;
	v2 =	vmul.f32 v6, v2;
	v9 =	vld [tilespmem:s0+$0xFFFFFFE0];
	[tilespmem:s2+$0xFFFFFFF0] =	vst v3  }
0x834: {  	v0 =	vmul.f32 v0, v4;
	v3 =	vld [tilespmem:s4+$0xFFFFFFF0]  }
0x835: {  	v4 =	vld [tilespmem:s0+$0xFFFFFFF0];
	[tilespmem:s2+$0x0] =	vst v2  }
0x836: {  	v2 =	vld [tilespmem:s4+$0x0];
	[tilespmem:s2+$0xFFFFFFE0] =	vst v0;
	v0 =	vmul.f32 v5, v1  }
0x837: {  	v1 =	vld [tilespmem:s0+$0x0]  }
0x838: {  	v5 =	vld [tilespmem:s4+$0x10];
	[tilespmem:s2+$0x10] =	vst v0  }
0x839: {  	v0 =	vld.idx.msk [tilespmem:v8+s1+$0x0], $0xffff  }
0x83a: {  	v6 =	vld.idx.msk [tilespmem:v7+s1+$0x0], $0xffff  }
0x83b: {  	v7 =	vld [tilespmem:s0+$0x10]  }
0x83c: {  	v8 =	vld [tilespmem:s4+$0xFFFFFFE0]  }
0x83d: {  	v9 =	vld.idx.msk [tilespmem:v9+s1+$0x0], $0xffff  }
0x83e: {  	v3 =	vld.idx.msk [tilespmem:v3+s1+$0x0], $0xffff  }
0x83f: {  	v4 =	vld.idx.msk [tilespmem:v4+s1+$0x0], $0xffff  }
0x840: {  	v2 =	vld.idx.msk [tilespmem:v2+s1+$0x0], $0xffff  }
0x841: {  	v10 =	vld.idx.msk [tilespmem:v0+s19+$0x0], $0xffff  }
0x842: {  	v6 =	vld.idx.msk [tilespmem:v6+s19+$0x0], $0xffff  }
0x843: {  	v1 =	vld.idx.msk [tilespmem:v1+s1+$0x0], $0xffff  }
0x844: {  	v8 =	vld.idx.msk [tilespmem:v8+s1+$0x0], $0xffff  }
0x845: {  	v5 =	vld.idx.msk [tilespmem:v5+s1+$0x0], $0xffff  }
0x846: {  	v11 =	vld.idx.msk [tilespmem:v7+s1+$0x0], $0xffff  }
0x847: {  	v0 =	vld.idx.msk [tilespmem:v9+s19+$0x0], $0xffff  }
0x848: {  	v6 =	vmul.f32 v6, v10;
	v3 =	vld.idx.msk [tilespmem:v3+s19+$0x0], $0xffff  }
0x849: {  	s2 =	sadd.s32 $0x50, s2;
	v7 =	vld.idx.msk [tilespmem:v4+s19+$0x0], $0xffff  }
.Ltmp24:
0x84a: {  	v2 =	vld.idx.msk [tilespmem:v2+s19+$0x0], $0xffff;
	[tilespmem:s2+$0x20] =	vst v6;
	(pc) =	sbr.rel @p0 .LBB2_50-.Ltmp24, $4  }
0x84b: {  	v6 =	vld.idx.msk [tilespmem:v1+s19+$0x0], $0xffff  }
0x84c: {  	v4 =	vld.idx.msk [tilespmem:v8+s19+$0x0], $0xffff  }
0x84d: {  	v1 =	vld.idx.msk [tilespmem:v5+s19+$0x0], $0xffff  }
0x84e: {  	s4 =	sadd.s32 $0x50, s4;
	v5 =	vld.idx.msk [tilespmem:v11+s19+$0x0], $0xffff  }
0x84f: {  	_ = 	snop  }
0x850: {  	v3 =	vmul.f32 v7, v3  }
0x851: {  	v2 =	vmul.f32 v6, v2  }
0x852: {  	[tilespmem:s2+$0xFFFFFFF0] =	vst v3;
	v0 =	vmul.f32 v0, v4  }
0x853: {  	[tilespmem:s2+$0x0] =	vst v2;
	v1 =	vmul.f32 v5, v1  }
0x854: {  	[tilespmem:s2+$0xFFFFFFE0] =	vst v0  }
0x855: {  	s31 =	sadd.s32 $0x1, s31;
	[tilespmem:s2+$0x10] =	vst v1  }
0x856: {  	[hbm4b:s16+s1] =	stream.linear.scatter [tilespmem:s25], [sflag:$0x3], $0x7D0, $0x38;
	[tilespmem:$0x1B600] =	vst v63  }
0x857: {  	p0 =	sne.s32 s31, s17;
	_ =	swait.ge [sflag:s30], $0x7D0  }
.Ltmp25:
0x858: {  	[sflag:s30] =	ssyncset.done $0x0;
	(pc) =	sbr.rel @p0 .LBB2_1-.Ltmp25, $4  }
0x859: {  	[sflag:s30] =	ssyncadd.s32 $0xFFFFF830  }
0x85a: {  	_ =	swait.ge [sflag:s29], $0x7D0  }
0x85b: {  	[sflag:s29] =	ssyncset.done $0x0  }
0x85c: {  	[sflag:s29] =	ssyncadd.s32 $0xFFFFF830  }
0x85d: {  	_ =	sfence.sel $0x180000  }
0x85e: {  	[bflag:$0x0] =	sbarrier.arrive $0xFFFF  }
0x85f: {  	_ =	strace $0x90000047  }
0x860: {  	s0 =	stileid.u32;
	[bflag:$0x2] =	sbarrier.arrive $0xFFFF  }
0x861: {  	p0 =	sne.s32 s0, $0x0;
	s0 =	rddreg [dreg:$0x5]  }
0x862: {  	s0 =	sadd.s32 @!p0 $0x100000, s0  }
0x863: {  	[sflag:s0] =	ssyncadd.tile.s32 @!p0 $0x1;
	_ =	shalt  }
.Lfunc_end2:
_tile_overlayer_lowered:
.L_overlay_start_2:
0x864: {  	(tag) =	ssettag $0x2  }
0x865: {  	s0 =	rddreg [dreg:$0x0];
	s2 =	stileid.u32  }
0x866: {  	s1 =	rddreg [dreg:$0x1];
	p0 =	sne.s32 s2, $0x0  }
0x867: {  	s3 =	rddreg [dreg:$0x2];
	[bflag:$0x3] =	sbarrier.arrive $0xFFFF;
	s2 =	simm.s32 @!p0 $0x1C05  }
0x868: {  	[timem:s3], [sflag:s2] =	dma.local @!p0 [hbm:s0], s1  }
0x869: {  	s0 =	simm.s32 @!p0 $0x5  }
0x86a: {  	_ =	swait.ge @!p0 [sflag:s0], s1  }
0x86b: {  	s1 =	ssub.s32 @!p0 $0x0, s1;
	[sflag:s0] =	ssyncset.done @!p0 $0x0  }
0x86c: {  	[sflag:s0] =	ssyncadd.s32 @!p0 s1  }
0x86d: {  	[bflag:$0x3] =	sbarrier.arrive $0xFFFF  }
0x86e: {  	_ =	shalt  }

</sc_bundles>
